<compile_context>
chip_gen: v7x
topology: tpu7x:2x2x1
jax: 0.10.2.dev20260603
libtpu: 0.0.44.dev20260713+nightly
codegen_flags: <defaults>
</compile_context>

<pallas_src>
import functools

import jax
import jax.numpy as jnp
from jax import lax
from jax.experimental import pallas as pl
from jax.experimental.pallas import tpu as pltpu
from jax.experimental.pallas import tpu_sc as plsc

N = 10000
E = 320000
D = 128
H = 256
OUT = 128

_RB = 1000
_NBE = (E // 8) // _RB


def _edge_mlp_body(ea_ref, wbig_ref, out_ref):
    lq = pl.program_id(1)
    t = pl.program_id(2)
    out_ref[...] = jnp.dot(
        ea_ref[...], wbig_ref[lq, t], preferred_element_type=jnp.float32
    )


def _edge_mlp_all(ea_packed, wbig):
    return pl.pallas_call(
        _edge_mlp_body,
        grid=(_NBE, 12, 4),
        in_specs=[
            pl.BlockSpec((_RB, 128), lambda i, lq, t: (i, 0)),
            pl.BlockSpec((12, 4, 128, 128), lambda i, lq, t: (0, 0, 0, 0)),
        ],
        out_specs=pl.BlockSpec(
            (_RB, 128),
            lambda i, lq, t: (lq * (4 * _NBE) + t * _NBE + i, 0)
        ),
        out_shape=jax.ShapeDtypeStruct((6 * E, 128), jnp.float32),
    )(ea_packed, wbig)


_C = 200
_EPT = E // 16
_NCHUNK = _EPT // _C


def _sc_edge_body(x_tab, e_tab, src2, dst1, lvec, out,
                  is_, idg, ieA, ieB, ebA, gbA, ebB, gbB, msg, lbuf, hold,
                  semA, semB, semI, aggr):
    c = lax.axis_index("c")
    s = lax.axis_index("s")
    r0 = s * 625

    pltpu.sync_copy(lvec, lbuf)
    lv = lbuf[pl.ds(0, 16)]
    cv = lbuf[pl.ds(16, 16)]
    cv6 = lbuf[pl.ds(32, 16)]

    for q in range(2):
        bufs = ((ieA, ebA, gbA, semA), (ieB, ebB, gbB, semB))

        def _build_eidx(g, u, ie_, q=q):
            cid = s * 100 + g * 2 + u
            sb0 = ((2 * c + q) * (E // 2)
                   + (cid // 8) * 200 + (cid % 8) * 25)
            sbv = lv + sb0
            for v in range(6):
                ie_[pl.ds(16 * v, 16)] = sbv + (cv + 4 * v)
            ie_[pl.ds(96, 16)] = sbv + cv6

        def _gather_refs(u, bs):
            ie_, eb, gb, sem = bs
            refs = [(e_tab.at[ie_.at[pl.ds(0, 104)]], eb, sem)]
            for off, ln in ((0, 104), (104, 96)):
                refs.append(
                    (x_tab.at[is_.at[pl.ds(u * _C + off, ln)]],
                     gb.at[pl.ds(off, ln)], sem))
            return refs

        def _fire_gathers(g, u, bs):
            _build_eidx(g, u, bs[0])
            for sr, dr, sem in _gather_refs(u, bs):
                pltpu.async_copy(sr, dr, sem)

        def _consume(u, bs, q=q):
            ie_, eb, gb, sem = bs
            for sr, dr, sm in _gather_refs(u, bs):
                pltpu.make_async_copy(sr, dr, sm).wait()

            for off, ln in ((0, 120), (120, 80)):
                def _row(p2, _2, off=off):
                    p = off // 2 + p2
                    for v in range(8):
                        sl = pl.ds(v * 16, 16)
                        gx = pl.ds(q * 64 + (v % 4) * 16, 16)
                        g2 = pl.ds((v % 4) * 16, 16)
                        msg[2 * p2 + v // 4, g2] = jnp.maximum(
                            gb[2 * p + v // 4, gx] + eb[p, sl], 0.0)
                    return 0

                lax.fori_loop(0, ln // 2, _row, 0)
                pltpu.sync_copy(
                    msg.at[pl.ds(0, ln)],
                    aggr.at[idg.at[pl.ds(u * _C + off, ln)]],
                    add=True)

        def _zero_row(i, _):
            for v in range(4):
                msg[i, pl.ds(v * 16, 16)] = jnp.zeros((16,), jnp.float32)
            return 0

        lax.fori_loop(0, 40, _zero_row, 0)

        def _z(rr, _):
            pltpu.sync_copy(msg.at[pl.ds(0, 40)],
                            aggr.at[pl.ds(r0 + rr * 40, 40)])
            return 0

        lax.fori_loop(0, 15, _z, 0)
        pltpu.sync_copy(msg.at[pl.ds(0, 25)], aggr.at[pl.ds(r0 + 600, 25)])
        plsc.subcore_barrier()

        def _group(g, _):
            base0 = s * _EPT + g * (2 * _C)
            pltpu.async_copy(src2.at[pl.ds(c * E + base0, 2 * _C)], is_, semI)
            pltpu.async_copy(dst1.at[pl.ds(base0, 2 * _C)], idg, semI)
            pltpu.make_async_copy(src2.at[pl.ds(c * E + base0, 2 * _C)],
                                  is_, semI).wait()
            pltpu.make_async_copy(dst1.at[pl.ds(base0, 2 * _C)],
                                  idg, semI).wait()
            _fire_gathers(g, 0, bufs[0])
            _consume(0, bufs[0])
            _fire_gathers(g, 1, bufs[0])
            _consume(1, bufs[0])
            return 0

        lax.fori_loop(0, _NCHUNK // 2, _group, 0)
        plsc.subcore_barrier()

        if q == 0:
            pltpu.sync_copy(aggr.at[pl.ds(r0, 625)], hold)
        else:
            def _wb(k, _):
                pltpu.sync_copy(aggr.at[pl.ds(r0 + k * 40, 40)],
                                msg.at[pl.ds(0, 40)])

                def _asm(i, _2):
                    for v2 in range(4):
                        s1 = pl.ds(v2 * 16, 16)
                        s2 = pl.ds(64 + v2 * 16, 16)
                        ebA[i, s1] = hold[k * 40 + i, s1]
                        ebA[i, s2] = msg[i, s1]
                    return 0

                lax.fori_loop(0, 40, _asm, 0)
                pltpu.sync_copy(ebA.at[pl.ds(0, 40)],
                                out.at[pl.ds(c * N + r0 + k * 40, 40)])
                return 0

            lax.fori_loop(0, 15, _wb, 0)
            pltpu.sync_copy(aggr.at[pl.ds(r0 + 600, 25)], msg.at[pl.ds(0, 25)])

            def _asm25(i, _):
                for v2 in range(4):
                    s1 = pl.ds(v2 * 16, 16)
                    s2 = pl.ds(64 + v2 * 16, 16)
                    ebA[i, s1] = hold[600 + i, s1]
                    ebA[i, s2] = msg[i, s1]
                return 0

            lax.fori_loop(0, 25, _asm25, 0)
            pltpu.sync_copy(ebA.at[pl.ds(0, 25)],
                            out.at[pl.ds(c * N + r0 + 600, 25)])
        plsc.subcore_barrier()


def _make_sc_edge():
    mesh = plsc.VectorSubcoreMesh(
        core_axis_name="c", subcore_axis_name="s", num_cores=2, num_subcores=16
    )

    return functools.partial(
        pl.kernel,
        out_type=jax.ShapeDtypeStruct((2 * N, 128), jnp.float32),
        mesh=mesh,
        compiler_params=pltpu.CompilerParams(use_tc_tiling_on_sc=False),
        scratch_types=[
            pltpu.VMEM((2 * _C,), jnp.int32),
            pltpu.VMEM((2 * _C,), jnp.int32),
            pltpu.VMEM((112,), jnp.int32),
            pltpu.VMEM((112,), jnp.int32),
            pltpu.VMEM((104, 128), jnp.float32),
            pltpu.VMEM((_C, 128), jnp.float32),
            pltpu.VMEM((104, 128), jnp.float32),
            pltpu.VMEM((_C, 128), jnp.float32),
            pltpu.VMEM((120, 64), jnp.float32),
            pltpu.VMEM((48,), jnp.int32),
            pltpu.VMEM((625, 64), jnp.float32),
            pltpu.SemaphoreType.DMA,
            pltpu.SemaphoreType.DMA,
            pltpu.SemaphoreType.DMA,
            pltpu.VMEM_SHARED((N, 64), jnp.float32),
        ],
    )(_sc_edge_body)


_sc_cache = {}


def _sc_edge(x_tab, e_tab, src2, dst1, lvec):
    if "sc" not in _sc_cache:
        _sc_cache["sc"] = _make_sc_edge()
    return _sc_cache["sc"](x_tab, e_tab, src2, dst1, lvec)


_BN = 1000
_NBLK = N // _BN


def _node_stats_body(x0, x1, a0, a1, w_ref, b_ref, hpre_ref, st_ref):
    i = pl.program_id(0)
    t = jnp.concatenate(
        [x0[...] + a0[...], x1[...] + a1[...]], axis=1
    )
    h = (
        lax.dot_general(t, w_ref[...], (((1,), (1,)), ((), ())),
                        preferred_element_type=jnp.float32)
        + b_ref[...][None, :]
    )
    hpre_ref[...] = h

    @pl.when(i == 0)
    def _():
        st_ref[...] = jnp.zeros_like(st_ref)

    upd = jnp.concatenate(
        [
            jnp.sum(h, axis=0, keepdims=True),
            jnp.sum(h * h, axis=0, keepdims=True),
            jnp.zeros((6, H), jnp.float32),
        ],
        axis=0,
    )
    st_ref[...] = st_ref[...] + upd


def _node_stats(xs, aggr, w, b):
    hspec = lambda off: pl.BlockSpec((_BN, 128), lambda i, off=off: (off + i, 0))
    return pl.pallas_call(
        _node_stats_body,
        grid=(_NBLK,),
        in_specs=[
            hspec(0), hspec(_NBLK), hspec(0), hspec(_NBLK),
            pl.BlockSpec((H, H), lambda i: (0, 0)),
            pl.BlockSpec((H,), lambda i: (0,)),
        ],
        out_specs=[
            pl.BlockSpec((_BN, H), lambda i: (i, 0)),
            pl.BlockSpec((8, H), lambda i: (0, 0)),
        ],
        out_shape=[
            jax.ShapeDtypeStruct((N, H), jnp.float32),
            jax.ShapeDtypeStruct((8, H), jnp.float32),
        ],
    )(xs, xs, aggr, aggr, w, b)


def _node_norm_body(hpre_ref, st_ref, g_ref, bt_ref, out_ref):
    mean = st_ref[0:1, :] * (1.0 / N)
    var = st_ref[1:2, :] * (1.0 / N) - mean * mean
    inv = lax.rsqrt(var + 1e-5)
    h = (hpre_ref[...] - mean) * (inv * g_ref[...][None, :]) + bt_ref[...][None, :]
    out_ref[...] = jnp.where(h >= 0.0, h, 0.01 * h)


def _node_norm(hpre, st, g, bt):
    return pl.pallas_call(
        _node_norm_body,
        grid=(2, _NBLK),
        in_specs=[
            pl.BlockSpec((_BN, 128), lambda cc, i: (i, cc)),
            pl.BlockSpec((8, 128), lambda cc, i: (0, cc)),
            pl.BlockSpec((128,), lambda cc, i: (cc,)),
            pl.BlockSpec((128,), lambda cc, i: (cc,)),
        ],
        out_specs=pl.BlockSpec((_BN, 128), lambda cc, i: (cc * _NBLK + i, 0)),
        out_shape=jax.ShapeDtypeStruct((2 * N, 128), jnp.float32),
    )(hpre, st, g, bt)


def _final_body(h1a, h1b, h2a, h2b, h3a, h3b,
                w3_ref, b3_ref, w4_ref, b4_ref, out_ref, sm_ref):
    hcat = jnp.concatenate(
        [h1a[...], h1b[...], h2a[...], h2b[...], h3a[...], h3b[...]], axis=1
    )
    z = (
        lax.dot_general(hcat, w3_ref[...], (((1,), (1,)), ((), ())),
                        preferred_element_type=jnp.float32)
        + b3_ref[...][None, :]
    )
    z = jnp.where(z >= 0.0, z, 0.01 * z)
    o = (
        lax.dot_general(z, w4_ref[...], (((1,), (1,)), ((), ())),
                        preferred_element_type=jnp.float32)
        + b4_ref[...][None, :]
    )
    out_ref[...] = o
    m = jnp.max(o, axis=1, keepdims=True)
    e = jnp.exp(o - m)
    sm_ref[...] = e / jnp.sum(e, axis=1, keepdims=True)


def _final_mlp(h1s, h2s, h3s, w3, b3, w4, b4):
    hspec = lambda off: pl.BlockSpec((_BN, 128), lambda i, off=off: (off + i, 0))
    hspecs = [hspec(0), hspec(_NBLK)]
    return pl.pallas_call(
        _final_body,
        grid=(_NBLK,),
        in_specs=[
            *hspecs, *hspecs, *hspecs,
            pl.BlockSpec((3 * H, 3 * H), lambda i: (0, 0)),
            pl.BlockSpec((3 * H,), lambda i: (0,)),
            pl.BlockSpec((OUT, 3 * H), lambda i: (0, 0)),
            pl.BlockSpec((OUT,), lambda i: (0,)),
        ],
        out_specs=[
            pl.BlockSpec((_BN, OUT), lambda i: (i, 0)),
            pl.BlockSpec((_BN, OUT), lambda i: (i, 0)),
        ],
        out_shape=[
            jax.ShapeDtypeStruct((N, OUT), jnp.float32),
            jax.ShapeDtypeStruct((N, OUT), jnp.float32),
        ],
    )(h1s, h1s, h2s, h2s, h3s, h3s, w3, b3, w4, b4)


def _h0_body(x_ref, out_ref):
    cc = pl.program_id(0)
    out_ref[...] = jnp.where(cc == 0, x_ref[...], 0.0)


def _build_h0(x):
    return pl.pallas_call(
        _h0_body,
        grid=(2, _NBLK),
        in_specs=[pl.BlockSpec((_BN, 128), lambda cc, i: (i, 0))],
        out_specs=pl.BlockSpec((_BN, 128), lambda cc, i: (cc * _NBLK + i, 0)),
        out_shape=jax.ShapeDtypeStruct((2 * N, 128), jnp.float32),
    )(x)


def kernel(x, edge_index, edge_attr,
           We0, be0, W0, b0, g0, bt0,
           We1, be1, W1, b1, g1, bt1,
           We2, be2, W2, b2, g2, bt2,
           W3, b3, W4, b4):
    src = edge_index[0]
    dst = edge_index[1]

    wetp = jnp.stack([
        jnp.pad(We0.T, ((0, 0), (0, 128))), We1.T, We2.T
    ])
    wq = wetp.reshape(3, 16, 4, 64).transpose(0, 2, 1, 3).reshape(12, 16, 64)
    wbig = jnp.zeros((12, 4, 128, 128), jnp.float32)
    for t in range(4):
        wbig = wbig.at[:, t, 32 * t:32 * t + 16, 0:64].set(wq)
        wbig = wbig.at[:, t, 32 * t + 16:32 * t + 32, 64:128].set(wq)

    wp = jnp.stack([jnp.pad(W0, ((0, 0), (0, 128))), W1, W2])
    bp = jnp.stack([b0, b1, b2])
    gp = jnp.stack([g0, g1, g2])
    btp = jnp.stack([bt0, bt1, bt2])

    ea_packed = edge_attr.reshape(E // 8, 128)
    e_all = _edge_mlp_all(ea_packed, wbig)

    src2 = jnp.concatenate([src, src + N])
    m16 = jnp.arange(16, dtype=jnp.int32)
    cvec = (m16 % 4) * (E // 8) + m16 // 4
    cv6 = jnp.where(m16 < 4, m16 * (E // 8) + 24, 0).astype(jnp.int32)
    lvecs = jnp.concatenate([
        jnp.broadcast_to((jnp.arange(3, dtype=jnp.int32)
                          * (2 * E))[:, None], (3, 16)),
        jnp.broadcast_to(cvec[None, :], (3, 16)),
        jnp.broadcast_to(cv6[None, :], (3, 16)),
    ], axis=1)

    def _layer(h_prev, per):
        lvec_l, w_l, b_l, g_l, bt_l = per
        a = _sc_edge(h_prev, e_all, src2, dst, lvec_l)
        hpre, st = _node_stats(h_prev, a, w_l, b_l)
        h_next = _node_norm(hpre, st, g_l, bt_l)
        return h_next, h_next

    h0 = _build_h0(x)
    _, hs = lax.scan(_layer, h0, (lvecs, wp, bp, gp, btp))

    return _final_mlp(hs[0], hs[1], hs[2], W3, b3, W4, b4)

# --- scband reference (transcript-rebuilt; emitter-appended) ---
"""Pipeline reference for scband-gin-5660766896744 (READ-ONLY COPY).

The authoritative reference and input builder live on the scoring server;
editing this copy changes nothing except your own understanding.
"""

import jax, jax.numpy as jnp
import numpy as np

N = 10000
E = 320000
D = 128
H = 256
OUT = 128
ED = 16


def setup_inputs(seed: int = 0) -> dict:
    key = jax.random.key(seed)
    ks = jax.random.split(key, 32)
    inp = {}
    inp["x"] = jax.random.normal(ks[0], (N, D), jnp.float32)
    inp["edge_index"] = jax.random.randint(ks[1], (2, E), 0, N, jnp.int32)
    inp["edge_attr"] = jax.random.normal(ks[2], (E, ED), jnp.float32)
    dims_in = [D, H, H]
    k = 3
    for i in range(3):
        din = dims_in[i]
        inp[f"We{i}"] = jax.random.normal(ks[k], (din, ED), jnp.float32) / np.sqrt(ED); k += 1
        inp[f"be{i}"] = jnp.zeros((din,), jnp.float32)
        inp[f"W{i}"] = jax.random.normal(ks[k], (H, din), jnp.float32) / np.sqrt(din); k += 1
        inp[f"b{i}"] = jnp.zeros((H,), jnp.float32)
        inp[f"g{i}"] = jnp.ones((H,), jnp.float32)
        inp[f"bt{i}"] = jnp.zeros((H,), jnp.float32)
    inp["W3"] = jax.random.normal(ks[k], (3 * H, 3 * H), jnp.float32) / np.sqrt(3 * H); k += 1
    inp["b3"] = jnp.zeros((3 * H,), jnp.float32)
    inp["W4"] = jax.random.normal(ks[k], (OUT, 3 * H), jnp.float32) / np.sqrt(3 * H); k += 1
    inp["b4"] = jnp.zeros((OUT,), jnp.float32)
    return inp


def _gine_layer(x, src, dst, edge_attr, We, be, W, b, g, bt):
    # GINEConv: message = relu(x_j + lin_edge(edge_attr)); sum-aggregate by dst;
    # out = nn((1+eps)*x + aggr) with eps=0; nn = Linear -> BatchNorm1d -> LeakyReLU -> Dropout(eval: identity)
    e = edge_attr @ We.T + be
    m = jax.nn.relu(x[src] + e)
    aggr = jnp.zeros_like(x).at[dst].add(m)
    h = (x + aggr) @ W.T + b
    mean = h.mean(axis=0)
    var = h.var(axis=0)
    h = (h - mean) / jnp.sqrt(var + 1e-5) * g + bt
    h = jnp.where(h >= 0, h, 0.01 * h)
    return h


def reference(x, edge_index, edge_attr,
              We0, be0, W0, b0, g0, bt0,
              We1, be1, W1, b1, g1, bt1,
              We2, be2, W2, b2, g2, bt2,
              W3, b3, W4, b4):
    src = edge_index[0]
    dst = edge_index[1]
    h1 = _gine_layer(x, src, dst, edge_attr, We0, be0, W0, b0, g0, bt0)
    h2 = _gine_layer(h1, src, dst, edge_attr, We1, be1, W1, b1, g1, bt1)
    h3 = _gine_layer(h2, src, dst, edge_attr, We2, be2, W2, b2, g2, bt2)
    h = jnp.concatenate((h1, h2, h3), axis=1)
    h = h @ W3.T + b3
    h = jnp.where(h >= 0, h, 0.01 * h)
    h = h @ W4.T + b4
    return (h, jax.nn.softmax(h, axis=1))

if __name__ == "__main__":
    import jax
    _d = setup_inputs()
    print(jax.jit(kernel)(*tuple(_d.values())))

</pallas_src>

<mosaic_0001>
#map = affine_map<(d0, d1) -> (0, 0)>
#map1 = affine_map<(d0, d1) -> (0)>
module attributes {stable_mosaic.version = 14 : i64} {
  func.func @_sc_edge_body(%arg0: i32, %arg1: i32, %arg2: memref<20000x128xf32, #tpu.memory_space<hbm>>, %arg3: memref<1920000x128xf32, #tpu.memory_space<hbm>>, %arg4: memref<640000xi32, #tpu.memory_space<hbm>>, %arg5: memref<320000xi32, #tpu.memory_space<hbm>>, %arg6: memref<48xi32, #tpu.memory_space<hbm>>, %arg7: memref<20000x128xf32, #tpu.memory_space<hbm>>, %arg8: memref<400xi32, #tpu.memory_space<vmem>>, %arg9: memref<400xi32, #tpu.memory_space<vmem>>, %arg10: memref<112xi32, #tpu.memory_space<vmem>>, %arg11: memref<112xi32, #tpu.memory_space<vmem>>, %arg12: memref<104x128xf32, #tpu.memory_space<vmem>>, %arg13: memref<200x128xf32, #tpu.memory_space<vmem>>, %arg14: memref<104x128xf32, #tpu.memory_space<vmem>>, %arg15: memref<200x128xf32, #tpu.memory_space<vmem>>, %arg16: memref<120x64xf32, #tpu.memory_space<vmem>>, %arg17: memref<48xi32, #tpu.memory_space<vmem>>, %arg18: memref<625x64xf32, #tpu.memory_space<vmem>>, %arg19: memref<!tpu.dma_semaphore, #tpu.memory_space<semaphore_mem>>, %arg20: memref<!tpu.dma_semaphore, #tpu.memory_space<semaphore_mem>>, %arg21: memref<!tpu.dma_semaphore, #tpu.memory_space<semaphore_mem>>, %arg22: memref<10000x64xf32, #tpu.memory_space<vmem_shared>>) attributes {dimension_semantics = [#tpu.dimension_semantics<core_parallel>, #tpu.dimension_semantics<subcore_parallel>], iteration_bounds = array<i64: 2, 16>, scalar_prefetch = 0 : i64, scratch_operands = 15 : i64, tpu.core_type = #tpu.core_type<sc_vector_subcore>, window_params = [{transform_indices = #map}, {transform_indices = #map}, {transform_indices = #map1}, {transform_indices = #map1}, {transform_indices = #map1}, {transform_indices = #map}]} {
    %mul3A = arith.constant 625 : i32
    %mul3A_0 = arith.muli %arg1, %mul3A : i32
    "tpu.region"() ({
      %run_scoped3A = tpu.sem_alloc : memref<!tpu.dma_semaphore, #tpu.memory_space<semaphore_mem>>
      tpu.enqueue_dma source(%arg6 : memref<48xi32, #tpu.memory_space<hbm>>) target(%arg17 : memref<48xi32, #tpu.memory_space<vmem>>) target_semaphore(%run_scoped3A : memref<!tpu.dma_semaphore, #tpu.memory_space<semaphore_mem>>)
      tpu.wait_dma2 semaphore(%run_scoped3A : memref<!tpu.dma_semaphore, #tpu.memory_space<semaphore_mem>>) src(%arg6 : memref<48xi32, #tpu.memory_space<hbm>>) dst(%arg17 : memref<48xi32, #tpu.memory_space<vmem>>)
      tpu.yield
    }) : () -> ()
    %get3A = arith.constant 0 : index
    %get3A_1 = tpu.vector_load %arg17[%get3A] {strides = array<i32>} : memref<48xi32, #tpu.memory_space<vmem>>, vector<16xi32>,
    %get3A_2 = vector.shape_cast %get3A_1 : vector<16xi32> to vector<16xi32>
    %get3A_3 = arith.constant 16 : index
    %get3A_4 = tpu.vector_load %arg17[%get3A_3] {strides = array<i32>} : memref<48xi32, #tpu.memory_space<vmem>>, vector<16xi32>,
    %get3A_5 = vector.shape_cast %get3A_4 : vector<16xi32> to vector<16xi32>
    %get3A_6 = arith.constant 32 : index
    %get3A_7 = tpu.vector_load %arg17[%get3A_6] {strides = array<i32>} : memref<48xi32, #tpu.memory_space<vmem>>, vector<16xi32>,
    %get3A_8 = vector.shape_cast %get3A_7 : vector<16xi32> to vector<16xi32>
    %scan3A = arith.constant 0 : i32
    %scan3A_9 = arith.constant 0 : i32
    %scan3A_10 = arith.constant 40 : i32
    %scan3A_11 = arith.addi %scan3A_9, %scan3A_10 : i32
    %scan3A_12 = arith.constant 1 : i32
    %scan3A_13 = scf.for %scan3A_79 = %scan3A_9 to %scan3A_11 step %scan3A_12 iter_args(%scan3A_80 = %scan3A) -> (i32)  : i32 {
      %broadcast_in_dim3A = arith.constant 0.000000e+00 : f32
      %broadcast_in_dim3A_81 = vector.broadcast %broadcast_in_dim3A : f32 to vector<16xf32>
      %swap3A = arith.index_cast %scan3A_79 : i32 to index
      %swap3A_82 = arith.constant 0 : index
      %swap3A_83 = tpu.vector_load %arg16[%swap3A, %swap3A_82] {strides = array<i32>} : memref<120x64xf32, #tpu.memory_space<vmem>>, vector<1x16xf32>,
      %swap3A_84 = vector.shape_cast %swap3A_83 : vector<1x16xf32> to vector<16xf32>
      %swap3A_85 = vector.shape_cast %broadcast_in_dim3A_81 : vector<16xf32> to vector<1x16xf32>
      tpu.vector_store %arg16[%swap3A, %swap3A_82], %swap3A_85 {strides = array<i32>} : memref<120x64xf32, #tpu.memory_space<vmem>>, vector<1x16xf32>,
      %broadcast_in_dim3A_86 = arith.constant 0.000000e+00 : f32
      %broadcast_in_dim3A_87 = vector.broadcast %broadcast_in_dim3A_86 : f32 to vector<16xf32>
      %swap3A_88 = arith.index_cast %scan3A_79 : i32 to index
      %swap3A_89 = arith.constant 16 : index
      %swap3A_90 = tpu.vector_load %arg16[%swap3A_88, %swap3A_89] {strides = array<i32>} : memref<120x64xf32, #tpu.memory_space<vmem>>, vector<1x16xf32>,
      %swap3A_91 = vector.shape_cast %swap3A_90 : vector<1x16xf32> to vector<16xf32>
      %swap3A_92 = vector.shape_cast %broadcast_in_dim3A_87 : vector<16xf32> to vector<1x16xf32>
      tpu.vector_store %arg16[%swap3A_88, %swap3A_89], %swap3A_92 {strides = array<i32>} : memref<120x64xf32, #tpu.memory_space<vmem>>, vector<1x16xf32>,
      %broadcast_in_dim3A_93 = arith.constant 0.000000e+00 : f32
      %broadcast_in_dim3A_94 = vector.broadcast %broadcast_in_dim3A_93 : f32 to vector<16xf32>
      %swap3A_95 = arith.index_cast %scan3A_79 : i32 to index
      %swap3A_96 = arith.constant 32 : index
      %swap3A_97 = tpu.vector_load %arg16[%swap3A_95, %swap3A_96] {strides = array<i32>} : memref<120x64xf32, #tpu.memory_space<vmem>>, vector<1x16xf32>,
      %swap3A_98 = vector.shape_cast %swap3A_97 : vector<1x16xf32> to vector<16xf32>
      %swap3A_99 = vector.shape_cast %broadcast_in_dim3A_94 : vector<16xf32> to vector<1x16xf32>
      tpu.vector_store %arg16[%swap3A_95, %swap3A_96], %swap3A_99 {strides = array<i32>} : memref<120x64xf32, #tpu.memory_space<vmem>>, vector<1x16xf32>,
      %broadcast_in_dim3A_100 = arith.constant 0.000000e+00 : f32
      %broadcast_in_dim3A_101 = vector.broadcast %broadcast_in_dim3A_100 : f32 to vector<16xf32>
      %swap3A_102 = arith.index_cast %scan3A_79 : i32 to index
      %swap3A_103 = arith.constant 48 : index
      %swap3A_104 = tpu.vector_load %arg16[%swap3A_102, %swap3A_103] {strides = array<i32>} : memref<120x64xf32, #tpu.memory_space<vmem>>, vector<1x16xf32>,
      %swap3A_105 = vector.shape_cast %swap3A_104 : vector<1x16xf32> to vector<16xf32>
      %swap3A_106 = vector.shape_cast %broadcast_in_dim3A_101 : vector<16xf32> to vector<1x16xf32>
      tpu.vector_store %arg16[%swap3A_102, %swap3A_103], %swap3A_106 {strides = array<i32>} : memref<120x64xf32, #tpu.memory_space<vmem>>, vector<1x16xf32>,
      %scan3A_107 = arith.constant 0 : i32
      scf.yield %scan3A_107 : i32
    }
    %scan3A_14 = arith.constant 40 : i32
    %scan3A_15 = arith.constant 0 : i32
    %scan3A_16 = arith.constant 0 : i32
    %scan3A_17 = arith.constant 15 : i32
    %scan3A_18 = arith.addi %scan3A_16, %scan3A_17 : i32
    %scan3A_19 = arith.constant 1 : i32
    %scan3A_20 = scf.for %scan3A_79 = %scan3A_16 to %scan3A_18 step %scan3A_19 iter_args(%scan3A_80 = %scan3A_15) -> (i32)  : i32 {
      %mul3A_81 = arith.constant 40 : i32
      %mul3A_82 = arith.muli %scan3A_79, %mul3A_81 : i32
      %add3A_83 = arith.addi %mul3A_0, %mul3A_82 : i32
      "tpu.region"() ({
        %run_scoped3A = tpu.sem_alloc : memref<!tpu.dma_semaphore, #tpu.memory_space<semaphore_mem>>
        %dma_start3A = arith.constant 0 : i32
        %dma_start3A_85 = arith.constant 0 : i32
        %dma_start3A_86 = tpu.memref_slice %arg16[%dma_start3A, %dma_start3A_85] : memref<120x64xf32, #tpu.memory_space<vmem>> -> memref<40x64xf32, #tpu.memory_space<vmem>>
        %dma_start3A_87 = arith.constant 0 : i32
        %dma_start3A_88 = tpu.memref_slice %arg22[%add3A_83, %dma_start3A_87] : memref<10000x64xf32, #tpu.memory_space<vmem_shared>> -> memref<40x64xf32, #tpu.memory_space<vmem_shared>>
        %dma_start3A_89 = arith.constant 0 : i32
        %dma_start3A_90 = tpu.memref_slice %arg22[%add3A_83, %dma_start3A_89] : memref<10000x64xf32, #tpu.memory_space<vmem_shared>> -> memref<40x64xf32, #tpu.memory_space<vmem_shared>>
        %dma_start3A_91 = arith.constant 0 : i32
        %dma_start3A_92 = arith.constant 0 : i32
        %dma_start3A_93 = tpu.memref_slice %arg16[%dma_start3A_91, %dma_start3A_92] : memref<120x64xf32, #tpu.memory_space<vmem>> -> memref<40x64xf32, #tpu.memory_space<vmem>>
        tpu.enqueue_dma source(%dma_start3A_93 : memref<40x64xf32, #tpu.memory_space<vmem>>) target(%dma_start3A_90 : memref<40x64xf32, #tpu.memory_space<vmem_shared>>) target_semaphore(%run_scoped3A : memref<!tpu.dma_semaphore, #tpu.memory_space<semaphore_mem>>)
        %dma_wait3A = arith.constant 0 : i32
        %dma_wait3A_94 = arith.constant 0 : i32
        %dma_wait3A_95 = tpu.memref_slice %arg16[%dma_wait3A, %dma_wait3A_94] : memref<120x64xf32, #tpu.memory_space<vmem>> -> memref<40x64xf32, #tpu.memory_space<vmem>>
        %dma_wait3A_96 = arith.constant 0 : i32
        %dma_wait3A_97 = tpu.memref_slice %arg22[%add3A_83, %dma_wait3A_96] : memref<10000x64xf32, #tpu.memory_space<vmem_shared>> -> memref<40x64xf32, #tpu.memory_space<vmem_shared>>
        %dma_wait3A_98 = arith.constant 0 : i32
        %dma_wait3A_99 = tpu.memref_slice %arg22[%add3A_83, %dma_wait3A_98] : memref<10000x64xf32, #tpu.memory_space<vmem_shared>> -> memref<40x64xf32, #tpu.memory_space<vmem_shared>>
        %dma_wait3A_100 = arith.constant 0 : i32
        %dma_wait3A_101 = arith.constant 0 : i32
        %dma_wait3A_102 = tpu.memref_slice %arg16[%dma_wait3A_100, %dma_wait3A_101] : memref<120x64xf32, #tpu.memory_space<vmem>> -> memref<40x64xf32, #tpu.memory_space<vmem>>
        tpu.wait_dma2 semaphore(%run_scoped3A : memref<!tpu.dma_semaphore, #tpu.memory_space<semaphore_mem>>) src(%dma_wait3A_102 : memref<40x64xf32, #tpu.memory_space<vmem>>) dst(%dma_wait3A_99 : memref<40x64xf32, #tpu.memory_space<vmem_shared>>)
        tpu.yield
      }) : () -> ()
      %scan3A_84 = arith.constant 0 : i32
      scf.yield %scan3A_84 : i32
    }
    %scan3A_21 = arith.constant 15 : i32
    %add3A = arith.constant 600 : i32
    %add3A_22 = arith.addi %mul3A_0, %add3A : i32
    "tpu.region"() ({
      %run_scoped3A = tpu.sem_alloc : memref<!tpu.dma_semaphore, #tpu.memory_space<semaphore_mem>>
      %dma_start3A = arith.constant 0 : i32
      %dma_start3A_79 = arith.constant 0 : i32
      %dma_start3A_80 = tpu.memref_slice %arg16[%dma_start3A, %dma_start3A_79] : memref<120x64xf32, #tpu.memory_space<vmem>> -> memref<25x64xf32, #tpu.memory_space<vmem>>
      %dma_start3A_81 = arith.constant 0 : i32
      %dma_start3A_82 = tpu.memref_slice %arg22[%add3A_22, %dma_start3A_81] : memref<10000x64xf32, #tpu.memory_space<vmem_shared>> -> memref<25x64xf32, #tpu.memory_space<vmem_shared>>
      %dma_start3A_83 = arith.constant 0 : i32
      %dma_start3A_84 = tpu.memref_slice %arg22[%add3A_22, %dma_start3A_83] : memref<10000x64xf32, #tpu.memory_space<vmem_shared>> -> memref<25x64xf32, #tpu.memory_space<vmem_shared>>
      %dma_start3A_85 = arith.constant 0 : i32
      %dma_start3A_86 = arith.constant 0 : i32
      %dma_start3A_87 = tpu.memref_slice %arg16[%dma_start3A_85, %dma_start3A_86] : memref<120x64xf32, #tpu.memory_space<vmem>> -> memref<25x64xf32, #tpu.memory_space<vmem>>
      tpu.enqueue_dma source(%dma_start3A_87 : memref<25x64xf32, #tpu.memory_space<vmem>>) target(%dma_start3A_84 : memref<25x64xf32, #tpu.memory_space<vmem_shared>>) target_semaphore(%run_scoped3A : memref<!tpu.dma_semaphore, #tpu.memory_space<semaphore_mem>>)
      %dma_wait3A = arith.constant 0 : i32
      %dma_wait3A_88 = arith.constant 0 : i32
      %dma_wait3A_89 = tpu.memref_slice %arg16[%dma_wait3A, %dma_wait3A_88] : memref<120x64xf32, #tpu.memory_space<vmem>> -> memref<25x64xf32, #tpu.memory_space<vmem>>
      %dma_wait3A_90 = arith.constant 0 : i32
      %dma_wait3A_91 = tpu.memref_slice %arg22[%add3A_22, %dma_wait3A_90] : memref<10000x64xf32, #tpu.memory_space<vmem_shared>> -> memref<25x64xf32, #tpu.memory_space<vmem_shared>>
      %dma_wait3A_92 = arith.constant 0 : i32
      %dma_wait3A_93 = tpu.memref_slice %arg22[%add3A_22, %dma_wait3A_92] : memref<10000x64xf32, #tpu.memory_space<vmem_shared>> -> memref<25x64xf32, #tpu.memory_space<vmem_shared>>
      %dma_wait3A_94 = arith.constant 0 : i32
      %dma_wait3A_95 = arith.constant 0 : i32
      %dma_wait3A_96 = tpu.memref_slice %arg16[%dma_wait3A_94, %dma_wait3A_95] : memref<120x64xf32, #tpu.memory_space<vmem>> -> memref<25x64xf32, #tpu.memory_space<vmem>>
      tpu.wait_dma2 semaphore(%run_scoped3A : memref<!tpu.dma_semaphore, #tpu.memory_space<semaphore_mem>>) src(%dma_wait3A_96 : memref<25x64xf32, #tpu.memory_space<vmem>>) dst(%dma_wait3A_93 : memref<25x64xf32, #tpu.memory_space<vmem_shared>>)
      tpu.yield
    }) : () -> ()
    %barrier3A = arith.constant 0 : index
    tpu.barrier barrier_id(%barrier3A)
    %scan3A_23 = arith.constant 0 : i32
    %scan3A_24 = arith.constant 0 : i32
    %scan3A_25 = arith.constant 50 : i32
    %scan3A_26 = arith.addi %scan3A_24, %scan3A_25 : i32
    %scan3A_27 = arith.constant 1 : i32
    %scan3A_28 = scf.for %scan3A_79 = %scan3A_24 to %scan3A_26 step %scan3A_27 iter_args(%scan3A_80 = %scan3A_23) -> (i32)  : i32 {
      %mul3A_81 = arith.constant 20000 : i32
      %mul3A_82 = arith.muli %arg1, %mul3A_81 : i32
      %mul3A_83 = arith.constant 400 : i32
      %mul3A_84 = arith.muli %scan3A_79, %mul3A_83 : i32
      %add3A_85 = arith.addi %mul3A_82, %mul3A_84 : i32
      %mul3A_86 = arith.constant 320000 : i32
      %mul3A_87 = arith.muli %arg0, %mul3A_86 : i32
      %add3A_88 = arith.addi %mul3A_87, %add3A_85 : i32
      %dma_start3A = tpu.memref_slice %arg4[%add3A_88] : memref<640000xi32, #tpu.memory_space<hbm>> -> memref<400xi32, #tpu.memory_space<hbm>>
      %dma_start3A_89 = tpu.memref_slice %arg4[%add3A_88] : memref<640000xi32, #tpu.memory_space<hbm>> -> memref<400xi32, #tpu.memory_space<hbm>>
      tpu.enqueue_dma source(%dma_start3A_89 : memref<400xi32, #tpu.memory_space<hbm>>) target(%arg8 : memref<400xi32, #tpu.memory_space<vmem>>) target_semaphore(%arg21 : memref<!tpu.dma_semaphore, #tpu.memory_space<semaphore_mem>>)
      %dma_start3A_90 = tpu.memref_slice %arg5[%add3A_85] : memref<320000xi32, #tpu.memory_space<hbm>> -> memref<400xi32, #tpu.memory_space<hbm>>
      %dma_start3A_91 = tpu.memref_slice %arg5[%add3A_85] : memref<320000xi32, #tpu.memory_space<hbm>> -> memref<400xi32, #tpu.memory_space<hbm>>
      tpu.enqueue_dma source(%dma_start3A_91 : memref<400xi32, #tpu.memory_space<hbm>>) target(%arg9 : memref<400xi32, #tpu.memory_space<vmem>>) target_semaphore(%arg21 : memref<!tpu.dma_semaphore, #tpu.memory_space<semaphore_mem>>)
      %mul3A_92 = arith.constant 320000 : i32
      %mul3A_93 = arith.muli %arg0, %mul3A_92 : i32
      %add3A_94 = arith.addi %mul3A_93, %add3A_85 : i32
      %dma_wait3A = tpu.memref_slice %arg4[%add3A_94] : memref<640000xi32, #tpu.memory_space<hbm>> -> memref<400xi32, #tpu.memory_space<hbm>>
      %dma_wait3A_95 = tpu.memref_slice %arg4[%add3A_94] : memref<640000xi32, #tpu.memory_space<hbm>> -> memref<400xi32, #tpu.memory_space<hbm>>
      tpu.wait_dma2 semaphore(%arg21 : memref<!tpu.dma_semaphore, #tpu.memory_space<semaphore_mem>>) src(%dma_wait3A_95 : memref<400xi32, #tpu.memory_space<hbm>>) dst(%arg8 : memref<400xi32, #tpu.memory_space<vmem>>)
      %dma_wait3A_96 = tpu.memref_slice %arg5[%add3A_85] : memref<320000xi32, #tpu.memory_space<hbm>> -> memref<400xi32, #tpu.memory_space<hbm>>
      %dma_wait3A_97 = tpu.memref_slice %arg5[%add3A_85] : memref<320000xi32, #tpu.memory_space<hbm>> -> memref<400xi32, #tpu.memory_space<hbm>>
      tpu.wait_dma2 semaphore(%arg21 : memref<!tpu.dma_semaphore, #tpu.memory_space<semaphore_mem>>) src(%dma_wait3A_97 : memref<400xi32, #tpu.memory_space<hbm>>) dst(%arg9 : memref<400xi32, #tpu.memory_space<vmem>>)
      %mul3A_98 = arith.constant 100 : i32
      %mul3A_99 = arith.muli %arg1, %mul3A_98 : i32
      %mul3A_100 = arith.constant 2 : i32
      %mul3A_101 = arith.muli %scan3A_79, %mul3A_100 : i32
      %add3A_102 = arith.addi %mul3A_99, %mul3A_101 : i32
      %add3A_103 = arith.constant 0 : i32
      %add3A_104 = arith.addi %add3A_102, %add3A_103 : i32
      %mul3A_105 = arith.constant 2 : i32
      %mul3A_106 = arith.muli %mul3A_105, %arg0 : i32
      %add3A_107 = arith.constant 0 : i32
      %add3A_108 = arith.addi %mul3A_106, %add3A_107 : i32
      %mul3A_109 = arith.constant 160000 : i32
      %mul3A_110 = arith.muli %add3A_108, %mul3A_109 : i32
      %jit3A = arith.constant 8 : i32
      %div3A = arith.divsi %add3A_104, %jit3A : i32
      %sign3A = arith.constant 0 : i32
      %sign3A_111 = arith.cmpi sgt, %add3A_104, %sign3A : i32
      %sign3A_112 = arith.extui %sign3A_111 : i1 to i32
      %sign3A_113 = arith.constant 0 : i32
      %sign3A_114 = arith.cmpi slt, %add3A_104, %sign3A_113 : i32
      %sign3A_115 = arith.extui %sign3A_114 : i1 to i32
      %sign3A_116 = arith.subi %sign3A_112, %sign3A_115 : i32
      %sign3A_117 = arith.constant 0 : i32
      %sign3A_118 = arith.cmpi sgt, %jit3A, %sign3A_117 : i32
      %sign3A_119 = arith.extui %sign3A_118 : i1 to i32
      %sign3A_120 = arith.constant 0 : i32
      %sign3A_121 = arith.cmpi slt, %jit3A, %sign3A_120 : i32
      %sign3A_122 = arith.extui %sign3A_121 : i1 to i32
      %sign3A_123 = arith.subi %sign3A_119, %sign3A_122 : i32
      %ne3A = arith.cmpi ne, %sign3A_116, %sign3A_123 : i32
      %rem3A = arith.remsi %add3A_104, %jit3A : i32
      %ne3A_124 = arith.constant 0 : i32
      %ne3A_125 = arith.cmpi ne, %rem3A, %ne3A_124 : i32
      %and3A = arith.andi %ne3A, %ne3A_125 : i1
      %sub3A = arith.constant 1 : i32
      %sub3A_126 = arith.subi %div3A, %sub3A : i32
      %select_n3A = arith.select %and3A, %sub3A_126, %div3A : i32
      %mul3A_127 = arith.constant 200 : i32
      %mul3A_128 = arith.muli %select_n3A, %mul3A_127 : i32
      %add3A_129 = arith.addi %mul3A_110, %mul3A_128 : i32
      %jit3A_130 = arith.constant 8 : i32
      %eq3A = arith.constant 0 : i32
      %eq3A_131 = arith.cmpi eq, %jit3A_130, %eq3A : i32
      %jit3A_132 = arith.constant 1 : i32
      %select_n3A_133 = arith.select %eq3A_131, %jit3A_132, %jit3A_130 : i32
      %rem3A_134 = arith.remsi %add3A_104, %select_n3A_133 : i32
      %ne3A_135 = arith.constant 0 : i32
      %ne3A_136 = arith.cmpi ne, %rem3A_134, %ne3A_135 : i32
      %lt3A = arith.constant 0 : i32
      %lt3A_137 = arith.cmpi slt, %rem3A_134, %lt3A : i32
      %lt3A_138 = arith.constant 0 : i32
      %lt3A_139 = arith.cmpi slt, %select_n3A_133, %lt3A_138 : i32
      %ne3A_140 = arith.xori %lt3A_137, %lt3A_139 : i1
      %and3A_141 = arith.andi %ne3A_140, %ne3A_136 : i1
      %add3A_142 = arith.addi %rem3A_134, %select_n3A_133 : i32
      %select_n3A_143 = arith.select %and3A_141, %add3A_142, %rem3A_134 : i32
      %mul3A_144 = arith.constant 25 : i32
      %mul3A_145 = arith.muli %select_n3A_143, %mul3A_144 : i32
      %add3A_146 = arith.addi %add3A_129, %mul3A_145 : i32
      %add3A_147 = vector.broadcast %add3A_146 : i32 to vector<16xi32>
      %add3A_148 = arith.addi %get3A_2, %add3A_147 : vector<16xi32>
      %add3A_149 = arith.constant 0 : i32
      %add3A_150 = vector.broadcast %add3A_149 : i32 to vector<16xi32>
      %add3A_151 = arith.addi %get3A_5, %add3A_150 : vector<16xi32>
      %add3A_152 = arith.addi %add3A_148, %add3A_151 : vector<16xi32>
      %swap3A = arith.constant 0 : index
      %swap3A_153 = tpu.vector_load %arg10[%swap3A] {strides = array<i32>} : memref<112xi32, #tpu.memory_space<vmem>>, vector<16xi32>,
      %swap3A_154 = vector.shape_cast %swap3A_153 : vector<16xi32> to vector<16xi32>
      %swap3A_155 = vector.shape_cast %add3A_152 : vector<16xi32> to vector<16xi32>
      tpu.vector_store %arg10[%swap3A], %swap3A_155 {strides = array<i32>} : memref<112xi32, #tpu.memory_space<vmem>>, vector<16xi32>,
      %add3A_156 = arith.constant 4 : i32
      %add3A_157 = vector.broadcast %add3A_156 : i32 to vector<16xi32>
      %add3A_158 = arith.addi %get3A_5, %add3A_157 : vector<16xi32>
      %add3A_159 = arith.addi %add3A_148, %add3A_158 : vector<16xi32>
      %swap3A_160 = arith.constant 16 : index
      %swap3A_161 = tpu.vector_load %arg10[%swap3A_160] {strides = array<i32>} : memref<112xi32, #tpu.memory_space<vmem>>, vector<16xi32>,
      %swap3A_162 = vector.shape_cast %swap3A_161 : vector<16xi32> to vector<16xi32>
      %swap3A_163 = vector.shape_cast %add3A_159 : vector<16xi32> to vector<16xi32>
      tpu.vector_store %arg10[%swap3A_160], %swap3A_163 {strides = array<i32>} : memref<112xi32, #tpu.memory_space<vmem>>, vector<16xi32>,
      %add3A_164 = arith.constant 8 : i32
      %add3A_165 = vector.broadcast %add3A_164 : i32 to vector<16xi32>
      %add3A_166 = arith.addi %get3A_5, %add3A_165 : vector<16xi32>
      %add3A_167 = arith.addi %add3A_148, %add3A_166 : vector<16xi32>
      %swap3A_168 = arith.constant 32 : index
      %swap3A_169 = tpu.vector_load %arg10[%swap3A_168] {strides = array<i32>} : memref<112xi32, #tpu.memory_space<vmem>>, vector<16xi32>,
      %swap3A_170 = vector.shape_cast %swap3A_169 : vector<16xi32> to vector<16xi32>
      %swap3A_171 = vector.shape_cast %add3A_167 : vector<16xi32> to vector<16xi32>
      tpu.vector_store %arg10[%swap3A_168], %swap3A_171 {strides = array<i32>} : memref<112xi32, #tpu.memory_space<vmem>>, vector<16xi32>,
      %add3A_172 = arith.constant 12 : i32
      %add3A_173 = vector.broadcast %add3A_172 : i32 to vector<16xi32>
      %add3A_174 = arith.addi %get3A_5, %add3A_173 : vector<16xi32>
      %add3A_175 = arith.addi %add3A_148, %add3A_174 : vector<16xi32>
      %swap3A_176 = arith.constant 48 : index
      %swap3A_177 = tpu.vector_load %arg10[%swap3A_176] {strides = array<i32>} : memref<112xi32, #tpu.memory_space<vmem>>, vector<16xi32>,
      %swap3A_178 = vector.shape_cast %swap3A_177 : vector<16xi32> to vector<16xi32>
      %swap3A_179 = vector.shape_cast %add3A_175 : vector<16xi32> to vector<16xi32>
      tpu.vector_store %arg10[%swap3A_176], %swap3A_179 {strides = array<i32>} : memref<112xi32, #tpu.memory_space<vmem>>, vector<16xi32>,
      %add3A_180 = arith.constant 16 : i32
      %add3A_181 = vector.broadcast %add3A_180 : i32 to vector<16xi32>
      %add3A_182 = arith.addi %get3A_5, %add3A_181 : vector<16xi32>
      %add3A_183 = arith.addi %add3A_148, %add3A_182 : vector<16xi32>
      %swap3A_184 = arith.constant 64 : index
      %swap3A_185 = tpu.vector_load %arg10[%swap3A_184] {strides = array<i32>} : memref<112xi32, #tpu.memory_space<vmem>>, vector<16xi32>,
      %swap3A_186 = vector.shape_cast %swap3A_185 : vector<16xi32> to vector<16xi32>
      %swap3A_187 = vector.shape_cast %add3A_183 : vector<16xi32> to vector<16xi32>
      tpu.vector_store %arg10[%swap3A_184], %swap3A_187 {strides = array<i32>} : memref<112xi32, #tpu.memory_space<vmem>>, vector<16xi32>,
      %add3A_188 = arith.constant 20 : i32
      %add3A_189 = vector.broadcast %add3A_188 : i32 to vector<16xi32>
      %add3A_190 = arith.addi %get3A_5, %add3A_189 : vector<16xi32>
      %add3A_191 = arith.addi %add3A_148, %add3A_190 : vector<16xi32>
      %swap3A_192 = arith.constant 80 : index
      %swap3A_193 = tpu.vector_load %arg10[%swap3A_192] {strides = array<i32>} : memref<112xi32, #tpu.memory_space<vmem>>, vector<16xi32>,
      %swap3A_194 = vector.shape_cast %swap3A_193 : vector<16xi32> to vector<16xi32>
      %swap3A_195 = vector.shape_cast %add3A_191 : vector<16xi32> to vector<16xi32>
      tpu.vector_store %arg10[%swap3A_192], %swap3A_195 {strides = array<i32>} : memref<112xi32, #tpu.memory_space<vmem>>, vector<16xi32>,
      %add3A_196 = arith.addi %add3A_148, %get3A_8 : vector<16xi32>
      %swap3A_197 = arith.constant 96 : index
      %swap3A_198 = tpu.vector_load %arg10[%swap3A_197] {strides = array<i32>} : memref<112xi32, #tpu.memory_space<vmem>>, vector<16xi32>,
      %swap3A_199 = vector.shape_cast %swap3A_198 : vector<16xi32> to vector<16xi32>
      %swap3A_200 = vector.shape_cast %add3A_196 : vector<16xi32> to vector<16xi32>
      tpu.vector_store %arg10[%swap3A_197], %swap3A_200 {strides = array<i32>} : memref<112xi32, #tpu.memory_space<vmem>>, vector<16xi32>,
      %dma_start3A_201 = arith.constant 0 : i32
      %dma_start3A_202 = tpu.memref_slice %arg10[%dma_start3A_201] : memref<112xi32, #tpu.memory_space<vmem>> -> memref<104xi32, #tpu.memory_space<vmem>>
      %dma_start3A_203 = arith.constant 0 : i32
      %dma_start3A_204 = arith.constant 0 : i32
      %dma_start3A_205 = tpu.memref_slice %arg3[%dma_start3A_203, %dma_start3A_204] : memref<1920000x128xf32, #tpu.memory_space<hbm>> -> memref<1920000x128xf32, #tpu.memory_space<hbm>>
      tpu.enqueue_indirect_dma source(%dma_start3A_205 : memref<1920000x128xf32, #tpu.memory_space<hbm>>) target(%arg12 : memref<104x128xf32, #tpu.memory_space<vmem>>) offsets(%dma_start3A_202 : memref<104xi32, #tpu.memory_space<vmem>>) semaphore(%arg19 : memref<!tpu.dma_semaphore, #tpu.memory_space<semaphore_mem>>)
      %dma_start3A_206 = arith.constant 0 : i32
      %dma_start3A_207 = arith.constant 0 : i32
      %dma_start3A_208 = tpu.memref_slice %arg13[%dma_start3A_206, %dma_start3A_207] : memref<200x128xf32, #tpu.memory_space<vmem>> -> memref<104x128xf32, #tpu.memory_space<vmem>>
      %dma_start3A_209 = arith.constant 0 : i32
      %dma_start3A_210 = tpu.memref_slice %arg8[%dma_start3A_209] : memref<400xi32, #tpu.memory_space<vmem>> -> memref<104xi32, #tpu.memory_space<vmem>>
      %dma_start3A_211 = arith.constant 0 : i32
      %dma_start3A_212 = arith.constant 0 : i32
      %dma_start3A_213 = tpu.memref_slice %arg2[%dma_start3A_211, %dma_start3A_212] : memref<20000x128xf32, #tpu.memory_space<hbm>> -> memref<20000x128xf32, #tpu.memory_space<hbm>>
      tpu.enqueue_indirect_dma source(%dma_start3A_213 : memref<20000x128xf32, #tpu.memory_space<hbm>>) target(%dma_start3A_208 : memref<104x128xf32, #tpu.memory_space<vmem>>) offsets(%dma_start3A_210 : memref<104xi32, #tpu.memory_space<vmem>>) semaphore(%arg19 : memref<!tpu.dma_semaphore, #tpu.memory_space<semaphore_mem>>)
      %dma_start3A_214 = arith.constant 104 : i32
      %dma_start3A_215 = arith.constant 0 : i32
      %dma_start3A_216 = tpu.memref_slice %arg13[%dma_start3A_214, %dma_start3A_215] : memref<200x128xf32, #tpu.memory_space<vmem>> -> memref<96x128xf32, #tpu.memory_space<vmem>>
      %dma_start3A_217 = arith.constant 104 : i32
      %dma_start3A_218 = tpu.memref_slice %arg8[%dma_start3A_217] : memref<400xi32, #tpu.memory_space<vmem>> -> memref<96xi32, #tpu.memory_space<vmem>>
      %dma_start3A_219 = arith.constant 0 : i32
      %dma_start3A_220 = arith.constant 0 : i32
      %dma_start3A_221 = tpu.memref_slice %arg2[%dma_start3A_219, %dma_start3A_220] : memref<20000x128xf32, #tpu.memory_space<hbm>> -> memref<20000x128xf32, #tpu.memory_space<hbm>>
      tpu.enqueue_indirect_dma source(%dma_start3A_221 : memref<20000x128xf32, #tpu.memory_space<hbm>>) target(%dma_start3A_216 : memref<96x128xf32, #tpu.memory_space<vmem>>) offsets(%dma_start3A_218 : memref<96xi32, #tpu.memory_space<vmem>>) semaphore(%arg19 : memref<!tpu.dma_semaphore, #tpu.memory_space<semaphore_mem>>)
      %dma_wait3A_222 = arith.constant 0 : i32
      %dma_wait3A_223 = tpu.memref_slice %arg10[%dma_wait3A_222] : memref<112xi32, #tpu.memory_space<vmem>> -> memref<104xi32, #tpu.memory_space<vmem>>
      %dma_wait3A_224 = arith.constant 0 : i32
      %dma_wait3A_225 = arith.constant 0 : i32
      %dma_wait3A_226 = tpu.memref_slice %arg3[%dma_wait3A_224, %dma_wait3A_225] : memref<1920000x128xf32, #tpu.memory_space<hbm>> -> memref<1920000x128xf32, #tpu.memory_space<hbm>>
      tpu.wait_indirect_dma semaphore(%arg19 : memref<!tpu.dma_semaphore, #tpu.memory_space<semaphore_mem>>) src(%dma_wait3A_226 : memref<1920000x128xf32, #tpu.memory_space<hbm>>) dst(%arg12 : memref<104x128xf32, #tpu.memory_space<vmem>>)
      %dma_wait3A_227 = arith.constant 0 : i32
      %dma_wait3A_228 = arith.constant 0 : i32
      %dma_wait3A_229 = tpu.memref_slice %arg13[%dma_wait3A_227, %dma_wait3A_228] : memref<200x128xf32, #tpu.memory_space<vmem>> -> memref<104x128xf32, #tpu.memory_space<vmem>>
      %dma_wait3A_230 = arith.constant 0 : i32
      %dma_wait3A_231 = tpu.memref_slice %arg8[%dma_wait3A_230] : memref<400xi32, #tpu.memory_space<vmem>> -> memref<104xi32, #tpu.memory_space<vmem>>
      %dma_wait3A_232 = arith.constant 0 : i32
      %dma_wait3A_233 = arith.constant 0 : i32
      %dma_wait3A_234 = tpu.memref_slice %arg2[%dma_wait3A_232, %dma_wait3A_233] : memref<20000x128xf32, #tpu.memory_space<hbm>> -> memref<20000x128xf32, #tpu.memory_space<hbm>>
      tpu.wait_indirect_dma semaphore(%arg19 : memref<!tpu.dma_semaphore, #tpu.memory_space<semaphore_mem>>) src(%dma_wait3A_234 : memref<20000x128xf32, #tpu.memory_space<hbm>>) dst(%dma_wait3A_229 : memref<104x128xf32, #tpu.memory_space<vmem>>)
      %dma_wait3A_235 = arith.constant 104 : i32
      %dma_wait3A_236 = arith.constant 0 : i32
      %dma_wait3A_237 = tpu.memref_slice %arg13[%dma_wait3A_235, %dma_wait3A_236] : memref<200x128xf32, #tpu.memory_space<vmem>> -> memref<96x128xf32, #tpu.memory_space<vmem>>
      %dma_wait3A_238 = arith.constant 104 : i32
      %dma_wait3A_239 = tpu.memref_slice %arg8[%dma_wait3A_238] : memref<400xi32, #tpu.memory_space<vmem>> -> memref<96xi32, #tpu.memory_space<vmem>>
      %dma_wait3A_240 = arith.constant 0 : i32
      %dma_wait3A_241 = arith.constant 0 : i32
      %dma_wait3A_242 = tpu.memref_slice %arg2[%dma_wait3A_240, %dma_wait3A_241] : memref<20000x128xf32, #tpu.memory_space<hbm>> -> memref<20000x128xf32, #tpu.memory_space<hbm>>
      tpu.wait_indirect_dma semaphore(%arg19 : memref<!tpu.dma_semaphore, #tpu.memory_space<semaphore_mem>>) src(%dma_wait3A_242 : memref<20000x128xf32, #tpu.memory_space<hbm>>) dst(%dma_wait3A_237 : memref<96x128xf32, #tpu.memory_space<vmem>>)
      %scan3A_243 = arith.constant 0 : i32
      %scan3A_244 = arith.constant 0 : i32
      %scan3A_245 = arith.constant 60 : i32
      %scan3A_246 = arith.addi %scan3A_244, %scan3A_245 : i32
      %scan3A_247 = arith.constant 1 : i32
      %scan3A_248 = scf.for %scan3A_428 = %scan3A_244 to %scan3A_246 step %scan3A_247 iter_args(%scan3A_429 = %scan3A_243) -> (i32)  : i32 {
        %add3A_430 = arith.constant 0 : i32
        %add3A_431 = arith.addi %add3A_430, %scan3A_428 : i32
        %mul3A_432 = arith.constant 2 : i32
        %mul3A_433 = arith.muli %mul3A_432, %add3A_431 : i32
        %add3A_434 = arith.constant 0 : i32
        %add3A_435 = arith.addi %mul3A_433, %add3A_434 : i32
        %get3A_436 = arith.index_cast %add3A_435 : i32 to index
        %get3A_437 = arith.constant 0 : index
        %get3A_438 = tpu.vector_load %arg13[%get3A_436, %get3A_437] {strides = array<i32>} : memref<200x128xf32, #tpu.memory_space<vmem>>, vector<1x16xf32>,
        %get3A_439 = vector.shape_cast %get3A_438 : vector<1x16xf32> to vector<16xf32>
        %get3A_440 = arith.index_cast %add3A_431 : i32 to index
        %get3A_441 = arith.constant 0 : index
        %get3A_442 = tpu.vector_load %arg12[%get3A_440, %get3A_441] {strides = array<i32>} : memref<104x128xf32, #tpu.memory_space<vmem>>, vector<1x16xf32>,
        %get3A_443 = vector.shape_cast %get3A_442 : vector<1x16xf32> to vector<16xf32>
        %add3A_444 = arith.addf %get3A_439, %get3A_443 : vector<16xf32>
        %max3A = arith.constant 0.000000e+00 : f32
        %max3A_445 = vector.broadcast %max3A : f32 to vector<16xf32>
        %max3A_446 = arith.maximumf %add3A_444, %max3A_445 : vector<16xf32>
        %mul3A_447 = arith.constant 2 : i32
        %mul3A_448 = arith.muli %mul3A_447, %scan3A_428 : i32
        %add3A_449 = arith.constant 0 : i32
        %add3A_450 = arith.addi %mul3A_448, %add3A_449 : i32
        %swap3A_451 = arith.index_cast %add3A_450 : i32 to index
        %swap3A_452 = arith.constant 0 : index
        %swap3A_453 = tpu.vector_load %arg16[%swap3A_451, %swap3A_452] {strides = array<i32>} : memref<120x64xf32, #tpu.memory_space<vmem>>, vector<1x16xf32>,
        %swap3A_454 = vector.shape_cast %swap3A_453 : vector<1x16xf32> to vector<16xf32>
        %swap3A_455 = vector.shape_cast %max3A_446 : vector<16xf32> to vector<1x16xf32>
        tpu.vector_store %arg16[%swap3A_451, %swap3A_452], %swap3A_455 {strides = array<i32>} : memref<120x64xf32, #tpu.memory_space<vmem>>, vector<1x16xf32>,
        %mul3A_456 = arith.constant 2 : i32
        %mul3A_457 = arith.muli %mul3A_456, %add3A_431 : i32
        %add3A_458 = arith.constant 0 : i32
        %add3A_459 = arith.addi %mul3A_457, %add3A_458 : i32
        %get3A_460 = arith.index_cast %add3A_459 : i32 to index
        %get3A_461 = arith.constant 16 : index
        %get3A_462 = tpu.vector_load %arg13[%get3A_460, %get3A_461] {strides = array<i32>} : memref<200x128xf32, #tpu.memory_space<vmem>>, vector<1x16xf32>,
        %get3A_463 = vector.shape_cast %get3A_462 : vector<1x16xf32> to vector<16xf32>
        %get3A_464 = arith.index_cast %add3A_431 : i32 to index
        %get3A_465 = arith.constant 16 : index
        %get3A_466 = tpu.vector_load %arg12[%get3A_464, %get3A_465] {strides = array<i32>} : memref<104x128xf32, #tpu.memory_space<vmem>>, vector<1x16xf32>,
        %get3A_467 = vector.shape_cast %get3A_466 : vector<1x16xf32> to vector<16xf32>
        %add3A_468 = arith.addf %get3A_463, %get3A_467 : vector<16xf32>
        %max3A_469 = arith.constant 0.000000e+00 : f32
        %max3A_470 = vector.broadcast %max3A_469 : f32 to vector<16xf32>
        %max3A_471 = arith.maximumf %add3A_468, %max3A_470 : vector<16xf32>
        %mul3A_472 = arith.constant 2 : i32
        %mul3A_473 = arith.muli %mul3A_472, %scan3A_428 : i32
        %add3A_474 = arith.constant 0 : i32
        %add3A_475 = arith.addi %mul3A_473, %add3A_474 : i32
        %swap3A_476 = arith.index_cast %add3A_475 : i32 to index
        %swap3A_477 = arith.constant 16 : index
        %swap3A_478 = tpu.vector_load %arg16[%swap3A_476, %swap3A_477] {strides = array<i32>} : memref<120x64xf32, #tpu.memory_space<vmem>>, vector<1x16xf32>,
        %swap3A_479 = vector.shape_cast %swap3A_478 : vector<1x16xf32> to vector<16xf32>
        %swap3A_480 = vector.shape_cast %max3A_471 : vector<16xf32> to vector<1x16xf32>
        tpu.vector_store %arg16[%swap3A_476, %swap3A_477], %swap3A_480 {strides = array<i32>} : memref<120x64xf32, #tpu.memory_space<vmem>>, vector<1x16xf32>,
        %mul3A_481 = arith.constant 2 : i32
        %mul3A_482 = arith.muli %mul3A_481, %add3A_431 : i32
        %add3A_483 = arith.constant 0 : i32
        %add3A_484 = arith.addi %mul3A_482, %add3A_483 : i32
        %get3A_485 = arith.index_cast %add3A_484 : i32 to index
        %get3A_486 = arith.constant 32 : index
        %get3A_487 = tpu.vector_load %arg13[%get3A_485, %get3A_486] {strides = array<i32>} : memref<200x128xf32, #tpu.memory_space<vmem>>, vector<1x16xf32>,
        %get3A_488 = vector.shape_cast %get3A_487 : vector<1x16xf32> to vector<16xf32>
        %get3A_489 = arith.index_cast %add3A_431 : i32 to index
        %get3A_490 = arith.constant 32 : index
        %get3A_491 = tpu.vector_load %arg12[%get3A_489, %get3A_490] {strides = array<i32>} : memref<104x128xf32, #tpu.memory_space<vmem>>, vector<1x16xf32>,
        %get3A_492 = vector.shape_cast %get3A_491 : vector<1x16xf32> to vector<16xf32>
        %add3A_493 = arith.addf %get3A_488, %get3A_492 : vector<16xf32>
        %max3A_494 = arith.constant 0.000000e+00 : f32
        %max3A_495 = vector.broadcast %max3A_494 : f32 to vector<16xf32>
        %max3A_496 = arith.maximumf %add3A_493, %max3A_495 : vector<16xf32>
        %mul3A_497 = arith.constant 2 : i32
        %mul3A_498 = arith.muli %mul3A_497, %scan3A_428 : i32
        %add3A_499 = arith.constant 0 : i32
        %add3A_500 = arith.addi %mul3A_498, %add3A_499 : i32
        %swap3A_501 = arith.index_cast %add3A_500 : i32 to index
        %swap3A_502 = arith.constant 32 : index
        %swap3A_503 = tpu.vector_load %arg16[%swap3A_501, %swap3A_502] {strides = array<i32>} : memref<120x64xf32, #tpu.memory_space<vmem>>, vector<1x16xf32>,
        %swap3A_504 = vector.shape_cast %swap3A_503 : vector<1x16xf32> to vector<16xf32>
        %swap3A_505 = vector.shape_cast %max3A_496 : vector<16xf32> to vector<1x16xf32>
        tpu.vector_store %arg16[%swap3A_501, %swap3A_502], %swap3A_505 {strides = array<i32>} : memref<120x64xf32, #tpu.memory_space<vmem>>, vector<1x16xf32>,
        %mul3A_506 = arith.constant 2 : i32
        %mul3A_507 = arith.muli %mul3A_506, %add3A_431 : i32
        %add3A_508 = arith.constant 0 : i32
        %add3A_509 = arith.addi %mul3A_507, %add3A_508 : i32
        %get3A_510 = arith.index_cast %add3A_509 : i32 to index
        %get3A_511 = arith.constant 48 : index
        %get3A_512 = tpu.vector_load %arg13[%get3A_510, %get3A_511] {strides = array<i32>} : memref<200x128xf32, #tpu.memory_space<vmem>>, vector<1x16xf32>,
        %get3A_513 = vector.shape_cast %get3A_512 : vector<1x16xf32> to vector<16xf32>
        %get3A_514 = arith.index_cast %add3A_431 : i32 to index
        %get3A_515 = arith.constant 48 : index
        %get3A_516 = tpu.vector_load %arg12[%get3A_514, %get3A_515] {strides = array<i32>} : memref<104x128xf32, #tpu.memory_space<vmem>>, vector<1x16xf32>,
        %get3A_517 = vector.shape_cast %get3A_516 : vector<1x16xf32> to vector<16xf32>
        %add3A_518 = arith.addf %get3A_513, %get3A_517 : vector<16xf32>
        %max3A_519 = arith.constant 0.000000e+00 : f32
        %max3A_520 = vector.broadcast %max3A_519 : f32 to vector<16xf32>
        %max3A_521 = arith.maximumf %add3A_518, %max3A_520 : vector<16xf32>
        %mul3A_522 = arith.constant 2 : i32
        %mul3A_523 = arith.muli %mul3A_522, %scan3A_428 : i32
        %add3A_524 = arith.constant 0 : i32
        %add3A_525 = arith.addi %mul3A_523, %add3A_524 : i32
        %swap3A_526 = arith.index_cast %add3A_525 : i32 to index
        %swap3A_527 = arith.constant 48 : index
        %swap3A_528 = tpu.vector_load %arg16[%swap3A_526, %swap3A_527] {strides = array<i32>} : memref<120x64xf32, #tpu.memory_space<vmem>>, vector<1x16xf32>,
        %swap3A_529 = vector.shape_cast %swap3A_528 : vector<1x16xf32> to vector<16xf32>
        %swap3A_530 = vector.shape_cast %max3A_521 : vector<16xf32> to vector<1x16xf32>
        tpu.vector_store %arg16[%swap3A_526, %swap3A_527], %swap3A_530 {strides = array<i32>} : memref<120x64xf32, #tpu.memory_space<vmem>>, vector<1x16xf32>,
        %mul3A_531 = arith.constant 2 : i32
        %mul3A_532 = arith.muli %mul3A_531, %add3A_431 : i32
        %add3A_533 = arith.constant 1 : i32
        %add3A_534 = arith.addi %mul3A_532, %add3A_533 : i32
        %get3A_535 = arith.index_cast %add3A_534 : i32 to index
        %get3A_536 = arith.constant 0 : index
        %get3A_537 = tpu.vector_load %arg13[%get3A_535, %get3A_536] {strides = array<i32>} : memref<200x128xf32, #tpu.memory_space<vmem>>, vector<1x16xf32>,
        %get3A_538 = vector.shape_cast %get3A_537 : vector<1x16xf32> to vector<16xf32>
        %get3A_539 = arith.index_cast %add3A_431 : i32 to index
        %get3A_540 = arith.constant 64 : index
        %get3A_541 = tpu.vector_load %arg12[%get3A_539, %get3A_540] {strides = array<i32>} : memref<104x128xf32, #tpu.memory_space<vmem>>, vector<1x16xf32>,
        %get3A_542 = vector.shape_cast %get3A_541 : vector<1x16xf32> to vector<16xf32>
        %add3A_543 = arith.addf %get3A_538, %get3A_542 : vector<16xf32>
        %max3A_544 = arith.constant 0.000000e+00 : f32
        %max3A_545 = vector.broadcast %max3A_544 : f32 to vector<16xf32>
        %max3A_546 = arith.maximumf %add3A_543, %max3A_545 : vector<16xf32>
        %mul3A_547 = arith.constant 2 : i32
        %mul3A_548 = arith.muli %mul3A_547, %scan3A_428 : i32
        %add3A_549 = arith.constant 1 : i32
        %add3A_550 = arith.addi %mul3A_548, %add3A_549 : i32
        %swap3A_551 = arith.index_cast %add3A_550 : i32 to index
        %swap3A_552 = arith.constant 0 : index
        %swap3A_553 = tpu.vector_load %arg16[%swap3A_551, %swap3A_552] {strides = array<i32>} : memref<120x64xf32, #tpu.memory_space<vmem>>, vector<1x16xf32>,
        %swap3A_554 = vector.shape_cast %swap3A_553 : vector<1x16xf32> to vector<16xf32>
        %swap3A_555 = vector.shape_cast %max3A_546 : vector<16xf32> to vector<1x16xf32>
        tpu.vector_store %arg16[%swap3A_551, %swap3A_552], %swap3A_555 {strides = array<i32>} : memref<120x64xf32, #tpu.memory_space<vmem>>, vector<1x16xf32>,
        %mul3A_556 = arith.constant 2 : i32
        %mul3A_557 = arith.muli %mul3A_556, %add3A_431 : i32
        %add3A_558 = arith.constant 1 : i32
        %add3A_559 = arith.addi %mul3A_557, %add3A_558 : i32
        %get3A_560 = arith.index_cast %add3A_559 : i32 to index
        %get3A_561 = arith.constant 16 : index
        %get3A_562 = tpu.vector_load %arg13[%get3A_560, %get3A_561] {strides = array<i32>} : memref<200x128xf32, #tpu.memory_space<vmem>>, vector<1x16xf32>,
        %get3A_563 = vector.shape_cast %get3A_562 : vector<1x16xf32> to vector<16xf32>
        %get3A_564 = arith.index_cast %add3A_431 : i32 to index
        %get3A_565 = arith.constant 80 : index
        %get3A_566 = tpu.vector_load %arg12[%get3A_564, %get3A_565] {strides = array<i32>} : memref<104x128xf32, #tpu.memory_space<vmem>>, vector<1x16xf32>,
        %get3A_567 = vector.shape_cast %get3A_566 : vector<1x16xf32> to vector<16xf32>
        %add3A_568 = arith.addf %get3A_563, %get3A_567 : vector<16xf32>
        %max3A_569 = arith.constant 0.000000e+00 : f32
        %max3A_570 = vector.broadcast %max3A_569 : f32 to vector<16xf32>
        %max3A_571 = arith.maximumf %add3A_568, %max3A_570 : vector<16xf32>
        %mul3A_572 = arith.constant 2 : i32
        %mul3A_573 = arith.muli %mul3A_572, %scan3A_428 : i32
        %add3A_574 = arith.constant 1 : i32
        %add3A_575 = arith.addi %mul3A_573, %add3A_574 : i32
        %swap3A_576 = arith.index_cast %add3A_575 : i32 to index
        %swap3A_577 = arith.constant 16 : index
        %swap3A_578 = tpu.vector_load %arg16[%swap3A_576, %swap3A_577] {strides = array<i32>} : memref<120x64xf32, #tpu.memory_space<vmem>>, vector<1x16xf32>,
        %swap3A_579 = vector.shape_cast %swap3A_578 : vector<1x16xf32> to vector<16xf32>
        %swap3A_580 = vector.shape_cast %max3A_571 : vector<16xf32> to vector<1x16xf32>
        tpu.vector_store %arg16[%swap3A_576, %swap3A_577], %swap3A_580 {strides = array<i32>} : memref<120x64xf32, #tpu.memory_space<vmem>>, vector<1x16xf32>,
        %mul3A_581 = arith.constant 2 : i32
        %mul3A_582 = arith.muli %mul3A_581, %add3A_431 : i32
        %add3A_583 = arith.constant 1 : i32
        %add3A_584 = arith.addi %mul3A_582, %add3A_583 : i32
        %get3A_585 = arith.index_cast %add3A_584 : i32 to index
        %get3A_586 = arith.constant 32 : index
        %get3A_587 = tpu.vector_load %arg13[%get3A_585, %get3A_586] {strides = array<i32>} : memref<200x128xf32, #tpu.memory_space<vmem>>, vector<1x16xf32>,
        %get3A_588 = vector.shape_cast %get3A_587 : vector<1x16xf32> to vector<16xf32>
        %get3A_589 = arith.index_cast %add3A_431 : i32 to index
        %get3A_590 = arith.constant 96 : index
        %get3A_591 = tpu.vector_load %arg12[%get3A_589, %get3A_590] {strides = array<i32>} : memref<104x128xf32, #tpu.memory_space<vmem>>, vector<1x16xf32>,
        %get3A_592 = vector.shape_cast %get3A_591 : vector<1x16xf32> to vector<16xf32>
        %add3A_593 = arith.addf %get3A_588, %get3A_592 : vector<16xf32>
        %max3A_594 = arith.constant 0.000000e+00 : f32
        %max3A_595 = vector.broadcast %max3A_594 : f32 to vector<16xf32>
        %max3A_596 = arith.maximumf %add3A_593, %max3A_595 : vector<16xf32>
        %mul3A_597 = arith.constant 2 : i32
        %mul3A_598 = arith.muli %mul3A_597, %scan3A_428 : i32
        %add3A_599 = arith.constant 1 : i32
        %add3A_600 = arith.addi %mul3A_598, %add3A_599 : i32
        %swap3A_601 = arith.index_cast %add3A_600 : i32 to index
        %swap3A_602 = arith.constant 32 : index
        %swap3A_603 = tpu.vector_load %arg16[%swap3A_601, %swap3A_602] {strides = array<i32>} : memref<120x64xf32, #tpu.memory_space<vmem>>, vector<1x16xf32>,
        %swap3A_604 = vector.shape_cast %swap3A_603 : vector<1x16xf32> to vector<16xf32>
        %swap3A_605 = vector.shape_cast %max3A_596 : vector<16xf32> to vector<1x16xf32>
        tpu.vector_store %arg16[%swap3A_601, %swap3A_602], %swap3A_605 {strides = array<i32>} : memref<120x64xf32, #tpu.memory_space<vmem>>, vector<1x16xf32>,
        %mul3A_606 = arith.constant 2 : i32
        %mul3A_607 = arith.muli %mul3A_606, %add3A_431 : i32
        %add3A_608 = arith.constant 1 : i32
        %add3A_609 = arith.addi %mul3A_607, %add3A_608 : i32
        %get3A_610 = arith.index_cast %add3A_609 : i32 to index
        %get3A_611 = arith.constant 48 : index
        %get3A_612 = tpu.vector_load %arg13[%get3A_610, %get3A_611] {strides = array<i32>} : memref<200x128xf32, #tpu.memory_space<vmem>>, vector<1x16xf32>,
        %get3A_613 = vector.shape_cast %get3A_612 : vector<1x16xf32> to vector<16xf32>
        %get3A_614 = arith.index_cast %add3A_431 : i32 to index
        %get3A_615 = arith.constant 112 : index
        %get3A_616 = tpu.vector_load %arg12[%get3A_614, %get3A_615] {strides = array<i32>} : memref<104x128xf32, #tpu.memory_space<vmem>>, vector<1x16xf32>,
        %get3A_617 = vector.shape_cast %get3A_616 : vector<1x16xf32> to vector<16xf32>
        %add3A_618 = arith.addf %get3A_613, %get3A_617 : vector<16xf32>
        %max3A_619 = arith.constant 0.000000e+00 : f32
        %max3A_620 = vector.broadcast %max3A_619 : f32 to vector<16xf32>
        %max3A_621 = arith.maximumf %add3A_618, %max3A_620 : vector<16xf32>
        %mul3A_622 = arith.constant 2 : i32
        %mul3A_623 = arith.muli %mul3A_622, %scan3A_428 : i32
        %add3A_624 = arith.constant 1 : i32
        %add3A_625 = arith.addi %mul3A_623, %add3A_624 : i32
        %swap3A_626 = arith.index_cast %add3A_625 : i32 to index
        %swap3A_627 = arith.constant 48 : index
        %swap3A_628 = tpu.vector_load %arg16[%swap3A_626, %swap3A_627] {strides = array<i32>} : memref<120x64xf32, #tpu.memory_space<vmem>>, vector<1x16xf32>,
        %swap3A_629 = vector.shape_cast %swap3A_628 : vector<1x16xf32> to vector<16xf32>
        %swap3A_630 = vector.shape_cast %max3A_621 : vector<16xf32> to vector<1x16xf32>
        tpu.vector_store %arg16[%swap3A_626, %swap3A_627], %swap3A_630 {strides = array<i32>} : memref<120x64xf32, #tpu.memory_space<vmem>>, vector<1x16xf32>,
        %scan3A_631 = arith.constant 0 : i32
        scf.yield %scan3A_631 : i32
      }
      %scan3A_249 = arith.constant 60 : i32
      "tpu.region"() ({
        %run_scoped3A = tpu.sem_alloc : memref<!tpu.dma_semaphore, #tpu.memory_space<semaphore_mem>>
        %dma_start3A_428 = arith.constant 0 : i32
        %dma_start3A_429 = arith.constant 0 : i32
        %dma_start3A_430 = tpu.memref_slice %arg16[%dma_start3A_428, %dma_start3A_429] : memref<120x64xf32, #tpu.memory_space<vmem>> -> memref<120x64xf32, #tpu.memory_space<vmem>>
        %dma_start3A_431 = arith.constant 0 : i32
        %dma_start3A_432 = tpu.memref_slice %arg9[%dma_start3A_431] : memref<400xi32, #tpu.memory_space<vmem>> -> memref<120xi32, #tpu.memory_space<vmem>>
        %dma_start3A_433 = arith.constant 0 : i32
        %dma_start3A_434 = arith.constant 0 : i32
        %dma_start3A_435 = tpu.memref_slice %arg22[%dma_start3A_433, %dma_start3A_434] : memref<10000x64xf32, #tpu.memory_space<vmem_shared>> -> memref<10000x64xf32, #tpu.memory_space<vmem_shared>>
        tpu.enqueue_indirect_dma source(%dma_start3A_430 : memref<120x64xf32, #tpu.memory_space<vmem>>) target(%dma_start3A_435 : memref<10000x64xf32, #tpu.memory_space<vmem_shared>>) offsets(%dma_start3A_432 : memref<120xi32, #tpu.memory_space<vmem>>) semaphore(%run_scoped3A : memref<!tpu.dma_semaphore, #tpu.memory_space<semaphore_mem>>) {add = true}
        %dma_wait3A_436 = arith.constant 0 : i32
        %dma_wait3A_437 = arith.constant 0 : i32
        %dma_wait3A_438 = tpu.memref_slice %arg16[%dma_wait3A_436, %dma_wait3A_437] : memref<120x64xf32, #tpu.memory_space<vmem>> -> memref<120x64xf32, #tpu.memory_space<vmem>>
        %dma_wait3A_439 = arith.constant 0 : i32
        %dma_wait3A_440 = tpu.memref_slice %arg9[%dma_wait3A_439] : memref<400xi32, #tpu.memory_space<vmem>> -> memref<120xi32, #tpu.memory_space<vmem>>
        %dma_wait3A_441 = arith.constant 0 : i32
        %dma_wait3A_442 = arith.constant 0 : i32
        %dma_wait3A_443 = tpu.memref_slice %arg22[%dma_wait3A_441, %dma_wait3A_442] : memref<10000x64xf32, #tpu.memory_space<vmem_shared>> -> memref<10000x64xf32, #tpu.memory_space<vmem_shared>>
        tpu.wait_indirect_dma semaphore(%run_scoped3A : memref<!tpu.dma_semaphore, #tpu.memory_space<semaphore_mem>>) src(%dma_wait3A_438 : memref<120x64xf32, #tpu.memory_space<vmem>>) dst(%dma_wait3A_443 : memref<10000x64xf32, #tpu.memory_space<vmem_shared>>)
        tpu.yield
      }) : () -> ()
      %scan3A_250 = arith.constant 0 : i32
      %scan3A_251 = arith.constant 0 : i32
      %scan3A_252 = arith.constant 40 : i32
      %scan3A_253 = arith.addi %scan3A_251, %scan3A_252 : i32
      %scan3A_254 = arith.constant 1 : i32
      %scan3A_255 = scf.for %scan3A_428 = %scan3A_251 to %scan3A_253 step %scan3A_254 iter_args(%scan3A_429 = %scan3A_250) -> (i32)  : i32 {
        %add3A_430 = arith.constant 60 : i32
        %add3A_431 = arith.addi %add3A_430, %scan3A_428 : i32
        %mul3A_432 = arith.constant 2 : i32
        %mul3A_433 = arith.muli %mul3A_432, %add3A_431 : i32
        %add3A_434 = arith.constant 0 : i32
        %add3A_435 = arith.addi %mul3A_433, %add3A_434 : i32
        %get3A_436 = arith.index_cast %add3A_435 : i32 to index
        %get3A_437 = arith.constant 0 : index
        %get3A_438 = tpu.vector_load %arg13[%get3A_436, %get3A_437] {strides = array<i32>} : memref<200x128xf32, #tpu.memory_space<vmem>>, vector<1x16xf32>,
        %get3A_439 = vector.shape_cast %get3A_438 : vector<1x16xf32> to vector<16xf32>
        %get3A_440 = arith.index_cast %add3A_431 : i32 to index
        %get3A_441 = arith.constant 0 : index
        %get3A_442 = tpu.vector_load %arg12[%get3A_440, %get3A_441] {strides = array<i32>} : memref<104x128xf32, #tpu.memory_space<vmem>>, vector<1x16xf32>,
        %get3A_443 = vector.shape_cast %get3A_442 : vector<1x16xf32> to vector<16xf32>
        %add3A_444 = arith.addf %get3A_439, %get3A_443 : vector<16xf32>
        %max3A = arith.constant 0.000000e+00 : f32
        %max3A_445 = vector.broadcast %max3A : f32 to vector<16xf32>
        %max3A_446 = arith.maximumf %add3A_444, %max3A_445 : vector<16xf32>
        %mul3A_447 = arith.constant 2 : i32
        %mul3A_448 = arith.muli %mul3A_447, %scan3A_428 : i32
        %add3A_449 = arith.constant 0 : i32
        %add3A_450 = arith.addi %mul3A_448, %add3A_449 : i32
        %swap3A_451 = arith.index_cast %add3A_450 : i32 to index
        %swap3A_452 = arith.constant 0 : index
        %swap3A_453 = tpu.vector_load %arg16[%swap3A_451, %swap3A_452] {strides = array<i32>} : memref<120x64xf32, #tpu.memory_space<vmem>>, vector<1x16xf32>,
        %swap3A_454 = vector.shape_cast %swap3A_453 : vector<1x16xf32> to vector<16xf32>
        %swap3A_455 = vector.shape_cast %max3A_446 : vector<16xf32> to vector<1x16xf32>
        tpu.vector_store %arg16[%swap3A_451, %swap3A_452], %swap3A_455 {strides = array<i32>} : memref<120x64xf32, #tpu.memory_space<vmem>>, vector<1x16xf32>,
        %mul3A_456 = arith.constant 2 : i32
        %mul3A_457 = arith.muli %mul3A_456, %add3A_431 : i32
        %add3A_458 = arith.constant 0 : i32
        %add3A_459 = arith.addi %mul3A_457, %add3A_458 : i32
        %get3A_460 = arith.index_cast %add3A_459 : i32 to index
        %get3A_461 = arith.constant 16 : index
        %get3A_462 = tpu.vector_load %arg13[%get3A_460, %get3A_461] {strides = array<i32>} : memref<200x128xf32, #tpu.memory_space<vmem>>, vector<1x16xf32>,
        %get3A_463 = vector.shape_cast %get3A_462 : vector<1x16xf32> to vector<16xf32>
        %get3A_464 = arith.index_cast %add3A_431 : i32 to index
        %get3A_465 = arith.constant 16 : index
        %get3A_466 = tpu.vector_load %arg12[%get3A_464, %get3A_465] {strides = array<i32>} : memref<104x128xf32, #tpu.memory_space<vmem>>, vector<1x16xf32>,
        %get3A_467 = vector.shape_cast %get3A_466 : vector<1x16xf32> to vector<16xf32>
        %add3A_468 = arith.addf %get3A_463, %get3A_467 : vector<16xf32>
        %max3A_469 = arith.constant 0.000000e+00 : f32
        %max3A_470 = vector.broadcast %max3A_469 : f32 to vector<16xf32>
        %max3A_471 = arith.maximumf %add3A_468, %max3A_470 : vector<16xf32>
        %mul3A_472 = arith.constant 2 : i32
        %mul3A_473 = arith.muli %mul3A_472, %scan3A_428 : i32
        %add3A_474 = arith.constant 0 : i32
        %add3A_475 = arith.addi %mul3A_473, %add3A_474 : i32
        %swap3A_476 = arith.index_cast %add3A_475 : i32 to index
        %swap3A_477 = arith.constant 16 : index
        %swap3A_478 = tpu.vector_load %arg16[%swap3A_476, %swap3A_477] {strides = array<i32>} : memref<120x64xf32, #tpu.memory_space<vmem>>, vector<1x16xf32>,
        %swap3A_479 = vector.shape_cast %swap3A_478 : vector<1x16xf32> to vector<16xf32>
        %swap3A_480 = vector.shape_cast %max3A_471 : vector<16xf32> to vector<1x16xf32>
        tpu.vector_store %arg16[%swap3A_476, %swap3A_477], %swap3A_480 {strides = array<i32>} : memref<120x64xf32, #tpu.memory_space<vmem>>, vector<1x16xf32>,
        %mul3A_481 = arith.constant 2 : i32
        %mul3A_482 = arith.muli %mul3A_481, %add3A_431 : i32
        %add3A_483 = arith.constant 0 : i32
        %add3A_484 = arith.addi %mul3A_482, %add3A_483 : i32
        %get3A_485 = arith.index_cast %add3A_484 : i32 to index
        %get3A_486 = arith.constant 32 : index
        %get3A_487 = tpu.vector_load %arg13[%get3A_485, %get3A_486] {strides = array<i32>} : memref<200x128xf32, #tpu.memory_space<vmem>>, vector<1x16xf32>,
        %get3A_488 = vector.shape_cast %get3A_487 : vector<1x16xf32> to vector<16xf32>
        %get3A_489 = arith.index_cast %add3A_431 : i32 to index
        %get3A_490 = arith.constant 32 : index
        %get3A_491 = tpu.vector_load %arg12[%get3A_489, %get3A_490] {strides = array<i32>} : memref<104x128xf32, #tpu.memory_space<vmem>>, vector<1x16xf32>,
        %get3A_492 = vector.shape_cast %get3A_491 : vector<1x16xf32> to vector<16xf32>
        %add3A_493 = arith.addf %get3A_488, %get3A_492 : vector<16xf32>
        %max3A_494 = arith.constant 0.000000e+00 : f32
        %max3A_495 = vector.broadcast %max3A_494 : f32 to vector<16xf32>
        %max3A_496 = arith.maximumf %add3A_493, %max3A_495 : vector<16xf32>
        %mul3A_497 = arith.constant 2 : i32
        %mul3A_498 = arith.muli %mul3A_497, %scan3A_428 : i32
        %add3A_499 = arith.constant 0 : i32
        %add3A_500 = arith.addi %mul3A_498, %add3A_499 : i32
        %swap3A_501 = arith.index_cast %add3A_500 : i32 to index
        %swap3A_502 = arith.constant 32 : index
        %swap3A_503 = tpu.vector_load %arg16[%swap3A_501, %swap3A_502] {strides = array<i32>} : memref<120x64xf32, #tpu.memory_space<vmem>>, vector<1x16xf32>,
        %swap3A_504 = vector.shape_cast %swap3A_503 : vector<1x16xf32> to vector<16xf32>
        %swap3A_505 = vector.shape_cast %max3A_496 : vector<16xf32> to vector<1x16xf32>
        tpu.vector_store %arg16[%swap3A_501, %swap3A_502], %swap3A_505 {strides = array<i32>} : memref<120x64xf32, #tpu.memory_space<vmem>>, vector<1x16xf32>,
        %mul3A_506 = arith.constant 2 : i32
        %mul3A_507 = arith.muli %mul3A_506, %add3A_431 : i32
        %add3A_508 = arith.constant 0 : i32
        %add3A_509 = arith.addi %mul3A_507, %add3A_508 : i32
        %get3A_510 = arith.index_cast %add3A_509 : i32 to index
        %get3A_511 = arith.constant 48 : index
        %get3A_512 = tpu.vector_load %arg13[%get3A_510, %get3A_511] {strides = array<i32>} : memref<200x128xf32, #tpu.memory_space<vmem>>, vector<1x16xf32>,
        %get3A_513 = vector.shape_cast %get3A_512 : vector<1x16xf32> to vector<16xf32>
        %get3A_514 = arith.index_cast %add3A_431 : i32 to index
        %get3A_515 = arith.constant 48 : index
        %get3A_516 = tpu.vector_load %arg12[%get3A_514, %get3A_515] {strides = array<i32>} : memref<104x128xf32, #tpu.memory_space<vmem>>, vector<1x16xf32>,
        %get3A_517 = vector.shape_cast %get3A_516 : vector<1x16xf32> to vector<16xf32>
        %add3A_518 = arith.addf %get3A_513, %get3A_517 : vector<16xf32>
        %max3A_519 = arith.constant 0.000000e+00 : f32
        %max3A_520 = vector.broadcast %max3A_519 : f32 to vector<16xf32>
        %max3A_521 = arith.maximumf %add3A_518, %max3A_520 : vector<16xf32>
        %mul3A_522 = arith.constant 2 : i32
        %mul3A_523 = arith.muli %mul3A_522, %scan3A_428 : i32
        %add3A_524 = arith.constant 0 : i32
        %add3A_525 = arith.addi %mul3A_523, %add3A_524 : i32
        %swap3A_526 = arith.index_cast %add3A_525 : i32 to index
        %swap3A_527 = arith.constant 48 : index
        %swap3A_528 = tpu.vector_load %arg16[%swap3A_526, %swap3A_527] {strides = array<i32>} : memref<120x64xf32, #tpu.memory_space<vmem>>, vector<1x16xf32>,
        %swap3A_529 = vector.shape_cast %swap3A_528 : vector<1x16xf32> to vector<16xf32>
        %swap3A_530 = vector.shape_cast %max3A_521 : vector<16xf32> to vector<1x16xf32>
        tpu.vector_store %arg16[%swap3A_526, %swap3A_527], %swap3A_530 {strides = array<i32>} : memref<120x64xf32, #tpu.memory_space<vmem>>, vector<1x16xf32>,
        %mul3A_531 = arith.constant 2 : i32
        %mul3A_532 = arith.muli %mul3A_531, %add3A_431 : i32
        %add3A_533 = arith.constant 1 : i32
        %add3A_534 = arith.addi %mul3A_532, %add3A_533 : i32
        %get3A_535 = arith.index_cast %add3A_534 : i32 to index
        %get3A_536 = arith.constant 0 : index
        %get3A_537 = tpu.vector_load %arg13[%get3A_535, %get3A_536] {strides = array<i32>} : memref<200x128xf32, #tpu.memory_space<vmem>>, vector<1x16xf32>,
        %get3A_538 = vector.shape_cast %get3A_537 : vector<1x16xf32> to vector<16xf32>
        %get3A_539 = arith.index_cast %add3A_431 : i32 to index
        %get3A_540 = arith.constant 64 : index
        %get3A_541 = tpu.vector_load %arg12[%get3A_539, %get3A_540] {strides = array<i32>} : memref<104x128xf32, #tpu.memory_space<vmem>>, vector<1x16xf32>,
        %get3A_542 = vector.shape_cast %get3A_541 : vector<1x16xf32> to vector<16xf32>
        %add3A_543 = arith.addf %get3A_538, %get3A_542 : vector<16xf32>
        %max3A_544 = arith.constant 0.000000e+00 : f32
        %max3A_545 = vector.broadcast %max3A_544 : f32 to vector<16xf32>
        %max3A_546 = arith.maximumf %add3A_543, %max3A_545 : vector<16xf32>
        %mul3A_547 = arith.constant 2 : i32
        %mul3A_548 = arith.muli %mul3A_547, %scan3A_428 : i32
        %add3A_549 = arith.constant 1 : i32
        %add3A_550 = arith.addi %mul3A_548, %add3A_549 : i32
        %swap3A_551 = arith.index_cast %add3A_550 : i32 to index
        %swap3A_552 = arith.constant 0 : index
        %swap3A_553 = tpu.vector_load %arg16[%swap3A_551, %swap3A_552] {strides = array<i32>} : memref<120x64xf32, #tpu.memory_space<vmem>>, vector<1x16xf32>,
        %swap3A_554 = vector.shape_cast %swap3A_553 : vector<1x16xf32> to vector<16xf32>
        %swap3A_555 = vector.shape_cast %max3A_546 : vector<16xf32> to vector<1x16xf32>
        tpu.vector_store %arg16[%swap3A_551, %swap3A_552], %swap3A_555 {strides = array<i32>} : memref<120x64xf32, #tpu.memory_space<vmem>>, vector<1x16xf32>,
        %mul3A_556 = arith.constant 2 : i32
        %mul3A_557 = arith.muli %mul3A_556, %add3A_431 : i32
        %add3A_558 = arith.constant 1 : i32
        %add3A_559 = arith.addi %mul3A_557, %add3A_558 : i32
        %get3A_560 = arith.index_cast %add3A_559 : i32 to index
        %get3A_561 = arith.constant 16 : index
        %get3A_562 = tpu.vector_load %arg13[%get3A_560, %get3A_561] {strides = array<i32>} : memref<200x128xf32, #tpu.memory_space<vmem>>, vector<1x16xf32>,
        %get3A_563 = vector.shape_cast %get3A_562 : vector<1x16xf32> to vector<16xf32>
        %get3A_564 = arith.index_cast %add3A_431 : i32 to index
        %get3A_565 = arith.constant 80 : index
        %get3A_566 = tpu.vector_load %arg12[%get3A_564, %get3A_565] {strides = array<i32>} : memref<104x128xf32, #tpu.memory_space<vmem>>, vector<1x16xf32>,
        %get3A_567 = vector.shape_cast %get3A_566 : vector<1x16xf32> to vector<16xf32>
        %add3A_568 = arith.addf %get3A_563, %get3A_567 : vector<16xf32>
        %max3A_569 = arith.constant 0.000000e+00 : f32
        %max3A_570 = vector.broadcast %max3A_569 : f32 to vector<16xf32>
        %max3A_571 = arith.maximumf %add3A_568, %max3A_570 : vector<16xf32>
        %mul3A_572 = arith.constant 2 : i32
        %mul3A_573 = arith.muli %mul3A_572, %scan3A_428 : i32
        %add3A_574 = arith.constant 1 : i32
        %add3A_575 = arith.addi %mul3A_573, %add3A_574 : i32
        %swap3A_576 = arith.index_cast %add3A_575 : i32 to index
        %swap3A_577 = arith.constant 16 : index
        %swap3A_578 = tpu.vector_load %arg16[%swap3A_576, %swap3A_577] {strides = array<i32>} : memref<120x64xf32, #tpu.memory_space<vmem>>, vector<1x16xf32>,
        %swap3A_579 = vector.shape_cast %swap3A_578 : vector<1x16xf32> to vector<16xf32>
        %swap3A_580 = vector.shape_cast %max3A_571 : vector<16xf32> to vector<1x16xf32>
        tpu.vector_store %arg16[%swap3A_576, %swap3A_577], %swap3A_580 {strides = array<i32>} : memref<120x64xf32, #tpu.memory_space<vmem>>, vector<1x16xf32>,
        %mul3A_581 = arith.constant 2 : i32
        %mul3A_582 = arith.muli %mul3A_581, %add3A_431 : i32
        %add3A_583 = arith.constant 1 : i32
        %add3A_584 = arith.addi %mul3A_582, %add3A_583 : i32
        %get3A_585 = arith.index_cast %add3A_584 : i32 to index
        %get3A_586 = arith.constant 32 : index
        %get3A_587 = tpu.vector_load %arg13[%get3A_585, %get3A_586] {strides = array<i32>} : memref<200x128xf32, #tpu.memory_space<vmem>>, vector<1x16xf32>,
        %get3A_588 = vector.shape_cast %get3A_587 : vector<1x16xf32> to vector<16xf32>
        %get3A_589 = arith.index_cast %add3A_431 : i32 to index
        %get3A_590 = arith.constant 96 : index
        %get3A_591 = tpu.vector_load %arg12[%get3A_589, %get3A_590] {strides = array<i32>} : memref<104x128xf32, #tpu.memory_space<vmem>>, vector<1x16xf32>,
        %get3A_592 = vector.shape_cast %get3A_591 : vector<1x16xf32> to vector<16xf32>
        %add3A_593 = arith.addf %get3A_588, %get3A_592 : vector<16xf32>
        %max3A_594 = arith.constant 0.000000e+00 : f32
        %max3A_595 = vector.broadcast %max3A_594 : f32 to vector<16xf32>
        %max3A_596 = arith.maximumf %add3A_593, %max3A_595 : vector<16xf32>
        %mul3A_597 = arith.constant 2 : i32
        %mul3A_598 = arith.muli %mul3A_597, %scan3A_428 : i32
        %add3A_599 = arith.constant 1 : i32
        %add3A_600 = arith.addi %mul3A_598, %add3A_599 : i32
        %swap3A_601 = arith.index_cast %add3A_600 : i32 to index
        %swap3A_602 = arith.constant 32 : index
        %swap3A_603 = tpu.vector_load %arg16[%swap3A_601, %swap3A_602] {strides = array<i32>} : memref<120x64xf32, #tpu.memory_space<vmem>>, vector<1x16xf32>,
        %swap3A_604 = vector.shape_cast %swap3A_603 : vector<1x16xf32> to vector<16xf32>
        %swap3A_605 = vector.shape_cast %max3A_596 : vector<16xf32> to vector<1x16xf32>
        tpu.vector_store %arg16[%swap3A_601, %swap3A_602], %swap3A_605 {strides = array<i32>} : memref<120x64xf32, #tpu.memory_space<vmem>>, vector<1x16xf32>,
        %mul3A_606 = arith.constant 2 : i32
        %mul3A_607 = arith.muli %mul3A_606, %add3A_431 : i32
        %add3A_608 = arith.constant 1 : i32
        %add3A_609 = arith.addi %mul3A_607, %add3A_608 : i32
        %get3A_610 = arith.index_cast %add3A_609 : i32 to index
        %get3A_611 = arith.constant 48 : index
        %get3A_612 = tpu.vector_load %arg13[%get3A_610, %get3A_611] {strides = array<i32>} : memref<200x128xf32, #tpu.memory_space<vmem>>, vector<1x16xf32>,
        %get3A_613 = vector.shape_cast %get3A_612 : vector<1x16xf32> to vector<16xf32>
        %get3A_614 = arith.index_cast %add3A_431 : i32 to index
        %get3A_615 = arith.constant 112 : index
        %get3A_616 = tpu.vector_load %arg12[%get3A_614, %get3A_615] {strides = array<i32>} : memref<104x128xf32, #tpu.memory_space<vmem>>, vector<1x16xf32>,
        %get3A_617 = vector.shape_cast %get3A_616 : vector<1x16xf32> to vector<16xf32>
        %add3A_618 = arith.addf %get3A_613, %get3A_617 : vector<16xf32>
        %max3A_619 = arith.constant 0.000000e+00 : f32
        %max3A_620 = vector.broadcast %max3A_619 : f32 to vector<16xf32>
        %max3A_621 = arith.maximumf %add3A_618, %max3A_620 : vector<16xf32>
        %mul3A_622 = arith.constant 2 : i32
        %mul3A_623 = arith.muli %mul3A_622, %scan3A_428 : i32
        %add3A_624 = arith.constant 1 : i32
        %add3A_625 = arith.addi %mul3A_623, %add3A_624 : i32
        %swap3A_626 = arith.index_cast %add3A_625 : i32 to index
        %swap3A_627 = arith.constant 48 : index
        %swap3A_628 = tpu.vector_load %arg16[%swap3A_626, %swap3A_627] {strides = array<i32>} : memref<120x64xf32, #tpu.memory_space<vmem>>, vector<1x16xf32>,
        %swap3A_629 = vector.shape_cast %swap3A_628 : vector<1x16xf32> to vector<16xf32>
        %swap3A_630 = vector.shape_cast %max3A_621 : vector<16xf32> to vector<1x16xf32>
        tpu.vector_store %arg16[%swap3A_626, %swap3A_627], %swap3A_630 {strides = array<i32>} : memref<120x64xf32, #tpu.memory_space<vmem>>, vector<1x16xf32>,
        %scan3A_631 = arith.constant 0 : i32
        scf.yield %scan3A_631 : i32
      }
      %scan3A_256 = arith.constant 40 : i32
      "tpu.region"() ({
        %run_scoped3A = tpu.sem_alloc : memref<!tpu.dma_semaphore, #tpu.memory_space<semaphore_mem>>
        %dma_start3A_428 = arith.constant 0 : i32
        %dma_start3A_429 = arith.constant 0 : i32
        %dma_start3A_430 = tpu.memref_slice %arg16[%dma_start3A_428, %dma_start3A_429] : memref<120x64xf32, #tpu.memory_space<vmem>> -> memref<80x64xf32, #tpu.memory_space<vmem>>
        %dma_start3A_431 = arith.constant 120 : i32
        %dma_start3A_432 = tpu.memref_slice %arg9[%dma_start3A_431] : memref<400xi32, #tpu.memory_space<vmem>> -> memref<80xi32, #tpu.memory_space<vmem>>
        %dma_start3A_433 = arith.constant 0 : i32
        %dma_start3A_434 = arith.constant 0 : i32
        %dma_start3A_435 = tpu.memref_slice %arg22[%dma_start3A_433, %dma_start3A_434] : memref<10000x64xf32, #tpu.memory_space<vmem_shared>> -> memref<10000x64xf32, #tpu.memory_space<vmem_shared>>
        tpu.enqueue_indirect_dma source(%dma_start3A_430 : memref<80x64xf32, #tpu.memory_space<vmem>>) target(%dma_start3A_435 : memref<10000x64xf32, #tpu.memory_space<vmem_shared>>) offsets(%dma_start3A_432 : memref<80xi32, #tpu.memory_space<vmem>>) semaphore(%run_scoped3A : memref<!tpu.dma_semaphore, #tpu.memory_space<semaphore_mem>>) {add = true}
        %dma_wait3A_436 = arith.constant 0 : i32
        %dma_wait3A_437 = arith.constant 0 : i32
        %dma_wait3A_438 = tpu.memref_slice %arg16[%dma_wait3A_436, %dma_wait3A_437] : memref<120x64xf32, #tpu.memory_space<vmem>> -> memref<80x64xf32, #tpu.memory_space<vmem>>
        %dma_wait3A_439 = arith.constant 120 : i32
        %dma_wait3A_440 = tpu.memref_slice %arg9[%dma_wait3A_439] : memref<400xi32, #tpu.memory_space<vmem>> -> memref<80xi32, #tpu.memory_space<vmem>>
        %dma_wait3A_441 = arith.constant 0 : i32
        %dma_wait3A_442 = arith.constant 0 : i32
        %dma_wait3A_443 = tpu.memref_slice %arg22[%dma_wait3A_441, %dma_wait3A_442] : memref<10000x64xf32, #tpu.memory_space<vmem_shared>> -> memref<10000x64xf32, #tpu.memory_space<vmem_shared>>
        tpu.wait_indirect_dma semaphore(%run_scoped3A : memref<!tpu.dma_semaphore, #tpu.memory_space<semaphore_mem>>) src(%dma_wait3A_438 : memref<80x64xf32, #tpu.memory_space<vmem>>) dst(%dma_wait3A_443 : memref<10000x64xf32, #tpu.memory_space<vmem_shared>>)
        tpu.yield
      }) : () -> ()
      %mul3A_257 = arith.constant 100 : i32
      %mul3A_258 = arith.muli %arg1, %mul3A_257 : i32
      %mul3A_259 = arith.constant 2 : i32
      %mul3A_260 = arith.muli %scan3A_79, %mul3A_259 : i32
      %add3A_261 = arith.addi %mul3A_258, %mul3A_260 : i32
      %add3A_262 = arith.constant 1 : i32
      %add3A_263 = arith.addi %add3A_261, %add3A_262 : i32
      %mul3A_264 = arith.constant 2 : i32
      %mul3A_265 = arith.muli %mul3A_264, %arg0 : i32
      %add3A_266 = arith.constant 0 : i32
      %add3A_267 = arith.addi %mul3A_265, %add3A_266 : i32
      %mul3A_268 = arith.constant 160000 : i32
      %mul3A_269 = arith.muli %add3A_267, %mul3A_268 : i32
      %jit3A_270 = arith.constant 8 : i32
      %div3A_271 = arith.divsi %add3A_263, %jit3A_270 : i32
      %sign3A_272 = arith.constant 0 : i32
      %sign3A_273 = arith.cmpi sgt, %add3A_263, %sign3A_272 : i32
      %sign3A_274 = arith.extui %sign3A_273 : i1 to i32
      %sign3A_275 = arith.constant 0 : i32
      %sign3A_276 = arith.cmpi slt, %add3A_263, %sign3A_275 : i32
      %sign3A_277 = arith.extui %sign3A_276 : i1 to i32
      %sign3A_278 = arith.subi %sign3A_274, %sign3A_277 : i32
      %sign3A_279 = arith.constant 0 : i32
      %sign3A_280 = arith.cmpi sgt, %jit3A_270, %sign3A_279 : i32
      %sign3A_281 = arith.extui %sign3A_280 : i1 to i32
      %sign3A_282 = arith.constant 0 : i32
      %sign3A_283 = arith.cmpi slt, %jit3A_270, %sign3A_282 : i32
      %sign3A_284 = arith.extui %sign3A_283 : i1 to i32
      %sign3A_285 = arith.subi %sign3A_281, %sign3A_284 : i32
      %ne3A_286 = arith.cmpi ne, %sign3A_278, %sign3A_285 : i32
      %rem3A_287 = arith.remsi %add3A_263, %jit3A_270 : i32
      %ne3A_288 = arith.constant 0 : i32
      %ne3A_289 = arith.cmpi ne, %rem3A_287, %ne3A_288 : i32
      %and3A_290 = arith.andi %ne3A_286, %ne3A_289 : i1
      %sub3A_291 = arith.constant 1 : i32
      %sub3A_292 = arith.subi %div3A_271, %sub3A_291 : i32
      %select_n3A_293 = arith.select %and3A_290, %sub3A_292, %div3A_271 : i32
      %mul3A_294 = arith.constant 200 : i32
      %mul3A_295 = arith.muli %select_n3A_293, %mul3A_294 : i32
      %add3A_296 = arith.addi %mul3A_269, %mul3A_295 : i32
      %jit3A_297 = arith.constant 8 : i32
      %eq3A_298 = arith.constant 0 : i32
      %eq3A_299 = arith.cmpi eq, %jit3A_297, %eq3A_298 : i32
      %jit3A_300 = arith.constant 1 : i32
      %select_n3A_301 = arith.select %eq3A_299, %jit3A_300, %jit3A_297 : i32
      %rem3A_302 = arith.remsi %add3A_263, %select_n3A_301 : i32
      %ne3A_303 = arith.constant 0 : i32
      %ne3A_304 = arith.cmpi ne, %rem3A_302, %ne3A_303 : i32
      %lt3A_305 = arith.constant 0 : i32
      %lt3A_306 = arith.cmpi slt, %rem3A_302, %lt3A_305 : i32
      %lt3A_307 = arith.constant 0 : i32
      %lt3A_308 = arith.cmpi slt, %select_n3A_301, %lt3A_307 : i32
      %ne3A_309 = arith.xori %lt3A_306, %lt3A_308 : i1
      %and3A_310 = arith.andi %ne3A_309, %ne3A_304 : i1
      %add3A_311 = arith.addi %rem3A_302, %select_n3A_301 : i32
      %select_n3A_312 = arith.select %and3A_310, %add3A_311, %rem3A_302 : i32
      %mul3A_313 = arith.constant 25 : i32
      %mul3A_314 = arith.muli %select_n3A_312, %mul3A_313 : i32
      %add3A_315 = arith.addi %add3A_296, %mul3A_314 : i32
      %add3A_316 = vector.broadcast %add3A_315 : i32 to vector<16xi32>
      %add3A_317 = arith.addi %get3A_2, %add3A_316 : vector<16xi32>
      %add3A_318 = arith.constant 0 : i32
      %add3A_319 = vector.broadcast %add3A_318 : i32 to vector<16xi32>
      %add3A_320 = arith.addi %get3A_5, %add3A_319 : vector<16xi32>
      %add3A_321 = arith.addi %add3A_317, %add3A_320 : vector<16xi32>
      %swap3A_322 = arith.constant 0 : index
      %swap3A_323 = tpu.vector_load %arg10[%swap3A_322] {strides = array<i32>} : memref<112xi32, #tpu.memory_space<vmem>>, vector<16xi32>,
      %swap3A_324 = vector.shape_cast %swap3A_323 : vector<16xi32> to vector<16xi32>
      %swap3A_325 = vector.shape_cast %add3A_321 : vector<16xi32> to vector<16xi32>
      tpu.vector_store %arg10[%swap3A_322], %swap3A_325 {strides = array<i32>} : memref<112xi32, #tpu.memory_space<vmem>>, vector<16xi32>,
      %add3A_326 = arith.constant 4 : i32
      %add3A_327 = vector.broadcast %add3A_326 : i32 to vector<16xi32>
      %add3A_328 = arith.addi %get3A_5, %add3A_327 : vector<16xi32>
      %add3A_329 = arith.addi %add3A_317, %add3A_328 : vector<16xi32>
      %swap3A_330 = arith.constant 16 : index
      %swap3A_331 = tpu.vector_load %arg10[%swap3A_330] {strides = array<i32>} : memref<112xi32, #tpu.memory_space<vmem>>, vector<16xi32>,
      %swap3A_332 = vector.shape_cast %swap3A_331 : vector<16xi32> to vector<16xi32>
      %swap3A_333 = vector.shape_cast %add3A_329 : vector<16xi32> to vector<16xi32>
      tpu.vector_store %arg10[%swap3A_330], %swap3A_333 {strides = array<i32>} : memref<112xi32, #tpu.memory_space<vmem>>, vector<16xi32>,
      %add3A_334 = arith.constant 8 : i32
      %add3A_335 = vector.broadcast %add3A_334 : i32 to vector<16xi32>
      %add3A_336 = arith.addi %get3A_5, %add3A_335 : vector<16xi32>
      %add3A_337 = arith.addi %add3A_317, %add3A_336 : vector<16xi32>
      %swap3A_338 = arith.constant 32 : index
      %swap3A_339 = tpu.vector_load %arg10[%swap3A_338] {strides = array<i32>} : memref<112xi32, #tpu.memory_space<vmem>>, vector<16xi32>,
      %swap3A_340 = vector.shape_cast %swap3A_339 : vector<16xi32> to vector<16xi32>
      %swap3A_341 = vector.shape_cast %add3A_337 : vector<16xi32> to vector<16xi32>
      tpu.vector_store %arg10[%swap3A_338], %swap3A_341 {strides = array<i32>} : memref<112xi32, #tpu.memory_space<vmem>>, vector<16xi32>,
      %add3A_342 = arith.constant 12 : i32
      %add3A_343 = vector.broadcast %add3A_342 : i32 to vector<16xi32>
      %add3A_344 = arith.addi %get3A_5, %add3A_343 : vector<16xi32>
      %add3A_345 = arith.addi %add3A_317, %add3A_344 : vector<16xi32>
      %swap3A_346 = arith.constant 48 : index
      %swap3A_347 = tpu.vector_load %arg10[%swap3A_346] {strides = array<i32>} : memref<112xi32, #tpu.memory_space<vmem>>, vector<16xi32>,
      %swap3A_348 = vector.shape_cast %swap3A_347 : vector<16xi32> to vector<16xi32>
      %swap3A_349 = vector.shape_cast %add3A_345 : vector<16xi32> to vector<16xi32>
      tpu.vector_store %arg10[%swap3A_346], %swap3A_349 {strides = array<i32>} : memref<112xi32, #tpu.memory_space<vmem>>, vector<16xi32>,
      %add3A_350 = arith.constant 16 : i32
      %add3A_351 = vector.broadcast %add3A_350 : i32 to vector<16xi32>
      %add3A_352 = arith.addi %get3A_5, %add3A_351 : vector<16xi32>
      %add3A_353 = arith.addi %add3A_317, %add3A_352 : vector<16xi32>
      %swap3A_354 = arith.constant 64 : index
      %swap3A_355 = tpu.vector_load %arg10[%swap3A_354] {strides = array<i32>} : memref<112xi32, #tpu.memory_space<vmem>>, vector<16xi32>,
      %swap3A_356 = vector.shape_cast %swap3A_355 : vector<16xi32> to vector<16xi32>
      %swap3A_357 = vector.shape_cast %add3A_353 : vector<16xi32> to vector<16xi32>
      tpu.vector_store %arg10[%swap3A_354], %swap3A_357 {strides = array<i32>} : memref<112xi32, #tpu.memory_space<vmem>>, vector<16xi32>,
      %add3A_358 = arith.constant 20 : i32
      %add3A_359 = vector.broadcast %add3A_358 : i32 to vector<16xi32>
      %add3A_360 = arith.addi %get3A_5, %add3A_359 : vector<16xi32>
      %add3A_361 = arith.addi %add3A_317, %add3A_360 : vector<16xi32>
      %swap3A_362 = arith.constant 80 : index
      %swap3A_363 = tpu.vector_load %arg10[%swap3A_362] {strides = array<i32>} : memref<112xi32, #tpu.memory_space<vmem>>, vector<16xi32>,
      %swap3A_364 = vector.shape_cast %swap3A_363 : vector<16xi32> to vector<16xi32>
      %swap3A_365 = vector.shape_cast %add3A_361 : vector<16xi32> to vector<16xi32>
      tpu.vector_store %arg10[%swap3A_362], %swap3A_365 {strides = array<i32>} : memref<112xi32, #tpu.memory_space<vmem>>, vector<16xi32>,
      %add3A_366 = arith.addi %add3A_317, %get3A_8 : vector<16xi32>
      %swap3A_367 = arith.constant 96 : index
      %swap3A_368 = tpu.vector_load %arg10[%swap3A_367] {strides = array<i32>} : memref<112xi32, #tpu.memory_space<vmem>>, vector<16xi32>,
      %swap3A_369 = vector.shape_cast %swap3A_368 : vector<16xi32> to vector<16xi32>
      %swap3A_370 = vector.shape_cast %add3A_366 : vector<16xi32> to vector<16xi32>
      tpu.vector_store %arg10[%swap3A_367], %swap3A_370 {strides = array<i32>} : memref<112xi32, #tpu.memory_space<vmem>>, vector<16xi32>,
      %dma_start3A_371 = arith.constant 0 : i32
      %dma_start3A_372 = tpu.memref_slice %arg10[%dma_start3A_371] : memref<112xi32, #tpu.memory_space<vmem>> -> memref<104xi32, #tpu.memory_space<vmem>>
      %dma_start3A_373 = arith.constant 0 : i32
      %dma_start3A_374 = arith.constant 0 : i32
      %dma_start3A_375 = tpu.memref_slice %arg3[%dma_start3A_373, %dma_start3A_374] : memref<1920000x128xf32, #tpu.memory_space<hbm>> -> memref<1920000x128xf32, #tpu.memory_space<hbm>>
      tpu.enqueue_indirect_dma source(%dma_start3A_375 : memref<1920000x128xf32, #tpu.memory_space<hbm>>) target(%arg12 : memref<104x128xf32, #tpu.memory_space<vmem>>) offsets(%dma_start3A_372 : memref<104xi32, #tpu.memory_space<vmem>>) semaphore(%arg19 : memref<!tpu.dma_semaphore, #tpu.memory_space<semaphore_mem>>)
      %dma_start3A_376 = arith.constant 0 : i32
      %dma_start3A_377 = arith.constant 0 : i32
      %dma_start3A_378 = tpu.memref_slice %arg13[%dma_start3A_376, %dma_start3A_377] : memref<200x128xf32, #tpu.memory_space<vmem>> -> memref<104x128xf32, #tpu.memory_space<vmem>>
      %dma_start3A_379 = arith.constant 200 : i32
      %dma_start3A_380 = tpu.memref_slice %arg8[%dma_start3A_379] : memref<400xi32, #tpu.memory_space<vmem>> -> memref<104xi32, #tpu.memory_space<vmem>>
      %dma_start3A_381 = arith.constant 0 : i32
      %dma_start3A_382 = arith.constant 0 : i32
      %dma_start3A_383 = tpu.memref_slice %arg2[%dma_start3A_381, %dma_start3A_382] : memref<20000x128xf32, #tpu.memory_space<hbm>> -> memref<20000x128xf32, #tpu.memory_space<hbm>>
      tpu.enqueue_indirect_dma source(%dma_start3A_383 : memref<20000x128xf32, #tpu.memory_space<hbm>>) target(%dma_start3A_378 : memref<104x128xf32, #tpu.memory_space<vmem>>) offsets(%dma_start3A_380 : memref<104xi32, #tpu.memory_space<vmem>>) semaphore(%arg19 : memref<!tpu.dma_semaphore, #tpu.memory_space<semaphore_mem>>)
      %dma_start3A_384 = arith.constant 104 : i32
      %dma_start3A_385 = arith.constant 0 : i32
      %dma_start3A_386 = tpu.memref_slice %arg13[%dma_start3A_384, %dma_start3A_385] : memref<200x128xf32, #tpu.memory_space<vmem>> -> memref<96x128xf32, #tpu.memory_space<vmem>>
      %dma_start3A_387 = arith.constant 304 : i32
      %dma_start3A_388 = tpu.memref_slice %arg8[%dma_start3A_387] : memref<400xi32, #tpu.memory_space<vmem>> -> memref<96xi32, #tpu.memory_space<vmem>>
      %dma_start3A_389 = arith.constant 0 : i32
      %dma_start3A_390 = arith.constant 0 : i32
      %dma_start3A_391 = tpu.memref_slice %arg2[%dma_start3A_389, %dma_start3A_390] : memref<20000x128xf32, #tpu.memory_space<hbm>> -> memref<20000x128xf32, #tpu.memory_space<hbm>>
      tpu.enqueue_indirect_dma source(%dma_start3A_391 : memref<20000x128xf32, #tpu.memory_space<hbm>>) target(%dma_start3A_386 : memref<96x128xf32, #tpu.memory_space<vmem>>) offsets(%dma_start3A_388 : memref<96xi32, #tpu.memory_space<vmem>>) semaphore(%arg19 : memref<!tpu.dma_semaphore, #tpu.memory_space<semaphore_mem>>)
      %dma_wait3A_392 = arith.constant 0 : i32
      %dma_wait3A_393 = tpu.memref_slice %arg10[%dma_wait3A_392] : memref<112xi32, #tpu.memory_space<vmem>> -> memref<104xi32, #tpu.memory_space<vmem>>
      %dma_wait3A_394 = arith.constant 0 : i32
      %dma_wait3A_395 = arith.constant 0 : i32
      %dma_wait3A_396 = tpu.memref_slice %arg3[%dma_wait3A_394, %dma_wait3A_395] : memref<1920000x128xf32, #tpu.memory_space<hbm>> -> memref<1920000x128xf32, #tpu.memory_space<hbm>>
      tpu.wait_indirect_dma semaphore(%arg19 : memref<!tpu.dma_semaphore, #tpu.memory_space<semaphore_mem>>) src(%dma_wait3A_396 : memref<1920000x128xf32, #tpu.memory_space<hbm>>) dst(%arg12 : memref<104x128xf32, #tpu.memory_space<vmem>>)
      %dma_wait3A_397 = arith.constant 0 : i32
      %dma_wait3A_398 = arith.constant 0 : i32
      %dma_wait3A_399 = tpu.memref_slice %arg13[%dma_wait3A_397, %dma_wait3A_398] : memref<200x128xf32, #tpu.memory_space<vmem>> -> memref<104x128xf32, #tpu.memory_space<vmem>>
      %dma_wait3A_400 = arith.constant 200 : i32
      %dma_wait3A_401 = tpu.memref_slice %arg8[%dma_wait3A_400] : memref<400xi32, #tpu.memory_space<vmem>> -> memref<104xi32, #tpu.memory_space<vmem>>
      %dma_wait3A_402 = arith.constant 0 : i32
      %dma_wait3A_403 = arith.constant 0 : i32
      %dma_wait3A_404 = tpu.memref_slice %arg2[%dma_wait3A_402, %dma_wait3A_403] : memref<20000x128xf32, #tpu.memory_space<hbm>> -> memref<20000x128xf32, #tpu.memory_space<hbm>>
      tpu.wait_indirect_dma semaphore(%arg19 : memref<!tpu.dma_semaphore, #tpu.memory_space<semaphore_mem>>) src(%dma_wait3A_404 : memref<20000x128xf32, #tpu.memory_space<hbm>>) dst(%dma_wait3A_399 : memref<104x128xf32, #tpu.memory_space<vmem>>)
      %dma_wait3A_405 = arith.constant 104 : i32
      %dma_wait3A_406 = arith.constant 0 : i32
      %dma_wait3A_407 = tpu.memref_slice %arg13[%dma_wait3A_405, %dma_wait3A_406] : memref<200x128xf32, #tpu.memory_space<vmem>> -> memref<96x128xf32, #tpu.memory_space<vmem>>
      %dma_wait3A_408 = arith.constant 304 : i32
      %dma_wait3A_409 = tpu.memref_slice %arg8[%dma_wait3A_408] : memref<400xi32, #tpu.memory_space<vmem>> -> memref<96xi32, #tpu.memory_space<vmem>>
      %dma_wait3A_410 = arith.constant 0 : i32
      %dma_wait3A_411 = arith.constant 0 : i32
      %dma_wait3A_412 = tpu.memref_slice %arg2[%dma_wait3A_410, %dma_wait3A_411] : memref<20000x128xf32, #tpu.memory_space<hbm>> -> memref<20000x128xf32, #tpu.memory_space<hbm>>
      tpu.wait_indirect_dma semaphore(%arg19 : memref<!tpu.dma_semaphore, #tpu.memory_space<semaphore_mem>>) src(%dma_wait3A_412 : memref<20000x128xf32, #tpu.memory_space<hbm>>) dst(%dma_wait3A_407 : memref<96x128xf32, #tpu.memory_space<vmem>>)
      %scan3A_413 = arith.constant 0 : i32
      %scan3A_414 = arith.constant 0 : i32
      %scan3A_415 = arith.constant 60 : i32
      %scan3A_416 = arith.addi %scan3A_414, %scan3A_415 : i32
      %scan3A_417 = arith.constant 1 : i32
      %scan3A_418 = scf.for %scan3A_428 = %scan3A_414 to %scan3A_416 step %scan3A_417 iter_args(%scan3A_429 = %scan3A_413) -> (i32)  : i32 {
        %add3A_430 = arith.constant 0 : i32
        %add3A_431 = arith.addi %add3A_430, %scan3A_428 : i32
        %mul3A_432 = arith.constant 2 : i32
        %mul3A_433 = arith.muli %mul3A_432, %add3A_431 : i32
        %add3A_434 = arith.constant 0 : i32
        %add3A_435 = arith.addi %mul3A_433, %add3A_434 : i32
        %get3A_436 = arith.index_cast %add3A_435 : i32 to index
        %get3A_437 = arith.constant 0 : index
        %get3A_438 = tpu.vector_load %arg13[%get3A_436, %get3A_437] {strides = array<i32>} : memref<200x128xf32, #tpu.memory_space<vmem>>, vector<1x16xf32>,
        %get3A_439 = vector.shape_cast %get3A_438 : vector<1x16xf32> to vector<16xf32>
        %get3A_440 = arith.index_cast %add3A_431 : i32 to index
        %get3A_441 = arith.constant 0 : index
        %get3A_442 = tpu.vector_load %arg12[%get3A_440, %get3A_441] {strides = array<i32>} : memref<104x128xf32, #tpu.memory_space<vmem>>, vector<1x16xf32>,
        %get3A_443 = vector.shape_cast %get3A_442 : vector<1x16xf32> to vector<16xf32>
        %add3A_444 = arith.addf %get3A_439, %get3A_443 : vector<16xf32>
        %max3A = arith.constant 0.000000e+00 : f32
        %max3A_445 = vector.broadcast %max3A : f32 to vector<16xf32>
        %max3A_446 = arith.maximumf %add3A_444, %max3A_445 : vector<16xf32>
        %mul3A_447 = arith.constant 2 : i32
        %mul3A_448 = arith.muli %mul3A_447, %scan3A_428 : i32
        %add3A_449 = arith.constant 0 : i32
        %add3A_450 = arith.addi %mul3A_448, %add3A_449 : i32
        %swap3A_451 = arith.index_cast %add3A_450 : i32 to index
        %swap3A_452 = arith.constant 0 : index
        %swap3A_453 = tpu.vector_load %arg16[%swap3A_451, %swap3A_452] {strides = array<i32>} : memref<120x64xf32, #tpu.memory_space<vmem>>, vector<1x16xf32>,
        %swap3A_454 = vector.shape_cast %swap3A_453 : vector<1x16xf32> to vector<16xf32>
        %swap3A_455 = vector.shape_cast %max3A_446 : vector<16xf32> to vector<1x16xf32>
        tpu.vector_store %arg16[%swap3A_451, %swap3A_452], %swap3A_455 {strides = array<i32>} : memref<120x64xf32, #tpu.memory_space<vmem>>, vector<1x16xf32>,
        %mul3A_456 = arith.constant 2 : i32
        %mul3A_457 = arith.muli %mul3A_456, %add3A_431 : i32
        %add3A_458 = arith.constant 0 : i32
        %add3A_459 = arith.addi %mul3A_457, %add3A_458 : i32
        %get3A_460 = arith.index_cast %add3A_459 : i32 to index
        %get3A_461 = arith.constant 16 : index
        %get3A_462 = tpu.vector_load %arg13[%get3A_460, %get3A_461] {strides = array<i32>} : memref<200x128xf32, #tpu.memory_space<vmem>>, vector<1x16xf32>,
        %get3A_463 = vector.shape_cast %get3A_462 : vector<1x16xf32> to vector<16xf32>
        %get3A_464 = arith.index_cast %add3A_431 : i32 to index
        %get3A_465 = arith.constant 16 : index
        %get3A_466 = tpu.vector_load %arg12[%get3A_464, %get3A_465] {strides = array<i32>} : memref<104x128xf32, #tpu.memory_space<vmem>>, vector<1x16xf32>,
        %get3A_467 = vector.shape_cast %get3A_466 : vector<1x16xf32> to vector<16xf32>
        %add3A_468 = arith.addf %get3A_463, %get3A_467 : vector<16xf32>
        %max3A_469 = arith.constant 0.000000e+00 : f32
        %max3A_470 = vector.broadcast %max3A_469 : f32 to vector<16xf32>
        %max3A_471 = arith.maximumf %add3A_468, %max3A_470 : vector<16xf32>
        %mul3A_472 = arith.constant 2 : i32
        %mul3A_473 = arith.muli %mul3A_472, %scan3A_428 : i32
        %add3A_474 = arith.constant 0 : i32
        %add3A_475 = arith.addi %mul3A_473, %add3A_474 : i32
        %swap3A_476 = arith.index_cast %add3A_475 : i32 to index
        %swap3A_477 = arith.constant 16 : index
        %swap3A_478 = tpu.vector_load %arg16[%swap3A_476, %swap3A_477] {strides = array<i32>} : memref<120x64xf32, #tpu.memory_space<vmem>>, vector<1x16xf32>,
        %swap3A_479 = vector.shape_cast %swap3A_478 : vector<1x16xf32> to vector<16xf32>
        %swap3A_480 = vector.shape_cast %max3A_471 : vector<16xf32> to vector<1x16xf32>
        tpu.vector_store %arg16[%swap3A_476, %swap3A_477], %swap3A_480 {strides = array<i32>} : memref<120x64xf32, #tpu.memory_space<vmem>>, vector<1x16xf32>,
        %mul3A_481 = arith.constant 2 : i32
        %mul3A_482 = arith.muli %mul3A_481, %add3A_431 : i32
        %add3A_483 = arith.constant 0 : i32
        %add3A_484 = arith.addi %mul3A_482, %add3A_483 : i32
        %get3A_485 = arith.index_cast %add3A_484 : i32 to index
        %get3A_486 = arith.constant 32 : index
        %get3A_487 = tpu.vector_load %arg13[%get3A_485, %get3A_486] {strides = array<i32>} : memref<200x128xf32, #tpu.memory_space<vmem>>, vector<1x16xf32>,
        %get3A_488 = vector.shape_cast %get3A_487 : vector<1x16xf32> to vector<16xf32>
        %get3A_489 = arith.index_cast %add3A_431 : i32 to index
        %get3A_490 = arith.constant 32 : index
        %get3A_491 = tpu.vector_load %arg12[%get3A_489, %get3A_490] {strides = array<i32>} : memref<104x128xf32, #tpu.memory_space<vmem>>, vector<1x16xf32>,
        %get3A_492 = vector.shape_cast %get3A_491 : vector<1x16xf32> to vector<16xf32>
        %add3A_493 = arith.addf %get3A_488, %get3A_492 : vector<16xf32>
        %max3A_494 = arith.constant 0.000000e+00 : f32
        %max3A_495 = vector.broadcast %max3A_494 : f32 to vector<16xf32>
        %max3A_496 = arith.maximumf %add3A_493, %max3A_495 : vector<16xf32>
        %mul3A_497 = arith.constant 2 : i32
        %mul3A_498 = arith.muli %mul3A_497, %scan3A_428 : i32
        %add3A_499 = arith.constant 0 : i32
        %add3A_500 = arith.addi %mul3A_498, %add3A_499 : i32
        %swap3A_501 = arith.index_cast %add3A_500 : i32 to index
        %swap3A_502 = arith.constant 32 : index
        %swap3A_503 = tpu.vector_load %arg16[%swap3A_501, %swap3A_502] {strides = array<i32>} : memref<120x64xf32, #tpu.memory_space<vmem>>, vector<1x16xf32>,
        %swap3A_504 = vector.shape_cast %swap3A_503 : vector<1x16xf32> to vector<16xf32>
        %swap3A_505 = vector.shape_cast %max3A_496 : vector<16xf32> to vector<1x16xf32>
        tpu.vector_store %arg16[%swap3A_501, %swap3A_502], %swap3A_505 {strides = array<i32>} : memref<120x64xf32, #tpu.memory_space<vmem>>, vector<1x16xf32>,
        %mul3A_506 = arith.constant 2 : i32
        %mul3A_507 = arith.muli %mul3A_506, %add3A_431 : i32
        %add3A_508 = arith.constant 0 : i32
        %add3A_509 = arith.addi %mul3A_507, %add3A_508 : i32
        %get3A_510 = arith.index_cast %add3A_509 : i32 to index
        %get3A_511 = arith.constant 48 : index
        %get3A_512 = tpu.vector_load %arg13[%get3A_510, %get3A_511] {strides = array<i32>} : memref<200x128xf32, #tpu.memory_space<vmem>>, vector<1x16xf32>,
        %get3A_513 = vector.shape_cast %get3A_512 : vector<1x16xf32> to vector<16xf32>
        %get3A_514 = arith.index_cast %add3A_431 : i32 to index
        %get3A_515 = arith.constant 48 : index
        %get3A_516 = tpu.vector_load %arg12[%get3A_514, %get3A_515] {strides = array<i32>} : memref<104x128xf32, #tpu.memory_space<vmem>>, vector<1x16xf32>,
        %get3A_517 = vector.shape_cast %get3A_516 : vector<1x16xf32> to vector<16xf32>
        %add3A_518 = arith.addf %get3A_513, %get3A_517 : vector<16xf32>
        %max3A_519 = arith.constant 0.000000e+00 : f32
        %max3A_520 = vector.broadcast %max3A_519 : f32 to vector<16xf32>
        %max3A_521 = arith.maximumf %add3A_518, %max3A_520 : vector<16xf32>
        %mul3A_522 = arith.constant 2 : i32
        %mul3A_523 = arith.muli %mul3A_522, %scan3A_428 : i32
        %add3A_524 = arith.constant 0 : i32
        %add3A_525 = arith.addi %mul3A_523, %add3A_524 : i32
        %swap3A_526 = arith.index_cast %add3A_525 : i32 to index
        %swap3A_527 = arith.constant 48 : index
        %swap3A_528 = tpu.vector_load %arg16[%swap3A_526, %swap3A_527] {strides = array<i32>} : memref<120x64xf32, #tpu.memory_space<vmem>>, vector<1x16xf32>,
        %swap3A_529 = vector.shape_cast %swap3A_528 : vector<1x16xf32> to vector<16xf32>
        %swap3A_530 = vector.shape_cast %max3A_521 : vector<16xf32> to vector<1x16xf32>
        tpu.vector_store %arg16[%swap3A_526, %swap3A_527], %swap3A_530 {strides = array<i32>} : memref<120x64xf32, #tpu.memory_space<vmem>>, vector<1x16xf32>,
        %mul3A_531 = arith.constant 2 : i32
        %mul3A_532 = arith.muli %mul3A_531, %add3A_431 : i32
        %add3A_533 = arith.constant 1 : i32
        %add3A_534 = arith.addi %mul3A_532, %add3A_533 : i32
        %get3A_535 = arith.index_cast %add3A_534 : i32 to index
        %get3A_536 = arith.constant 0 : index
        %get3A_537 = tpu.vector_load %arg13[%get3A_535, %get3A_536] {strides = array<i32>} : memref<200x128xf32, #tpu.memory_space<vmem>>, vector<1x16xf32>,
        %get3A_538 = vector.shape_cast %get3A_537 : vector<1x16xf32> to vector<16xf32>
        %get3A_539 = arith.index_cast %add3A_431 : i32 to index
        %get3A_540 = arith.constant 64 : index
        %get3A_541 = tpu.vector_load %arg12[%get3A_539, %get3A_540] {strides = array<i32>} : memref<104x128xf32, #tpu.memory_space<vmem>>, vector<1x16xf32>,
        %get3A_542 = vector.shape_cast %get3A_541 : vector<1x16xf32> to vector<16xf32>
        %add3A_543 = arith.addf %get3A_538, %get3A_542 : vector<16xf32>
        %max3A_544 = arith.constant 0.000000e+00 : f32
        %max3A_545 = vector.broadcast %max3A_544 : f32 to vector<16xf32>
        %max3A_546 = arith.maximumf %add3A_543, %max3A_545 : vector<16xf32>
        %mul3A_547 = arith.constant 2 : i32
        %mul3A_548 = arith.muli %mul3A_547, %scan3A_428 : i32
        %add3A_549 = arith.constant 1 : i32
        %add3A_550 = arith.addi %mul3A_548, %add3A_549 : i32
        %swap3A_551 = arith.index_cast %add3A_550 : i32 to index
        %swap3A_552 = arith.constant 0 : index
        %swap3A_553 = tpu.vector_load %arg16[%swap3A_551, %swap3A_552] {strides = array<i32>} : memref<120x64xf32, #tpu.memory_space<vmem>>, vector<1x16xf32>,
        %swap3A_554 = vector.shape_cast %swap3A_553 : vector<1x16xf32> to vector<16xf32>
        %swap3A_555 = vector.shape_cast %max3A_546 : vector<16xf32> to vector<1x16xf32>
        tpu.vector_store %arg16[%swap3A_551, %swap3A_552], %swap3A_555 {strides = array<i32>} : memref<120x64xf32, #tpu.memory_space<vmem>>, vector<1x16xf32>,
        %mul3A_556 = arith.constant 2 : i32
        %mul3A_557 = arith.muli %mul3A_556, %add3A_431 : i32
        %add3A_558 = arith.constant 1 : i32
        %add3A_559 = arith.addi %mul3A_557, %add3A_558 : i32
        %get3A_560 = arith.index_cast %add3A_559 : i32 to index
        %get3A_561 = arith.constant 16 : index
        %get3A_562 = tpu.vector_load %arg13[%get3A_560, %get3A_561] {strides = array<i32>} : memref<200x128xf32, #tpu.memory_space<vmem>>, vector<1x16xf32>,
        %get3A_563 = vector.shape_cast %get3A_562 : vector<1x16xf32> to vector<16xf32>
        %get3A_564 = arith.index_cast %add3A_431 : i32 to index
        %get3A_565 = arith.constant 80 : index
        %get3A_566 = tpu.vector_load %arg12[%get3A_564, %get3A_565] {strides = array<i32>} : memref<104x128xf32, #tpu.memory_space<vmem>>, vector<1x16xf32>,
        %get3A_567 = vector.shape_cast %get3A_566 : vector<1x16xf32> to vector<16xf32>
        %add3A_568 = arith.addf %get3A_563, %get3A_567 : vector<16xf32>
        %max3A_569 = arith.constant 0.000000e+00 : f32
        %max3A_570 = vector.broadcast %max3A_569 : f32 to vector<16xf32>
        %max3A_571 = arith.maximumf %add3A_568, %max3A_570 : vector<16xf32>
        %mul3A_572 = arith.constant 2 : i32
        %mul3A_573 = arith.muli %mul3A_572, %scan3A_428 : i32
        %add3A_574 = arith.constant 1 : i32
        %add3A_575 = arith.addi %mul3A_573, %add3A_574 : i32
        %swap3A_576 = arith.index_cast %add3A_575 : i32 to index
        %swap3A_577 = arith.constant 16 : index
        %swap3A_578 = tpu.vector_load %arg16[%swap3A_576, %swap3A_577] {strides = array<i32>} : memref<120x64xf32, #tpu.memory_space<vmem>>, vector<1x16xf32>,
        %swap3A_579 = vector.shape_cast %swap3A_578 : vector<1x16xf32> to vector<16xf32>
        %swap3A_580 = vector.shape_cast %max3A_571 : vector<16xf32> to vector<1x16xf32>
        tpu.vector_store %arg16[%swap3A_576, %swap3A_577], %swap3A_580 {strides = array<i32>} : memref<120x64xf32, #tpu.memory_space<vmem>>, vector<1x16xf32>,
        %mul3A_581 = arith.constant 2 : i32
        %mul3A_582 = arith.muli %mul3A_581, %add3A_431 : i32
        %add3A_583 = arith.constant 1 : i32
        %add3A_584 = arith.addi %mul3A_582, %add3A_583 : i32
        %get3A_585 = arith.index_cast %add3A_584 : i32 to index
        %get3A_586 = arith.constant 32 : index
        %get3A_587 = tpu.vector_load %arg13[%get3A_585, %get3A_586] {strides = array<i32>} : memref<200x128xf32, #tpu.memory_space<vmem>>, vector<1x16xf32>,
        %get3A_588 = vector.shape_cast %get3A_587 : vector<1x16xf32> to vector<16xf32>
        %get3A_589 = arith.index_cast %add3A_431 : i32 to index
        %get3A_590 = arith.constant 96 : index
        %get3A_591 = tpu.vector_load %arg12[%get3A_589, %get3A_590] {strides = array<i32>} : memref<104x128xf32, #tpu.memory_space<vmem>>, vector<1x16xf32>,
        %get3A_592 = vector.shape_cast %get3A_591 : vector<1x16xf32> to vector<16xf32>
        %add3A_593 = arith.addf %get3A_588, %get3A_592 : vector<16xf32>
        %max3A_594 = arith.constant 0.000000e+00 : f32
        %max3A_595 = vector.broadcast %max3A_594 : f32 to vector<16xf32>
        %max3A_596 = arith.maximumf %add3A_593, %max3A_595 : vector<16xf32>
        %mul3A_597 = arith.constant 2 : i32
        %mul3A_598 = arith.muli %mul3A_597, %scan3A_428 : i32
        %add3A_599 = arith.constant 1 : i32
        %add3A_600 = arith.addi %mul3A_598, %add3A_599 : i32
        %swap3A_601 = arith.index_cast %add3A_600 : i32 to index
        %swap3A_602 = arith.constant 32 : index
        %swap3A_603 = tpu.vector_load %arg16[%swap3A_601, %swap3A_602] {strides = array<i32>} : memref<120x64xf32, #tpu.memory_space<vmem>>, vector<1x16xf32>,
        %swap3A_604 = vector.shape_cast %swap3A_603 : vector<1x16xf32> to vector<16xf32>
        %swap3A_605 = vector.shape_cast %max3A_596 : vector<16xf32> to vector<1x16xf32>
        tpu.vector_store %arg16[%swap3A_601, %swap3A_602], %swap3A_605 {strides = array<i32>} : memref<120x64xf32, #tpu.memory_space<vmem>>, vector<1x16xf32>,
        %mul3A_606 = arith.constant 2 : i32
        %mul3A_607 = arith.muli %mul3A_606, %add3A_431 : i32
        %add3A_608 = arith.constant 1 : i32
        %add3A_609 = arith.addi %mul3A_607, %add3A_608 : i32
        %get3A_610 = arith.index_cast %add3A_609 : i32 to index
        %get3A_611 = arith.constant 48 : index
        %get3A_612 = tpu.vector_load %arg13[%get3A_610, %get3A_611] {strides = array<i32>} : memref<200x128xf32, #tpu.memory_space<vmem>>, vector<1x16xf32>,
        %get3A_613 = vector.shape_cast %get3A_612 : vector<1x16xf32> to vector<16xf32>
        %get3A_614 = arith.index_cast %add3A_431 : i32 to index
        %get3A_615 = arith.constant 112 : index
        %get3A_616 = tpu.vector_load %arg12[%get3A_614, %get3A_615] {strides = array<i32>} : memref<104x128xf32, #tpu.memory_space<vmem>>, vector<1x16xf32>,
        %get3A_617 = vector.shape_cast %get3A_616 : vector<1x16xf32> to vector<16xf32>
        %add3A_618 = arith.addf %get3A_613, %get3A_617 : vector<16xf32>
        %max3A_619 = arith.constant 0.000000e+00 : f32
        %max3A_620 = vector.broadcast %max3A_619 : f32 to vector<16xf32>
        %max3A_621 = arith.maximumf %add3A_618, %max3A_620 : vector<16xf32>
        %mul3A_622 = arith.constant 2 : i32
        %mul3A_623 = arith.muli %mul3A_622, %scan3A_428 : i32
        %add3A_624 = arith.constant 1 : i32
        %add3A_625 = arith.addi %mul3A_623, %add3A_624 : i32
        %swap3A_626 = arith.index_cast %add3A_625 : i32 to index
        %swap3A_627 = arith.constant 48 : index
        %swap3A_628 = tpu.vector_load %arg16[%swap3A_626, %swap3A_627] {strides = array<i32>} : memref<120x64xf32, #tpu.memory_space<vmem>>, vector<1x16xf32>,
        %swap3A_629 = vector.shape_cast %swap3A_628 : vector<1x16xf32> to vector<16xf32>
        %swap3A_630 = vector.shape_cast %max3A_621 : vector<16xf32> to vector<1x16xf32>
        tpu.vector_store %arg16[%swap3A_626, %swap3A_627], %swap3A_630 {strides = array<i32>} : memref<120x64xf32, #tpu.memory_space<vmem>>, vector<1x16xf32>,
        %scan3A_631 = arith.constant 0 : i32
        scf.yield %scan3A_631 : i32
      }
      %scan3A_419 = arith.constant 60 : i32
      "tpu.region"() ({
        %run_scoped3A = tpu.sem_alloc : memref<!tpu.dma_semaphore, #tpu.memory_space<semaphore_mem>>
        %dma_start3A_428 = arith.constant 0 : i32
        %dma_start3A_429 = arith.constant 0 : i32
        %dma_start3A_430 = tpu.memref_slice %arg16[%dma_start3A_428, %dma_start3A_429] : memref<120x64xf32, #tpu.memory_space<vmem>> -> memref<120x64xf32, #tpu.memory_space<vmem>>
        %dma_start3A_431 = arith.constant 200 : i32
        %dma_start3A_432 = tpu.memref_slice %arg9[%dma_start3A_431] : memref<400xi32, #tpu.memory_space<vmem>> -> memref<120xi32, #tpu.memory_space<vmem>>
        %dma_start3A_433 = arith.constant 0 : i32
        %dma_start3A_434 = arith.constant 0 : i32
        %dma_start3A_435 = tpu.memref_slice %arg22[%dma_start3A_433, %dma_start3A_434] : memref<10000x64xf32, #tpu.memory_space<vmem_shared>> -> memref<10000x64xf32, #tpu.memory_space<vmem_shared>>
        tpu.enqueue_indirect_dma source(%dma_start3A_430 : memref<120x64xf32, #tpu.memory_space<vmem>>) target(%dma_start3A_435 : memref<10000x64xf32, #tpu.memory_space<vmem_shared>>) offsets(%dma_start3A_432 : memref<120xi32, #tpu.memory_space<vmem>>) semaphore(%run_scoped3A : memref<!tpu.dma_semaphore, #tpu.memory_space<semaphore_mem>>) {add = true}
        %dma_wait3A_436 = arith.constant 0 : i32
        %dma_wait3A_437 = arith.constant 0 : i32
        %dma_wait3A_438 = tpu.memref_slice %arg16[%dma_wait3A_436, %dma_wait3A_437] : memref<120x64xf32, #tpu.memory_space<vmem>> -> memref<120x64xf32, #tpu.memory_space<vmem>>
        %dma_wait3A_439 = arith.constant 200 : i32
        %dma_wait3A_440 = tpu.memref_slice %arg9[%dma_wait3A_439] : memref<400xi32, #tpu.memory_space<vmem>> -> memref<120xi32, #tpu.memory_space<vmem>>
        %dma_wait3A_441 = arith.constant 0 : i32
        %dma_wait3A_442 = arith.constant 0 : i32
        %dma_wait3A_443 = tpu.memref_slice %arg22[%dma_wait3A_441, %dma_wait3A_442] : memref<10000x64xf32, #tpu.memory_space<vmem_shared>> -> memref<10000x64xf32, #tpu.memory_space<vmem_shared>>
        tpu.wait_indirect_dma semaphore(%run_scoped3A : memref<!tpu.dma_semaphore, #tpu.memory_space<semaphore_mem>>) src(%dma_wait3A_438 : memref<120x64xf32, #tpu.memory_space<vmem>>) dst(%dma_wait3A_443 : memref<10000x64xf32, #tpu.memory_space<vmem_shared>>)
        tpu.yield
      }) : () -> ()
      %scan3A_420 = arith.constant 0 : i32
      %scan3A_421 = arith.constant 0 : i32
      %scan3A_422 = arith.constant 40 : i32
      %scan3A_423 = arith.addi %scan3A_421, %scan3A_422 : i32
      %scan3A_424 = arith.constant 1 : i32
      %scan3A_425 = scf.for %scan3A_428 = %scan3A_421 to %scan3A_423 step %scan3A_424 iter_args(%scan3A_429 = %scan3A_420) -> (i32)  : i32 {
        %add3A_430 = arith.constant 60 : i32
        %add3A_431 = arith.addi %add3A_430, %scan3A_428 : i32
        %mul3A_432 = arith.constant 2 : i32
        %mul3A_433 = arith.muli %mul3A_432, %add3A_431 : i32
        %add3A_434 = arith.constant 0 : i32
        %add3A_435 = arith.addi %mul3A_433, %add3A_434 : i32
        %get3A_436 = arith.index_cast %add3A_435 : i32 to index
        %get3A_437 = arith.constant 0 : index
        %get3A_438 = tpu.vector_load %arg13[%get3A_436, %get3A_437] {strides = array<i32>} : memref<200x128xf32, #tpu.memory_space<vmem>>, vector<1x16xf32>,
        %get3A_439 = vector.shape_cast %get3A_438 : vector<1x16xf32> to vector<16xf32>
        %get3A_440 = arith.index_cast %add3A_431 : i32 to index
        %get3A_441 = arith.constant 0 : index
        %get3A_442 = tpu.vector_load %arg12[%get3A_440, %get3A_441] {strides = array<i32>} : memref<104x128xf32, #tpu.memory_space<vmem>>, vector<1x16xf32>,
        %get3A_443 = vector.shape_cast %get3A_442 : vector<1x16xf32> to vector<16xf32>
        %add3A_444 = arith.addf %get3A_439, %get3A_443 : vector<16xf32>
        %max3A = arith.constant 0.000000e+00 : f32
        %max3A_445 = vector.broadcast %max3A : f32 to vector<16xf32>
        %max3A_446 = arith.maximumf %add3A_444, %max3A_445 : vector<16xf32>
        %mul3A_447 = arith.constant 2 : i32
        %mul3A_448 = arith.muli %mul3A_447, %scan3A_428 : i32
        %add3A_449 = arith.constant 0 : i32
        %add3A_450 = arith.addi %mul3A_448, %add3A_449 : i32
        %swap3A_451 = arith.index_cast %add3A_450 : i32 to index
        %swap3A_452 = arith.constant 0 : index
        %swap3A_453 = tpu.vector_load %arg16[%swap3A_451, %swap3A_452] {strides = array<i32>} : memref<120x64xf32, #tpu.memory_space<vmem>>, vector<1x16xf32>,
        %swap3A_454 = vector.shape_cast %swap3A_453 : vector<1x16xf32> to vector<16xf32>
        %swap3A_455 = vector.shape_cast %max3A_446 : vector<16xf32> to vector<1x16xf32>
        tpu.vector_store %arg16[%swap3A_451, %swap3A_452], %swap3A_455 {strides = array<i32>} : memref<120x64xf32, #tpu.memory_space<vmem>>, vector<1x16xf32>,
        %mul3A_456 = arith.constant 2 : i32
        %mul3A_457 = arith.muli %mul3A_456, %add3A_431 : i32
        %add3A_458 = arith.constant 0 : i32
        %add3A_459 = arith.addi %mul3A_457, %add3A_458 : i32
        %get3A_460 = arith.index_cast %add3A_459 : i32 to index
        %get3A_461 = arith.constant 16 : index
        %get3A_462 = tpu.vector_load %arg13[%get3A_460, %get3A_461] {strides = array<i32>} : memref<200x128xf32, #tpu.memory_space<vmem>>, vector<1x16xf32>,
        %get3A_463 = vector.shape_cast %get3A_462 : vector<1x16xf32> to vector<16xf32>
        %get3A_464 = arith.index_cast %add3A_431 : i32 to index
        %get3A_465 = arith.constant 16 : index
        %get3A_466 = tpu.vector_load %arg12[%get3A_464, %get3A_465] {strides = array<i32>} : memref<104x128xf32, #tpu.memory_space<vmem>>, vector<1x16xf32>,
        %get3A_467 = vector.shape_cast %get3A_466 : vector<1x16xf32> to vector<16xf32>
        %add3A_468 = arith.addf %get3A_463, %get3A_467 : vector<16xf32>
        %max3A_469 = arith.constant 0.000000e+00 : f32
        %max3A_470 = vector.broadcast %max3A_469 : f32 to vector<16xf32>
        %max3A_471 = arith.maximumf %add3A_468, %max3A_470 : vector<16xf32>
        %mul3A_472 = arith.constant 2 : i32
        %mul3A_473 = arith.muli %mul3A_472, %scan3A_428 : i32
        %add3A_474 = arith.constant 0 : i32
        %add3A_475 = arith.addi %mul3A_473, %add3A_474 : i32
        %swap3A_476 = arith.index_cast %add3A_475 : i32 to index
        %swap3A_477 = arith.constant 16 : index
        %swap3A_478 = tpu.vector_load %arg16[%swap3A_476, %swap3A_477] {strides = array<i32>} : memref<120x64xf32, #tpu.memory_space<vmem>>, vector<1x16xf32>,
        %swap3A_479 = vector.shape_cast %swap3A_478 : vector<1x16xf32> to vector<16xf32>
        %swap3A_480 = vector.shape_cast %max3A_471 : vector<16xf32> to vector<1x16xf32>
        tpu.vector_store %arg16[%swap3A_476, %swap3A_477], %swap3A_480 {strides = array<i32>} : memref<120x64xf32, #tpu.memory_space<vmem>>, vector<1x16xf32>,
        %mul3A_481 = arith.constant 2 : i32
        %mul3A_482 = arith.muli %mul3A_481, %add3A_431 : i32
        %add3A_483 = arith.constant 0 : i32
        %add3A_484 = arith.addi %mul3A_482, %add3A_483 : i32
        %get3A_485 = arith.index_cast %add3A_484 : i32 to index
        %get3A_486 = arith.constant 32 : index
        %get3A_487 = tpu.vector_load %arg13[%get3A_485, %get3A_486] {strides = array<i32>} : memref<200x128xf32, #tpu.memory_space<vmem>>, vector<1x16xf32>,
        %get3A_488 = vector.shape_cast %get3A_487 : vector<1x16xf32> to vector<16xf32>
        %get3A_489 = arith.index_cast %add3A_431 : i32 to index
        %get3A_490 = arith.constant 32 : index
        %get3A_491 = tpu.vector_load %arg12[%get3A_489, %get3A_490] {strides = array<i32>} : memref<104x128xf32, #tpu.memory_space<vmem>>, vector<1x16xf32>,
        %get3A_492 = vector.shape_cast %get3A_491 : vector<1x16xf32> to vector<16xf32>
        %add3A_493 = arith.addf %get3A_488, %get3A_492 : vector<16xf32>
        %max3A_494 = arith.constant 0.000000e+00 : f32
        %max3A_495 = vector.broadcast %max3A_494 : f32 to vector<16xf32>
        %max3A_496 = arith.maximumf %add3A_493, %max3A_495 : vector<16xf32>
        %mul3A_497 = arith.constant 2 : i32
        %mul3A_498 = arith.muli %mul3A_497, %scan3A_428 : i32
        %add3A_499 = arith.constant 0 : i32
        %add3A_500 = arith.addi %mul3A_498, %add3A_499 : i32
        %swap3A_501 = arith.index_cast %add3A_500 : i32 to index
        %swap3A_502 = arith.constant 32 : index
        %swap3A_503 = tpu.vector_load %arg16[%swap3A_501, %swap3A_502] {strides = array<i32>} : memref<120x64xf32, #tpu.memory_space<vmem>>, vector<1x16xf32>,
        %swap3A_504 = vector.shape_cast %swap3A_503 : vector<1x16xf32> to vector<16xf32>
        %swap3A_505 = vector.shape_cast %max3A_496 : vector<16xf32> to vector<1x16xf32>
        tpu.vector_store %arg16[%swap3A_501, %swap3A_502], %swap3A_505 {strides = array<i32>} : memref<120x64xf32, #tpu.memory_space<vmem>>, vector<1x16xf32>,
        %mul3A_506 = arith.constant 2 : i32
        %mul3A_507 = arith.muli %mul3A_506, %add3A_431 : i32
        %add3A_508 = arith.constant 0 : i32
        %add3A_509 = arith.addi %mul3A_507, %add3A_508 : i32
        %get3A_510 = arith.index_cast %add3A_509 : i32 to index
        %get3A_511 = arith.constant 48 : index
        %get3A_512 = tpu.vector_load %arg13[%get3A_510, %get3A_511] {strides = array<i32>} : memref<200x128xf32, #tpu.memory_space<vmem>>, vector<1x16xf32>,
        %get3A_513 = vector.shape_cast %get3A_512 : vector<1x16xf32> to vector<16xf32>
        %get3A_514 = arith.index_cast %add3A_431 : i32 to index
        %get3A_515 = arith.constant 48 : index
        %get3A_516 = tpu.vector_load %arg12[%get3A_514, %get3A_515] {strides = array<i32>} : memref<104x128xf32, #tpu.memory_space<vmem>>, vector<1x16xf32>,
        %get3A_517 = vector.shape_cast %get3A_516 : vector<1x16xf32> to vector<16xf32>
        %add3A_518 = arith.addf %get3A_513, %get3A_517 : vector<16xf32>
        %max3A_519 = arith.constant 0.000000e+00 : f32
        %max3A_520 = vector.broadcast %max3A_519 : f32 to vector<16xf32>
        %max3A_521 = arith.maximumf %add3A_518, %max3A_520 : vector<16xf32>
        %mul3A_522 = arith.constant 2 : i32
        %mul3A_523 = arith.muli %mul3A_522, %scan3A_428 : i32
        %add3A_524 = arith.constant 0 : i32
        %add3A_525 = arith.addi %mul3A_523, %add3A_524 : i32
        %swap3A_526 = arith.index_cast %add3A_525 : i32 to index
        %swap3A_527 = arith.constant 48 : index
        %swap3A_528 = tpu.vector_load %arg16[%swap3A_526, %swap3A_527] {strides = array<i32>} : memref<120x64xf32, #tpu.memory_space<vmem>>, vector<1x16xf32>,
        %swap3A_529 = vector.shape_cast %swap3A_528 : vector<1x16xf32> to vector<16xf32>
        %swap3A_530 = vector.shape_cast %max3A_521 : vector<16xf32> to vector<1x16xf32>
        tpu.vector_store %arg16[%swap3A_526, %swap3A_527], %swap3A_530 {strides = array<i32>} : memref<120x64xf32, #tpu.memory_space<vmem>>, vector<1x16xf32>,
        %mul3A_531 = arith.constant 2 : i32
        %mul3A_532 = arith.muli %mul3A_531, %add3A_431 : i32
        %add3A_533 = arith.constant 1 : i32
        %add3A_534 = arith.addi %mul3A_532, %add3A_533 : i32
        %get3A_535 = arith.index_cast %add3A_534 : i32 to index
        %get3A_536 = arith.constant 0 : index
        %get3A_537 = tpu.vector_load %arg13[%get3A_535, %get3A_536] {strides = array<i32>} : memref<200x128xf32, #tpu.memory_space<vmem>>, vector<1x16xf32>,
        %get3A_538 = vector.shape_cast %get3A_537 : vector<1x16xf32> to vector<16xf32>
        %get3A_539 = arith.index_cast %add3A_431 : i32 to index
        %get3A_540 = arith.constant 64 : index
        %get3A_541 = tpu.vector_load %arg12[%get3A_539, %get3A_540] {strides = array<i32>} : memref<104x128xf32, #tpu.memory_space<vmem>>, vector<1x16xf32>,
        %get3A_542 = vector.shape_cast %get3A_541 : vector<1x16xf32> to vector<16xf32>
        %add3A_543 = arith.addf %get3A_538, %get3A_542 : vector<16xf32>
        %max3A_544 = arith.constant 0.000000e+00 : f32
        %max3A_545 = vector.broadcast %max3A_544 : f32 to vector<16xf32>
        %max3A_546 = arith.maximumf %add3A_543, %max3A_545 : vector<16xf32>
        %mul3A_547 = arith.constant 2 : i32
        %mul3A_548 = arith.muli %mul3A_547, %scan3A_428 : i32
        %add3A_549 = arith.constant 1 : i32
        %add3A_550 = arith.addi %mul3A_548, %add3A_549 : i32
        %swap3A_551 = arith.index_cast %add3A_550 : i32 to index
        %swap3A_552 = arith.constant 0 : index
        %swap3A_553 = tpu.vector_load %arg16[%swap3A_551, %swap3A_552] {strides = array<i32>} : memref<120x64xf32, #tpu.memory_space<vmem>>, vector<1x16xf32>,
        %swap3A_554 = vector.shape_cast %swap3A_553 : vector<1x16xf32> to vector<16xf32>
        %swap3A_555 = vector.shape_cast %max3A_546 : vector<16xf32> to vector<1x16xf32>
        tpu.vector_store %arg16[%swap3A_551, %swap3A_552], %swap3A_555 {strides = array<i32>} : memref<120x64xf32, #tpu.memory_space<vmem>>, vector<1x16xf32>,
        %mul3A_556 = arith.constant 2 : i32
        %mul3A_557 = arith.muli %mul3A_556, %add3A_431 : i32
        %add3A_558 = arith.constant 1 : i32
        %add3A_559 = arith.addi %mul3A_557, %add3A_558 : i32
        %get3A_560 = arith.index_cast %add3A_559 : i32 to index
        %get3A_561 = arith.constant 16 : index
        %get3A_562 = tpu.vector_load %arg13[%get3A_560, %get3A_561] {strides = array<i32>} : memref<200x128xf32, #tpu.memory_space<vmem>>, vector<1x16xf32>,
        %get3A_563 = vector.shape_cast %get3A_562 : vector<1x16xf32> to vector<16xf32>
        %get3A_564 = arith.index_cast %add3A_431 : i32 to index
        %get3A_565 = arith.constant 80 : index
        %get3A_566 = tpu.vector_load %arg12[%get3A_564, %get3A_565] {strides = array<i32>} : memref<104x128xf32, #tpu.memory_space<vmem>>, vector<1x16xf32>,
        %get3A_567 = vector.shape_cast %get3A_566 : vector<1x16xf32> to vector<16xf32>
        %add3A_568 = arith.addf %get3A_563, %get3A_567 : vector<16xf32>
        %max3A_569 = arith.constant 0.000000e+00 : f32
        %max3A_570 = vector.broadcast %max3A_569 : f32 to vector<16xf32>
        %max3A_571 = arith.maximumf %add3A_568, %max3A_570 : vector<16xf32>
        %mul3A_572 = arith.constant 2 : i32
        %mul3A_573 = arith.muli %mul3A_572, %scan3A_428 : i32
        %add3A_574 = arith.constant 1 : i32
        %add3A_575 = arith.addi %mul3A_573, %add3A_574 : i32
        %swap3A_576 = arith.index_cast %add3A_575 : i32 to index
        %swap3A_577 = arith.constant 16 : index
        %swap3A_578 = tpu.vector_load %arg16[%swap3A_576, %swap3A_577] {strides = array<i32>} : memref<120x64xf32, #tpu.memory_space<vmem>>, vector<1x16xf32>,
        %swap3A_579 = vector.shape_cast %swap3A_578 : vector<1x16xf32> to vector<16xf32>
        %swap3A_580 = vector.shape_cast %max3A_571 : vector<16xf32> to vector<1x16xf32>
        tpu.vector_store %arg16[%swap3A_576, %swap3A_577], %swap3A_580 {strides = array<i32>} : memref<120x64xf32, #tpu.memory_space<vmem>>, vector<1x16xf32>,
        %mul3A_581 = arith.constant 2 : i32
        %mul3A_582 = arith.muli %mul3A_581, %add3A_431 : i32
        %add3A_583 = arith.constant 1 : i32
        %add3A_584 = arith.addi %mul3A_582, %add3A_583 : i32
        %get3A_585 = arith.index_cast %add3A_584 : i32 to index
        %get3A_586 = arith.constant 32 : index
        %get3A_587 = tpu.vector_load %arg13[%get3A_585, %get3A_586] {strides = array<i32>} : memref<200x128xf32, #tpu.memory_space<vmem>>, vector<1x16xf32>,
        %get3A_588 = vector.shape_cast %get3A_587 : vector<1x16xf32> to vector<16xf32>
        %get3A_589 = arith.index_cast %add3A_431 : i32 to index
        %get3A_590 = arith.constant 96 : index
        %get3A_591 = tpu.vector_load %arg12[%get3A_589, %get3A_590] {strides = array<i32>} : memref<104x128xf32, #tpu.memory_space<vmem>>, vector<1x16xf32>,
        %get3A_592 = vector.shape_cast %get3A_591 : vector<1x16xf32> to vector<16xf32>
        %add3A_593 = arith.addf %get3A_588, %get3A_592 : vector<16xf32>
        %max3A_594 = arith.constant 0.000000e+00 : f32
        %max3A_595 = vector.broadcast %max3A_594 : f32 to vector<16xf32>
        %max3A_596 = arith.maximumf %add3A_593, %max3A_595 : vector<16xf32>
        %mul3A_597 = arith.constant 2 : i32
        %mul3A_598 = arith.muli %mul3A_597, %scan3A_428 : i32
        %add3A_599 = arith.constant 1 : i32
        %add3A_600 = arith.addi %mul3A_598, %add3A_599 : i32
        %swap3A_601 = arith.index_cast %add3A_600 : i32 to index
        %swap3A_602 = arith.constant 32 : index
        %swap3A_603 = tpu.vector_load %arg16[%swap3A_601, %swap3A_602] {strides = array<i32>} : memref<120x64xf32, #tpu.memory_space<vmem>>, vector<1x16xf32>,
        %swap3A_604 = vector.shape_cast %swap3A_603 : vector<1x16xf32> to vector<16xf32>
        %swap3A_605 = vector.shape_cast %max3A_596 : vector<16xf32> to vector<1x16xf32>
        tpu.vector_store %arg16[%swap3A_601, %swap3A_602], %swap3A_605 {strides = array<i32>} : memref<120x64xf32, #tpu.memory_space<vmem>>, vector<1x16xf32>,
        %mul3A_606 = arith.constant 2 : i32
        %mul3A_607 = arith.muli %mul3A_606, %add3A_431 : i32
        %add3A_608 = arith.constant 1 : i32
        %add3A_609 = arith.addi %mul3A_607, %add3A_608 : i32
        %get3A_610 = arith.index_cast %add3A_609 : i32 to index
        %get3A_611 = arith.constant 48 : index
        %get3A_612 = tpu.vector_load %arg13[%get3A_610, %get3A_611] {strides = array<i32>} : memref<200x128xf32, #tpu.memory_space<vmem>>, vector<1x16xf32>,
        %get3A_613 = vector.shape_cast %get3A_612 : vector<1x16xf32> to vector<16xf32>
        %get3A_614 = arith.index_cast %add3A_431 : i32 to index
        %get3A_615 = arith.constant 112 : index
        %get3A_616 = tpu.vector_load %arg12[%get3A_614, %get3A_615] {strides = array<i32>} : memref<104x128xf32, #tpu.memory_space<vmem>>, vector<1x16xf32>,
        %get3A_617 = vector.shape_cast %get3A_616 : vector<1x16xf32> to vector<16xf32>
        %add3A_618 = arith.addf %get3A_613, %get3A_617 : vector<16xf32>
        %max3A_619 = arith.constant 0.000000e+00 : f32
        %max3A_620 = vector.broadcast %max3A_619 : f32 to vector<16xf32>
        %max3A_621 = arith.maximumf %add3A_618, %max3A_620 : vector<16xf32>
        %mul3A_622 = arith.constant 2 : i32
        %mul3A_623 = arith.muli %mul3A_622, %scan3A_428 : i32
        %add3A_624 = arith.constant 1 : i32
        %add3A_625 = arith.addi %mul3A_623, %add3A_624 : i32
        %swap3A_626 = arith.index_cast %add3A_625 : i32 to index
        %swap3A_627 = arith.constant 48 : index
        %swap3A_628 = tpu.vector_load %arg16[%swap3A_626, %swap3A_627] {strides = array<i32>} : memref<120x64xf32, #tpu.memory_space<vmem>>, vector<1x16xf32>,
        %swap3A_629 = vector.shape_cast %swap3A_628 : vector<1x16xf32> to vector<16xf32>
        %swap3A_630 = vector.shape_cast %max3A_621 : vector<16xf32> to vector<1x16xf32>
        tpu.vector_store %arg16[%swap3A_626, %swap3A_627], %swap3A_630 {strides = array<i32>} : memref<120x64xf32, #tpu.memory_space<vmem>>, vector<1x16xf32>,
        %scan3A_631 = arith.constant 0 : i32
        scf.yield %scan3A_631 : i32
      }
      %scan3A_426 = arith.constant 40 : i32
      "tpu.region"() ({
        %run_scoped3A = tpu.sem_alloc : memref<!tpu.dma_semaphore, #tpu.memory_space<semaphore_mem>>
        %dma_start3A_428 = arith.constant 0 : i32
        %dma_start3A_429 = arith.constant 0 : i32
        %dma_start3A_430 = tpu.memref_slice %arg16[%dma_start3A_428, %dma_start3A_429] : memref<120x64xf32, #tpu.memory_space<vmem>> -> memref<80x64xf32, #tpu.memory_space<vmem>>
        %dma_start3A_431 = arith.constant 320 : i32
        %dma_start3A_432 = tpu.memref_slice %arg9[%dma_start3A_431] : memref<400xi32, #tpu.memory_space<vmem>> -> memref<80xi32, #tpu.memory_space<vmem>>
        %dma_start3A_433 = arith.constant 0 : i32
        %dma_start3A_434 = arith.constant 0 : i32
        %dma_start3A_435 = tpu.memref_slice %arg22[%dma_start3A_433, %dma_start3A_434] : memref<10000x64xf32, #tpu.memory_space<vmem_shared>> -> memref<10000x64xf32, #tpu.memory_space<vmem_shared>>
        tpu.enqueue_indirect_dma source(%dma_start3A_430 : memref<80x64xf32, #tpu.memory_space<vmem>>) target(%dma_start3A_435 : memref<10000x64xf32, #tpu.memory_space<vmem_shared>>) offsets(%dma_start3A_432 : memref<80xi32, #tpu.memory_space<vmem>>) semaphore(%run_scoped3A : memref<!tpu.dma_semaphore, #tpu.memory_space<semaphore_mem>>) {add = true}
        %dma_wait3A_436 = arith.constant 0 : i32
        %dma_wait3A_437 = arith.constant 0 : i32
        %dma_wait3A_438 = tpu.memref_slice %arg16[%dma_wait3A_436, %dma_wait3A_437] : memref<120x64xf32, #tpu.memory_space<vmem>> -> memref<80x64xf32, #tpu.memory_space<vmem>>
        %dma_wait3A_439 = arith.constant 320 : i32
        %dma_wait3A_440 = tpu.memref_slice %arg9[%dma_wait3A_439] : memref<400xi32, #tpu.memory_space<vmem>> -> memref<80xi32, #tpu.memory_space<vmem>>
        %dma_wait3A_441 = arith.constant 0 : i32
        %dma_wait3A_442 = arith.constant 0 : i32
        %dma_wait3A_443 = tpu.memref_slice %arg22[%dma_wait3A_441, %dma_wait3A_442] : memref<10000x64xf32, #tpu.memory_space<vmem_shared>> -> memref<10000x64xf32, #tpu.memory_space<vmem_shared>>
        tpu.wait_indirect_dma semaphore(%run_scoped3A : memref<!tpu.dma_semaphore, #tpu.memory_space<semaphore_mem>>) src(%dma_wait3A_438 : memref<80x64xf32, #tpu.memory_space<vmem>>) dst(%dma_wait3A_443 : memref<10000x64xf32, #tpu.memory_space<vmem_shared>>)
        tpu.yield
      }) : () -> ()
      %scan3A_427 = arith.constant 0 : i32
      scf.yield %scan3A_427 : i32
    }
    %scan3A_29 = arith.constant 50 : i32
    %barrier3A_30 = arith.constant 0 : index
    tpu.barrier barrier_id(%barrier3A_30)
    "tpu.region"() ({
      %run_scoped3A = tpu.sem_alloc : memref<!tpu.dma_semaphore, #tpu.memory_space<semaphore_mem>>
      %dma_start3A = arith.constant 0 : i32
      %dma_start3A_79 = tpu.memref_slice %arg22[%mul3A_0, %dma_start3A] : memref<10000x64xf32, #tpu.memory_space<vmem_shared>> -> memref<625x64xf32, #tpu.memory_space<vmem_shared>>
      %dma_start3A_80 = arith.constant 0 : i32
      %dma_start3A_81 = tpu.memref_slice %arg22[%mul3A_0, %dma_start3A_80] : memref<10000x64xf32, #tpu.memory_space<vmem_shared>> -> memref<625x64xf32, #tpu.memory_space<vmem_shared>>
      tpu.enqueue_dma source(%dma_start3A_81 : memref<625x64xf32, #tpu.memory_space<vmem_shared>>) target(%arg18 : memref<625x64xf32, #tpu.memory_space<vmem>>) target_semaphore(%run_scoped3A : memref<!tpu.dma_semaphore, #tpu.memory_space<semaphore_mem>>)
      %dma_wait3A = arith.constant 0 : i32
      %dma_wait3A_82 = tpu.memref_slice %arg22[%mul3A_0, %dma_wait3A] : memref<10000x64xf32, #tpu.memory_space<vmem_shared>> -> memref<625x64xf32, #tpu.memory_space<vmem_shared>>
      %dma_wait3A_83 = arith.constant 0 : i32
      %dma_wait3A_84 = tpu.memref_slice %arg22[%mul3A_0, %dma_wait3A_83] : memref<10000x64xf32, #tpu.memory_space<vmem_shared>> -> memref<625x64xf32, #tpu.memory_space<vmem_shared>>
      tpu.wait_dma2 semaphore(%run_scoped3A : memref<!tpu.dma_semaphore, #tpu.memory_space<semaphore_mem>>) src(%dma_wait3A_84 : memref<625x64xf32, #tpu.memory_space<vmem_shared>>) dst(%arg18 : memref<625x64xf32, #tpu.memory_space<vmem>>)
      tpu.yield
    }) : () -> ()
    %barrier3A_31 = arith.constant 0 : index
    tpu.barrier barrier_id(%barrier3A_31)
    %scan3A_32 = arith.constant 0 : i32
    %scan3A_33 = arith.constant 0 : i32
    %scan3A_34 = arith.constant 40 : i32
    %scan3A_35 = arith.addi %scan3A_33, %scan3A_34 : i32
    %scan3A_36 = arith.constant 1 : i32
    %scan3A_37 = scf.for %scan3A_79 = %scan3A_33 to %scan3A_35 step %scan3A_36 iter_args(%scan3A_80 = %scan3A_32) -> (i32)  : i32 {
      %broadcast_in_dim3A = arith.constant 0.000000e+00 : f32
      %broadcast_in_dim3A_81 = vector.broadcast %broadcast_in_dim3A : f32 to vector<16xf32>
      %swap3A = arith.index_cast %scan3A_79 : i32 to index
      %swap3A_82 = arith.constant 0 : index
      %swap3A_83 = tpu.vector_load %arg16[%swap3A, %swap3A_82] {strides = array<i32>} : memref<120x64xf32, #tpu.memory_space<vmem>>, vector<1x16xf32>,
      %swap3A_84 = vector.shape_cast %swap3A_83 : vector<1x16xf32> to vector<16xf32>
      %swap3A_85 = vector.shape_cast %broadcast_in_dim3A_81 : vector<16xf32> to vector<1x16xf32>
      tpu.vector_store %arg16[%swap3A, %swap3A_82], %swap3A_85 {strides = array<i32>} : memref<120x64xf32, #tpu.memory_space<vmem>>, vector<1x16xf32>,
      %broadcast_in_dim3A_86 = arith.constant 0.000000e+00 : f32
      %broadcast_in_dim3A_87 = vector.broadcast %broadcast_in_dim3A_86 : f32 to vector<16xf32>
      %swap3A_88 = arith.index_cast %scan3A_79 : i32 to index
      %swap3A_89 = arith.constant 16 : index
      %swap3A_90 = tpu.vector_load %arg16[%swap3A_88, %swap3A_89] {strides = array<i32>} : memref<120x64xf32, #tpu.memory_space<vmem>>, vector<1x16xf32>,
      %swap3A_91 = vector.shape_cast %swap3A_90 : vector<1x16xf32> to vector<16xf32>
      %swap3A_92 = vector.shape_cast %broadcast_in_dim3A_87 : vector<16xf32> to vector<1x16xf32>
      tpu.vector_store %arg16[%swap3A_88, %swap3A_89], %swap3A_92 {strides = array<i32>} : memref<120x64xf32, #tpu.memory_space<vmem>>, vector<1x16xf32>,
      %broadcast_in_dim3A_93 = arith.constant 0.000000e+00 : f32
      %broadcast_in_dim3A_94 = vector.broadcast %broadcast_in_dim3A_93 : f32 to vector<16xf32>
      %swap3A_95 = arith.index_cast %scan3A_79 : i32 to index
      %swap3A_96 = arith.constant 32 : index
      %swap3A_97 = tpu.vector_load %arg16[%swap3A_95, %swap3A_96] {strides = array<i32>} : memref<120x64xf32, #tpu.memory_space<vmem>>, vector<1x16xf32>,
      %swap3A_98 = vector.shape_cast %swap3A_97 : vector<1x16xf32> to vector<16xf32>
      %swap3A_99 = vector.shape_cast %broadcast_in_dim3A_94 : vector<16xf32> to vector<1x16xf32>
      tpu.vector_store %arg16[%swap3A_95, %swap3A_96], %swap3A_99 {strides = array<i32>} : memref<120x64xf32, #tpu.memory_space<vmem>>, vector<1x16xf32>,
      %broadcast_in_dim3A_100 = arith.constant 0.000000e+00 : f32
      %broadcast_in_dim3A_101 = vector.broadcast %broadcast_in_dim3A_100 : f32 to vector<16xf32>
      %swap3A_102 = arith.index_cast %scan3A_79 : i32 to index
      %swap3A_103 = arith.constant 48 : index
      %swap3A_104 = tpu.vector_load %arg16[%swap3A_102, %swap3A_103] {strides = array<i32>} : memref<120x64xf32, #tpu.memory_space<vmem>>, vector<1x16xf32>,
      %swap3A_105 = vector.shape_cast %swap3A_104 : vector<1x16xf32> to vector<16xf32>
      %swap3A_106 = vector.shape_cast %broadcast_in_dim3A_101 : vector<16xf32> to vector<1x16xf32>
      tpu.vector_store %arg16[%swap3A_102, %swap3A_103], %swap3A_106 {strides = array<i32>} : memref<120x64xf32, #tpu.memory_space<vmem>>, vector<1x16xf32>,
      %scan3A_107 = arith.constant 0 : i32
      scf.yield %scan3A_107 : i32
    }
    %scan3A_38 = arith.constant 40 : i32
    %scan3A_39 = arith.constant 0 : i32
    %scan3A_40 = arith.constant 0 : i32
    %scan3A_41 = arith.constant 15 : i32
    %scan3A_42 = arith.addi %scan3A_40, %scan3A_41 : i32
    %scan3A_43 = arith.constant 1 : i32
    %scan3A_44 = scf.for %scan3A_79 = %scan3A_40 to %scan3A_42 step %scan3A_43 iter_args(%scan3A_80 = %scan3A_39) -> (i32)  : i32 {
      %mul3A_81 = arith.constant 40 : i32
      %mul3A_82 = arith.muli %scan3A_79, %mul3A_81 : i32
      %add3A_83 = arith.addi %mul3A_0, %mul3A_82 : i32
      "tpu.region"() ({
        %run_scoped3A = tpu.sem_alloc : memref<!tpu.dma_semaphore, #tpu.memory_space<semaphore_mem>>
        %dma_start3A = arith.constant 0 : i32
        %dma_start3A_85 = arith.constant 0 : i32
        %dma_start3A_86 = tpu.memref_slice %arg16[%dma_start3A, %dma_start3A_85] : memref<120x64xf32, #tpu.memory_space<vmem>> -> memref<40x64xf32, #tpu.memory_space<vmem>>
        %dma_start3A_87 = arith.constant 0 : i32
        %dma_start3A_88 = tpu.memref_slice %arg22[%add3A_83, %dma_start3A_87] : memref<10000x64xf32, #tpu.memory_space<vmem_shared>> -> memref<40x64xf32, #tpu.memory_space<vmem_shared>>
        %dma_start3A_89 = arith.constant 0 : i32
        %dma_start3A_90 = tpu.memref_slice %arg22[%add3A_83, %dma_start3A_89] : memref<10000x64xf32, #tpu.memory_space<vmem_shared>> -> memref<40x64xf32, #tpu.memory_space<vmem_shared>>
        %dma_start3A_91 = arith.constant 0 : i32
        %dma_start3A_92 = arith.constant 0 : i32
        %dma_start3A_93 = tpu.memref_slice %arg16[%dma_start3A_91, %dma_start3A_92] : memref<120x64xf32, #tpu.memory_space<vmem>> -> memref<40x64xf32, #tpu.memory_space<vmem>>
        tpu.enqueue_dma source(%dma_start3A_93 : memref<40x64xf32, #tpu.memory_space<vmem>>) target(%dma_start3A_90 : memref<40x64xf32, #tpu.memory_space<vmem_shared>>) target_semaphore(%run_scoped3A : memref<!tpu.dma_semaphore, #tpu.memory_space<semaphore_mem>>)
        %dma_wait3A = arith.constant 0 : i32
        %dma_wait3A_94 = arith.constant 0 : i32
        %dma_wait3A_95 = tpu.memref_slice %arg16[%dma_wait3A, %dma_wait3A_94] : memref<120x64xf32, #tpu.memory_space<vmem>> -> memref<40x64xf32, #tpu.memory_space<vmem>>
        %dma_wait3A_96 = arith.constant 0 : i32
        %dma_wait3A_97 = tpu.memref_slice %arg22[%add3A_83, %dma_wait3A_96] : memref<10000x64xf32, #tpu.memory_space<vmem_shared>> -> memref<40x64xf32, #tpu.memory_space<vmem_shared>>
        %dma_wait3A_98 = arith.constant 0 : i32
        %dma_wait3A_99 = tpu.memref_slice %arg22[%add3A_83, %dma_wait3A_98] : memref<10000x64xf32, #tpu.memory_space<vmem_shared>> -> memref<40x64xf32, #tpu.memory_space<vmem_shared>>
        %dma_wait3A_100 = arith.constant 0 : i32
        %dma_wait3A_101 = arith.constant 0 : i32
        %dma_wait3A_102 = tpu.memref_slice %arg16[%dma_wait3A_100, %dma_wait3A_101] : memref<120x64xf32, #tpu.memory_space<vmem>> -> memref<40x64xf32, #tpu.memory_space<vmem>>
        tpu.wait_dma2 semaphore(%run_scoped3A : memref<!tpu.dma_semaphore, #tpu.memory_space<semaphore_mem>>) src(%dma_wait3A_102 : memref<40x64xf32, #tpu.memory_space<vmem>>) dst(%dma_wait3A_99 : memref<40x64xf32, #tpu.memory_space<vmem_shared>>)
        tpu.yield
      }) : () -> ()
      %scan3A_84 = arith.constant 0 : i32
      scf.yield %scan3A_84 : i32
    }
    %scan3A_45 = arith.constant 15 : i32
    %add3A_46 = arith.constant 600 : i32
    %add3A_47 = arith.addi %mul3A_0, %add3A_46 : i32
    "tpu.region"() ({
      %run_scoped3A = tpu.sem_alloc : memref<!tpu.dma_semaphore, #tpu.memory_space<semaphore_mem>>
      %dma_start3A = arith.constant 0 : i32
      %dma_start3A_79 = arith.constant 0 : i32
      %dma_start3A_80 = tpu.memref_slice %arg16[%dma_start3A, %dma_start3A_79] : memref<120x64xf32, #tpu.memory_space<vmem>> -> memref<25x64xf32, #tpu.memory_space<vmem>>
      %dma_start3A_81 = arith.constant 0 : i32
      %dma_start3A_82 = tpu.memref_slice %arg22[%add3A_47, %dma_start3A_81] : memref<10000x64xf32, #tpu.memory_space<vmem_shared>> -> memref<25x64xf32, #tpu.memory_space<vmem_shared>>
      %dma_start3A_83 = arith.constant 0 : i32
      %dma_start3A_84 = tpu.memref_slice %arg22[%add3A_47, %dma_start3A_83] : memref<10000x64xf32, #tpu.memory_space<vmem_shared>> -> memref<25x64xf32, #tpu.memory_space<vmem_shared>>
      %dma_start3A_85 = arith.constant 0 : i32
      %dma_start3A_86 = arith.constant 0 : i32
      %dma_start3A_87 = tpu.memref_slice %arg16[%dma_start3A_85, %dma_start3A_86] : memref<120x64xf32, #tpu.memory_space<vmem>> -> memref<25x64xf32, #tpu.memory_space<vmem>>
      tpu.enqueue_dma source(%dma_start3A_87 : memref<25x64xf32, #tpu.memory_space<vmem>>) target(%dma_start3A_84 : memref<25x64xf32, #tpu.memory_space<vmem_shared>>) target_semaphore(%run_scoped3A : memref<!tpu.dma_semaphore, #tpu.memory_space<semaphore_mem>>)
      %dma_wait3A = arith.constant 0 : i32
      %dma_wait3A_88 = arith.constant 0 : i32
      %dma_wait3A_89 = tpu.memref_slice %arg16[%dma_wait3A, %dma_wait3A_88] : memref<120x64xf32, #tpu.memory_space<vmem>> -> memref<25x64xf32, #tpu.memory_space<vmem>>
      %dma_wait3A_90 = arith.constant 0 : i32
      %dma_wait3A_91 = tpu.memref_slice %arg22[%add3A_47, %dma_wait3A_90] : memref<10000x64xf32, #tpu.memory_space<vmem_shared>> -> memref<25x64xf32, #tpu.memory_space<vmem_shared>>
      %dma_wait3A_92 = arith.constant 0 : i32
      %dma_wait3A_93 = tpu.memref_slice %arg22[%add3A_47, %dma_wait3A_92] : memref<10000x64xf32, #tpu.memory_space<vmem_shared>> -> memref<25x64xf32, #tpu.memory_space<vmem_shared>>
      %dma_wait3A_94 = arith.constant 0 : i32
      %dma_wait3A_95 = arith.constant 0 : i32
      %dma_wait3A_96 = tpu.memref_slice %arg16[%dma_wait3A_94, %dma_wait3A_95] : memref<120x64xf32, #tpu.memory_space<vmem>> -> memref<25x64xf32, #tpu.memory_space<vmem>>
      tpu.wait_dma2 semaphore(%run_scoped3A : memref<!tpu.dma_semaphore, #tpu.memory_space<semaphore_mem>>) src(%dma_wait3A_96 : memref<25x64xf32, #tpu.memory_space<vmem>>) dst(%dma_wait3A_93 : memref<25x64xf32, #tpu.memory_space<vmem_shared>>)
      tpu.yield
    }) : () -> ()
    %barrier3A_48 = arith.constant 0 : index
    tpu.barrier barrier_id(%barrier3A_48)
    %scan3A_49 = arith.constant 0 : i32
    %scan3A_50 = arith.constant 0 : i32
    %scan3A_51 = arith.constant 50 : i32
    %scan3A_52 = arith.addi %scan3A_50, %scan3A_51 : i32
    %scan3A_53 = arith.constant 1 : i32
    %scan3A_54 = scf.for %scan3A_79 = %scan3A_50 to %scan3A_52 step %scan3A_53 iter_args(%scan3A_80 = %scan3A_49) -> (i32)  : i32 {
      %mul3A_81 = arith.constant 20000 : i32
      %mul3A_82 = arith.muli %arg1, %mul3A_81 : i32
      %mul3A_83 = arith.constant 400 : i32
      %mul3A_84 = arith.muli %scan3A_79, %mul3A_83 : i32
      %add3A_85 = arith.addi %mul3A_82, %mul3A_84 : i32
      %mul3A_86 = arith.constant 320000 : i32
      %mul3A_87 = arith.muli %arg0, %mul3A_86 : i32
      %add3A_88 = arith.addi %mul3A_87, %add3A_85 : i32
      %dma_start3A = tpu.memref_slice %arg4[%add3A_88] : memref<640000xi32, #tpu.memory_space<hbm>> -> memref<400xi32, #tpu.memory_space<hbm>>
      %dma_start3A_89 = tpu.memref_slice %arg4[%add3A_88] : memref<640000xi32, #tpu.memory_space<hbm>> -> memref<400xi32, #tpu.memory_space<hbm>>
      tpu.enqueue_dma source(%dma_start3A_89 : memref<400xi32, #tpu.memory_space<hbm>>) target(%arg8 : memref<400xi32, #tpu.memory_space<vmem>>) target_semaphore(%arg21 : memref<!tpu.dma_semaphore, #tpu.memory_space<semaphore_mem>>)
      %dma_start3A_90 = tpu.memref_slice %arg5[%add3A_85] : memref<320000xi32, #tpu.memory_space<hbm>> -> memref<400xi32, #tpu.memory_space<hbm>>
      %dma_start3A_91 = tpu.memref_slice %arg5[%add3A_85] : memref<320000xi32, #tpu.memory_space<hbm>> -> memref<400xi32, #tpu.memory_space<hbm>>
      tpu.enqueue_dma source(%dma_start3A_91 : memref<400xi32, #tpu.memory_space<hbm>>) target(%arg9 : memref<400xi32, #tpu.memory_space<vmem>>) target_semaphore(%arg21 : memref<!tpu.dma_semaphore, #tpu.memory_space<semaphore_mem>>)
      %mul3A_92 = arith.constant 320000 : i32
      %mul3A_93 = arith.muli %arg0, %mul3A_92 : i32
      %add3A_94 = arith.addi %mul3A_93, %add3A_85 : i32
      %dma_wait3A = tpu.memref_slice %arg4[%add3A_94] : memref<640000xi32, #tpu.memory_space<hbm>> -> memref<400xi32, #tpu.memory_space<hbm>>
      %dma_wait3A_95 = tpu.memref_slice %arg4[%add3A_94] : memref<640000xi32, #tpu.memory_space<hbm>> -> memref<400xi32, #tpu.memory_space<hbm>>
      tpu.wait_dma2 semaphore(%arg21 : memref<!tpu.dma_semaphore, #tpu.memory_space<semaphore_mem>>) src(%dma_wait3A_95 : memref<400xi32, #tpu.memory_space<hbm>>) dst(%arg8 : memref<400xi32, #tpu.memory_space<vmem>>)
      %dma_wait3A_96 = tpu.memref_slice %arg5[%add3A_85] : memref<320000xi32, #tpu.memory_space<hbm>> -> memref<400xi32, #tpu.memory_space<hbm>>
      %dma_wait3A_97 = tpu.memref_slice %arg5[%add3A_85] : memref<320000xi32, #tpu.memory_space<hbm>> -> memref<400xi32, #tpu.memory_space<hbm>>
      tpu.wait_dma2 semaphore(%arg21 : memref<!tpu.dma_semaphore, #tpu.memory_space<semaphore_mem>>) src(%dma_wait3A_97 : memref<400xi32, #tpu.memory_space<hbm>>) dst(%arg9 : memref<400xi32, #tpu.memory_space<vmem>>)
      %mul3A_98 = arith.constant 100 : i32
      %mul3A_99 = arith.muli %arg1, %mul3A_98 : i32
      %mul3A_100 = arith.constant 2 : i32
      %mul3A_101 = arith.muli %scan3A_79, %mul3A_100 : i32
      %add3A_102 = arith.addi %mul3A_99, %mul3A_101 : i32
      %add3A_103 = arith.constant 0 : i32
      %add3A_104 = arith.addi %add3A_102, %add3A_103 : i32
      %mul3A_105 = arith.constant 2 : i32
      %mul3A_106 = arith.muli %mul3A_105, %arg0 : i32
      %add3A_107 = arith.constant 1 : i32
      %add3A_108 = arith.addi %mul3A_106, %add3A_107 : i32
      %mul3A_109 = arith.constant 160000 : i32
      %mul3A_110 = arith.muli %add3A_108, %mul3A_109 : i32
      %jit3A = arith.constant 8 : i32
      %div3A = arith.divsi %add3A_104, %jit3A : i32
      %sign3A = arith.constant 0 : i32
      %sign3A_111 = arith.cmpi sgt, %add3A_104, %sign3A : i32
      %sign3A_112 = arith.extui %sign3A_111 : i1 to i32
      %sign3A_113 = arith.constant 0 : i32
      %sign3A_114 = arith.cmpi slt, %add3A_104, %sign3A_113 : i32
      %sign3A_115 = arith.extui %sign3A_114 : i1 to i32
      %sign3A_116 = arith.subi %sign3A_112, %sign3A_115 : i32
      %sign3A_117 = arith.constant 0 : i32
      %sign3A_118 = arith.cmpi sgt, %jit3A, %sign3A_117 : i32
      %sign3A_119 = arith.extui %sign3A_118 : i1 to i32
      %sign3A_120 = arith.constant 0 : i32
      %sign3A_121 = arith.cmpi slt, %jit3A, %sign3A_120 : i32
      %sign3A_122 = arith.extui %sign3A_121 : i1 to i32
      %sign3A_123 = arith.subi %sign3A_119, %sign3A_122 : i32
      %ne3A = arith.cmpi ne, %sign3A_116, %sign3A_123 : i32
      %rem3A = arith.remsi %add3A_104, %jit3A : i32
      %ne3A_124 = arith.constant 0 : i32
      %ne3A_125 = arith.cmpi ne, %rem3A, %ne3A_124 : i32
      %and3A = arith.andi %ne3A, %ne3A_125 : i1
      %sub3A = arith.constant 1 : i32
      %sub3A_126 = arith.subi %div3A, %sub3A : i32
      %select_n3A = arith.select %and3A, %sub3A_126, %div3A : i32
      %mul3A_127 = arith.constant 200 : i32
      %mul3A_128 = arith.muli %select_n3A, %mul3A_127 : i32
      %add3A_129 = arith.addi %mul3A_110, %mul3A_128 : i32
      %jit3A_130 = arith.constant 8 : i32
      %eq3A = arith.constant 0 : i32
      %eq3A_131 = arith.cmpi eq, %jit3A_130, %eq3A : i32
      %jit3A_132 = arith.constant 1 : i32
      %select_n3A_133 = arith.select %eq3A_131, %jit3A_132, %jit3A_130 : i32
      %rem3A_134 = arith.remsi %add3A_104, %select_n3A_133 : i32
      %ne3A_135 = arith.constant 0 : i32
      %ne3A_136 = arith.cmpi ne, %rem3A_134, %ne3A_135 : i32
      %lt3A = arith.constant 0 : i32
      %lt3A_137 = arith.cmpi slt, %rem3A_134, %lt3A : i32
      %lt3A_138 = arith.constant 0 : i32
      %lt3A_139 = arith.cmpi slt, %select_n3A_133, %lt3A_138 : i32
      %ne3A_140 = arith.xori %lt3A_137, %lt3A_139 : i1
      %and3A_141 = arith.andi %ne3A_140, %ne3A_136 : i1
      %add3A_142 = arith.addi %rem3A_134, %select_n3A_133 : i32
      %select_n3A_143 = arith.select %and3A_141, %add3A_142, %rem3A_134 : i32
      %mul3A_144 = arith.constant 25 : i32
      %mul3A_145 = arith.muli %select_n3A_143, %mul3A_144 : i32
      %add3A_146 = arith.addi %add3A_129, %mul3A_145 : i32
      %add3A_147 = vector.broadcast %add3A_146 : i32 to vector<16xi32>
      %add3A_148 = arith.addi %get3A_2, %add3A_147 : vector<16xi32>
      %add3A_149 = arith.constant 0 : i32
      %add3A_150 = vector.broadcast %add3A_149 : i32 to vector<16xi32>
      %add3A_151 = arith.addi %get3A_5, %add3A_150 : vector<16xi32>
      %add3A_152 = arith.addi %add3A_148, %add3A_151 : vector<16xi32>
      %swap3A = arith.constant 0 : index
      %swap3A_153 = tpu.vector_load %arg10[%swap3A] {strides = array<i32>} : memref<112xi32, #tpu.memory_space<vmem>>, vector<16xi32>,
      %swap3A_154 = vector.shape_cast %swap3A_153 : vector<16xi32> to vector<16xi32>
      %swap3A_155 = vector.shape_cast %add3A_152 : vector<16xi32> to vector<16xi32>
      tpu.vector_store %arg10[%swap3A], %swap3A_155 {strides = array<i32>} : memref<112xi32, #tpu.memory_space<vmem>>, vector<16xi32>,
      %add3A_156 = arith.constant 4 : i32
      %add3A_157 = vector.broadcast %add3A_156 : i32 to vector<16xi32>
      %add3A_158 = arith.addi %get3A_5, %add3A_157 : vector<16xi32>
      %add3A_159 = arith.addi %add3A_148, %add3A_158 : vector<16xi32>
      %swap3A_160 = arith.constant 16 : index
      %swap3A_161 = tpu.vector_load %arg10[%swap3A_160] {strides = array<i32>} : memref<112xi32, #tpu.memory_space<vmem>>, vector<16xi32>,
      %swap3A_162 = vector.shape_cast %swap3A_161 : vector<16xi32> to vector<16xi32>
      %swap3A_163 = vector.shape_cast %add3A_159 : vector<16xi32> to vector<16xi32>
      tpu.vector_store %arg10[%swap3A_160], %swap3A_163 {strides = array<i32>} : memref<112xi32, #tpu.memory_space<vmem>>, vector<16xi32>,
      %add3A_164 = arith.constant 8 : i32
      %add3A_165 = vector.broadcast %add3A_164 : i32 to vector<16xi32>
      %add3A_166 = arith.addi %get3A_5, %add3A_165 : vector<16xi32>
      %add3A_167 = arith.addi %add3A_148, %add3A_166 : vector<16xi32>
      %swap3A_168 = arith.constant 32 : index
      %swap3A_169 = tpu.vector_load %arg10[%swap3A_168] {strides = array<i32>} : memref<112xi32, #tpu.memory_space<vmem>>, vector<16xi32>,
      %swap3A_170 = vector.shape_cast %swap3A_169 : vector<16xi32> to vector<16xi32>
      %swap3A_171 = vector.shape_cast %add3A_167 : vector<16xi32> to vector<16xi32>
      tpu.vector_store %arg10[%swap3A_168], %swap3A_171 {strides = array<i32>} : memref<112xi32, #tpu.memory_space<vmem>>, vector<16xi32>,
      %add3A_172 = arith.constant 12 : i32
      %add3A_173 = vector.broadcast %add3A_172 : i32 to vector<16xi32>
      %add3A_174 = arith.addi %get3A_5, %add3A_173 : vector<16xi32>
      %add3A_175 = arith.addi %add3A_148, %add3A_174 : vector<16xi32>
      %swap3A_176 = arith.constant 48 : index
      %swap3A_177 = tpu.vector_load %arg10[%swap3A_176] {strides = array<i32>} : memref<112xi32, #tpu.memory_space<vmem>>, vector<16xi32>,
      %swap3A_178 = vector.shape_cast %swap3A_177 : vector<16xi32> to vector<16xi32>
      %swap3A_179 = vector.shape_cast %add3A_175 : vector<16xi32> to vector<16xi32>
      tpu.vector_store %arg10[%swap3A_176], %swap3A_179 {strides = array<i32>} : memref<112xi32, #tpu.memory_space<vmem>>, vector<16xi32>,
      %add3A_180 = arith.constant 16 : i32
      %add3A_181 = vector.broadcast %add3A_180 : i32 to vector<16xi32>
      %add3A_182 = arith.addi %get3A_5, %add3A_181 : vector<16xi32>
      %add3A_183 = arith.addi %add3A_148, %add3A_182 : vector<16xi32>
      %swap3A_184 = arith.constant 64 : index
      %swap3A_185 = tpu.vector_load %arg10[%swap3A_184] {strides = array<i32>} : memref<112xi32, #tpu.memory_space<vmem>>, vector<16xi32>,
      %swap3A_186 = vector.shape_cast %swap3A_185 : vector<16xi32> to vector<16xi32>
      %swap3A_187 = vector.shape_cast %add3A_183 : vector<16xi32> to vector<16xi32>
      tpu.vector_store %arg10[%swap3A_184], %swap3A_187 {strides = array<i32>} : memref<112xi32, #tpu.memory_space<vmem>>, vector<16xi32>,
      %add3A_188 = arith.constant 20 : i32
      %add3A_189 = vector.broadcast %add3A_188 : i32 to vector<16xi32>
      %add3A_190 = arith.addi %get3A_5, %add3A_189 : vector<16xi32>
      %add3A_191 = arith.addi %add3A_148, %add3A_190 : vector<16xi32>
      %swap3A_192 = arith.constant 80 : index
      %swap3A_193 = tpu.vector_load %arg10[%swap3A_192] {strides = array<i32>} : memref<112xi32, #tpu.memory_space<vmem>>, vector<16xi32>,
      %swap3A_194 = vector.shape_cast %swap3A_193 : vector<16xi32> to vector<16xi32>
      %swap3A_195 = vector.shape_cast %add3A_191 : vector<16xi32> to vector<16xi32>
      tpu.vector_store %arg10[%swap3A_192], %swap3A_195 {strides = array<i32>} : memref<112xi32, #tpu.memory_space<vmem>>, vector<16xi32>,
      %add3A_196 = arith.addi %add3A_148, %get3A_8 : vector<16xi32>
      %swap3A_197 = arith.constant 96 : index
      %swap3A_198 = tpu.vector_load %arg10[%swap3A_197] {strides = array<i32>} : memref<112xi32, #tpu.memory_space<vmem>>, vector<16xi32>,
      %swap3A_199 = vector.shape_cast %swap3A_198 : vector<16xi32> to vector<16xi32>
      %swap3A_200 = vector.shape_cast %add3A_196 : vector<16xi32> to vector<16xi32>
      tpu.vector_store %arg10[%swap3A_197], %swap3A_200 {strides = array<i32>} : memref<112xi32, #tpu.memory_space<vmem>>, vector<16xi32>,
      %dma_start3A_201 = arith.constant 0 : i32
      %dma_start3A_202 = tpu.memref_slice %arg10[%dma_start3A_201] : memref<112xi32, #tpu.memory_space<vmem>> -> memref<104xi32, #tpu.memory_space<vmem>>
      %dma_start3A_203 = arith.constant 0 : i32
      %dma_start3A_204 = arith.constant 0 : i32
      %dma_start3A_205 = tpu.memref_slice %arg3[%dma_start3A_203, %dma_start3A_204] : memref<1920000x128xf32, #tpu.memory_space<hbm>> -> memref<1920000x128xf32, #tpu.memory_space<hbm>>
      tpu.enqueue_indirect_dma source(%dma_start3A_205 : memref<1920000x128xf32, #tpu.memory_space<hbm>>) target(%arg12 : memref<104x128xf32, #tpu.memory_space<vmem>>) offsets(%dma_start3A_202 : memref<104xi32, #tpu.memory_space<vmem>>) semaphore(%arg19 : memref<!tpu.dma_semaphore, #tpu.memory_space<semaphore_mem>>)
      %dma_start3A_206 = arith.constant 0 : i32
      %dma_start3A_207 = arith.constant 0 : i32
      %dma_start3A_208 = tpu.memref_slice %arg13[%dma_start3A_206, %dma_start3A_207] : memref<200x128xf32, #tpu.memory_space<vmem>> -> memref<104x128xf32, #tpu.memory_space<vmem>>
      %dma_start3A_209 = arith.constant 0 : i32
      %dma_start3A_210 = tpu.memref_slice %arg8[%dma_start3A_209] : memref<400xi32, #tpu.memory_space<vmem>> -> memref<104xi32, #tpu.memory_space<vmem>>
      %dma_start3A_211 = arith.constant 0 : i32
      %dma_start3A_212 = arith.constant 0 : i32
      %dma_start3A_213 = tpu.memref_slice %arg2[%dma_start3A_211, %dma_start3A_212] : memref<20000x128xf32, #tpu.memory_space<hbm>> -> memref<20000x128xf32, #tpu.memory_space<hbm>>
      tpu.enqueue_indirect_dma source(%dma_start3A_213 : memref<20000x128xf32, #tpu.memory_space<hbm>>) target(%dma_start3A_208 : memref<104x128xf32, #tpu.memory_space<vmem>>) offsets(%dma_start3A_210 : memref<104xi32, #tpu.memory_space<vmem>>) semaphore(%arg19 : memref<!tpu.dma_semaphore, #tpu.memory_space<semaphore_mem>>)
      %dma_start3A_214 = arith.constant 104 : i32
      %dma_start3A_215 = arith.constant 0 : i32
      %dma_start3A_216 = tpu.memref_slice %arg13[%dma_start3A_214, %dma_start3A_215] : memref<200x128xf32, #tpu.memory_space<vmem>> -> memref<96x128xf32, #tpu.memory_space<vmem>>
      %dma_start3A_217 = arith.constant 104 : i32
      %dma_start3A_218 = tpu.memref_slice %arg8[%dma_start3A_217] : memref<400xi32, #tpu.memory_space<vmem>> -> memref<96xi32, #tpu.memory_space<vmem>>
      %dma_start3A_219 = arith.constant 0 : i32
      %dma_start3A_220 = arith.constant 0 : i32
      %dma_start3A_221 = tpu.memref_slice %arg2[%dma_start3A_219, %dma_start3A_220] : memref<20000x128xf32, #tpu.memory_space<hbm>> -> memref<20000x128xf32, #tpu.memory_space<hbm>>
      tpu.enqueue_indirect_dma source(%dma_start3A_221 : memref<20000x128xf32, #tpu.memory_space<hbm>>) target(%dma_start3A_216 : memref<96x128xf32, #tpu.memory_space<vmem>>) offsets(%dma_start3A_218 : memref<96xi32, #tpu.memory_space<vmem>>) semaphore(%arg19 : memref<!tpu.dma_semaphore, #tpu.memory_space<semaphore_mem>>)
      %dma_wait3A_222 = arith.constant 0 : i32
      %dma_wait3A_223 = tpu.memref_slice %arg10[%dma_wait3A_222] : memref<112xi32, #tpu.memory_space<vmem>> -> memref<104xi32, #tpu.memory_space<vmem>>
      %dma_wait3A_224 = arith.constant 0 : i32
      %dma_wait3A_225 = arith.constant 0 : i32
      %dma_wait3A_226 = tpu.memref_slice %arg3[%dma_wait3A_224, %dma_wait3A_225] : memref<1920000x128xf32, #tpu.memory_space<hbm>> -> memref<1920000x128xf32, #tpu.memory_space<hbm>>
      tpu.wait_indirect_dma semaphore(%arg19 : memref<!tpu.dma_semaphore, #tpu.memory_space<semaphore_mem>>) src(%dma_wait3A_226 : memref<1920000x128xf32, #tpu.memory_space<hbm>>) dst(%arg12 : memref<104x128xf32, #tpu.memory_space<vmem>>)
      %dma_wait3A_227 = arith.constant 0 : i32
      %dma_wait3A_228 = arith.constant 0 : i32
      %dma_wait3A_229 = tpu.memref_slice %arg13[%dma_wait3A_227, %dma_wait3A_228] : memref<200x128xf32, #tpu.memory_space<vmem>> -> memref<104x128xf32, #tpu.memory_space<vmem>>
      %dma_wait3A_230 = arith.constant 0 : i32
      %dma_wait3A_231 = tpu.memref_slice %arg8[%dma_wait3A_230] : memref<400xi32, #tpu.memory_space<vmem>> -> memref<104xi32, #tpu.memory_space<vmem>>
      %dma_wait3A_232 = arith.constant 0 : i32
      %dma_wait3A_233 = arith.constant 0 : i32
      %dma_wait3A_234 = tpu.memref_slice %arg2[%dma_wait3A_232, %dma_wait3A_233] : memref<20000x128xf32, #tpu.memory_space<hbm>> -> memref<20000x128xf32, #tpu.memory_space<hbm>>
      tpu.wait_indirect_dma semaphore(%arg19 : memref<!tpu.dma_semaphore, #tpu.memory_space<semaphore_mem>>) src(%dma_wait3A_234 : memref<20000x128xf32, #tpu.memory_space<hbm>>) dst(%dma_wait3A_229 : memref<104x128xf32, #tpu.memory_space<vmem>>)
      %dma_wait3A_235 = arith.constant 104 : i32
      %dma_wait3A_236 = arith.constant 0 : i32
      %dma_wait3A_237 = tpu.memref_slice %arg13[%dma_wait3A_235, %dma_wait3A_236] : memref<200x128xf32, #tpu.memory_space<vmem>> -> memref<96x128xf32, #tpu.memory_space<vmem>>
      %dma_wait3A_238 = arith.constant 104 : i32
      %dma_wait3A_239 = tpu.memref_slice %arg8[%dma_wait3A_238] : memref<400xi32, #tpu.memory_space<vmem>> -> memref<96xi32, #tpu.memory_space<vmem>>
      %dma_wait3A_240 = arith.constant 0 : i32
      %dma_wait3A_241 = arith.constant 0 : i32
      %dma_wait3A_242 = tpu.memref_slice %arg2[%dma_wait3A_240, %dma_wait3A_241] : memref<20000x128xf32, #tpu.memory_space<hbm>> -> memref<20000x128xf32, #tpu.memory_space<hbm>>
      tpu.wait_indirect_dma semaphore(%arg19 : memref<!tpu.dma_semaphore, #tpu.memory_space<semaphore_mem>>) src(%dma_wait3A_242 : memref<20000x128xf32, #tpu.memory_space<hbm>>) dst(%dma_wait3A_237 : memref<96x128xf32, #tpu.memory_space<vmem>>)
      %scan3A_243 = arith.constant 0 : i32
      %scan3A_244 = arith.constant 0 : i32
      %scan3A_245 = arith.constant 60 : i32
      %scan3A_246 = arith.addi %scan3A_244, %scan3A_245 : i32
      %scan3A_247 = arith.constant 1 : i32
      %scan3A_248 = scf.for %scan3A_428 = %scan3A_244 to %scan3A_246 step %scan3A_247 iter_args(%scan3A_429 = %scan3A_243) -> (i32)  : i32 {
        %add3A_430 = arith.constant 0 : i32
        %add3A_431 = arith.addi %add3A_430, %scan3A_428 : i32
        %mul3A_432 = arith.constant 2 : i32
        %mul3A_433 = arith.muli %mul3A_432, %add3A_431 : i32
        %add3A_434 = arith.constant 0 : i32
        %add3A_435 = arith.addi %mul3A_433, %add3A_434 : i32
        %get3A_436 = arith.index_cast %add3A_435 : i32 to index
        %get3A_437 = arith.constant 64 : index
        %get3A_438 = tpu.vector_load %arg13[%get3A_436, %get3A_437] {strides = array<i32>} : memref<200x128xf32, #tpu.memory_space<vmem>>, vector<1x16xf32>,
        %get3A_439 = vector.shape_cast %get3A_438 : vector<1x16xf32> to vector<16xf32>
        %get3A_440 = arith.index_cast %add3A_431 : i32 to index
        %get3A_441 = arith.constant 0 : index
        %get3A_442 = tpu.vector_load %arg12[%get3A_440, %get3A_441] {strides = array<i32>} : memref<104x128xf32, #tpu.memory_space<vmem>>, vector<1x16xf32>,
        %get3A_443 = vector.shape_cast %get3A_442 : vector<1x16xf32> to vector<16xf32>
        %add3A_444 = arith.addf %get3A_439, %get3A_443 : vector<16xf32>
        %max3A = arith.constant 0.000000e+00 : f32
        %max3A_445 = vector.broadcast %max3A : f32 to vector<16xf32>
        %max3A_446 = arith.maximumf %add3A_444, %max3A_445 : vector<16xf32>
        %mul3A_447 = arith.constant 2 : i32
        %mul3A_448 = arith.muli %mul3A_447, %scan3A_428 : i32
        %add3A_449 = arith.constant 0 : i32
        %add3A_450 = arith.addi %mul3A_448, %add3A_449 : i32
        %swap3A_451 = arith.index_cast %add3A_450 : i32 to index
        %swap3A_452 = arith.constant 0 : index
        %swap3A_453 = tpu.vector_load %arg16[%swap3A_451, %swap3A_452] {strides = array<i32>} : memref<120x64xf32, #tpu.memory_space<vmem>>, vector<1x16xf32>,
        %swap3A_454 = vector.shape_cast %swap3A_453 : vector<1x16xf32> to vector<16xf32>
        %swap3A_455 = vector.shape_cast %max3A_446 : vector<16xf32> to vector<1x16xf32>
        tpu.vector_store %arg16[%swap3A_451, %swap3A_452], %swap3A_455 {strides = array<i32>} : memref<120x64xf32, #tpu.memory_space<vmem>>, vector<1x16xf32>,
        %mul3A_456 = arith.constant 2 : i32
        %mul3A_457 = arith.muli %mul3A_456, %add3A_431 : i32
        %add3A_458 = arith.constant 0 : i32
        %add3A_459 = arith.addi %mul3A_457, %add3A_458 : i32
        %get3A_460 = arith.index_cast %add3A_459 : i32 to index
        %get3A_461 = arith.constant 80 : index
        %get3A_462 = tpu.vector_load %arg13[%get3A_460, %get3A_461] {strides = array<i32>} : memref<200x128xf32, #tpu.memory_space<vmem>>, vector<1x16xf32>,
        %get3A_463 = vector.shape_cast %get3A_462 : vector<1x16xf32> to vector<16xf32>
        %get3A_464 = arith.index_cast %add3A_431 : i32 to index
        %get3A_465 = arith.constant 16 : index
        %get3A_466 = tpu.vector_load %arg12[%get3A_464, %get3A_465] {strides = array<i32>} : memref<104x128xf32, #tpu.memory_space<vmem>>, vector<1x16xf32>,
        %get3A_467 = vector.shape_cast %get3A_466 : vector<1x16xf32> to vector<16xf32>
        %add3A_468 = arith.addf %get3A_463, %get3A_467 : vector<16xf32>
        %max3A_469 = arith.constant 0.000000e+00 : f32
        %max3A_470 = vector.broadcast %max3A_469 : f32 to vector<16xf32>
        %max3A_471 = arith.maximumf %add3A_468, %max3A_470 : vector<16xf32>
        %mul3A_472 = arith.constant 2 : i32
        %mul3A_473 = arith.muli %mul3A_472, %scan3A_428 : i32
        %add3A_474 = arith.constant 0 : i32
        %add3A_475 = arith.addi %mul3A_473, %add3A_474 : i32
        %swap3A_476 = arith.index_cast %add3A_475 : i32 to index
        %swap3A_477 = arith.constant 16 : index
        %swap3A_478 = tpu.vector_load %arg16[%swap3A_476, %swap3A_477] {strides = array<i32>} : memref<120x64xf32, #tpu.memory_space<vmem>>, vector<1x16xf32>,
        %swap3A_479 = vector.shape_cast %swap3A_478 : vector<1x16xf32> to vector<16xf32>
        %swap3A_480 = vector.shape_cast %max3A_471 : vector<16xf32> to vector<1x16xf32>
        tpu.vector_store %arg16[%swap3A_476, %swap3A_477], %swap3A_480 {strides = array<i32>} : memref<120x64xf32, #tpu.memory_space<vmem>>, vector<1x16xf32>,
        %mul3A_481 = arith.constant 2 : i32
        %mul3A_482 = arith.muli %mul3A_481, %add3A_431 : i32
        %add3A_483 = arith.constant 0 : i32
        %add3A_484 = arith.addi %mul3A_482, %add3A_483 : i32
        %get3A_485 = arith.index_cast %add3A_484 : i32 to index
        %get3A_486 = arith.constant 96 : index
        %get3A_487 = tpu.vector_load %arg13[%get3A_485, %get3A_486] {strides = array<i32>} : memref<200x128xf32, #tpu.memory_space<vmem>>, vector<1x16xf32>,
        %get3A_488 = vector.shape_cast %get3A_487 : vector<1x16xf32> to vector<16xf32>
        %get3A_489 = arith.index_cast %add3A_431 : i32 to index
        %get3A_490 = arith.constant 32 : index
        %get3A_491 = tpu.vector_load %arg12[%get3A_489, %get3A_490] {strides = array<i32>} : memref<104x128xf32, #tpu.memory_space<vmem>>, vector<1x16xf32>,
        %get3A_492 = vector.shape_cast %get3A_491 : vector<1x16xf32> to vector<16xf32>
        %add3A_493 = arith.addf %get3A_488, %get3A_492 : vector<16xf32>
        %max3A_494 = arith.constant 0.000000e+00 : f32
        %max3A_495 = vector.broadcast %max3A_494 : f32 to vector<16xf32>
        %max3A_496 = arith.maximumf %add3A_493, %max3A_495 : vector<16xf32>
        %mul3A_497 = arith.constant 2 : i32
        %mul3A_498 = arith.muli %mul3A_497, %scan3A_428 : i32
        %add3A_499 = arith.constant 0 : i32
        %add3A_500 = arith.addi %mul3A_498, %add3A_499 : i32
        %swap3A_501 = arith.index_cast %add3A_500 : i32 to index
        %swap3A_502 = arith.constant 32 : index
        %swap3A_503 = tpu.vector_load %arg16[%swap3A_501, %swap3A_502] {strides = array<i32>} : memref<120x64xf32, #tpu.memory_space<vmem>>, vector<1x16xf32>,
        %swap3A_504 = vector.shape_cast %swap3A_503 : vector<1x16xf32> to vector<16xf32>
        %swap3A_505 = vector.shape_cast %max3A_496 : vector<16xf32> to vector<1x16xf32>
        tpu.vector_store %arg16[%swap3A_501, %swap3A_502], %swap3A_505 {strides = array<i32>} : memref<120x64xf32, #tpu.memory_space<vmem>>, vector<1x16xf32>,
        %mul3A_506 = arith.constant 2 : i32
        %mul3A_507 = arith.muli %mul3A_506, %add3A_431 : i32
        %add3A_508 = arith.constant 0 : i32
        %add3A_509 = arith.addi %mul3A_507, %add3A_508 : i32
        %get3A_510 = arith.index_cast %add3A_509 : i32 to index
        %get3A_511 = arith.constant 112 : index
        %get3A_512 = tpu.vector_load %arg13[%get3A_510, %get3A_511] {strides = array<i32>} : memref<200x128xf32, #tpu.memory_space<vmem>>, vector<1x16xf32>,
        %get3A_513 = vector.shape_cast %get3A_512 : vector<1x16xf32> to vector<16xf32>
        %get3A_514 = arith.index_cast %add3A_431 : i32 to index
        %get3A_515 = arith.constant 48 : index
        %get3A_516 = tpu.vector_load %arg12[%get3A_514, %get3A_515] {strides = array<i32>} : memref<104x128xf32, #tpu.memory_space<vmem>>, vector<1x16xf32>,
        %get3A_517 = vector.shape_cast %get3A_516 : vector<1x16xf32> to vector<16xf32>
        %add3A_518 = arith.addf %get3A_513, %get3A_517 : vector<16xf32>
        %max3A_519 = arith.constant 0.000000e+00 : f32
        %max3A_520 = vector.broadcast %max3A_519 : f32 to vector<16xf32>
        %max3A_521 = arith.maximumf %add3A_518, %max3A_520 : vector<16xf32>
        %mul3A_522 = arith.constant 2 : i32
        %mul3A_523 = arith.muli %mul3A_522, %scan3A_428 : i32
        %add3A_524 = arith.constant 0 : i32
        %add3A_525 = arith.addi %mul3A_523, %add3A_524 : i32
        %swap3A_526 = arith.index_cast %add3A_525 : i32 to index
        %swap3A_527 = arith.constant 48 : index
        %swap3A_528 = tpu.vector_load %arg16[%swap3A_526, %swap3A_527] {strides = array<i32>} : memref<120x64xf32, #tpu.memory_space<vmem>>, vector<1x16xf32>,
        %swap3A_529 = vector.shape_cast %swap3A_528 : vector<1x16xf32> to vector<16xf32>
        %swap3A_530 = vector.shape_cast %max3A_521 : vector<16xf32> to vector<1x16xf32>
        tpu.vector_store %arg16[%swap3A_526, %swap3A_527], %swap3A_530 {strides = array<i32>} : memref<120x64xf32, #tpu.memory_space<vmem>>, vector<1x16xf32>,
        %mul3A_531 = arith.constant 2 : i32
        %mul3A_532 = arith.muli %mul3A_531, %add3A_431 : i32
        %add3A_533 = arith.constant 1 : i32
        %add3A_534 = arith.addi %mul3A_532, %add3A_533 : i32
        %get3A_535 = arith.index_cast %add3A_534 : i32 to index
        %get3A_536 = arith.constant 64 : index
        %get3A_537 = tpu.vector_load %arg13[%get3A_535, %get3A_536] {strides = array<i32>} : memref<200x128xf32, #tpu.memory_space<vmem>>, vector<1x16xf32>,
        %get3A_538 = vector.shape_cast %get3A_537 : vector<1x16xf32> to vector<16xf32>
        %get3A_539 = arith.index_cast %add3A_431 : i32 to index
        %get3A_540 = arith.constant 64 : index
        %get3A_541 = tpu.vector_load %arg12[%get3A_539, %get3A_540] {strides = array<i32>} : memref<104x128xf32, #tpu.memory_space<vmem>>, vector<1x16xf32>,
        %get3A_542 = vector.shape_cast %get3A_541 : vector<1x16xf32> to vector<16xf32>
        %add3A_543 = arith.addf %get3A_538, %get3A_542 : vector<16xf32>
        %max3A_544 = arith.constant 0.000000e+00 : f32
        %max3A_545 = vector.broadcast %max3A_544 : f32 to vector<16xf32>
        %max3A_546 = arith.maximumf %add3A_543, %max3A_545 : vector<16xf32>
        %mul3A_547 = arith.constant 2 : i32
        %mul3A_548 = arith.muli %mul3A_547, %scan3A_428 : i32
        %add3A_549 = arith.constant 1 : i32
        %add3A_550 = arith.addi %mul3A_548, %add3A_549 : i32
        %swap3A_551 = arith.index_cast %add3A_550 : i32 to index
        %swap3A_552 = arith.constant 0 : index
        %swap3A_553 = tpu.vector_load %arg16[%swap3A_551, %swap3A_552] {strides = array<i32>} : memref<120x64xf32, #tpu.memory_space<vmem>>, vector<1x16xf32>,
        %swap3A_554 = vector.shape_cast %swap3A_553 : vector<1x16xf32> to vector<16xf32>
        %swap3A_555 = vector.shape_cast %max3A_546 : vector<16xf32> to vector<1x16xf32>
        tpu.vector_store %arg16[%swap3A_551, %swap3A_552], %swap3A_555 {strides = array<i32>} : memref<120x64xf32, #tpu.memory_space<vmem>>, vector<1x16xf32>,
        %mul3A_556 = arith.constant 2 : i32
        %mul3A_557 = arith.muli %mul3A_556, %add3A_431 : i32
        %add3A_558 = arith.constant 1 : i32
        %add3A_559 = arith.addi %mul3A_557, %add3A_558 : i32
        %get3A_560 = arith.index_cast %add3A_559 : i32 to index
        %get3A_561 = arith.constant 80 : index
        %get3A_562 = tpu.vector_load %arg13[%get3A_560, %get3A_561] {strides = array<i32>} : memref<200x128xf32, #tpu.memory_space<vmem>>, vector<1x16xf32>,
        %get3A_563 = vector.shape_cast %get3A_562 : vector<1x16xf32> to vector<16xf32>
        %get3A_564 = arith.index_cast %add3A_431 : i32 to index
        %get3A_565 = arith.constant 80 : index
        %get3A_566 = tpu.vector_load %arg12[%get3A_564, %get3A_565] {strides = array<i32>} : memref<104x128xf32, #tpu.memory_space<vmem>>, vector<1x16xf32>,
        %get3A_567 = vector.shape_cast %get3A_566 : vector<1x16xf32> to vector<16xf32>
        %add3A_568 = arith.addf %get3A_563, %get3A_567 : vector<16xf32>
        %max3A_569 = arith.constant 0.000000e+00 : f32
        %max3A_570 = vector.broadcast %max3A_569 : f32 to vector<16xf32>
        %max3A_571 = arith.maximumf %add3A_568, %max3A_570 : vector<16xf32>
        %mul3A_572 = arith.constant 2 : i32
        %mul3A_573 = arith.muli %mul3A_572, %scan3A_428 : i32
        %add3A_574 = arith.constant 1 : i32
        %add3A_575 = arith.addi %mul3A_573, %add3A_574 : i32
        %swap3A_576 = arith.index_cast %add3A_575 : i32 to index
        %swap3A_577 = arith.constant 16 : index
        %swap3A_578 = tpu.vector_load %arg16[%swap3A_576, %swap3A_577] {strides = array<i32>} : memref<120x64xf32, #tpu.memory_space<vmem>>, vector<1x16xf32>,
        %swap3A_579 = vector.shape_cast %swap3A_578 : vector<1x16xf32> to vector<16xf32>
        %swap3A_580 = vector.shape_cast %max3A_571 : vector<16xf32> to vector<1x16xf32>
        tpu.vector_store %arg16[%swap3A_576, %swap3A_577], %swap3A_580 {strides = array<i32>} : memref<120x64xf32, #tpu.memory_space<vmem>>, vector<1x16xf32>,
        %mul3A_581 = arith.constant 2 : i32
        %mul3A_582 = arith.muli %mul3A_581, %add3A_431 : i32
        %add3A_583 = arith.constant 1 : i32
        %add3A_584 = arith.addi %mul3A_582, %add3A_583 : i32
        %get3A_585 = arith.index_cast %add3A_584 : i32 to index
        %get3A_586 = arith.constant 96 : index
        %get3A_587 = tpu.vector_load %arg13[%get3A_585, %get3A_586] {strides = array<i32>} : memref<200x128xf32, #tpu.memory_space<vmem>>, vector<1x16xf32>,
        %get3A_588 = vector.shape_cast %get3A_587 : vector<1x16xf32> to vector<16xf32>
        %get3A_589 = arith.index_cast %add3A_431 : i32 to index
        %get3A_590 = arith.constant 96 : index
        %get3A_591 = tpu.vector_load %arg12[%get3A_589, %get3A_590] {strides = array<i32>} : memref<104x128xf32, #tpu.memory_space<vmem>>, vector<1x16xf32>,
        %get3A_592 = vector.shape_cast %get3A_591 : vector<1x16xf32> to vector<16xf32>
        %add3A_593 = arith.addf %get3A_588, %get3A_592 : vector<16xf32>
        %max3A_594 = arith.constant 0.000000e+00 : f32
        %max3A_595 = vector.broadcast %max3A_594 : f32 to vector<16xf32>
        %max3A_596 = arith.maximumf %add3A_593, %max3A_595 : vector<16xf32>
        %mul3A_597 = arith.constant 2 : i32
        %mul3A_598 = arith.muli %mul3A_597, %scan3A_428 : i32
        %add3A_599 = arith.constant 1 : i32
        %add3A_600 = arith.addi %mul3A_598, %add3A_599 : i32
        %swap3A_601 = arith.index_cast %add3A_600 : i32 to index
        %swap3A_602 = arith.constant 32 : index
        %swap3A_603 = tpu.vector_load %arg16[%swap3A_601, %swap3A_602] {strides = array<i32>} : memref<120x64xf32, #tpu.memory_space<vmem>>, vector<1x16xf32>,
        %swap3A_604 = vector.shape_cast %swap3A_603 : vector<1x16xf32> to vector<16xf32>
        %swap3A_605 = vector.shape_cast %max3A_596 : vector<16xf32> to vector<1x16xf32>
        tpu.vector_store %arg16[%swap3A_601, %swap3A_602], %swap3A_605 {strides = array<i32>} : memref<120x64xf32, #tpu.memory_space<vmem>>, vector<1x16xf32>,
        %mul3A_606 = arith.constant 2 : i32
        %mul3A_607 = arith.muli %mul3A_606, %add3A_431 : i32
        %add3A_608 = arith.constant 1 : i32
        %add3A_609 = arith.addi %mul3A_607, %add3A_608 : i32
        %get3A_610 = arith.index_cast %add3A_609 : i32 to index
        %get3A_611 = arith.constant 112 : index
        %get3A_612 = tpu.vector_load %arg13[%get3A_610, %get3A_611] {strides = array<i32>} : memref<200x128xf32, #tpu.memory_space<vmem>>, vector<1x16xf32>,
        %get3A_613 = vector.shape_cast %get3A_612 : vector<1x16xf32> to vector<16xf32>
        %get3A_614 = arith.index_cast %add3A_431 : i32 to index
        %get3A_615 = arith.constant 112 : index
        %get3A_616 = tpu.vector_load %arg12[%get3A_614, %get3A_615] {strides = array<i32>} : memref<104x128xf32, #tpu.memory_space<vmem>>, vector<1x16xf32>,
        %get3A_617 = vector.shape_cast %get3A_616 : vector<1x16xf32> to vector<16xf32>
        %add3A_618 = arith.addf %get3A_613, %get3A_617 : vector<16xf32>
        %max3A_619 = arith.constant 0.000000e+00 : f32
        %max3A_620 = vector.broadcast %max3A_619 : f32 to vector<16xf32>
        %max3A_621 = arith.maximumf %add3A_618, %max3A_620 : vector<16xf32>
        %mul3A_622 = arith.constant 2 : i32
        %mul3A_623 = arith.muli %mul3A_622, %scan3A_428 : i32
        %add3A_624 = arith.constant 1 : i32
        %add3A_625 = arith.addi %mul3A_623, %add3A_624 : i32
        %swap3A_626 = arith.index_cast %add3A_625 : i32 to index
        %swap3A_627 = arith.constant 48 : index
        %swap3A_628 = tpu.vector_load %arg16[%swap3A_626, %swap3A_627] {strides = array<i32>} : memref<120x64xf32, #tpu.memory_space<vmem>>, vector<1x16xf32>,
        %swap3A_629 = vector.shape_cast %swap3A_628 : vector<1x16xf32> to vector<16xf32>
        %swap3A_630 = vector.shape_cast %max3A_621 : vector<16xf32> to vector<1x16xf32>
        tpu.vector_store %arg16[%swap3A_626, %swap3A_627], %swap3A_630 {strides = array<i32>} : memref<120x64xf32, #tpu.memory_space<vmem>>, vector<1x16xf32>,
        %scan3A_631 = arith.constant 0 : i32
        scf.yield %scan3A_631 : i32
      }
      %scan3A_249 = arith.constant 60 : i32
      "tpu.region"() ({
        %run_scoped3A = tpu.sem_alloc : memref<!tpu.dma_semaphore, #tpu.memory_space<semaphore_mem>>
        %dma_start3A_428 = arith.constant 0 : i32
        %dma_start3A_429 = arith.constant 0 : i32
        %dma_start3A_430 = tpu.memref_slice %arg16[%dma_start3A_428, %dma_start3A_429] : memref<120x64xf32, #tpu.memory_space<vmem>> -> memref<120x64xf32, #tpu.memory_space<vmem>>
        %dma_start3A_431 = arith.constant 0 : i32
        %dma_start3A_432 = tpu.memref_slice %arg9[%dma_start3A_431] : memref<400xi32, #tpu.memory_space<vmem>> -> memref<120xi32, #tpu.memory_space<vmem>>
        %dma_start3A_433 = arith.constant 0 : i32
        %dma_start3A_434 = arith.constant 0 : i32
        %dma_start3A_435 = tpu.memref_slice %arg22[%dma_start3A_433, %dma_start3A_434] : memref<10000x64xf32, #tpu.memory_space<vmem_shared>> -> memref<10000x64xf32, #tpu.memory_space<vmem_shared>>
        tpu.enqueue_indirect_dma source(%dma_start3A_430 : memref<120x64xf32, #tpu.memory_space<vmem>>) target(%dma_start3A_435 : memref<10000x64xf32, #tpu.memory_space<vmem_shared>>) offsets(%dma_start3A_432 : memref<120xi32, #tpu.memory_space<vmem>>) semaphore(%run_scoped3A : memref<!tpu.dma_semaphore, #tpu.memory_space<semaphore_mem>>) {add = true}
        %dma_wait3A_436 = arith.constant 0 : i32
        %dma_wait3A_437 = arith.constant 0 : i32
        %dma_wait3A_438 = tpu.memref_slice %arg16[%dma_wait3A_436, %dma_wait3A_437] : memref<120x64xf32, #tpu.memory_space<vmem>> -> memref<120x64xf32, #tpu.memory_space<vmem>>
        %dma_wait3A_439 = arith.constant 0 : i32
        %dma_wait3A_440 = tpu.memref_slice %arg9[%dma_wait3A_439] : memref<400xi32, #tpu.memory_space<vmem>> -> memref<120xi32, #tpu.memory_space<vmem>>
        %dma_wait3A_441 = arith.constant 0 : i32
        %dma_wait3A_442 = arith.constant 0 : i32
        %dma_wait3A_443 = tpu.memref_slice %arg22[%dma_wait3A_441, %dma_wait3A_442] : memref<10000x64xf32, #tpu.memory_space<vmem_shared>> -> memref<10000x64xf32, #tpu.memory_space<vmem_shared>>
        tpu.wait_indirect_dma semaphore(%run_scoped3A : memref<!tpu.dma_semaphore, #tpu.memory_space<semaphore_mem>>) src(%dma_wait3A_438 : memref<120x64xf32, #tpu.memory_space<vmem>>) dst(%dma_wait3A_443 : memref<10000x64xf32, #tpu.memory_space<vmem_shared>>)
        tpu.yield
      }) : () -> ()
      %scan3A_250 = arith.constant 0 : i32
      %scan3A_251 = arith.constant 0 : i32
      %scan3A_252 = arith.constant 40 : i32
      %scan3A_253 = arith.addi %scan3A_251, %scan3A_252 : i32
      %scan3A_254 = arith.constant 1 : i32
      %scan3A_255 = scf.for %scan3A_428 = %scan3A_251 to %scan3A_253 step %scan3A_254 iter_args(%scan3A_429 = %scan3A_250) -> (i32)  : i32 {
        %add3A_430 = arith.constant 60 : i32
        %add3A_431 = arith.addi %add3A_430, %scan3A_428 : i32
        %mul3A_432 = arith.constant 2 : i32
        %mul3A_433 = arith.muli %mul3A_432, %add3A_431 : i32
        %add3A_434 = arith.constant 0 : i32
        %add3A_435 = arith.addi %mul3A_433, %add3A_434 : i32
        %get3A_436 = arith.index_cast %add3A_435 : i32 to index
        %get3A_437 = arith.constant 64 : index
        %get3A_438 = tpu.vector_load %arg13[%get3A_436, %get3A_437] {strides = array<i32>} : memref<200x128xf32, #tpu.memory_space<vmem>>, vector<1x16xf32>,
        %get3A_439 = vector.shape_cast %get3A_438 : vector<1x16xf32> to vector<16xf32>
        %get3A_440 = arith.index_cast %add3A_431 : i32 to index
        %get3A_441 = arith.constant 0 : index
        %get3A_442 = tpu.vector_load %arg12[%get3A_440, %get3A_441] {strides = array<i32>} : memref<104x128xf32, #tpu.memory_space<vmem>>, vector<1x16xf32>,
        %get3A_443 = vector.shape_cast %get3A_442 : vector<1x16xf32> to vector<16xf32>
        %add3A_444 = arith.addf %get3A_439, %get3A_443 : vector<16xf32>
        %max3A = arith.constant 0.000000e+00 : f32
        %max3A_445 = vector.broadcast %max3A : f32 to vector<16xf32>
        %max3A_446 = arith.maximumf %add3A_444, %max3A_445 : vector<16xf32>
        %mul3A_447 = arith.constant 2 : i32
        %mul3A_448 = arith.muli %mul3A_447, %scan3A_428 : i32
        %add3A_449 = arith.constant 0 : i32
        %add3A_450 = arith.addi %mul3A_448, %add3A_449 : i32
        %swap3A_451 = arith.index_cast %add3A_450 : i32 to index
        %swap3A_452 = arith.constant 0 : index
        %swap3A_453 = tpu.vector_load %arg16[%swap3A_451, %swap3A_452] {strides = array<i32>} : memref<120x64xf32, #tpu.memory_space<vmem>>, vector<1x16xf32>,
        %swap3A_454 = vector.shape_cast %swap3A_453 : vector<1x16xf32> to vector<16xf32>
        %swap3A_455 = vector.shape_cast %max3A_446 : vector<16xf32> to vector<1x16xf32>
        tpu.vector_store %arg16[%swap3A_451, %swap3A_452], %swap3A_455 {strides = array<i32>} : memref<120x64xf32, #tpu.memory_space<vmem>>, vector<1x16xf32>,
        %mul3A_456 = arith.constant 2 : i32
        %mul3A_457 = arith.muli %mul3A_456, %add3A_431 : i32
        %add3A_458 = arith.constant 0 : i32
        %add3A_459 = arith.addi %mul3A_457, %add3A_458 : i32
        %get3A_460 = arith.index_cast %add3A_459 : i32 to index
        %get3A_461 = arith.constant 80 : index
        %get3A_462 = tpu.vector_load %arg13[%get3A_460, %get3A_461] {strides = array<i32>} : memref<200x128xf32, #tpu.memory_space<vmem>>, vector<1x16xf32>,
        %get3A_463 = vector.shape_cast %get3A_462 : vector<1x16xf32> to vector<16xf32>
        %get3A_464 = arith.index_cast %add3A_431 : i32 to index
        %get3A_465 = arith.constant 16 : index
        %get3A_466 = tpu.vector_load %arg12[%get3A_464, %get3A_465] {strides = array<i32>} : memref<104x128xf32, #tpu.memory_space<vmem>>, vector<1x16xf32>,
        %get3A_467 = vector.shape_cast %get3A_466 : vector<1x16xf32> to vector<16xf32>
        %add3A_468 = arith.addf %get3A_463, %get3A_467 : vector<16xf32>
        %max3A_469 = arith.constant 0.000000e+00 : f32
        %max3A_470 = vector.broadcast %max3A_469 : f32 to vector<16xf32>
        %max3A_471 = arith.maximumf %add3A_468, %max3A_470 : vector<16xf32>
        %mul3A_472 = arith.constant 2 : i32
        %mul3A_473 = arith.muli %mul3A_472, %scan3A_428 : i32
        %add3A_474 = arith.constant 0 : i32
        %add3A_475 = arith.addi %mul3A_473, %add3A_474 : i32
        %swap3A_476 = arith.index_cast %add3A_475 : i32 to index
        %swap3A_477 = arith.constant 16 : index
        %swap3A_478 = tpu.vector_load %arg16[%swap3A_476, %swap3A_477] {strides = array<i32>} : memref<120x64xf32, #tpu.memory_space<vmem>>, vector<1x16xf32>,
        %swap3A_479 = vector.shape_cast %swap3A_478 : vector<1x16xf32> to vector<16xf32>
        %swap3A_480 = vector.shape_cast %max3A_471 : vector<16xf32> to vector<1x16xf32>
        tpu.vector_store %arg16[%swap3A_476, %swap3A_477], %swap3A_480 {strides = array<i32>} : memref<120x64xf32, #tpu.memory_space<vmem>>, vector<1x16xf32>,
        %mul3A_481 = arith.constant 2 : i32
        %mul3A_482 = arith.muli %mul3A_481, %add3A_431 : i32
        %add3A_483 = arith.constant 0 : i32
        %add3A_484 = arith.addi %mul3A_482, %add3A_483 : i32
        %get3A_485 = arith.index_cast %add3A_484 : i32 to index
        %get3A_486 = arith.constant 96 : index
        %get3A_487 = tpu.vector_load %arg13[%get3A_485, %get3A_486] {strides = array<i32>} : memref<200x128xf32, #tpu.memory_space<vmem>>, vector<1x16xf32>,
        %get3A_488 = vector.shape_cast %get3A_487 : vector<1x16xf32> to vector<16xf32>
        %get3A_489 = arith.index_cast %add3A_431 : i32 to index
        %get3A_490 = arith.constant 32 : index
        %get3A_491 = tpu.vector_load %arg12[%get3A_489, %get3A_490] {strides = array<i32>} : memref<104x128xf32, #tpu.memory_space<vmem>>, vector<1x16xf32>,
        %get3A_492 = vector.shape_cast %get3A_491 : vector<1x16xf32> to vector<16xf32>
        %add3A_493 = arith.addf %get3A_488, %get3A_492 : vector<16xf32>
        %max3A_494 = arith.constant 0.000000e+00 : f32
        %max3A_495 = vector.broadcast %max3A_494 : f32 to vector<16xf32>
        %max3A_496 = arith.maximumf %add3A_493, %max3A_495 : vector<16xf32>
        %mul3A_497 = arith.constant 2 : i32
        %mul3A_498 = arith.muli %mul3A_497, %scan3A_428 : i32
        %add3A_499 = arith.constant 0 : i32
        %add3A_500 = arith.addi %mul3A_498, %add3A_499 : i32
        %swap3A_501 = arith.index_cast %add3A_500 : i32 to index
        %swap3A_502 = arith.constant 32 : index
        %swap3A_503 = tpu.vector_load %arg16[%swap3A_501, %swap3A_502] {strides = array<i32>} : memref<120x64xf32, #tpu.memory_space<vmem>>, vector<1x16xf32>,
        %swap3A_504 = vector.shape_cast %swap3A_503 : vector<1x16xf32> to vector<16xf32>
        %swap3A_505 = vector.shape_cast %max3A_496 : vector<16xf32> to vector<1x16xf32>
        tpu.vector_store %arg16[%swap3A_501, %swap3A_502], %swap3A_505 {strides = array<i32>} : memref<120x64xf32, #tpu.memory_space<vmem>>, vector<1x16xf32>,
        %mul3A_506 = arith.constant 2 : i32
        %mul3A_507 = arith.muli %mul3A_506, %add3A_431 : i32
        %add3A_508 = arith.constant 0 : i32
        %add3A_509 = arith.addi %mul3A_507, %add3A_508 : i32
        %get3A_510 = arith.index_cast %add3A_509 : i32 to index
        %get3A_511 = arith.constant 112 : index
        %get3A_512 = tpu.vector_load %arg13[%get3A_510, %get3A_511] {strides = array<i32>} : memref<200x128xf32, #tpu.memory_space<vmem>>, vector<1x16xf32>,
        %get3A_513 = vector.shape_cast %get3A_512 : vector<1x16xf32> to vector<16xf32>
        %get3A_514 = arith.index_cast %add3A_431 : i32 to index
        %get3A_515 = arith.constant 48 : index
        %get3A_516 = tpu.vector_load %arg12[%get3A_514, %get3A_515] {strides = array<i32>} : memref<104x128xf32, #tpu.memory_space<vmem>>, vector<1x16xf32>,
        %get3A_517 = vector.shape_cast %get3A_516 : vector<1x16xf32> to vector<16xf32>
        %add3A_518 = arith.addf %get3A_513, %get3A_517 : vector<16xf32>
        %max3A_519 = arith.constant 0.000000e+00 : f32
        %max3A_520 = vector.broadcast %max3A_519 : f32 to vector<16xf32>
        %max3A_521 = arith.maximumf %add3A_518, %max3A_520 : vector<16xf32>
        %mul3A_522 = arith.constant 2 : i32
        %mul3A_523 = arith.muli %mul3A_522, %scan3A_428 : i32
        %add3A_524 = arith.constant 0 : i32
        %add3A_525 = arith.addi %mul3A_523, %add3A_524 : i32
        %swap3A_526 = arith.index_cast %add3A_525 : i32 to index
        %swap3A_527 = arith.constant 48 : index
        %swap3A_528 = tpu.vector_load %arg16[%swap3A_526, %swap3A_527] {strides = array<i32>} : memref<120x64xf32, #tpu.memory_space<vmem>>, vector<1x16xf32>,
        %swap3A_529 = vector.shape_cast %swap3A_528 : vector<1x16xf32> to vector<16xf32>
        %swap3A_530 = vector.shape_cast %max3A_521 : vector<16xf32> to vector<1x16xf32>
        tpu.vector_store %arg16[%swap3A_526, %swap3A_527], %swap3A_530 {strides = array<i32>} : memref<120x64xf32, #tpu.memory_space<vmem>>, vector<1x16xf32>,
        %mul3A_531 = arith.constant 2 : i32
        %mul3A_532 = arith.muli %mul3A_531, %add3A_431 : i32
        %add3A_533 = arith.constant 1 : i32
        %add3A_534 = arith.addi %mul3A_532, %add3A_533 : i32
        %get3A_535 = arith.index_cast %add3A_534 : i32 to index
        %get3A_536 = arith.constant 64 : index
        %get3A_537 = tpu.vector_load %arg13[%get3A_535, %get3A_536] {strides = array<i32>} : memref<200x128xf32, #tpu.memory_space<vmem>>, vector<1x16xf32>,
        %get3A_538 = vector.shape_cast %get3A_537 : vector<1x16xf32> to vector<16xf32>
        %get3A_539 = arith.index_cast %add3A_431 : i32 to index
        %get3A_540 = arith.constant 64 : index
        %get3A_541 = tpu.vector_load %arg12[%get3A_539, %get3A_540] {strides = array<i32>} : memref<104x128xf32, #tpu.memory_space<vmem>>, vector<1x16xf32>,
        %get3A_542 = vector.shape_cast %get3A_541 : vector<1x16xf32> to vector<16xf32>
        %add3A_543 = arith.addf %get3A_538, %get3A_542 : vector<16xf32>
        %max3A_544 = arith.constant 0.000000e+00 : f32
        %max3A_545 = vector.broadcast %max3A_544 : f32 to vector<16xf32>
        %max3A_546 = arith.maximumf %add3A_543, %max3A_545 : vector<16xf32>
        %mul3A_547 = arith.constant 2 : i32
        %mul3A_548 = arith.muli %mul3A_547, %scan3A_428 : i32
        %add3A_549 = arith.constant 1 : i32
        %add3A_550 = arith.addi %mul3A_548, %add3A_549 : i32
        %swap3A_551 = arith.index_cast %add3A_550 : i32 to index
        %swap3A_552 = arith.constant 0 : index
        %swap3A_553 = tpu.vector_load %arg16[%swap3A_551, %swap3A_552] {strides = array<i32>} : memref<120x64xf32, #tpu.memory_space<vmem>>, vector<1x16xf32>,
        %swap3A_554 = vector.shape_cast %swap3A_553 : vector<1x16xf32> to vector<16xf32>
        %swap3A_555 = vector.shape_cast %max3A_546 : vector<16xf32> to vector<1x16xf32>
        tpu.vector_store %arg16[%swap3A_551, %swap3A_552], %swap3A_555 {strides = array<i32>} : memref<120x64xf32, #tpu.memory_space<vmem>>, vector<1x16xf32>,
        %mul3A_556 = arith.constant 2 : i32
        %mul3A_557 = arith.muli %mul3A_556, %add3A_431 : i32
        %add3A_558 = arith.constant 1 : i32
        %add3A_559 = arith.addi %mul3A_557, %add3A_558 : i32
        %get3A_560 = arith.index_cast %add3A_559 : i32 to index
        %get3A_561 = arith.constant 80 : index
        %get3A_562 = tpu.vector_load %arg13[%get3A_560, %get3A_561] {strides = array<i32>} : memref<200x128xf32, #tpu.memory_space<vmem>>, vector<1x16xf32>,
        %get3A_563 = vector.shape_cast %get3A_562 : vector<1x16xf32> to vector<16xf32>
        %get3A_564 = arith.index_cast %add3A_431 : i32 to index
        %get3A_565 = arith.constant 80 : index
        %get3A_566 = tpu.vector_load %arg12[%get3A_564, %get3A_565] {strides = array<i32>} : memref<104x128xf32, #tpu.memory_space<vmem>>, vector<1x16xf32>,
        %get3A_567 = vector.shape_cast %get3A_566 : vector<1x16xf32> to vector<16xf32>
        %add3A_568 = arith.addf %get3A_563, %get3A_567 : vector<16xf32>
        %max3A_569 = arith.constant 0.000000e+00 : f32
        %max3A_570 = vector.broadcast %max3A_569 : f32 to vector<16xf32>
        %max3A_571 = arith.maximumf %add3A_568, %max3A_570 : vector<16xf32>
        %mul3A_572 = arith.constant 2 : i32
        %mul3A_573 = arith.muli %mul3A_572, %scan3A_428 : i32
        %add3A_574 = arith.constant 1 : i32
        %add3A_575 = arith.addi %mul3A_573, %add3A_574 : i32
        %swap3A_576 = arith.index_cast %add3A_575 : i32 to index
        %swap3A_577 = arith.constant 16 : index
        %swap3A_578 = tpu.vector_load %arg16[%swap3A_576, %swap3A_577] {strides = array<i32>} : memref<120x64xf32, #tpu.memory_space<vmem>>, vector<1x16xf32>,
        %swap3A_579 = vector.shape_cast %swap3A_578 : vector<1x16xf32> to vector<16xf32>
        %swap3A_580 = vector.shape_cast %max3A_571 : vector<16xf32> to vector<1x16xf32>
        tpu.vector_store %arg16[%swap3A_576, %swap3A_577], %swap3A_580 {strides = array<i32>} : memref<120x64xf32, #tpu.memory_space<vmem>>, vector<1x16xf32>,
        %mul3A_581 = arith.constant 2 : i32
        %mul3A_582 = arith.muli %mul3A_581, %add3A_431 : i32
        %add3A_583 = arith.constant 1 : i32
        %add3A_584 = arith.addi %mul3A_582, %add3A_583 : i32
        %get3A_585 = arith.index_cast %add3A_584 : i32 to index
        %get3A_586 = arith.constant 96 : index
        %get3A_587 = tpu.vector_load %arg13[%get3A_585, %get3A_586] {strides = array<i32>} : memref<200x128xf32, #tpu.memory_space<vmem>>, vector<1x16xf32>,
        %get3A_588 = vector.shape_cast %get3A_587 : vector<1x16xf32> to vector<16xf32>
        %get3A_589 = arith.index_cast %add3A_431 : i32 to index
        %get3A_590 = arith.constant 96 : index
        %get3A_591 = tpu.vector_load %arg12[%get3A_589, %get3A_590] {strides = array<i32>} : memref<104x128xf32, #tpu.memory_space<vmem>>, vector<1x16xf32>,
        %get3A_592 = vector.shape_cast %get3A_591 : vector<1x16xf32> to vector<16xf32>
        %add3A_593 = arith.addf %get3A_588, %get3A_592 : vector<16xf32>
        %max3A_594 = arith.constant 0.000000e+00 : f32
        %max3A_595 = vector.broadcast %max3A_594 : f32 to vector<16xf32>
        %max3A_596 = arith.maximumf %add3A_593, %max3A_595 : vector<16xf32>
        %mul3A_597 = arith.constant 2 : i32
        %mul3A_598 = arith.muli %mul3A_597, %scan3A_428 : i32
        %add3A_599 = arith.constant 1 : i32
        %add3A_600 = arith.addi %mul3A_598, %add3A_599 : i32
        %swap3A_601 = arith.index_cast %add3A_600 : i32 to index
        %swap3A_602 = arith.constant 32 : index
        %swap3A_603 = tpu.vector_load %arg16[%swap3A_601, %swap3A_602] {strides = array<i32>} : memref<120x64xf32, #tpu.memory_space<vmem>>, vector<1x16xf32>,
        %swap3A_604 = vector.shape_cast %swap3A_603 : vector<1x16xf32> to vector<16xf32>
        %swap3A_605 = vector.shape_cast %max3A_596 : vector<16xf32> to vector<1x16xf32>
        tpu.vector_store %arg16[%swap3A_601, %swap3A_602], %swap3A_605 {strides = array<i32>} : memref<120x64xf32, #tpu.memory_space<vmem>>, vector<1x16xf32>,
        %mul3A_606 = arith.constant 2 : i32
        %mul3A_607 = arith.muli %mul3A_606, %add3A_431 : i32
        %add3A_608 = arith.constant 1 : i32
        %add3A_609 = arith.addi %mul3A_607, %add3A_608 : i32
        %get3A_610 = arith.index_cast %add3A_609 : i32 to index
        %get3A_611 = arith.constant 112 : index
        %get3A_612 = tpu.vector_load %arg13[%get3A_610, %get3A_611] {strides = array<i32>} : memref<200x128xf32, #tpu.memory_space<vmem>>, vector<1x16xf32>,
        %get3A_613 = vector.shape_cast %get3A_612 : vector<1x16xf32> to vector<16xf32>
        %get3A_614 = arith.index_cast %add3A_431 : i32 to index
        %get3A_615 = arith.constant 112 : index
        %get3A_616 = tpu.vector_load %arg12[%get3A_614, %get3A_615] {strides = array<i32>} : memref<104x128xf32, #tpu.memory_space<vmem>>, vector<1x16xf32>,
        %get3A_617 = vector.shape_cast %get3A_616 : vector<1x16xf32> to vector<16xf32>
        %add3A_618 = arith.addf %get3A_613, %get3A_617 : vector<16xf32>
        %max3A_619 = arith.constant 0.000000e+00 : f32
        %max3A_620 = vector.broadcast %max3A_619 : f32 to vector<16xf32>
        %max3A_621 = arith.maximumf %add3A_618, %max3A_620 : vector<16xf32>
        %mul3A_622 = arith.constant 2 : i32
        %mul3A_623 = arith.muli %mul3A_622, %scan3A_428 : i32
        %add3A_624 = arith.constant 1 : i32
        %add3A_625 = arith.addi %mul3A_623, %add3A_624 : i32
        %swap3A_626 = arith.index_cast %add3A_625 : i32 to index
        %swap3A_627 = arith.constant 48 : index
        %swap3A_628 = tpu.vector_load %arg16[%swap3A_626, %swap3A_627] {strides = array<i32>} : memref<120x64xf32, #tpu.memory_space<vmem>>, vector<1x16xf32>,
        %swap3A_629 = vector.shape_cast %swap3A_628 : vector<1x16xf32> to vector<16xf32>
        %swap3A_630 = vector.shape_cast %max3A_621 : vector<16xf32> to vector<1x16xf32>
        tpu.vector_store %arg16[%swap3A_626, %swap3A_627], %swap3A_630 {strides = array<i32>} : memref<120x64xf32, #tpu.memory_space<vmem>>, vector<1x16xf32>,
        %scan3A_631 = arith.constant 0 : i32
        scf.yield %scan3A_631 : i32
      }
      %scan3A_256 = arith.constant 40 : i32
      "tpu.region"() ({
        %run_scoped3A = tpu.sem_alloc : memref<!tpu.dma_semaphore, #tpu.memory_space<semaphore_mem>>
        %dma_start3A_428 = arith.constant 0 : i32
        %dma_start3A_429 = arith.constant 0 : i32
        %dma_start3A_430 = tpu.memref_slice %arg16[%dma_start3A_428, %dma_start3A_429] : memref<120x64xf32, #tpu.memory_space<vmem>> -> memref<80x64xf32, #tpu.memory_space<vmem>>
        %dma_start3A_431 = arith.constant 120 : i32
        %dma_start3A_432 = tpu.memref_slice %arg9[%dma_start3A_431] : memref<400xi32, #tpu.memory_space<vmem>> -> memref<80xi32, #tpu.memory_space<vmem>>
        %dma_start3A_433 = arith.constant 0 : i32
        %dma_start3A_434 = arith.constant 0 : i32
        %dma_start3A_435 = tpu.memref_slice %arg22[%dma_start3A_433, %dma_start3A_434] : memref<10000x64xf32, #tpu.memory_space<vmem_shared>> -> memref<10000x64xf32, #tpu.memory_space<vmem_shared>>
        tpu.enqueue_indirect_dma source(%dma_start3A_430 : memref<80x64xf32, #tpu.memory_space<vmem>>) target(%dma_start3A_435 : memref<10000x64xf32, #tpu.memory_space<vmem_shared>>) offsets(%dma_start3A_432 : memref<80xi32, #tpu.memory_space<vmem>>) semaphore(%run_scoped3A : memref<!tpu.dma_semaphore, #tpu.memory_space<semaphore_mem>>) {add = true}
        %dma_wait3A_436 = arith.constant 0 : i32
        %dma_wait3A_437 = arith.constant 0 : i32
        %dma_wait3A_438 = tpu.memref_slice %arg16[%dma_wait3A_436, %dma_wait3A_437] : memref<120x64xf32, #tpu.memory_space<vmem>> -> memref<80x64xf32, #tpu.memory_space<vmem>>
        %dma_wait3A_439 = arith.constant 120 : i32
        %dma_wait3A_440 = tpu.memref_slice %arg9[%dma_wait3A_439] : memref<400xi32, #tpu.memory_space<vmem>> -> memref<80xi32, #tpu.memory_space<vmem>>
        %dma_wait3A_441 = arith.constant 0 : i32
        %dma_wait3A_442 = arith.constant 0 : i32
        %dma_wait3A_443 = tpu.memref_slice %arg22[%dma_wait3A_441, %dma_wait3A_442] : memref<10000x64xf32, #tpu.memory_space<vmem_shared>> -> memref<10000x64xf32, #tpu.memory_space<vmem_shared>>
        tpu.wait_indirect_dma semaphore(%run_scoped3A : memref<!tpu.dma_semaphore, #tpu.memory_space<semaphore_mem>>) src(%dma_wait3A_438 : memref<80x64xf32, #tpu.memory_space<vmem>>) dst(%dma_wait3A_443 : memref<10000x64xf32, #tpu.memory_space<vmem_shared>>)
        tpu.yield
      }) : () -> ()
      %mul3A_257 = arith.constant 100 : i32
      %mul3A_258 = arith.muli %arg1, %mul3A_257 : i32
      %mul3A_259 = arith.constant 2 : i32
      %mul3A_260 = arith.muli %scan3A_79, %mul3A_259 : i32
      %add3A_261 = arith.addi %mul3A_258, %mul3A_260 : i32
      %add3A_262 = arith.constant 1 : i32
      %add3A_263 = arith.addi %add3A_261, %add3A_262 : i32
      %mul3A_264 = arith.constant 2 : i32
      %mul3A_265 = arith.muli %mul3A_264, %arg0 : i32
      %add3A_266 = arith.constant 1 : i32
      %add3A_267 = arith.addi %mul3A_265, %add3A_266 : i32
      %mul3A_268 = arith.constant 160000 : i32
      %mul3A_269 = arith.muli %add3A_267, %mul3A_268 : i32
      %jit3A_270 = arith.constant 8 : i32
      %div3A_271 = arith.divsi %add3A_263, %jit3A_270 : i32
      %sign3A_272 = arith.constant 0 : i32
      %sign3A_273 = arith.cmpi sgt, %add3A_263, %sign3A_272 : i32
      %sign3A_274 = arith.extui %sign3A_273 : i1 to i32
      %sign3A_275 = arith.constant 0 : i32
      %sign3A_276 = arith.cmpi slt, %add3A_263, %sign3A_275 : i32
      %sign3A_277 = arith.extui %sign3A_276 : i1 to i32
      %sign3A_278 = arith.subi %sign3A_274, %sign3A_277 : i32
      %sign3A_279 = arith.constant 0 : i32
      %sign3A_280 = arith.cmpi sgt, %jit3A_270, %sign3A_279 : i32
      %sign3A_281 = arith.extui %sign3A_280 : i1 to i32
      %sign3A_282 = arith.constant 0 : i32
      %sign3A_283 = arith.cmpi slt, %jit3A_270, %sign3A_282 : i32
      %sign3A_284 = arith.extui %sign3A_283 : i1 to i32
      %sign3A_285 = arith.subi %sign3A_281, %sign3A_284 : i32
      %ne3A_286 = arith.cmpi ne, %sign3A_278, %sign3A_285 : i32
      %rem3A_287 = arith.remsi %add3A_263, %jit3A_270 : i32
      %ne3A_288 = arith.constant 0 : i32
      %ne3A_289 = arith.cmpi ne, %rem3A_287, %ne3A_288 : i32
      %and3A_290 = arith.andi %ne3A_286, %ne3A_289 : i1
      %sub3A_291 = arith.constant 1 : i32
      %sub3A_292 = arith.subi %div3A_271, %sub3A_291 : i32
      %select_n3A_293 = arith.select %and3A_290, %sub3A_292, %div3A_271 : i32
      %mul3A_294 = arith.constant 200 : i32
      %mul3A_295 = arith.muli %select_n3A_293, %mul3A_294 : i32
      %add3A_296 = arith.addi %mul3A_269, %mul3A_295 : i32
      %jit3A_297 = arith.constant 8 : i32
      %eq3A_298 = arith.constant 0 : i32
      %eq3A_299 = arith.cmpi eq, %jit3A_297, %eq3A_298 : i32
      %jit3A_300 = arith.constant 1 : i32
      %select_n3A_301 = arith.select %eq3A_299, %jit3A_300, %jit3A_297 : i32
      %rem3A_302 = arith.remsi %add3A_263, %select_n3A_301 : i32
      %ne3A_303 = arith.constant 0 : i32
      %ne3A_304 = arith.cmpi ne, %rem3A_302, %ne3A_303 : i32
      %lt3A_305 = arith.constant 0 : i32
      %lt3A_306 = arith.cmpi slt, %rem3A_302, %lt3A_305 : i32
      %lt3A_307 = arith.constant 0 : i32
      %lt3A_308 = arith.cmpi slt, %select_n3A_301, %lt3A_307 : i32
      %ne3A_309 = arith.xori %lt3A_306, %lt3A_308 : i1
      %and3A_310 = arith.andi %ne3A_309, %ne3A_304 : i1
      %add3A_311 = arith.addi %rem3A_302, %select_n3A_301 : i32
      %select_n3A_312 = arith.select %and3A_310, %add3A_311, %rem3A_302 : i32
      %mul3A_313 = arith.constant 25 : i32
      %mul3A_314 = arith.muli %select_n3A_312, %mul3A_313 : i32
      %add3A_315 = arith.addi %add3A_296, %mul3A_314 : i32
      %add3A_316 = vector.broadcast %add3A_315 : i32 to vector<16xi32>
      %add3A_317 = arith.addi %get3A_2, %add3A_316 : vector<16xi32>
      %add3A_318 = arith.constant 0 : i32
      %add3A_319 = vector.broadcast %add3A_318 : i32 to vector<16xi32>
      %add3A_320 = arith.addi %get3A_5, %add3A_319 : vector<16xi32>
      %add3A_321 = arith.addi %add3A_317, %add3A_320 : vector<16xi32>
      %swap3A_322 = arith.constant 0 : index
      %swap3A_323 = tpu.vector_load %arg10[%swap3A_322] {strides = array<i32>} : memref<112xi32, #tpu.memory_space<vmem>>, vector<16xi32>,
      %swap3A_324 = vector.shape_cast %swap3A_323 : vector<16xi32> to vector<16xi32>
      %swap3A_325 = vector.shape_cast %add3A_321 : vector<16xi32> to vector<16xi32>
      tpu.vector_store %arg10[%swap3A_322], %swap3A_325 {strides = array<i32>} : memref<112xi32, #tpu.memory_space<vmem>>, vector<16xi32>,
      %add3A_326 = arith.constant 4 : i32
      %add3A_327 = vector.broadcast %add3A_326 : i32 to vector<16xi32>
      %add3A_328 = arith.addi %get3A_5, %add3A_327 : vector<16xi32>
      %add3A_329 = arith.addi %add3A_317, %add3A_328 : vector<16xi32>
      %swap3A_330 = arith.constant 16 : index
      %swap3A_331 = tpu.vector_load %arg10[%swap3A_330] {strides = array<i32>} : memref<112xi32, #tpu.memory_space<vmem>>, vector<16xi32>,
      %swap3A_332 = vector.shape_cast %swap3A_331 : vector<16xi32> to vector<16xi32>
      %swap3A_333 = vector.shape_cast %add3A_329 : vector<16xi32> to vector<16xi32>
      tpu.vector_store %arg10[%swap3A_330], %swap3A_333 {strides = array<i32>} : memref<112xi32, #tpu.memory_space<vmem>>, vector<16xi32>,
      %add3A_334 = arith.constant 8 : i32
      %add3A_335 = vector.broadcast %add3A_334 : i32 to vector<16xi32>
      %add3A_336 = arith.addi %get3A_5, %add3A_335 : vector<16xi32>
      %add3A_337 = arith.addi %add3A_317, %add3A_336 : vector<16xi32>
      %swap3A_338 = arith.constant 32 : index
      %swap3A_339 = tpu.vector_load %arg10[%swap3A_338] {strides = array<i32>} : memref<112xi32, #tpu.memory_space<vmem>>, vector<16xi32>,
      %swap3A_340 = vector.shape_cast %swap3A_339 : vector<16xi32> to vector<16xi32>
      %swap3A_341 = vector.shape_cast %add3A_337 : vector<16xi32> to vector<16xi32>
      tpu.vector_store %arg10[%swap3A_338], %swap3A_341 {strides = array<i32>} : memref<112xi32, #tpu.memory_space<vmem>>, vector<16xi32>,
      %add3A_342 = arith.constant 12 : i32
      %add3A_343 = vector.broadcast %add3A_342 : i32 to vector<16xi32>
      %add3A_344 = arith.addi %get3A_5, %add3A_343 : vector<16xi32>
      %add3A_345 = arith.addi %add3A_317, %add3A_344 : vector<16xi32>
      %swap3A_346 = arith.constant 48 : index
      %swap3A_347 = tpu.vector_load %arg10[%swap3A_346] {strides = array<i32>} : memref<112xi32, #tpu.memory_space<vmem>>, vector<16xi32>,
      %swap3A_348 = vector.shape_cast %swap3A_347 : vector<16xi32> to vector<16xi32>
      %swap3A_349 = vector.shape_cast %add3A_345 : vector<16xi32> to vector<16xi32>
      tpu.vector_store %arg10[%swap3A_346], %swap3A_349 {strides = array<i32>} : memref<112xi32, #tpu.memory_space<vmem>>, vector<16xi32>,
      %add3A_350 = arith.constant 16 : i32
      %add3A_351 = vector.broadcast %add3A_350 : i32 to vector<16xi32>
      %add3A_352 = arith.addi %get3A_5, %add3A_351 : vector<16xi32>
      %add3A_353 = arith.addi %add3A_317, %add3A_352 : vector<16xi32>
      %swap3A_354 = arith.constant 64 : index
      %swap3A_355 = tpu.vector_load %arg10[%swap3A_354] {strides = array<i32>} : memref<112xi32, #tpu.memory_space<vmem>>, vector<16xi32>,
      %swap3A_356 = vector.shape_cast %swap3A_355 : vector<16xi32> to vector<16xi32>
      %swap3A_357 = vector.shape_cast %add3A_353 : vector<16xi32> to vector<16xi32>
      tpu.vector_store %arg10[%swap3A_354], %swap3A_357 {strides = array<i32>} : memref<112xi32, #tpu.memory_space<vmem>>, vector<16xi32>,
      %add3A_358 = arith.constant 20 : i32
      %add3A_359 = vector.broadcast %add3A_358 : i32 to vector<16xi32>
      %add3A_360 = arith.addi %get3A_5, %add3A_359 : vector<16xi32>
      %add3A_361 = arith.addi %add3A_317, %add3A_360 : vector<16xi32>
      %swap3A_362 = arith.constant 80 : index
      %swap3A_363 = tpu.vector_load %arg10[%swap3A_362] {strides = array<i32>} : memref<112xi32, #tpu.memory_space<vmem>>, vector<16xi32>,
      %swap3A_364 = vector.shape_cast %swap3A_363 : vector<16xi32> to vector<16xi32>
      %swap3A_365 = vector.shape_cast %add3A_361 : vector<16xi32> to vector<16xi32>
      tpu.vector_store %arg10[%swap3A_362], %swap3A_365 {strides = array<i32>} : memref<112xi32, #tpu.memory_space<vmem>>, vector<16xi32>,
      %add3A_366 = arith.addi %add3A_317, %get3A_8 : vector<16xi32>
      %swap3A_367 = arith.constant 96 : index
      %swap3A_368 = tpu.vector_load %arg10[%swap3A_367] {strides = array<i32>} : memref<112xi32, #tpu.memory_space<vmem>>, vector<16xi32>,
      %swap3A_369 = vector.shape_cast %swap3A_368 : vector<16xi32> to vector<16xi32>
      %swap3A_370 = vector.shape_cast %add3A_366 : vector<16xi32> to vector<16xi32>
      tpu.vector_store %arg10[%swap3A_367], %swap3A_370 {strides = array<i32>} : memref<112xi32, #tpu.memory_space<vmem>>, vector<16xi32>,
      %dma_start3A_371 = arith.constant 0 : i32
      %dma_start3A_372 = tpu.memref_slice %arg10[%dma_start3A_371] : memref<112xi32, #tpu.memory_space<vmem>> -> memref<104xi32, #tpu.memory_space<vmem>>
      %dma_start3A_373 = arith.constant 0 : i32
      %dma_start3A_374 = arith.constant 0 : i32
      %dma_start3A_375 = tpu.memref_slice %arg3[%dma_start3A_373, %dma_start3A_374] : memref<1920000x128xf32, #tpu.memory_space<hbm>> -> memref<1920000x128xf32, #tpu.memory_space<hbm>>
      tpu.enqueue_indirect_dma source(%dma_start3A_375 : memref<1920000x128xf32, #tpu.memory_space<hbm>>) target(%arg12 : memref<104x128xf32, #tpu.memory_space<vmem>>) offsets(%dma_start3A_372 : memref<104xi32, #tpu.memory_space<vmem>>) semaphore(%arg19 : memref<!tpu.dma_semaphore, #tpu.memory_space<semaphore_mem>>)
      %dma_start3A_376 = arith.constant 0 : i32
      %dma_start3A_377 = arith.constant 0 : i32
      %dma_start3A_378 = tpu.memref_slice %arg13[%dma_start3A_376, %dma_start3A_377] : memref<200x128xf32, #tpu.memory_space<vmem>> -> memref<104x128xf32, #tpu.memory_space<vmem>>
      %dma_start3A_379 = arith.constant 200 : i32
      %dma_start3A_380 = tpu.memref_slice %arg8[%dma_start3A_379] : memref<400xi32, #tpu.memory_space<vmem>> -> memref<104xi32, #tpu.memory_space<vmem>>
      %dma_start3A_381 = arith.constant 0 : i32
      %dma_start3A_382 = arith.constant 0 : i32
      %dma_start3A_383 = tpu.memref_slice %arg2[%dma_start3A_381, %dma_start3A_382] : memref<20000x128xf32, #tpu.memory_space<hbm>> -> memref<20000x128xf32, #tpu.memory_space<hbm>>
      tpu.enqueue_indirect_dma source(%dma_start3A_383 : memref<20000x128xf32, #tpu.memory_space<hbm>>) target(%dma_start3A_378 : memref<104x128xf32, #tpu.memory_space<vmem>>) offsets(%dma_start3A_380 : memref<104xi32, #tpu.memory_space<vmem>>) semaphore(%arg19 : memref<!tpu.dma_semaphore, #tpu.memory_space<semaphore_mem>>)
      %dma_start3A_384 = arith.constant 104 : i32
      %dma_start3A_385 = arith.constant 0 : i32
      %dma_start3A_386 = tpu.memref_slice %arg13[%dma_start3A_384, %dma_start3A_385] : memref<200x128xf32, #tpu.memory_space<vmem>> -> memref<96x128xf32, #tpu.memory_space<vmem>>
      %dma_start3A_387 = arith.constant 304 : i32
      %dma_start3A_388 = tpu.memref_slice %arg8[%dma_start3A_387] : memref<400xi32, #tpu.memory_space<vmem>> -> memref<96xi32, #tpu.memory_space<vmem>>
      %dma_start3A_389 = arith.constant 0 : i32
      %dma_start3A_390 = arith.constant 0 : i32
      %dma_start3A_391 = tpu.memref_slice %arg2[%dma_start3A_389, %dma_start3A_390] : memref<20000x128xf32, #tpu.memory_space<hbm>> -> memref<20000x128xf32, #tpu.memory_space<hbm>>
      tpu.enqueue_indirect_dma source(%dma_start3A_391 : memref<20000x128xf32, #tpu.memory_space<hbm>>) target(%dma_start3A_386 : memref<96x128xf32, #tpu.memory_space<vmem>>) offsets(%dma_start3A_388 : memref<96xi32, #tpu.memory_space<vmem>>) semaphore(%arg19 : memref<!tpu.dma_semaphore, #tpu.memory_space<semaphore_mem>>)
      %dma_wait3A_392 = arith.constant 0 : i32
      %dma_wait3A_393 = tpu.memref_slice %arg10[%dma_wait3A_392] : memref<112xi32, #tpu.memory_space<vmem>> -> memref<104xi32, #tpu.memory_space<vmem>>
      %dma_wait3A_394 = arith.constant 0 : i32
      %dma_wait3A_395 = arith.constant 0 : i32
      %dma_wait3A_396 = tpu.memref_slice %arg3[%dma_wait3A_394, %dma_wait3A_395] : memref<1920000x128xf32, #tpu.memory_space<hbm>> -> memref<1920000x128xf32, #tpu.memory_space<hbm>>
      tpu.wait_indirect_dma semaphore(%arg19 : memref<!tpu.dma_semaphore, #tpu.memory_space<semaphore_mem>>) src(%dma_wait3A_396 : memref<1920000x128xf32, #tpu.memory_space<hbm>>) dst(%arg12 : memref<104x128xf32, #tpu.memory_space<vmem>>)
      %dma_wait3A_397 = arith.constant 0 : i32
      %dma_wait3A_398 = arith.constant 0 : i32
      %dma_wait3A_399 = tpu.memref_slice %arg13[%dma_wait3A_397, %dma_wait3A_398] : memref<200x128xf32, #tpu.memory_space<vmem>> -> memref<104x128xf32, #tpu.memory_space<vmem>>
      %dma_wait3A_400 = arith.constant 200 : i32
      %dma_wait3A_401 = tpu.memref_slice %arg8[%dma_wait3A_400] : memref<400xi32, #tpu.memory_space<vmem>> -> memref<104xi32, #tpu.memory_space<vmem>>
      %dma_wait3A_402 = arith.constant 0 : i32
      %dma_wait3A_403 = arith.constant 0 : i32
      %dma_wait3A_404 = tpu.memref_slice %arg2[%dma_wait3A_402, %dma_wait3A_403] : memref<20000x128xf32, #tpu.memory_space<hbm>> -> memref<20000x128xf32, #tpu.memory_space<hbm>>
      tpu.wait_indirect_dma semaphore(%arg19 : memref<!tpu.dma_semaphore, #tpu.memory_space<semaphore_mem>>) src(%dma_wait3A_404 : memref<20000x128xf32, #tpu.memory_space<hbm>>) dst(%dma_wait3A_399 : memref<104x128xf32, #tpu.memory_space<vmem>>)
      %dma_wait3A_405 = arith.constant 104 : i32
      %dma_wait3A_406 = arith.constant 0 : i32
      %dma_wait3A_407 = tpu.memref_slice %arg13[%dma_wait3A_405, %dma_wait3A_406] : memref<200x128xf32, #tpu.memory_space<vmem>> -> memref<96x128xf32, #tpu.memory_space<vmem>>
      %dma_wait3A_408 = arith.constant 304 : i32
      %dma_wait3A_409 = tpu.memref_slice %arg8[%dma_wait3A_408] : memref<400xi32, #tpu.memory_space<vmem>> -> memref<96xi32, #tpu.memory_space<vmem>>
      %dma_wait3A_410 = arith.constant 0 : i32
      %dma_wait3A_411 = arith.constant 0 : i32
      %dma_wait3A_412 = tpu.memref_slice %arg2[%dma_wait3A_410, %dma_wait3A_411] : memref<20000x128xf32, #tpu.memory_space<hbm>> -> memref<20000x128xf32, #tpu.memory_space<hbm>>
      tpu.wait_indirect_dma semaphore(%arg19 : memref<!tpu.dma_semaphore, #tpu.memory_space<semaphore_mem>>) src(%dma_wait3A_412 : memref<20000x128xf32, #tpu.memory_space<hbm>>) dst(%dma_wait3A_407 : memref<96x128xf32, #tpu.memory_space<vmem>>)
      %scan3A_413 = arith.constant 0 : i32
      %scan3A_414 = arith.constant 0 : i32
      %scan3A_415 = arith.constant 60 : i32
      %scan3A_416 = arith.addi %scan3A_414, %scan3A_415 : i32
      %scan3A_417 = arith.constant 1 : i32
      %scan3A_418 = scf.for %scan3A_428 = %scan3A_414 to %scan3A_416 step %scan3A_417 iter_args(%scan3A_429 = %scan3A_413) -> (i32)  : i32 {
        %add3A_430 = arith.constant 0 : i32
        %add3A_431 = arith.addi %add3A_430, %scan3A_428 : i32
        %mul3A_432 = arith.constant 2 : i32
        %mul3A_433 = arith.muli %mul3A_432, %add3A_431 : i32
        %add3A_434 = arith.constant 0 : i32
        %add3A_435 = arith.addi %mul3A_433, %add3A_434 : i32
        %get3A_436 = arith.index_cast %add3A_435 : i32 to index
        %get3A_437 = arith.constant 64 : index
        %get3A_438 = tpu.vector_load %arg13[%get3A_436, %get3A_437] {strides = array<i32>} : memref<200x128xf32, #tpu.memory_space<vmem>>, vector<1x16xf32>,
        %get3A_439 = vector.shape_cast %get3A_438 : vector<1x16xf32> to vector<16xf32>
        %get3A_440 = arith.index_cast %add3A_431 : i32 to index
        %get3A_441 = arith.constant 0 : index
        %get3A_442 = tpu.vector_load %arg12[%get3A_440, %get3A_441] {strides = array<i32>} : memref<104x128xf32, #tpu.memory_space<vmem>>, vector<1x16xf32>,
        %get3A_443 = vector.shape_cast %get3A_442 : vector<1x16xf32> to vector<16xf32>
        %add3A_444 = arith.addf %get3A_439, %get3A_443 : vector<16xf32>
        %max3A = arith.constant 0.000000e+00 : f32
        %max3A_445 = vector.broadcast %max3A : f32 to vector<16xf32>
        %max3A_446 = arith.maximumf %add3A_444, %max3A_445 : vector<16xf32>
        %mul3A_447 = arith.constant 2 : i32
        %mul3A_448 = arith.muli %mul3A_447, %scan3A_428 : i32
        %add3A_449 = arith.constant 0 : i32
        %add3A_450 = arith.addi %mul3A_448, %add3A_449 : i32
        %swap3A_451 = arith.index_cast %add3A_450 : i32 to index
        %swap3A_452 = arith.constant 0 : index
        %swap3A_453 = tpu.vector_load %arg16[%swap3A_451, %swap3A_452] {strides = array<i32>} : memref<120x64xf32, #tpu.memory_space<vmem>>, vector<1x16xf32>,
        %swap3A_454 = vector.shape_cast %swap3A_453 : vector<1x16xf32> to vector<16xf32>
        %swap3A_455 = vector.shape_cast %max3A_446 : vector<16xf32> to vector<1x16xf32>
        tpu.vector_store %arg16[%swap3A_451, %swap3A_452], %swap3A_455 {strides = array<i32>} : memref<120x64xf32, #tpu.memory_space<vmem>>, vector<1x16xf32>,
        %mul3A_456 = arith.constant 2 : i32
        %mul3A_457 = arith.muli %mul3A_456, %add3A_431 : i32
        %add3A_458 = arith.constant 0 : i32
        %add3A_459 = arith.addi %mul3A_457, %add3A_458 : i32
        %get3A_460 = arith.index_cast %add3A_459 : i32 to index
        %get3A_461 = arith.constant 80 : index
        %get3A_462 = tpu.vector_load %arg13[%get3A_460, %get3A_461] {strides = array<i32>} : memref<200x128xf32, #tpu.memory_space<vmem>>, vector<1x16xf32>,
        %get3A_463 = vector.shape_cast %get3A_462 : vector<1x16xf32> to vector<16xf32>
        %get3A_464 = arith.index_cast %add3A_431 : i32 to index
        %get3A_465 = arith.constant 16 : index
        %get3A_466 = tpu.vector_load %arg12[%get3A_464, %get3A_465] {strides = array<i32>} : memref<104x128xf32, #tpu.memory_space<vmem>>, vector<1x16xf32>,
        %get3A_467 = vector.shape_cast %get3A_466 : vector<1x16xf32> to vector<16xf32>
        %add3A_468 = arith.addf %get3A_463, %get3A_467 : vector<16xf32>
        %max3A_469 = arith.constant 0.000000e+00 : f32
        %max3A_470 = vector.broadcast %max3A_469 : f32 to vector<16xf32>
        %max3A_471 = arith.maximumf %add3A_468, %max3A_470 : vector<16xf32>
        %mul3A_472 = arith.constant 2 : i32
        %mul3A_473 = arith.muli %mul3A_472, %scan3A_428 : i32
        %add3A_474 = arith.constant 0 : i32
        %add3A_475 = arith.addi %mul3A_473, %add3A_474 : i32
        %swap3A_476 = arith.index_cast %add3A_475 : i32 to index
        %swap3A_477 = arith.constant 16 : index
        %swap3A_478 = tpu.vector_load %arg16[%swap3A_476, %swap3A_477] {strides = array<i32>} : memref<120x64xf32, #tpu.memory_space<vmem>>, vector<1x16xf32>,
        %swap3A_479 = vector.shape_cast %swap3A_478 : vector<1x16xf32> to vector<16xf32>
        %swap3A_480 = vector.shape_cast %max3A_471 : vector<16xf32> to vector<1x16xf32>
        tpu.vector_store %arg16[%swap3A_476, %swap3A_477], %swap3A_480 {strides = array<i32>} : memref<120x64xf32, #tpu.memory_space<vmem>>, vector<1x16xf32>,
        %mul3A_481 = arith.constant 2 : i32
        %mul3A_482 = arith.muli %mul3A_481, %add3A_431 : i32
        %add3A_483 = arith.constant 0 : i32
        %add3A_484 = arith.addi %mul3A_482, %add3A_483 : i32
        %get3A_485 = arith.index_cast %add3A_484 : i32 to index
        %get3A_486 = arith.constant 96 : index
        %get3A_487 = tpu.vector_load %arg13[%get3A_485, %get3A_486] {strides = array<i32>} : memref<200x128xf32, #tpu.memory_space<vmem>>, vector<1x16xf32>,
        %get3A_488 = vector.shape_cast %get3A_487 : vector<1x16xf32> to vector<16xf32>
        %get3A_489 = arith.index_cast %add3A_431 : i32 to index
        %get3A_490 = arith.constant 32 : index
        %get3A_491 = tpu.vector_load %arg12[%get3A_489, %get3A_490] {strides = array<i32>} : memref<104x128xf32, #tpu.memory_space<vmem>>, vector<1x16xf32>,
        %get3A_492 = vector.shape_cast %get3A_491 : vector<1x16xf32> to vector<16xf32>
        %add3A_493 = arith.addf %get3A_488, %get3A_492 : vector<16xf32>
        %max3A_494 = arith.constant 0.000000e+00 : f32
        %max3A_495 = vector.broadcast %max3A_494 : f32 to vector<16xf32>
        %max3A_496 = arith.maximumf %add3A_493, %max3A_495 : vector<16xf32>
        %mul3A_497 = arith.constant 2 : i32
        %mul3A_498 = arith.muli %mul3A_497, %scan3A_428 : i32
        %add3A_499 = arith.constant 0 : i32
        %add3A_500 = arith.addi %mul3A_498, %add3A_499 : i32
        %swap3A_501 = arith.index_cast %add3A_500 : i32 to index
        %swap3A_502 = arith.constant 32 : index
        %swap3A_503 = tpu.vector_load %arg16[%swap3A_501, %swap3A_502] {strides = array<i32>} : memref<120x64xf32, #tpu.memory_space<vmem>>, vector<1x16xf32>,
        %swap3A_504 = vector.shape_cast %swap3A_503 : vector<1x16xf32> to vector<16xf32>
        %swap3A_505 = vector.shape_cast %max3A_496 : vector<16xf32> to vector<1x16xf32>
        tpu.vector_store %arg16[%swap3A_501, %swap3A_502], %swap3A_505 {strides = array<i32>} : memref<120x64xf32, #tpu.memory_space<vmem>>, vector<1x16xf32>,
        %mul3A_506 = arith.constant 2 : i32
        %mul3A_507 = arith.muli %mul3A_506, %add3A_431 : i32
        %add3A_508 = arith.constant 0 : i32
        %add3A_509 = arith.addi %mul3A_507, %add3A_508 : i32
        %get3A_510 = arith.index_cast %add3A_509 : i32 to index
        %get3A_511 = arith.constant 112 : index
        %get3A_512 = tpu.vector_load %arg13[%get3A_510, %get3A_511] {strides = array<i32>} : memref<200x128xf32, #tpu.memory_space<vmem>>, vector<1x16xf32>,
        %get3A_513 = vector.shape_cast %get3A_512 : vector<1x16xf32> to vector<16xf32>
        %get3A_514 = arith.index_cast %add3A_431 : i32 to index
        %get3A_515 = arith.constant 48 : index
        %get3A_516 = tpu.vector_load %arg12[%get3A_514, %get3A_515] {strides = array<i32>} : memref<104x128xf32, #tpu.memory_space<vmem>>, vector<1x16xf32>,
        %get3A_517 = vector.shape_cast %get3A_516 : vector<1x16xf32> to vector<16xf32>
        %add3A_518 = arith.addf %get3A_513, %get3A_517 : vector<16xf32>
        %max3A_519 = arith.constant 0.000000e+00 : f32
        %max3A_520 = vector.broadcast %max3A_519 : f32 to vector<16xf32>
        %max3A_521 = arith.maximumf %add3A_518, %max3A_520 : vector<16xf32>
        %mul3A_522 = arith.constant 2 : i32
        %mul3A_523 = arith.muli %mul3A_522, %scan3A_428 : i32
        %add3A_524 = arith.constant 0 : i32
        %add3A_525 = arith.addi %mul3A_523, %add3A_524 : i32
        %swap3A_526 = arith.index_cast %add3A_525 : i32 to index
        %swap3A_527 = arith.constant 48 : index
        %swap3A_528 = tpu.vector_load %arg16[%swap3A_526, %swap3A_527] {strides = array<i32>} : memref<120x64xf32, #tpu.memory_space<vmem>>, vector<1x16xf32>,
        %swap3A_529 = vector.shape_cast %swap3A_528 : vector<1x16xf32> to vector<16xf32>
        %swap3A_530 = vector.shape_cast %max3A_521 : vector<16xf32> to vector<1x16xf32>
        tpu.vector_store %arg16[%swap3A_526, %swap3A_527], %swap3A_530 {strides = array<i32>} : memref<120x64xf32, #tpu.memory_space<vmem>>, vector<1x16xf32>,
        %mul3A_531 = arith.constant 2 : i32
        %mul3A_532 = arith.muli %mul3A_531, %add3A_431 : i32
        %add3A_533 = arith.constant 1 : i32
        %add3A_534 = arith.addi %mul3A_532, %add3A_533 : i32
        %get3A_535 = arith.index_cast %add3A_534 : i32 to index
        %get3A_536 = arith.constant 64 : index
        %get3A_537 = tpu.vector_load %arg13[%get3A_535, %get3A_536] {strides = array<i32>} : memref<200x128xf32, #tpu.memory_space<vmem>>, vector<1x16xf32>,
        %get3A_538 = vector.shape_cast %get3A_537 : vector<1x16xf32> to vector<16xf32>
        %get3A_539 = arith.index_cast %add3A_431 : i32 to index
        %get3A_540 = arith.constant 64 : index
        %get3A_541 = tpu.vector_load %arg12[%get3A_539, %get3A_540] {strides = array<i32>} : memref<104x128xf32, #tpu.memory_space<vmem>>, vector<1x16xf32>,
        %get3A_542 = vector.shape_cast %get3A_541 : vector<1x16xf32> to vector<16xf32>
        %add3A_543 = arith.addf %get3A_538, %get3A_542 : vector<16xf32>
        %max3A_544 = arith.constant 0.000000e+00 : f32
        %max3A_545 = vector.broadcast %max3A_544 : f32 to vector<16xf32>
        %max3A_546 = arith.maximumf %add3A_543, %max3A_545 : vector<16xf32>
        %mul3A_547 = arith.constant 2 : i32
        %mul3A_548 = arith.muli %mul3A_547, %scan3A_428 : i32
        %add3A_549 = arith.constant 1 : i32
        %add3A_550 = arith.addi %mul3A_548, %add3A_549 : i32
        %swap3A_551 = arith.index_cast %add3A_550 : i32 to index
        %swap3A_552 = arith.constant 0 : index
        %swap3A_553 = tpu.vector_load %arg16[%swap3A_551, %swap3A_552] {strides = array<i32>} : memref<120x64xf32, #tpu.memory_space<vmem>>, vector<1x16xf32>,
        %swap3A_554 = vector.shape_cast %swap3A_553 : vector<1x16xf32> to vector<16xf32>
        %swap3A_555 = vector.shape_cast %max3A_546 : vector<16xf32> to vector<1x16xf32>
        tpu.vector_store %arg16[%swap3A_551, %swap3A_552], %swap3A_555 {strides = array<i32>} : memref<120x64xf32, #tpu.memory_space<vmem>>, vector<1x16xf32>,
        %mul3A_556 = arith.constant 2 : i32
        %mul3A_557 = arith.muli %mul3A_556, %add3A_431 : i32
        %add3A_558 = arith.constant 1 : i32
        %add3A_559 = arith.addi %mul3A_557, %add3A_558 : i32
        %get3A_560 = arith.index_cast %add3A_559 : i32 to index
        %get3A_561 = arith.constant 80 : index
        %get3A_562 = tpu.vector_load %arg13[%get3A_560, %get3A_561] {strides = array<i32>} : memref<200x128xf32, #tpu.memory_space<vmem>>, vector<1x16xf32>,
        %get3A_563 = vector.shape_cast %get3A_562 : vector<1x16xf32> to vector<16xf32>
        %get3A_564 = arith.index_cast %add3A_431 : i32 to index
        %get3A_565 = arith.constant 80 : index
        %get3A_566 = tpu.vector_load %arg12[%get3A_564, %get3A_565] {strides = array<i32>} : memref<104x128xf32, #tpu.memory_space<vmem>>, vector<1x16xf32>,
        %get3A_567 = vector.shape_cast %get3A_566 : vector<1x16xf32> to vector<16xf32>
        %add3A_568 = arith.addf %get3A_563, %get3A_567 : vector<16xf32>
        %max3A_569 = arith.constant 0.000000e+00 : f32
        %max3A_570 = vector.broadcast %max3A_569 : f32 to vector<16xf32>
        %max3A_571 = arith.maximumf %add3A_568, %max3A_570 : vector<16xf32>
        %mul3A_572 = arith.constant 2 : i32
        %mul3A_573 = arith.muli %mul3A_572, %scan3A_428 : i32
        %add3A_574 = arith.constant 1 : i32
        %add3A_575 = arith.addi %mul3A_573, %add3A_574 : i32
        %swap3A_576 = arith.index_cast %add3A_575 : i32 to index
        %swap3A_577 = arith.constant 16 : index
        %swap3A_578 = tpu.vector_load %arg16[%swap3A_576, %swap3A_577] {strides = array<i32>} : memref<120x64xf32, #tpu.memory_space<vmem>>, vector<1x16xf32>,
        %swap3A_579 = vector.shape_cast %swap3A_578 : vector<1x16xf32> to vector<16xf32>
        %swap3A_580 = vector.shape_cast %max3A_571 : vector<16xf32> to vector<1x16xf32>
        tpu.vector_store %arg16[%swap3A_576, %swap3A_577], %swap3A_580 {strides = array<i32>} : memref<120x64xf32, #tpu.memory_space<vmem>>, vector<1x16xf32>,
        %mul3A_581 = arith.constant 2 : i32
        %mul3A_582 = arith.muli %mul3A_581, %add3A_431 : i32
        %add3A_583 = arith.constant 1 : i32
        %add3A_584 = arith.addi %mul3A_582, %add3A_583 : i32
        %get3A_585 = arith.index_cast %add3A_584 : i32 to index
        %get3A_586 = arith.constant 96 : index
        %get3A_587 = tpu.vector_load %arg13[%get3A_585, %get3A_586] {strides = array<i32>} : memref<200x128xf32, #tpu.memory_space<vmem>>, vector<1x16xf32>,
        %get3A_588 = vector.shape_cast %get3A_587 : vector<1x16xf32> to vector<16xf32>
        %get3A_589 = arith.index_cast %add3A_431 : i32 to index
        %get3A_590 = arith.constant 96 : index
        %get3A_591 = tpu.vector_load %arg12[%get3A_589, %get3A_590] {strides = array<i32>} : memref<104x128xf32, #tpu.memory_space<vmem>>, vector<1x16xf32>,
        %get3A_592 = vector.shape_cast %get3A_591 : vector<1x16xf32> to vector<16xf32>
        %add3A_593 = arith.addf %get3A_588, %get3A_592 : vector<16xf32>
        %max3A_594 = arith.constant 0.000000e+00 : f32
        %max3A_595 = vector.broadcast %max3A_594 : f32 to vector<16xf32>
        %max3A_596 = arith.maximumf %add3A_593, %max3A_595 : vector<16xf32>
        %mul3A_597 = arith.constant 2 : i32
        %mul3A_598 = arith.muli %mul3A_597, %scan3A_428 : i32
        %add3A_599 = arith.constant 1 : i32
        %add3A_600 = arith.addi %mul3A_598, %add3A_599 : i32
        %swap3A_601 = arith.index_cast %add3A_600 : i32 to index
        %swap3A_602 = arith.constant 32 : index
        %swap3A_603 = tpu.vector_load %arg16[%swap3A_601, %swap3A_602] {strides = array<i32>} : memref<120x64xf32, #tpu.memory_space<vmem>>, vector<1x16xf32>,
        %swap3A_604 = vector.shape_cast %swap3A_603 : vector<1x16xf32> to vector<16xf32>
        %swap3A_605 = vector.shape_cast %max3A_596 : vector<16xf32> to vector<1x16xf32>
        tpu.vector_store %arg16[%swap3A_601, %swap3A_602], %swap3A_605 {strides = array<i32>} : memref<120x64xf32, #tpu.memory_space<vmem>>, vector<1x16xf32>,
        %mul3A_606 = arith.constant 2 : i32
        %mul3A_607 = arith.muli %mul3A_606, %add3A_431 : i32
        %add3A_608 = arith.constant 1 : i32
        %add3A_609 = arith.addi %mul3A_607, %add3A_608 : i32
        %get3A_610 = arith.index_cast %add3A_609 : i32 to index
        %get3A_611 = arith.constant 112 : index
        %get3A_612 = tpu.vector_load %arg13[%get3A_610, %get3A_611] {strides = array<i32>} : memref<200x128xf32, #tpu.memory_space<vmem>>, vector<1x16xf32>,
        %get3A_613 = vector.shape_cast %get3A_612 : vector<1x16xf32> to vector<16xf32>
        %get3A_614 = arith.index_cast %add3A_431 : i32 to index
        %get3A_615 = arith.constant 112 : index
        %get3A_616 = tpu.vector_load %arg12[%get3A_614, %get3A_615] {strides = array<i32>} : memref<104x128xf32, #tpu.memory_space<vmem>>, vector<1x16xf32>,
        %get3A_617 = vector.shape_cast %get3A_616 : vector<1x16xf32> to vector<16xf32>
        %add3A_618 = arith.addf %get3A_613, %get3A_617 : vector<16xf32>
        %max3A_619 = arith.constant 0.000000e+00 : f32
        %max3A_620 = vector.broadcast %max3A_619 : f32 to vector<16xf32>
        %max3A_621 = arith.maximumf %add3A_618, %max3A_620 : vector<16xf32>
        %mul3A_622 = arith.constant 2 : i32
        %mul3A_623 = arith.muli %mul3A_622, %scan3A_428 : i32
        %add3A_624 = arith.constant 1 : i32
        %add3A_625 = arith.addi %mul3A_623, %add3A_624 : i32
        %swap3A_626 = arith.index_cast %add3A_625 : i32 to index
        %swap3A_627 = arith.constant 48 : index
        %swap3A_628 = tpu.vector_load %arg16[%swap3A_626, %swap3A_627] {strides = array<i32>} : memref<120x64xf32, #tpu.memory_space<vmem>>, vector<1x16xf32>,
        %swap3A_629 = vector.shape_cast %swap3A_628 : vector<1x16xf32> to vector<16xf32>
        %swap3A_630 = vector.shape_cast %max3A_621 : vector<16xf32> to vector<1x16xf32>
        tpu.vector_store %arg16[%swap3A_626, %swap3A_627], %swap3A_630 {strides = array<i32>} : memref<120x64xf32, #tpu.memory_space<vmem>>, vector<1x16xf32>,
        %scan3A_631 = arith.constant 0 : i32
        scf.yield %scan3A_631 : i32
      }
      %scan3A_419 = arith.constant 60 : i32
      "tpu.region"() ({
        %run_scoped3A = tpu.sem_alloc : memref<!tpu.dma_semaphore, #tpu.memory_space<semaphore_mem>>
        %dma_start3A_428 = arith.constant 0 : i32
        %dma_start3A_429 = arith.constant 0 : i32
        %dma_start3A_430 = tpu.memref_slice %arg16[%dma_start3A_428, %dma_start3A_429] : memref<120x64xf32, #tpu.memory_space<vmem>> -> memref<120x64xf32, #tpu.memory_space<vmem>>
        %dma_start3A_431 = arith.constant 200 : i32
        %dma_start3A_432 = tpu.memref_slice %arg9[%dma_start3A_431] : memref<400xi32, #tpu.memory_space<vmem>> -> memref<120xi32, #tpu.memory_space<vmem>>
        %dma_start3A_433 = arith.constant 0 : i32
        %dma_start3A_434 = arith.constant 0 : i32
        %dma_start3A_435 = tpu.memref_slice %arg22[%dma_start3A_433, %dma_start3A_434] : memref<10000x64xf32, #tpu.memory_space<vmem_shared>> -> memref<10000x64xf32, #tpu.memory_space<vmem_shared>>
        tpu.enqueue_indirect_dma source(%dma_start3A_430 : memref<120x64xf32, #tpu.memory_space<vmem>>) target(%dma_start3A_435 : memref<10000x64xf32, #tpu.memory_space<vmem_shared>>) offsets(%dma_start3A_432 : memref<120xi32, #tpu.memory_space<vmem>>) semaphore(%run_scoped3A : memref<!tpu.dma_semaphore, #tpu.memory_space<semaphore_mem>>) {add = true}
        %dma_wait3A_436 = arith.constant 0 : i32
        %dma_wait3A_437 = arith.constant 0 : i32
        %dma_wait3A_438 = tpu.memref_slice %arg16[%dma_wait3A_436, %dma_wait3A_437] : memref<120x64xf32, #tpu.memory_space<vmem>> -> memref<120x64xf32, #tpu.memory_space<vmem>>
        %dma_wait3A_439 = arith.constant 200 : i32
        %dma_wait3A_440 = tpu.memref_slice %arg9[%dma_wait3A_439] : memref<400xi32, #tpu.memory_space<vmem>> -> memref<120xi32, #tpu.memory_space<vmem>>
        %dma_wait3A_441 = arith.constant 0 : i32
        %dma_wait3A_442 = arith.constant 0 : i32
        %dma_wait3A_443 = tpu.memref_slice %arg22[%dma_wait3A_441, %dma_wait3A_442] : memref<10000x64xf32, #tpu.memory_space<vmem_shared>> -> memref<10000x64xf32, #tpu.memory_space<vmem_shared>>
        tpu.wait_indirect_dma semaphore(%run_scoped3A : memref<!tpu.dma_semaphore, #tpu.memory_space<semaphore_mem>>) src(%dma_wait3A_438 : memref<120x64xf32, #tpu.memory_space<vmem>>) dst(%dma_wait3A_443 : memref<10000x64xf32, #tpu.memory_space<vmem_shared>>)
        tpu.yield
      }) : () -> ()
      %scan3A_420 = arith.constant 0 : i32
      %scan3A_421 = arith.constant 0 : i32
      %scan3A_422 = arith.constant 40 : i32
      %scan3A_423 = arith.addi %scan3A_421, %scan3A_422 : i32
      %scan3A_424 = arith.constant 1 : i32
      %scan3A_425 = scf.for %scan3A_428 = %scan3A_421 to %scan3A_423 step %scan3A_424 iter_args(%scan3A_429 = %scan3A_420) -> (i32)  : i32 {
        %add3A_430 = arith.constant 60 : i32
        %add3A_431 = arith.addi %add3A_430, %scan3A_428 : i32
        %mul3A_432 = arith.constant 2 : i32
        %mul3A_433 = arith.muli %mul3A_432, %add3A_431 : i32
        %add3A_434 = arith.constant 0 : i32
        %add3A_435 = arith.addi %mul3A_433, %add3A_434 : i32
        %get3A_436 = arith.index_cast %add3A_435 : i32 to index
        %get3A_437 = arith.constant 64 : index
        %get3A_438 = tpu.vector_load %arg13[%get3A_436, %get3A_437] {strides = array<i32>} : memref<200x128xf32, #tpu.memory_space<vmem>>, vector<1x16xf32>,
        %get3A_439 = vector.shape_cast %get3A_438 : vector<1x16xf32> to vector<16xf32>
        %get3A_440 = arith.index_cast %add3A_431 : i32 to index
        %get3A_441 = arith.constant 0 : index
        %get3A_442 = tpu.vector_load %arg12[%get3A_440, %get3A_441] {strides = array<i32>} : memref<104x128xf32, #tpu.memory_space<vmem>>, vector<1x16xf32>,
        %get3A_443 = vector.shape_cast %get3A_442 : vector<1x16xf32> to vector<16xf32>
        %add3A_444 = arith.addf %get3A_439, %get3A_443 : vector<16xf32>
        %max3A = arith.constant 0.000000e+00 : f32
        %max3A_445 = vector.broadcast %max3A : f32 to vector<16xf32>
        %max3A_446 = arith.maximumf %add3A_444, %max3A_445 : vector<16xf32>
        %mul3A_447 = arith.constant 2 : i32
        %mul3A_448 = arith.muli %mul3A_447, %scan3A_428 : i32
        %add3A_449 = arith.constant 0 : i32
        %add3A_450 = arith.addi %mul3A_448, %add3A_449 : i32
        %swap3A_451 = arith.index_cast %add3A_450 : i32 to index
        %swap3A_452 = arith.constant 0 : index
        %swap3A_453 = tpu.vector_load %arg16[%swap3A_451, %swap3A_452] {strides = array<i32>} : memref<120x64xf32, #tpu.memory_space<vmem>>, vector<1x16xf32>,
        %swap3A_454 = vector.shape_cast %swap3A_453 : vector<1x16xf32> to vector<16xf32>
        %swap3A_455 = vector.shape_cast %max3A_446 : vector<16xf32> to vector<1x16xf32>
        tpu.vector_store %arg16[%swap3A_451, %swap3A_452], %swap3A_455 {strides = array<i32>} : memref<120x64xf32, #tpu.memory_space<vmem>>, vector<1x16xf32>,
        %mul3A_456 = arith.constant 2 : i32
        %mul3A_457 = arith.muli %mul3A_456, %add3A_431 : i32
        %add3A_458 = arith.constant 0 : i32
        %add3A_459 = arith.addi %mul3A_457, %add3A_458 : i32
        %get3A_460 = arith.index_cast %add3A_459 : i32 to index
        %get3A_461 = arith.constant 80 : index
        %get3A_462 = tpu.vector_load %arg13[%get3A_460, %get3A_461] {strides = array<i32>} : memref<200x128xf32, #tpu.memory_space<vmem>>, vector<1x16xf32>,
        %get3A_463 = vector.shape_cast %get3A_462 : vector<1x16xf32> to vector<16xf32>
        %get3A_464 = arith.index_cast %add3A_431 : i32 to index
        %get3A_465 = arith.constant 16 : index
        %get3A_466 = tpu.vector_load %arg12[%get3A_464, %get3A_465] {strides = array<i32>} : memref<104x128xf32, #tpu.memory_space<vmem>>, vector<1x16xf32>,
        %get3A_467 = vector.shape_cast %get3A_466 : vector<1x16xf32> to vector<16xf32>
        %add3A_468 = arith.addf %get3A_463, %get3A_467 : vector<16xf32>
        %max3A_469 = arith.constant 0.000000e+00 : f32
        %max3A_470 = vector.broadcast %max3A_469 : f32 to vector<16xf32>
        %max3A_471 = arith.maximumf %add3A_468, %max3A_470 : vector<16xf32>
        %mul3A_472 = arith.constant 2 : i32
        %mul3A_473 = arith.muli %mul3A_472, %scan3A_428 : i32
        %add3A_474 = arith.constant 0 : i32
        %add3A_475 = arith.addi %mul3A_473, %add3A_474 : i32
        %swap3A_476 = arith.index_cast %add3A_475 : i32 to index
        %swap3A_477 = arith.constant 16 : index
        %swap3A_478 = tpu.vector_load %arg16[%swap3A_476, %swap3A_477] {strides = array<i32>} : memref<120x64xf32, #tpu.memory_space<vmem>>, vector<1x16xf32>,
        %swap3A_479 = vector.shape_cast %swap3A_478 : vector<1x16xf32> to vector<16xf32>
        %swap3A_480 = vector.shape_cast %max3A_471 : vector<16xf32> to vector<1x16xf32>
        tpu.vector_store %arg16[%swap3A_476, %swap3A_477], %swap3A_480 {strides = array<i32>} : memref<120x64xf32, #tpu.memory_space<vmem>>, vector<1x16xf32>,
        %mul3A_481 = arith.constant 2 : i32
        %mul3A_482 = arith.muli %mul3A_481, %add3A_431 : i32
        %add3A_483 = arith.constant 0 : i32
        %add3A_484 = arith.addi %mul3A_482, %add3A_483 : i32
        %get3A_485 = arith.index_cast %add3A_484 : i32 to index
        %get3A_486 = arith.constant 96 : index
        %get3A_487 = tpu.vector_load %arg13[%get3A_485, %get3A_486] {strides = array<i32>} : memref<200x128xf32, #tpu.memory_space<vmem>>, vector<1x16xf32>,
        %get3A_488 = vector.shape_cast %get3A_487 : vector<1x16xf32> to vector<16xf32>
        %get3A_489 = arith.index_cast %add3A_431 : i32 to index
        %get3A_490 = arith.constant 32 : index
        %get3A_491 = tpu.vector_load %arg12[%get3A_489, %get3A_490] {strides = array<i32>} : memref<104x128xf32, #tpu.memory_space<vmem>>, vector<1x16xf32>,
        %get3A_492 = vector.shape_cast %get3A_491 : vector<1x16xf32> to vector<16xf32>
        %add3A_493 = arith.addf %get3A_488, %get3A_492 : vector<16xf32>
        %max3A_494 = arith.constant 0.000000e+00 : f32
        %max3A_495 = vector.broadcast %max3A_494 : f32 to vector<16xf32>
        %max3A_496 = arith.maximumf %add3A_493, %max3A_495 : vector<16xf32>
        %mul3A_497 = arith.constant 2 : i32
        %mul3A_498 = arith.muli %mul3A_497, %scan3A_428 : i32
        %add3A_499 = arith.constant 0 : i32
        %add3A_500 = arith.addi %mul3A_498, %add3A_499 : i32
        %swap3A_501 = arith.index_cast %add3A_500 : i32 to index
        %swap3A_502 = arith.constant 32 : index
        %swap3A_503 = tpu.vector_load %arg16[%swap3A_501, %swap3A_502] {strides = array<i32>} : memref<120x64xf32, #tpu.memory_space<vmem>>, vector<1x16xf32>,
        %swap3A_504 = vector.shape_cast %swap3A_503 : vector<1x16xf32> to vector<16xf32>
        %swap3A_505 = vector.shape_cast %max3A_496 : vector<16xf32> to vector<1x16xf32>
        tpu.vector_store %arg16[%swap3A_501, %swap3A_502], %swap3A_505 {strides = array<i32>} : memref<120x64xf32, #tpu.memory_space<vmem>>, vector<1x16xf32>,
        %mul3A_506 = arith.constant 2 : i32
        %mul3A_507 = arith.muli %mul3A_506, %add3A_431 : i32
        %add3A_508 = arith.constant 0 : i32
        %add3A_509 = arith.addi %mul3A_507, %add3A_508 : i32
        %get3A_510 = arith.index_cast %add3A_509 : i32 to index
        %get3A_511 = arith.constant 112 : index
        %get3A_512 = tpu.vector_load %arg13[%get3A_510, %get3A_511] {strides = array<i32>} : memref<200x128xf32, #tpu.memory_space<vmem>>, vector<1x16xf32>,
        %get3A_513 = vector.shape_cast %get3A_512 : vector<1x16xf32> to vector<16xf32>
        %get3A_514 = arith.index_cast %add3A_431 : i32 to index
        %get3A_515 = arith.constant 48 : index
        %get3A_516 = tpu.vector_load %arg12[%get3A_514, %get3A_515] {strides = array<i32>} : memref<104x128xf32, #tpu.memory_space<vmem>>, vector<1x16xf32>,
        %get3A_517 = vector.shape_cast %get3A_516 : vector<1x16xf32> to vector<16xf32>
        %add3A_518 = arith.addf %get3A_513, %get3A_517 : vector<16xf32>
        %max3A_519 = arith.constant 0.000000e+00 : f32
        %max3A_520 = vector.broadcast %max3A_519 : f32 to vector<16xf32>
        %max3A_521 = arith.maximumf %add3A_518, %max3A_520 : vector<16xf32>
        %mul3A_522 = arith.constant 2 : i32
        %mul3A_523 = arith.muli %mul3A_522, %scan3A_428 : i32
        %add3A_524 = arith.constant 0 : i32
        %add3A_525 = arith.addi %mul3A_523, %add3A_524 : i32
        %swap3A_526 = arith.index_cast %add3A_525 : i32 to index
        %swap3A_527 = arith.constant 48 : index
        %swap3A_528 = tpu.vector_load %arg16[%swap3A_526, %swap3A_527] {strides = array<i32>} : memref<120x64xf32, #tpu.memory_space<vmem>>, vector<1x16xf32>,
        %swap3A_529 = vector.shape_cast %swap3A_528 : vector<1x16xf32> to vector<16xf32>
        %swap3A_530 = vector.shape_cast %max3A_521 : vector<16xf32> to vector<1x16xf32>
        tpu.vector_store %arg16[%swap3A_526, %swap3A_527], %swap3A_530 {strides = array<i32>} : memref<120x64xf32, #tpu.memory_space<vmem>>, vector<1x16xf32>,
        %mul3A_531 = arith.constant 2 : i32
        %mul3A_532 = arith.muli %mul3A_531, %add3A_431 : i32
        %add3A_533 = arith.constant 1 : i32
        %add3A_534 = arith.addi %mul3A_532, %add3A_533 : i32
        %get3A_535 = arith.index_cast %add3A_534 : i32 to index
        %get3A_536 = arith.constant 64 : index
        %get3A_537 = tpu.vector_load %arg13[%get3A_535, %get3A_536] {strides = array<i32>} : memref<200x128xf32, #tpu.memory_space<vmem>>, vector<1x16xf32>,
        %get3A_538 = vector.shape_cast %get3A_537 : vector<1x16xf32> to vector<16xf32>
        %get3A_539 = arith.index_cast %add3A_431 : i32 to index
        %get3A_540 = arith.constant 64 : index
        %get3A_541 = tpu.vector_load %arg12[%get3A_539, %get3A_540] {strides = array<i32>} : memref<104x128xf32, #tpu.memory_space<vmem>>, vector<1x16xf32>,
        %get3A_542 = vector.shape_cast %get3A_541 : vector<1x16xf32> to vector<16xf32>
        %add3A_543 = arith.addf %get3A_538, %get3A_542 : vector<16xf32>
        %max3A_544 = arith.constant 0.000000e+00 : f32
        %max3A_545 = vector.broadcast %max3A_544 : f32 to vector<16xf32>
        %max3A_546 = arith.maximumf %add3A_543, %max3A_545 : vector<16xf32>
        %mul3A_547 = arith.constant 2 : i32
        %mul3A_548 = arith.muli %mul3A_547, %scan3A_428 : i32
        %add3A_549 = arith.constant 1 : i32
        %add3A_550 = arith.addi %mul3A_548, %add3A_549 : i32
        %swap3A_551 = arith.index_cast %add3A_550 : i32 to index
        %swap3A_552 = arith.constant 0 : index
        %swap3A_553 = tpu.vector_load %arg16[%swap3A_551, %swap3A_552] {strides = array<i32>} : memref<120x64xf32, #tpu.memory_space<vmem>>, vector<1x16xf32>,
        %swap3A_554 = vector.shape_cast %swap3A_553 : vector<1x16xf32> to vector<16xf32>
        %swap3A_555 = vector.shape_cast %max3A_546 : vector<16xf32> to vector<1x16xf32>
        tpu.vector_store %arg16[%swap3A_551, %swap3A_552], %swap3A_555 {strides = array<i32>} : memref<120x64xf32, #tpu.memory_space<vmem>>, vector<1x16xf32>,
        %mul3A_556 = arith.constant 2 : i32
        %mul3A_557 = arith.muli %mul3A_556, %add3A_431 : i32
        %add3A_558 = arith.constant 1 : i32
        %add3A_559 = arith.addi %mul3A_557, %add3A_558 : i32
        %get3A_560 = arith.index_cast %add3A_559 : i32 to index
        %get3A_561 = arith.constant 80 : index
        %get3A_562 = tpu.vector_load %arg13[%get3A_560, %get3A_561] {strides = array<i32>} : memref<200x128xf32, #tpu.memory_space<vmem>>, vector<1x16xf32>,
        %get3A_563 = vector.shape_cast %get3A_562 : vector<1x16xf32> to vector<16xf32>
        %get3A_564 = arith.index_cast %add3A_431 : i32 to index
        %get3A_565 = arith.constant 80 : index
        %get3A_566 = tpu.vector_load %arg12[%get3A_564, %get3A_565] {strides = array<i32>} : memref<104x128xf32, #tpu.memory_space<vmem>>, vector<1x16xf32>,
        %get3A_567 = vector.shape_cast %get3A_566 : vector<1x16xf32> to vector<16xf32>
        %add3A_568 = arith.addf %get3A_563, %get3A_567 : vector<16xf32>
        %max3A_569 = arith.constant 0.000000e+00 : f32
        %max3A_570 = vector.broadcast %max3A_569 : f32 to vector<16xf32>
        %max3A_571 = arith.maximumf %add3A_568, %max3A_570 : vector<16xf32>
        %mul3A_572 = arith.constant 2 : i32
        %mul3A_573 = arith.muli %mul3A_572, %scan3A_428 : i32
        %add3A_574 = arith.constant 1 : i32
        %add3A_575 = arith.addi %mul3A_573, %add3A_574 : i32
        %swap3A_576 = arith.index_cast %add3A_575 : i32 to index
        %swap3A_577 = arith.constant 16 : index
        %swap3A_578 = tpu.vector_load %arg16[%swap3A_576, %swap3A_577] {strides = array<i32>} : memref<120x64xf32, #tpu.memory_space<vmem>>, vector<1x16xf32>,
        %swap3A_579 = vector.shape_cast %swap3A_578 : vector<1x16xf32> to vector<16xf32>
        %swap3A_580 = vector.shape_cast %max3A_571 : vector<16xf32> to vector<1x16xf32>
        tpu.vector_store %arg16[%swap3A_576, %swap3A_577], %swap3A_580 {strides = array<i32>} : memref<120x64xf32, #tpu.memory_space<vmem>>, vector<1x16xf32>,
        %mul3A_581 = arith.constant 2 : i32
        %mul3A_582 = arith.muli %mul3A_581, %add3A_431 : i32
        %add3A_583 = arith.constant 1 : i32
        %add3A_584 = arith.addi %mul3A_582, %add3A_583 : i32
        %get3A_585 = arith.index_cast %add3A_584 : i32 to index
        %get3A_586 = arith.constant 96 : index
        %get3A_587 = tpu.vector_load %arg13[%get3A_585, %get3A_586] {strides = array<i32>} : memref<200x128xf32, #tpu.memory_space<vmem>>, vector<1x16xf32>,
        %get3A_588 = vector.shape_cast %get3A_587 : vector<1x16xf32> to vector<16xf32>
        %get3A_589 = arith.index_cast %add3A_431 : i32 to index
        %get3A_590 = arith.constant 96 : index
        %get3A_591 = tpu.vector_load %arg12[%get3A_589, %get3A_590] {strides = array<i32>} : memref<104x128xf32, #tpu.memory_space<vmem>>, vector<1x16xf32>,
        %get3A_592 = vector.shape_cast %get3A_591 : vector<1x16xf32> to vector<16xf32>
        %add3A_593 = arith.addf %get3A_588, %get3A_592 : vector<16xf32>
        %max3A_594 = arith.constant 0.000000e+00 : f32
        %max3A_595 = vector.broadcast %max3A_594 : f32 to vector<16xf32>
        %max3A_596 = arith.maximumf %add3A_593, %max3A_595 : vector<16xf32>
        %mul3A_597 = arith.constant 2 : i32
        %mul3A_598 = arith.muli %mul3A_597, %scan3A_428 : i32
        %add3A_599 = arith.constant 1 : i32
        %add3A_600 = arith.addi %mul3A_598, %add3A_599 : i32
        %swap3A_601 = arith.index_cast %add3A_600 : i32 to index
        %swap3A_602 = arith.constant 32 : index
        %swap3A_603 = tpu.vector_load %arg16[%swap3A_601, %swap3A_602] {strides = array<i32>} : memref<120x64xf32, #tpu.memory_space<vmem>>, vector<1x16xf32>,
        %swap3A_604 = vector.shape_cast %swap3A_603 : vector<1x16xf32> to vector<16xf32>
        %swap3A_605 = vector.shape_cast %max3A_596 : vector<16xf32> to vector<1x16xf32>
        tpu.vector_store %arg16[%swap3A_601, %swap3A_602], %swap3A_605 {strides = array<i32>} : memref<120x64xf32, #tpu.memory_space<vmem>>, vector<1x16xf32>,
        %mul3A_606 = arith.constant 2 : i32
        %mul3A_607 = arith.muli %mul3A_606, %add3A_431 : i32
        %add3A_608 = arith.constant 1 : i32
        %add3A_609 = arith.addi %mul3A_607, %add3A_608 : i32
        %get3A_610 = arith.index_cast %add3A_609 : i32 to index
        %get3A_611 = arith.constant 112 : index
        %get3A_612 = tpu.vector_load %arg13[%get3A_610, %get3A_611] {strides = array<i32>} : memref<200x128xf32, #tpu.memory_space<vmem>>, vector<1x16xf32>,
        %get3A_613 = vector.shape_cast %get3A_612 : vector<1x16xf32> to vector<16xf32>
        %get3A_614 = arith.index_cast %add3A_431 : i32 to index
        %get3A_615 = arith.constant 112 : index
        %get3A_616 = tpu.vector_load %arg12[%get3A_614, %get3A_615] {strides = array<i32>} : memref<104x128xf32, #tpu.memory_space<vmem>>, vector<1x16xf32>,
        %get3A_617 = vector.shape_cast %get3A_616 : vector<1x16xf32> to vector<16xf32>
        %add3A_618 = arith.addf %get3A_613, %get3A_617 : vector<16xf32>
        %max3A_619 = arith.constant 0.000000e+00 : f32
        %max3A_620 = vector.broadcast %max3A_619 : f32 to vector<16xf32>
        %max3A_621 = arith.maximumf %add3A_618, %max3A_620 : vector<16xf32>
        %mul3A_622 = arith.constant 2 : i32
        %mul3A_623 = arith.muli %mul3A_622, %scan3A_428 : i32
        %add3A_624 = arith.constant 1 : i32
        %add3A_625 = arith.addi %mul3A_623, %add3A_624 : i32
        %swap3A_626 = arith.index_cast %add3A_625 : i32 to index
        %swap3A_627 = arith.constant 48 : index
        %swap3A_628 = tpu.vector_load %arg16[%swap3A_626, %swap3A_627] {strides = array<i32>} : memref<120x64xf32, #tpu.memory_space<vmem>>, vector<1x16xf32>,
        %swap3A_629 = vector.shape_cast %swap3A_628 : vector<1x16xf32> to vector<16xf32>
        %swap3A_630 = vector.shape_cast %max3A_621 : vector<16xf32> to vector<1x16xf32>
        tpu.vector_store %arg16[%swap3A_626, %swap3A_627], %swap3A_630 {strides = array<i32>} : memref<120x64xf32, #tpu.memory_space<vmem>>, vector<1x16xf32>,
        %scan3A_631 = arith.constant 0 : i32
        scf.yield %scan3A_631 : i32
      }
      %scan3A_426 = arith.constant 40 : i32
      "tpu.region"() ({
        %run_scoped3A = tpu.sem_alloc : memref<!tpu.dma_semaphore, #tpu.memory_space<semaphore_mem>>
        %dma_start3A_428 = arith.constant 0 : i32
        %dma_start3A_429 = arith.constant 0 : i32
        %dma_start3A_430 = tpu.memref_slice %arg16[%dma_start3A_428, %dma_start3A_429] : memref<120x64xf32, #tpu.memory_space<vmem>> -> memref<80x64xf32, #tpu.memory_space<vmem>>
        %dma_start3A_431 = arith.constant 320 : i32
        %dma_start3A_432 = tpu.memref_slice %arg9[%dma_start3A_431] : memref<400xi32, #tpu.memory_space<vmem>> -> memref<80xi32, #tpu.memory_space<vmem>>
        %dma_start3A_433 = arith.constant 0 : i32
        %dma_start3A_434 = arith.constant 0 : i32
        %dma_start3A_435 = tpu.memref_slice %arg22[%dma_start3A_433, %dma_start3A_434] : memref<10000x64xf32, #tpu.memory_space<vmem_shared>> -> memref<10000x64xf32, #tpu.memory_space<vmem_shared>>
        tpu.enqueue_indirect_dma source(%dma_start3A_430 : memref<80x64xf32, #tpu.memory_space<vmem>>) target(%dma_start3A_435 : memref<10000x64xf32, #tpu.memory_space<vmem_shared>>) offsets(%dma_start3A_432 : memref<80xi32, #tpu.memory_space<vmem>>) semaphore(%run_scoped3A : memref<!tpu.dma_semaphore, #tpu.memory_space<semaphore_mem>>) {add = true}
        %dma_wait3A_436 = arith.constant 0 : i32
        %dma_wait3A_437 = arith.constant 0 : i32
        %dma_wait3A_438 = tpu.memref_slice %arg16[%dma_wait3A_436, %dma_wait3A_437] : memref<120x64xf32, #tpu.memory_space<vmem>> -> memref<80x64xf32, #tpu.memory_space<vmem>>
        %dma_wait3A_439 = arith.constant 320 : i32
        %dma_wait3A_440 = tpu.memref_slice %arg9[%dma_wait3A_439] : memref<400xi32, #tpu.memory_space<vmem>> -> memref<80xi32, #tpu.memory_space<vmem>>
        %dma_wait3A_441 = arith.constant 0 : i32
        %dma_wait3A_442 = arith.constant 0 : i32
        %dma_wait3A_443 = tpu.memref_slice %arg22[%dma_wait3A_441, %dma_wait3A_442] : memref<10000x64xf32, #tpu.memory_space<vmem_shared>> -> memref<10000x64xf32, #tpu.memory_space<vmem_shared>>
        tpu.wait_indirect_dma semaphore(%run_scoped3A : memref<!tpu.dma_semaphore, #tpu.memory_space<semaphore_mem>>) src(%dma_wait3A_438 : memref<80x64xf32, #tpu.memory_space<vmem>>) dst(%dma_wait3A_443 : memref<10000x64xf32, #tpu.memory_space<vmem_shared>>)
        tpu.yield
      }) : () -> ()
      %scan3A_427 = arith.constant 0 : i32
      scf.yield %scan3A_427 : i32
    }
    %scan3A_55 = arith.constant 50 : i32
    %barrier3A_56 = arith.constant 0 : index
    tpu.barrier barrier_id(%barrier3A_56)
    %scan3A_57 = arith.constant 0 : i32
    %scan3A_58 = arith.constant 0 : i32
    %scan3A_59 = arith.constant 15 : i32
    %scan3A_60 = arith.addi %scan3A_58, %scan3A_59 : i32
    %scan3A_61 = arith.constant 1 : i32
    %scan3A_62 = scf.for %scan3A_79 = %scan3A_58 to %scan3A_60 step %scan3A_61 iter_args(%scan3A_80 = %scan3A_57) -> (i32)  : i32 {
      %mul3A_81 = arith.constant 40 : i32
      %mul3A_82 = arith.muli %scan3A_79, %mul3A_81 : i32
      %add3A_83 = arith.addi %mul3A_0, %mul3A_82 : i32
      "tpu.region"() ({
        %run_scoped3A = tpu.sem_alloc : memref<!tpu.dma_semaphore, #tpu.memory_space<semaphore_mem>>
        %dma_start3A = arith.constant 0 : i32
        %dma_start3A_98 = arith.constant 0 : i32
        %dma_start3A_99 = tpu.memref_slice %arg16[%dma_start3A, %dma_start3A_98] : memref<120x64xf32, #tpu.memory_space<vmem>> -> memref<40x64xf32, #tpu.memory_space<vmem>>
        %dma_start3A_100 = arith.constant 0 : i32
        %dma_start3A_101 = tpu.memref_slice %arg22[%add3A_83, %dma_start3A_100] : memref<10000x64xf32, #tpu.memory_space<vmem_shared>> -> memref<40x64xf32, #tpu.memory_space<vmem_shared>>
        %dma_start3A_102 = arith.constant 0 : i32
        %dma_start3A_103 = arith.constant 0 : i32
        %dma_start3A_104 = tpu.memref_slice %arg16[%dma_start3A_102, %dma_start3A_103] : memref<120x64xf32, #tpu.memory_space<vmem>> -> memref<40x64xf32, #tpu.memory_space<vmem>>
        %dma_start3A_105 = arith.constant 0 : i32
        %dma_start3A_106 = tpu.memref_slice %arg22[%add3A_83, %dma_start3A_105] : memref<10000x64xf32, #tpu.memory_space<vmem_shared>> -> memref<40x64xf32, #tpu.memory_space<vmem_shared>>
        tpu.enqueue_dma source(%dma_start3A_106 : memref<40x64xf32, #tpu.memory_space<vmem_shared>>) target(%dma_start3A_104 : memref<40x64xf32, #tpu.memory_space<vmem>>) target_semaphore(%run_scoped3A : memref<!tpu.dma_semaphore, #tpu.memory_space<semaphore_mem>>)
        %dma_wait3A = arith.constant 0 : i32
        %dma_wait3A_107 = arith.constant 0 : i32
        %dma_wait3A_108 = tpu.memref_slice %arg16[%dma_wait3A, %dma_wait3A_107] : memref<120x64xf32, #tpu.memory_space<vmem>> -> memref<40x64xf32, #tpu.memory_space<vmem>>
        %dma_wait3A_109 = arith.constant 0 : i32
        %dma_wait3A_110 = tpu.memref_slice %arg22[%add3A_83, %dma_wait3A_109] : memref<10000x64xf32, #tpu.memory_space<vmem_shared>> -> memref<40x64xf32, #tpu.memory_space<vmem_shared>>
        %dma_wait3A_111 = arith.constant 0 : i32
        %dma_wait3A_112 = arith.constant 0 : i32
        %dma_wait3A_113 = tpu.memref_slice %arg16[%dma_wait3A_111, %dma_wait3A_112] : memref<120x64xf32, #tpu.memory_space<vmem>> -> memref<40x64xf32, #tpu.memory_space<vmem>>
        %dma_wait3A_114 = arith.constant 0 : i32
        %dma_wait3A_115 = tpu.memref_slice %arg22[%add3A_83, %dma_wait3A_114] : memref<10000x64xf32, #tpu.memory_space<vmem_shared>> -> memref<40x64xf32, #tpu.memory_space<vmem_shared>>
        tpu.wait_dma2 semaphore(%run_scoped3A : memref<!tpu.dma_semaphore, #tpu.memory_space<semaphore_mem>>) src(%dma_wait3A_115 : memref<40x64xf32, #tpu.memory_space<vmem_shared>>) dst(%dma_wait3A_113 : memref<40x64xf32, #tpu.memory_space<vmem>>)
        tpu.yield
      }) : () -> ()
      %scan3A_84 = arith.constant 0 : i32
      %scan3A_85 = arith.constant 0 : i32
      %scan3A_86 = arith.constant 40 : i32
      %scan3A_87 = arith.addi %scan3A_85, %scan3A_86 : i32
      %scan3A_88 = arith.constant 1 : i32
      %scan3A_89 = scf.for %scan3A_98 = %scan3A_85 to %scan3A_87 step %scan3A_88 iter_args(%scan3A_99 = %scan3A_84) -> (i32)  : i32 {
        %mul3A_100 = arith.constant 40 : i32
        %mul3A_101 = arith.muli %scan3A_79, %mul3A_100 : i32
        %add3A_102 = arith.addi %mul3A_101, %scan3A_98 : i32
        %get3A_103 = arith.index_cast %add3A_102 : i32 to index
        %get3A_104 = arith.constant 0 : index
        %get3A_105 = tpu.vector_load %arg18[%get3A_103, %get3A_104] {strides = array<i32>} : memref<625x64xf32, #tpu.memory_space<vmem>>, vector<1x16xf32>,
        %get3A_106 = vector.shape_cast %get3A_105 : vector<1x16xf32> to vector<16xf32>
        %swap3A = arith.index_cast %scan3A_98 : i32 to index
        %swap3A_107 = arith.constant 0 : index
        %swap3A_108 = tpu.vector_load %arg12[%swap3A, %swap3A_107] {strides = array<i32>} : memref<104x128xf32, #tpu.memory_space<vmem>>, vector<1x16xf32>,
        %swap3A_109 = vector.shape_cast %swap3A_108 : vector<1x16xf32> to vector<16xf32>
        %swap3A_110 = vector.shape_cast %get3A_106 : vector<16xf32> to vector<1x16xf32>
        tpu.vector_store %arg12[%swap3A, %swap3A_107], %swap3A_110 {strides = array<i32>} : memref<104x128xf32, #tpu.memory_space<vmem>>, vector<1x16xf32>,
        %get3A_111 = arith.index_cast %scan3A_98 : i32 to index
        %get3A_112 = arith.constant 0 : index
        %get3A_113 = tpu.vector_load %arg16[%get3A_111, %get3A_112] {strides = array<i32>} : memref<120x64xf32, #tpu.memory_space<vmem>>, vector<1x16xf32>,
        %get3A_114 = vector.shape_cast %get3A_113 : vector<1x16xf32> to vector<16xf32>
        %swap3A_115 = arith.index_cast %scan3A_98 : i32 to index
        %swap3A_116 = arith.constant 64 : index
        %swap3A_117 = tpu.vector_load %arg12[%swap3A_115, %swap3A_116] {strides = array<i32>} : memref<104x128xf32, #tpu.memory_space<vmem>>, vector<1x16xf32>,
        %swap3A_118 = vector.shape_cast %swap3A_117 : vector<1x16xf32> to vector<16xf32>
        %swap3A_119 = vector.shape_cast %get3A_114 : vector<16xf32> to vector<1x16xf32>
        tpu.vector_store %arg12[%swap3A_115, %swap3A_116], %swap3A_119 {strides = array<i32>} : memref<104x128xf32, #tpu.memory_space<vmem>>, vector<1x16xf32>,
        %mul3A_120 = arith.constant 40 : i32
        %mul3A_121 = arith.muli %scan3A_79, %mul3A_120 : i32
        %add3A_122 = arith.addi %mul3A_121, %scan3A_98 : i32
        %get3A_123 = arith.index_cast %add3A_122 : i32 to index
        %get3A_124 = arith.constant 16 : index
        %get3A_125 = tpu.vector_load %arg18[%get3A_123, %get3A_124] {strides = array<i32>} : memref<625x64xf32, #tpu.memory_space<vmem>>, vector<1x16xf32>,
        %get3A_126 = vector.shape_cast %get3A_125 : vector<1x16xf32> to vector<16xf32>
        %swap3A_127 = arith.index_cast %scan3A_98 : i32 to index
        %swap3A_128 = arith.constant 16 : index
        %swap3A_129 = tpu.vector_load %arg12[%swap3A_127, %swap3A_128] {strides = array<i32>} : memref<104x128xf32, #tpu.memory_space<vmem>>, vector<1x16xf32>,
        %swap3A_130 = vector.shape_cast %swap3A_129 : vector<1x16xf32> to vector<16xf32>
        %swap3A_131 = vector.shape_cast %get3A_126 : vector<16xf32> to vector<1x16xf32>
        tpu.vector_store %arg12[%swap3A_127, %swap3A_128], %swap3A_131 {strides = array<i32>} : memref<104x128xf32, #tpu.memory_space<vmem>>, vector<1x16xf32>,
        %get3A_132 = arith.index_cast %scan3A_98 : i32 to index
        %get3A_133 = arith.constant 16 : index
        %get3A_134 = tpu.vector_load %arg16[%get3A_132, %get3A_133] {strides = array<i32>} : memref<120x64xf32, #tpu.memory_space<vmem>>, vector<1x16xf32>,
        %get3A_135 = vector.shape_cast %get3A_134 : vector<1x16xf32> to vector<16xf32>
        %swap3A_136 = arith.index_cast %scan3A_98 : i32 to index
        %swap3A_137 = arith.constant 80 : index
        %swap3A_138 = tpu.vector_load %arg12[%swap3A_136, %swap3A_137] {strides = array<i32>} : memref<104x128xf32, #tpu.memory_space<vmem>>, vector<1x16xf32>,
        %swap3A_139 = vector.shape_cast %swap3A_138 : vector<1x16xf32> to vector<16xf32>
        %swap3A_140 = vector.shape_cast %get3A_135 : vector<16xf32> to vector<1x16xf32>
        tpu.vector_store %arg12[%swap3A_136, %swap3A_137], %swap3A_140 {strides = array<i32>} : memref<104x128xf32, #tpu.memory_space<vmem>>, vector<1x16xf32>,
        %mul3A_141 = arith.constant 40 : i32
        %mul3A_142 = arith.muli %scan3A_79, %mul3A_141 : i32
        %add3A_143 = arith.addi %mul3A_142, %scan3A_98 : i32
        %get3A_144 = arith.index_cast %add3A_143 : i32 to index
        %get3A_145 = arith.constant 32 : index
        %get3A_146 = tpu.vector_load %arg18[%get3A_144, %get3A_145] {strides = array<i32>} : memref<625x64xf32, #tpu.memory_space<vmem>>, vector<1x16xf32>,
        %get3A_147 = vector.shape_cast %get3A_146 : vector<1x16xf32> to vector<16xf32>
        %swap3A_148 = arith.index_cast %scan3A_98 : i32 to index
        %swap3A_149 = arith.constant 32 : index
        %swap3A_150 = tpu.vector_load %arg12[%swap3A_148, %swap3A_149] {strides = array<i32>} : memref<104x128xf32, #tpu.memory_space<vmem>>, vector<1x16xf32>,
        %swap3A_151 = vector.shape_cast %swap3A_150 : vector<1x16xf32> to vector<16xf32>
        %swap3A_152 = vector.shape_cast %get3A_147 : vector<16xf32> to vector<1x16xf32>
        tpu.vector_store %arg12[%swap3A_148, %swap3A_149], %swap3A_152 {strides = array<i32>} : memref<104x128xf32, #tpu.memory_space<vmem>>, vector<1x16xf32>,
        %get3A_153 = arith.index_cast %scan3A_98 : i32 to index
        %get3A_154 = arith.constant 32 : index
        %get3A_155 = tpu.vector_load %arg16[%get3A_153, %get3A_154] {strides = array<i32>} : memref<120x64xf32, #tpu.memory_space<vmem>>, vector<1x16xf32>,
        %get3A_156 = vector.shape_cast %get3A_155 : vector<1x16xf32> to vector<16xf32>
        %swap3A_157 = arith.index_cast %scan3A_98 : i32 to index
        %swap3A_158 = arith.constant 96 : index
        %swap3A_159 = tpu.vector_load %arg12[%swap3A_157, %swap3A_158] {strides = array<i32>} : memref<104x128xf32, #tpu.memory_space<vmem>>, vector<1x16xf32>,
        %swap3A_160 = vector.shape_cast %swap3A_159 : vector<1x16xf32> to vector<16xf32>
        %swap3A_161 = vector.shape_cast %get3A_156 : vector<16xf32> to vector<1x16xf32>
        tpu.vector_store %arg12[%swap3A_157, %swap3A_158], %swap3A_161 {strides = array<i32>} : memref<104x128xf32, #tpu.memory_space<vmem>>, vector<1x16xf32>,
        %mul3A_162 = arith.constant 40 : i32
        %mul3A_163 = arith.muli %scan3A_79, %mul3A_162 : i32
        %add3A_164 = arith.addi %mul3A_163, %scan3A_98 : i32
        %get3A_165 = arith.index_cast %add3A_164 : i32 to index
        %get3A_166 = arith.constant 48 : index
        %get3A_167 = tpu.vector_load %arg18[%get3A_165, %get3A_166] {strides = array<i32>} : memref<625x64xf32, #tpu.memory_space<vmem>>, vector<1x16xf32>,
        %get3A_168 = vector.shape_cast %get3A_167 : vector<1x16xf32> to vector<16xf32>
        %swap3A_169 = arith.index_cast %scan3A_98 : i32 to index
        %swap3A_170 = arith.constant 48 : index
        %swap3A_171 = tpu.vector_load %arg12[%swap3A_169, %swap3A_170] {strides = array<i32>} : memref<104x128xf32, #tpu.memory_space<vmem>>, vector<1x16xf32>,
        %swap3A_172 = vector.shape_cast %swap3A_171 : vector<1x16xf32> to vector<16xf32>
        %swap3A_173 = vector.shape_cast %get3A_168 : vector<16xf32> to vector<1x16xf32>
        tpu.vector_store %arg12[%swap3A_169, %swap3A_170], %swap3A_173 {strides = array<i32>} : memref<104x128xf32, #tpu.memory_space<vmem>>, vector<1x16xf32>,
        %get3A_174 = arith.index_cast %scan3A_98 : i32 to index
        %get3A_175 = arith.constant 48 : index
        %get3A_176 = tpu.vector_load %arg16[%get3A_174, %get3A_175] {strides = array<i32>} : memref<120x64xf32, #tpu.memory_space<vmem>>, vector<1x16xf32>,
        %get3A_177 = vector.shape_cast %get3A_176 : vector<1x16xf32> to vector<16xf32>
        %swap3A_178 = arith.index_cast %scan3A_98 : i32 to index
        %swap3A_179 = arith.constant 112 : index
        %swap3A_180 = tpu.vector_load %arg12[%swap3A_178, %swap3A_179] {strides = array<i32>} : memref<104x128xf32, #tpu.memory_space<vmem>>, vector<1x16xf32>,
        %swap3A_181 = vector.shape_cast %swap3A_180 : vector<1x16xf32> to vector<16xf32>
        %swap3A_182 = vector.shape_cast %get3A_177 : vector<16xf32> to vector<1x16xf32>
        tpu.vector_store %arg12[%swap3A_178, %swap3A_179], %swap3A_182 {strides = array<i32>} : memref<104x128xf32, #tpu.memory_space<vmem>>, vector<1x16xf32>,
        %scan3A_183 = arith.constant 0 : i32
        scf.yield %scan3A_183 : i32
      }
      %scan3A_90 = arith.constant 40 : i32
      %mul3A_91 = arith.constant 10000 : i32
      %mul3A_92 = arith.muli %arg0, %mul3A_91 : i32
      %add3A_93 = arith.addi %mul3A_92, %mul3A_0 : i32
      %mul3A_94 = arith.constant 40 : i32
      %mul3A_95 = arith.muli %scan3A_79, %mul3A_94 : i32
      %add3A_96 = arith.addi %add3A_93, %mul3A_95 : i32
      "tpu.region"() ({
        %run_scoped3A = tpu.sem_alloc : memref<!tpu.dma_semaphore, #tpu.memory_space<semaphore_mem>>
        %dma_start3A = arith.constant 0 : i32
        %dma_start3A_98 = arith.constant 0 : i32
        %dma_start3A_99 = tpu.memref_slice %arg12[%dma_start3A, %dma_start3A_98] : memref<104x128xf32, #tpu.memory_space<vmem>> -> memref<40x128xf32, #tpu.memory_space<vmem>>
        %dma_start3A_100 = arith.constant 0 : i32
        %dma_start3A_101 = tpu.memref_slice %arg7[%add3A_96, %dma_start3A_100] : memref<20000x128xf32, #tpu.memory_space<hbm>> -> memref<40x128xf32, #tpu.memory_space<hbm>>
        %dma_start3A_102 = arith.constant 0 : i32
        %dma_start3A_103 = tpu.memref_slice %arg7[%add3A_96, %dma_start3A_102] : memref<20000x128xf32, #tpu.memory_space<hbm>> -> memref<40x128xf32, #tpu.memory_space<hbm>>
        %dma_start3A_104 = arith.constant 0 : i32
        %dma_start3A_105 = arith.constant 0 : i32
        %dma_start3A_106 = tpu.memref_slice %arg12[%dma_start3A_104, %dma_start3A_105] : memref<104x128xf32, #tpu.memory_space<vmem>> -> memref<40x128xf32, #tpu.memory_space<vmem>>
        tpu.enqueue_dma source(%dma_start3A_106 : memref<40x128xf32, #tpu.memory_space<vmem>>) target(%dma_start3A_103 : memref<40x128xf32, #tpu.memory_space<hbm>>) target_semaphore(%run_scoped3A : memref<!tpu.dma_semaphore, #tpu.memory_space<semaphore_mem>>)
        %dma_wait3A = arith.constant 0 : i32
        %dma_wait3A_107 = arith.constant 0 : i32
        %dma_wait3A_108 = tpu.memref_slice %arg12[%dma_wait3A, %dma_wait3A_107] : memref<104x128xf32, #tpu.memory_space<vmem>> -> memref<40x128xf32, #tpu.memory_space<vmem>>
        %dma_wait3A_109 = arith.constant 0 : i32
        %dma_wait3A_110 = tpu.memref_slice %arg7[%add3A_96, %dma_wait3A_109] : memref<20000x128xf32, #tpu.memory_space<hbm>> -> memref<40x128xf32, #tpu.memory_space<hbm>>
        %dma_wait3A_111 = arith.constant 0 : i32
        %dma_wait3A_112 = tpu.memref_slice %arg7[%add3A_96, %dma_wait3A_111] : memref<20000x128xf32, #tpu.memory_space<hbm>> -> memref<40x128xf32, #tpu.memory_space<hbm>>
        %dma_wait3A_113 = arith.constant 0 : i32
        %dma_wait3A_114 = arith.constant 0 : i32
        %dma_wait3A_115 = tpu.memref_slice %arg12[%dma_wait3A_113, %dma_wait3A_114] : memref<104x128xf32, #tpu.memory_space<vmem>> -> memref<40x128xf32, #tpu.memory_space<vmem>>
        tpu.wait_dma2 semaphore(%run_scoped3A : memref<!tpu.dma_semaphore, #tpu.memory_space<semaphore_mem>>) src(%dma_wait3A_115 : memref<40x128xf32, #tpu.memory_space<vmem>>) dst(%dma_wait3A_112 : memref<40x128xf32, #tpu.memory_space<hbm>>)
        tpu.yield
      }) : () -> ()
      %scan3A_97 = arith.constant 0 : i32
      scf.yield %scan3A_97 : i32
    }
    %scan3A_63 = arith.constant 15 : i32
    %add3A_64 = arith.constant 600 : i32
    %add3A_65 = arith.addi %mul3A_0, %add3A_64 : i32
    "tpu.region"() ({
      %run_scoped3A = tpu.sem_alloc : memref<!tpu.dma_semaphore, #tpu.memory_space<semaphore_mem>>
      %dma_start3A = arith.constant 0 : i32
      %dma_start3A_79 = arith.constant 0 : i32
      %dma_start3A_80 = tpu.memref_slice %arg16[%dma_start3A, %dma_start3A_79] : memref<120x64xf32, #tpu.memory_space<vmem>> -> memref<25x64xf32, #tpu.memory_space<vmem>>
      %dma_start3A_81 = arith.constant 0 : i32
      %dma_start3A_82 = tpu.memref_slice %arg22[%add3A_65, %dma_start3A_81] : memref<10000x64xf32, #tpu.memory_space<vmem_shared>> -> memref<25x64xf32, #tpu.memory_space<vmem_shared>>
      %dma_start3A_83 = arith.constant 0 : i32
      %dma_start3A_84 = arith.constant 0 : i32
      %dma_start3A_85 = tpu.memref_slice %arg16[%dma_start3A_83, %dma_start3A_84] : memref<120x64xf32, #tpu.memory_space<vmem>> -> memref<25x64xf32, #tpu.memory_space<vmem>>
      %dma_start3A_86 = arith.constant 0 : i32
      %dma_start3A_87 = tpu.memref_slice %arg22[%add3A_65, %dma_start3A_86] : memref<10000x64xf32, #tpu.memory_space<vmem_shared>> -> memref<25x64xf32, #tpu.memory_space<vmem_shared>>
      tpu.enqueue_dma source(%dma_start3A_87 : memref<25x64xf32, #tpu.memory_space<vmem_shared>>) target(%dma_start3A_85 : memref<25x64xf32, #tpu.memory_space<vmem>>) target_semaphore(%run_scoped3A : memref<!tpu.dma_semaphore, #tpu.memory_space<semaphore_mem>>)
      %dma_wait3A = arith.constant 0 : i32
      %dma_wait3A_88 = arith.constant 0 : i32
      %dma_wait3A_89 = tpu.memref_slice %arg16[%dma_wait3A, %dma_wait3A_88] : memref<120x64xf32, #tpu.memory_space<vmem>> -> memref<25x64xf32, #tpu.memory_space<vmem>>
      %dma_wait3A_90 = arith.constant 0 : i32
      %dma_wait3A_91 = tpu.memref_slice %arg22[%add3A_65, %dma_wait3A_90] : memref<10000x64xf32, #tpu.memory_space<vmem_shared>> -> memref<25x64xf32, #tpu.memory_space<vmem_shared>>
      %dma_wait3A_92 = arith.constant 0 : i32
      %dma_wait3A_93 = arith.constant 0 : i32
      %dma_wait3A_94 = tpu.memref_slice %arg16[%dma_wait3A_92, %dma_wait3A_93] : memref<120x64xf32, #tpu.memory_space<vmem>> -> memref<25x64xf32, #tpu.memory_space<vmem>>
      %dma_wait3A_95 = arith.constant 0 : i32
      %dma_wait3A_96 = tpu.memref_slice %arg22[%add3A_65, %dma_wait3A_95] : memref<10000x64xf32, #tpu.memory_space<vmem_shared>> -> memref<25x64xf32, #tpu.memory_space<vmem_shared>>
      tpu.wait_dma2 semaphore(%run_scoped3A : memref<!tpu.dma_semaphore, #tpu.memory_space<semaphore_mem>>) src(%dma_wait3A_96 : memref<25x64xf32, #tpu.memory_space<vmem_shared>>) dst(%dma_wait3A_94 : memref<25x64xf32, #tpu.memory_space<vmem>>)
      tpu.yield
    }) : () -> ()
    %scan3A_66 = arith.constant 0 : i32
    %scan3A_67 = arith.constant 0 : i32
    %scan3A_68 = arith.constant 25 : i32
    %scan3A_69 = arith.addi %scan3A_67, %scan3A_68 : i32
    %scan3A_70 = arith.constant 1 : i32
    %scan3A_71 = scf.for %scan3A_79 = %scan3A_67 to %scan3A_69 step %scan3A_70 iter_args(%scan3A_80 = %scan3A_66) -> (i32)  : i32 {
      %add3A_81 = arith.constant 600 : i32
      %add3A_82 = arith.addi %add3A_81, %scan3A_79 : i32
      %get3A_83 = arith.index_cast %add3A_82 : i32 to index
      %get3A_84 = arith.constant 0 : index
      %get3A_85 = tpu.vector_load %arg18[%get3A_83, %get3A_84] {strides = array<i32>} : memref<625x64xf32, #tpu.memory_space<vmem>>, vector<1x16xf32>,
      %get3A_86 = vector.shape_cast %get3A_85 : vector<1x16xf32> to vector<16xf32>
      %swap3A = arith.index_cast %scan3A_79 : i32 to index
      %swap3A_87 = arith.constant 0 : index
      %swap3A_88 = tpu.vector_load %arg12[%swap3A, %swap3A_87] {strides = array<i32>} : memref<104x128xf32, #tpu.memory_space<vmem>>, vector<1x16xf32>,
      %swap3A_89 = vector.shape_cast %swap3A_88 : vector<1x16xf32> to vector<16xf32>
      %swap3A_90 = vector.shape_cast %get3A_86 : vector<16xf32> to vector<1x16xf32>
      tpu.vector_store %arg12[%swap3A, %swap3A_87], %swap3A_90 {strides = array<i32>} : memref<104x128xf32, #tpu.memory_space<vmem>>, vector<1x16xf32>,
      %get3A_91 = arith.index_cast %scan3A_79 : i32 to index
      %get3A_92 = arith.constant 0 : index
      %get3A_93 = tpu.vector_load %arg16[%get3A_91, %get3A_92] {strides = array<i32>} : memref<120x64xf32, #tpu.memory_space<vmem>>, vector<1x16xf32>,
      %get3A_94 = vector.shape_cast %get3A_93 : vector<1x16xf32> to vector<16xf32>
      %swap3A_95 = arith.index_cast %scan3A_79 : i32 to index
      %swap3A_96 = arith.constant 64 : index
      %swap3A_97 = tpu.vector_load %arg12[%swap3A_95, %swap3A_96] {strides = array<i32>} : memref<104x128xf32, #tpu.memory_space<vmem>>, vector<1x16xf32>,
      %swap3A_98 = vector.shape_cast %swap3A_97 : vector<1x16xf32> to vector<16xf32>
      %swap3A_99 = vector.shape_cast %get3A_94 : vector<16xf32> to vector<1x16xf32>
      tpu.vector_store %arg12[%swap3A_95, %swap3A_96], %swap3A_99 {strides = array<i32>} : memref<104x128xf32, #tpu.memory_space<vmem>>, vector<1x16xf32>,
      %add3A_100 = arith.constant 600 : i32
      %add3A_101 = arith.addi %add3A_100, %scan3A_79 : i32
      %get3A_102 = arith.index_cast %add3A_101 : i32 to index
      %get3A_103 = arith.constant 16 : index
      %get3A_104 = tpu.vector_load %arg18[%get3A_102, %get3A_103] {strides = array<i32>} : memref<625x64xf32, #tpu.memory_space<vmem>>, vector<1x16xf32>,
      %get3A_105 = vector.shape_cast %get3A_104 : vector<1x16xf32> to vector<16xf32>
      %swap3A_106 = arith.index_cast %scan3A_79 : i32 to index
      %swap3A_107 = arith.constant 16 : index
      %swap3A_108 = tpu.vector_load %arg12[%swap3A_106, %swap3A_107] {strides = array<i32>} : memref<104x128xf32, #tpu.memory_space<vmem>>, vector<1x16xf32>,
      %swap3A_109 = vector.shape_cast %swap3A_108 : vector<1x16xf32> to vector<16xf32>
      %swap3A_110 = vector.shape_cast %get3A_105 : vector<16xf32> to vector<1x16xf32>
      tpu.vector_store %arg12[%swap3A_106, %swap3A_107], %swap3A_110 {strides = array<i32>} : memref<104x128xf32, #tpu.memory_space<vmem>>, vector<1x16xf32>,
      %get3A_111 = arith.index_cast %scan3A_79 : i32 to index
      %get3A_112 = arith.constant 16 : index
      %get3A_113 = tpu.vector_load %arg16[%get3A_111, %get3A_112] {strides = array<i32>} : memref<120x64xf32, #tpu.memory_space<vmem>>, vector<1x16xf32>,
      %get3A_114 = vector.shape_cast %get3A_113 : vector<1x16xf32> to vector<16xf32>
      %swap3A_115 = arith.index_cast %scan3A_79 : i32 to index
      %swap3A_116 = arith.constant 80 : index
      %swap3A_117 = tpu.vector_load %arg12[%swap3A_115, %swap3A_116] {strides = array<i32>} : memref<104x128xf32, #tpu.memory_space<vmem>>, vector<1x16xf32>,
      %swap3A_118 = vector.shape_cast %swap3A_117 : vector<1x16xf32> to vector<16xf32>
      %swap3A_119 = vector.shape_cast %get3A_114 : vector<16xf32> to vector<1x16xf32>
      tpu.vector_store %arg12[%swap3A_115, %swap3A_116], %swap3A_119 {strides = array<i32>} : memref<104x128xf32, #tpu.memory_space<vmem>>, vector<1x16xf32>,
      %add3A_120 = arith.constant 600 : i32
      %add3A_121 = arith.addi %add3A_120, %scan3A_79 : i32
      %get3A_122 = arith.index_cast %add3A_121 : i32 to index
      %get3A_123 = arith.constant 32 : index
      %get3A_124 = tpu.vector_load %arg18[%get3A_122, %get3A_123] {strides = array<i32>} : memref<625x64xf32, #tpu.memory_space<vmem>>, vector<1x16xf32>,
      %get3A_125 = vector.shape_cast %get3A_124 : vector<1x16xf32> to vector<16xf32>
      %swap3A_126 = arith.index_cast %scan3A_79 : i32 to index
      %swap3A_127 = arith.constant 32 : index
      %swap3A_128 = tpu.vector_load %arg12[%swap3A_126, %swap3A_127] {strides = array<i32>} : memref<104x128xf32, #tpu.memory_space<vmem>>, vector<1x16xf32>,
      %swap3A_129 = vector.shape_cast %swap3A_128 : vector<1x16xf32> to vector<16xf32>
      %swap3A_130 = vector.shape_cast %get3A_125 : vector<16xf32> to vector<1x16xf32>
      tpu.vector_store %arg12[%swap3A_126, %swap3A_127], %swap3A_130 {strides = array<i32>} : memref<104x128xf32, #tpu.memory_space<vmem>>, vector<1x16xf32>,
      %get3A_131 = arith.index_cast %scan3A_79 : i32 to index
      %get3A_132 = arith.constant 32 : index
      %get3A_133 = tpu.vector_load %arg16[%get3A_131, %get3A_132] {strides = array<i32>} : memref<120x64xf32, #tpu.memory_space<vmem>>, vector<1x16xf32>,
      %get3A_134 = vector.shape_cast %get3A_133 : vector<1x16xf32> to vector<16xf32>
      %swap3A_135 = arith.index_cast %scan3A_79 : i32 to index
      %swap3A_136 = arith.constant 96 : index
      %swap3A_137 = tpu.vector_load %arg12[%swap3A_135, %swap3A_136] {strides = array<i32>} : memref<104x128xf32, #tpu.memory_space<vmem>>, vector<1x16xf32>,
      %swap3A_138 = vector.shape_cast %swap3A_137 : vector<1x16xf32> to vector<16xf32>
      %swap3A_139 = vector.shape_cast %get3A_134 : vector<16xf32> to vector<1x16xf32>
      tpu.vector_store %arg12[%swap3A_135, %swap3A_136], %swap3A_139 {strides = array<i32>} : memref<104x128xf32, #tpu.memory_space<vmem>>, vector<1x16xf32>,
      %add3A_140 = arith.constant 600 : i32
      %add3A_141 = arith.addi %add3A_140, %scan3A_79 : i32
      %get3A_142 = arith.index_cast %add3A_141 : i32 to index
      %get3A_143 = arith.constant 48 : index
      %get3A_144 = tpu.vector_load %arg18[%get3A_142, %get3A_143] {strides = array<i32>} : memref<625x64xf32, #tpu.memory_space<vmem>>, vector<1x16xf32>,
      %get3A_145 = vector.shape_cast %get3A_144 : vector<1x16xf32> to vector<16xf32>
      %swap3A_146 = arith.index_cast %scan3A_79 : i32 to index
      %swap3A_147 = arith.constant 48 : index
      %swap3A_148 = tpu.vector_load %arg12[%swap3A_146, %swap3A_147] {strides = array<i32>} : memref<104x128xf32, #tpu.memory_space<vmem>>, vector<1x16xf32>,
      %swap3A_149 = vector.shape_cast %swap3A_148 : vector<1x16xf32> to vector<16xf32>
      %swap3A_150 = vector.shape_cast %get3A_145 : vector<16xf32> to vector<1x16xf32>
      tpu.vector_store %arg12[%swap3A_146, %swap3A_147], %swap3A_150 {strides = array<i32>} : memref<104x128xf32, #tpu.memory_space<vmem>>, vector<1x16xf32>,
      %get3A_151 = arith.index_cast %scan3A_79 : i32 to index
      %get3A_152 = arith.constant 48 : index
      %get3A_153 = tpu.vector_load %arg16[%get3A_151, %get3A_152] {strides = array<i32>} : memref<120x64xf32, #tpu.memory_space<vmem>>, vector<1x16xf32>,
      %get3A_154 = vector.shape_cast %get3A_153 : vector<1x16xf32> to vector<16xf32>
      %swap3A_155 = arith.index_cast %scan3A_79 : i32 to index
      %swap3A_156 = arith.constant 112 : index
      %swap3A_157 = tpu.vector_load %arg12[%swap3A_155, %swap3A_156] {strides = array<i32>} : memref<104x128xf32, #tpu.memory_space<vmem>>, vector<1x16xf32>,
      %swap3A_158 = vector.shape_cast %swap3A_157 : vector<1x16xf32> to vector<16xf32>
      %swap3A_159 = vector.shape_cast %get3A_154 : vector<16xf32> to vector<1x16xf32>
      tpu.vector_store %arg12[%swap3A_155, %swap3A_156], %swap3A_159 {strides = array<i32>} : memref<104x128xf32, #tpu.memory_space<vmem>>, vector<1x16xf32>,
      %scan3A_160 = arith.constant 0 : i32
      scf.yield %scan3A_160 : i32
    }
    %scan3A_72 = arith.constant 25 : i32
    %mul3A_73 = arith.constant 10000 : i32
    %mul3A_74 = arith.muli %arg0, %mul3A_73 : i32
    %add3A_75 = arith.addi %mul3A_74, %mul3A_0 : i32
    %add3A_76 = arith.constant 600 : i32
    %add3A_77 = arith.addi %add3A_75, %add3A_76 : i32
    "tpu.region"() ({
      %run_scoped3A = tpu.sem_alloc : memref<!tpu.dma_semaphore, #tpu.memory_space<semaphore_mem>>
      %dma_start3A = arith.constant 0 : i32
      %dma_start3A_79 = arith.constant 0 : i32
      %dma_start3A_80 = tpu.memref_slice %arg12[%dma_start3A, %dma_start3A_79] : memref<104x128xf32, #tpu.memory_space<vmem>> -> memref<25x128xf32, #tpu.memory_space<vmem>>
      %dma_start3A_81 = arith.constant 0 : i32
      %dma_start3A_82 = tpu.memref_slice %arg7[%add3A_77, %dma_start3A_81] : memref<20000x128xf32, #tpu.memory_space<hbm>> -> memref<25x128xf32, #tpu.memory_space<hbm>>
      %dma_start3A_83 = arith.constant 0 : i32
      %dma_start3A_84 = tpu.memref_slice %arg7[%add3A_77, %dma_start3A_83] : memref<20000x128xf32, #tpu.memory_space<hbm>> -> memref<25x128xf32, #tpu.memory_space<hbm>>
      %dma_start3A_85 = arith.constant 0 : i32
      %dma_start3A_86 = arith.constant 0 : i32
      %dma_start3A_87 = tpu.memref_slice %arg12[%dma_start3A_85, %dma_start3A_86] : memref<104x128xf32, #tpu.memory_space<vmem>> -> memref<25x128xf32, #tpu.memory_space<vmem>>
      tpu.enqueue_dma source(%dma_start3A_87 : memref<25x128xf32, #tpu.memory_space<vmem>>) target(%dma_start3A_84 : memref<25x128xf32, #tpu.memory_space<hbm>>) target_semaphore(%run_scoped3A : memref<!tpu.dma_semaphore, #tpu.memory_space<semaphore_mem>>)
      %dma_wait3A = arith.constant 0 : i32
      %dma_wait3A_88 = arith.constant 0 : i32
      %dma_wait3A_89 = tpu.memref_slice %arg12[%dma_wait3A, %dma_wait3A_88] : memref<104x128xf32, #tpu.memory_space<vmem>> -> memref<25x128xf32, #tpu.memory_space<vmem>>
      %dma_wait3A_90 = arith.constant 0 : i32
      %dma_wait3A_91 = tpu.memref_slice %arg7[%add3A_77, %dma_wait3A_90] : memref<20000x128xf32, #tpu.memory_space<hbm>> -> memref<25x128xf32, #tpu.memory_space<hbm>>
      %dma_wait3A_92 = arith.constant 0 : i32
      %dma_wait3A_93 = tpu.memref_slice %arg7[%add3A_77, %dma_wait3A_92] : memref<20000x128xf32, #tpu.memory_space<hbm>> -> memref<25x128xf32, #tpu.memory_space<hbm>>
      %dma_wait3A_94 = arith.constant 0 : i32
      %dma_wait3A_95 = arith.constant 0 : i32
      %dma_wait3A_96 = tpu.memref_slice %arg12[%dma_wait3A_94, %dma_wait3A_95] : memref<104x128xf32, #tpu.memory_space<vmem>> -> memref<25x128xf32, #tpu.memory_space<vmem>>
      tpu.wait_dma2 semaphore(%run_scoped3A : memref<!tpu.dma_semaphore, #tpu.memory_space<semaphore_mem>>) src(%dma_wait3A_96 : memref<25x128xf32, #tpu.memory_space<vmem>>) dst(%dma_wait3A_93 : memref<25x128xf32, #tpu.memory_space<hbm>>)
      tpu.yield
    }) : () -> ()
    %barrier3A_78 = arith.constant 0 : index
    tpu.barrier barrier_id(%barrier3A_78)
    return
  }
}

module attributes {stable_mosaic.version = 14 : i64} {
  func.func @_h0_body(%arg0: i32, %arg1: i32, %arg2: memref<1000x128xf32, #tpu.memory_space<vmem>>, %arg3: memref<1000x128xf32, #tpu.memory_space<vmem>>) attributes {dimension_semantics = [#tpu.dimension_semantics<arbitrary>, #tpu.dimension_semantics<arbitrary>], iteration_bounds = array<i64: 2, 10>, scalar_prefetch = 0 : i64, scratch_operands = 0 : i64, tpu.core_type = #tpu.core_type<tc>, window_params = [{transform_indices = @transform_0, window_bounds = array<i64: 1000, 128>}, {transform_indices = @transform_1, window_bounds = array<i64: 1000, 128>}]} {
    %eq3A = arith.constant 0 : i32
    %eq3A_0 = arith.cmpi eq, %arg0, %eq3A : i32
    %get3A = arith.constant 0 : index
    %get3A_1 = arith.constant 0 : index
    %get3A_2 = vector.load %arg2[%get3A, %get3A_1] : memref<1000x128xf32, #tpu.memory_space<vmem>>, vector<1000x128xf32>
    %jit3A = arith.constant 0.000000e+00 : f32
    %broadcast_in_dim3A = vector.broadcast %jit3A : f32 to vector<1000x128xf32>
    %select_n3A = arith.select %eq3A_0, %get3A_2, %broadcast_in_dim3A : vector<1000x128xf32>
    %swap3A = arith.constant 0 : index
    %swap3A_3 = arith.constant 0 : index
    %swap3A_4 = vector.load %arg3[%swap3A, %swap3A_3] : memref<1000x128xf32, #tpu.memory_space<vmem>>, vector<1000x128xf32>
    tpu.vector_store %arg3[%swap3A, %swap3A_3], %select_n3A {strides = array<i32>} : memref<1000x128xf32, #tpu.memory_space<vmem>>, vector<1000x128xf32>,
    return
  }
  func.func @transform_0(%arg0: i32, %arg1: i32) -> (i32, i32) {
    %c0_i32 = arith.constant 0 : i32
    %c0_i32_0 = arith.constant 0 : i32
    return %arg1, %c0_i32 : i32, i32
  }
  func.func @transform_1(%arg0: i32, %arg1: i32) -> (i32, i32) {
    %mul3A = arith.constant 10 : i32
    %mul3A_0 = arith.muli %arg0, %mul3A : i32
    %add3A = arith.addi %mul3A_0, %arg1 : i32
    %c0_i32 = arith.constant 0 : i32
    %c0_i32_1 = arith.constant 0 : i32
    return %add3A, %c0_i32 : i32, i32
  }
}

module attributes {stable_mosaic.version = 14 : i64} {
  func.func @_edge_mlp_body(%arg0: i32, %arg1: i32, %arg2: i32, %arg3: memref<1000x128xf32, #tpu.memory_space<vmem>>, %arg4: memref<12x4x128x128xf32, #tpu.memory_space<vmem>>, %arg5: memref<1000x128xf32, #tpu.memory_space<vmem>>) attributes {dimension_semantics = [#tpu.dimension_semantics<arbitrary>, #tpu.dimension_semantics<arbitrary>, #tpu.dimension_semantics<arbitrary>], iteration_bounds = array<i64: 40, 12, 4>, scalar_prefetch = 0 : i64, scratch_operands = 0 : i64, tpu.core_type = #tpu.core_type<tc>, window_params = [{transform_indices = @transform_0, window_bounds = array<i64: 1000, 128>}, {pipeline_mode = #tpu.pipeline_mode<synchronous>, transform_indices = @transform_1, window_bounds = array<i64: 12, 4, 128, 128>}, {transform_indices = @transform_2, window_bounds = array<i64: 1000, 128>}]} {
    %get3A = arith.constant 0 : index
    %get3A_0 = arith.constant 0 : index
    %get3A_1 = vector.load %arg3[%get3A, %get3A_0] : memref<1000x128xf32, #tpu.memory_space<vmem>>, vector<1000x128xf32>
    %get3A_2 = arith.index_cast %arg1 : i32 to index
    %get3A_3 = arith.index_cast %arg2 : i32 to index
    %get3A_4 = arith.constant 0 : index
    %get3A_5 = arith.constant 0 : index
    %get3A_6 = vector.load %arg4[%get3A_2, %get3A_3, %get3A_4, %get3A_5] : memref<12x4x128x128xf32, #tpu.memory_space<vmem>>, vector<1x1x128x128xf32>
    %get3A_7 = vector.shape_cast %get3A_6 : vector<1x1x128x128xf32> to vector<128x128xf32>
    %dot_general3A = arith.constant dense<0.000000e+00> : vector<1000x128xf32>
    %dot_general3A_8 = tpu.matmul %get3A_1, %get3A_7, %dot_general3A {dimension_numbers = #tpu.dot_dimension_numbers<[1], [0], [0], [1], [0, 0, 1, 1], [], []>, transpose_lhs_hint = false} : vector<1000x128xf32>, vector<128x128xf32>, vector<1000x128xf32> -> vector<1000x128xf32>
    %swap3A = arith.constant 0 : index
    %swap3A_9 = arith.constant 0 : index
    %swap3A_10 = vector.load %arg5[%swap3A, %swap3A_9] : memref<1000x128xf32, #tpu.memory_space<vmem>>, vector<1000x128xf32>
    tpu.vector_store %arg5[%swap3A, %swap3A_9], %dot_general3A_8 {strides = array<i32>} : memref<1000x128xf32, #tpu.memory_space<vmem>>, vector<1000x128xf32>,
    return
  }
  func.func @transform_0(%arg0: i32, %arg1: i32, %arg2: i32) -> (i32, i32) {
    %c0_i32 = arith.constant 0 : i32
    %c0_i32_0 = arith.constant 0 : i32
    return %arg0, %c0_i32 : i32, i32
  }
  func.func @transform_1(%arg0: i32, %arg1: i32, %arg2: i32) -> (i32, i32, i32, i32) {
    %c0_i32 = arith.constant 0 : i32
    %c0_i32_0 = arith.constant 0 : i32
    %c0_i32_1 = arith.constant 0 : i32
    %c0_i32_2 = arith.constant 0 : i32
    %c0_i32_3 = arith.constant 0 : i32
    return %c0_i32, %c0_i32_0, %c0_i32_1, %c0_i32_2 : i32, i32, i32, i32
  }
  func.func @transform_2(%arg0: i32, %arg1: i32, %arg2: i32) -> (i32, i32) {
    %mul3A = arith.constant 160 : i32
    %mul3A_0 = arith.muli %arg1, %mul3A : i32
    %mul3A_1 = arith.constant 40 : i32
    %mul3A_2 = arith.muli %arg2, %mul3A_1 : i32
    %add3A = arith.addi %mul3A_0, %mul3A_2 : i32
    %add3A_3 = arith.addi %add3A, %arg0 : i32
    %c0_i32 = arith.constant 0 : i32
    %c0_i32_4 = arith.constant 0 : i32
    return %add3A_3, %c0_i32 : i32, i32
  }
}

module attributes {stable_mosaic.version = 14 : i64} {
  func.func @_node_stats_body(%arg0: i32, %arg1: memref<1000x128xf32, #tpu.memory_space<vmem>>, %arg2: memref<1000x128xf32, #tpu.memory_space<vmem>>, %arg3: memref<1000x128xf32, #tpu.memory_space<vmem>>, %arg4: memref<1000x128xf32, #tpu.memory_space<vmem>>, %arg5: memref<256x256xf32, #tpu.memory_space<vmem>>, %arg6: memref<256xf32, #tpu.memory_space<vmem>>, %arg7: memref<1000x256xf32, #tpu.memory_space<vmem>>, %arg8: memref<8x256xf32, #tpu.memory_space<vmem>>) attributes {dimension_semantics = [#tpu.dimension_semantics<arbitrary>], iteration_bounds = array<i64: 10>, scalar_prefetch = 0 : i64, scratch_operands = 0 : i64, tpu.core_type = #tpu.core_type<tc>, window_params = [{transform_indices = @transform_0, window_bounds = array<i64: 1000, 128>}, {transform_indices = @transform_1, window_bounds = array<i64: 1000, 128>}, {transform_indices = @transform_2, window_bounds = array<i64: 1000, 128>}, {transform_indices = @transform_3, window_bounds = array<i64: 1000, 128>}, {pipeline_mode = #tpu.pipeline_mode<synchronous>, transform_indices = @transform_4, window_bounds = array<i64: 256, 256>}, {pipeline_mode = #tpu.pipeline_mode<synchronous>, transform_indices = @transform_5, window_bounds = array<i64: 256>}, {transform_indices = @transform_6, window_bounds = array<i64: 1000, 256>}, {pipeline_mode = #tpu.pipeline_mode<synchronous>, transform_indices = @transform_7, window_bounds = array<i64: 8, 256>}]} {
    %get3A = arith.constant 0 : index
    %get3A_0 = arith.constant 0 : index
    %get3A_1 = vector.load %arg1[%get3A, %get3A_0] : memref<1000x128xf32, #tpu.memory_space<vmem>>, vector<1000x128xf32>
    %get3A_2 = arith.constant 0 : index
    %get3A_3 = arith.constant 0 : index
    %get3A_4 = vector.load %arg3[%get3A_2, %get3A_3] : memref<1000x128xf32, #tpu.memory_space<vmem>>, vector<1000x128xf32>
    %add3A = arith.addf %get3A_1, %get3A_4 : vector<1000x128xf32>
    %get3A_5 = arith.constant 0 : index
    %get3A_6 = arith.constant 0 : index
    %get3A_7 = vector.load %arg2[%get3A_5, %get3A_6] : memref<1000x128xf32, #tpu.memory_space<vmem>>, vector<1000x128xf32>
    %get3A_8 = arith.constant 0 : index
    %get3A_9 = arith.constant 0 : index
    %get3A_10 = vector.load %arg4[%get3A_8, %get3A_9] : memref<1000x128xf32, #tpu.memory_space<vmem>>, vector<1000x128xf32>
    %add3A_11 = arith.addf %get3A_7, %get3A_10 : vector<1000x128xf32>
    %concatenate3A = tpu.concatenate %add3A, %add3A_11 in 1 : vector<1000x128xf32>, vector<1000x128xf32> -> vector<1000x256xf32>
    %get3A_12 = arith.constant 0 : index
    %get3A_13 = arith.constant 0 : index
    %get3A_14 = vector.load %arg5[%get3A_12, %get3A_13] : memref<256x256xf32, #tpu.memory_space<vmem>>, vector<256x256xf32>
    %dot_general3A = arith.constant dense<0.000000e+00> : vector<1000x256xf32>
    %dot_general3A_15 = tpu.matmul %concatenate3A, %get3A_14, %dot_general3A {dimension_numbers = #tpu.dot_dimension_numbers<[1], [1], [0], [0], [0, 0, 1, 0], [], []>, transpose_lhs_hint = false} : vector<1000x256xf32>, vector<256x256xf32>, vector<1000x256xf32> -> vector<1000x256xf32>
    %get3A_16 = arith.constant 0 : index
    %get3A_17 = vector.load %arg6[%get3A_16] : memref<256xf32, #tpu.memory_space<vmem>>, vector<256xf32>
    %broadcast_in_dim3A = vector.shape_cast %get3A_17 : vector<256xf32> to vector<1x256xf32>
    %add3A_18 = vector.broadcast %broadcast_in_dim3A : vector<1x256xf32> to vector<1000x256xf32>
    %add3A_19 = arith.addf %dot_general3A_15, %add3A_18 : vector<1000x256xf32>
    %swap3A = arith.constant 0 : index
    %swap3A_20 = arith.constant 0 : index
    %swap3A_21 = vector.load %arg7[%swap3A, %swap3A_20] : memref<1000x256xf32, #tpu.memory_space<vmem>>, vector<1000x256xf32>
    tpu.vector_store %arg7[%swap3A, %swap3A_20], %add3A_19 {strides = array<i32>} : memref<1000x256xf32, #tpu.memory_space<vmem>>, vector<1000x256xf32>,
    %eq3A = arith.constant 0 : i32
    %eq3A_22 = arith.cmpi eq, %arg0, %eq3A : i32
    %convert_element_type3A = arith.extui %eq3A_22 : i1 to i32
    %cond3A = arith.constant 0 : i32
    %cond3A_23 = arith.cmpi ne, %convert_element_type3A, %cond3A : i32
    scf.if %cond3A_23 {
      %broadcast_in_dim3A_39 = arith.constant 0.000000e+00 : f32
      %broadcast_in_dim3A_40 = vector.broadcast %broadcast_in_dim3A_39 : f32 to vector<8x256xf32>
      %swap3A_41 = arith.constant 0 : index
      %swap3A_42 = arith.constant 0 : index
      %swap3A_43 = vector.load %arg8[%swap3A_41, %swap3A_42] : memref<8x256xf32, #tpu.memory_space<vmem>>, vector<8x256xf32>
      tpu.vector_store %arg8[%swap3A_41, %swap3A_42], %broadcast_in_dim3A_40 {strides = array<i32>} : memref<8x256xf32, #tpu.memory_space<vmem>>, vector<8x256xf32>,
    } else {
    }
    %reduce_sum3A = arith.constant dense<0.000000e+00> : vector<256xf32>
    %reduce_sum3A_24 = vector.multi_reduction <add>, %add3A_19, %reduce_sum3A [0] : vector<1000x256xf32> to vector<256xf32>
    %broadcast_in_dim3A_25 = vector.shape_cast %reduce_sum3A_24 : vector<256xf32> to vector<1x256xf32>
    %mul3A = arith.mulf %add3A_19, %add3A_19 : vector<1000x256xf32>
    %reduce_sum3A_26 = arith.constant dense<0.000000e+00> : vector<256xf32>
    %reduce_sum3A_27 = vector.multi_reduction <add>, %mul3A, %reduce_sum3A_26 [0] : vector<1000x256xf32> to vector<256xf32>
    %broadcast_in_dim3A_28 = vector.shape_cast %reduce_sum3A_27 : vector<256xf32> to vector<1x256xf32>
    %broadcast_in_dim3A_29 = arith.constant 0.000000e+00 : f32
    %broadcast_in_dim3A_30 = vector.broadcast %broadcast_in_dim3A_29 : f32 to vector<6x256xf32>
    %concatenate3A_31 = tpu.concatenate %broadcast_in_dim3A_25, %broadcast_in_dim3A_28, %broadcast_in_dim3A_30 in 0 : vector<1x256xf32>, vector<1x256xf32>, vector<6x256xf32> -> vector<8x256xf32>
    %get3A_32 = arith.constant 0 : index
    %get3A_33 = arith.constant 0 : index
    %get3A_34 = vector.load %arg8[%get3A_32, %get3A_33] : memref<8x256xf32, #tpu.memory_space<vmem>>, vector<8x256xf32>
    %add3A_35 = arith.addf %get3A_34, %concatenate3A_31 : vector<8x256xf32>
    %swap3A_36 = arith.constant 0 : index
    %swap3A_37 = arith.constant 0 : index
    %swap3A_38 = vector.load %arg8[%swap3A_36, %swap3A_37] : memref<8x256xf32, #tpu.memory_space<vmem>>, vector<8x256xf32>
    tpu.vector_store %arg8[%swap3A_36, %swap3A_37], %add3A_35 {strides = array<i32>} : memref<8x256xf32, #tpu.memory_space<vmem>>, vector<8x256xf32>,
    return
  }
  func.func @transform_0(%arg0: i32) -> (i32, i32) {
    %add3A = arith.constant 0 : i32
    %add3A_0 = arith.addi %add3A, %arg0 : i32
    %c0_i32 = arith.constant 0 : i32
    %c0_i32_1 = arith.constant 0 : i32
    return %add3A_0, %c0_i32 : i32, i32
  }
  func.func @transform_1(%arg0: i32) -> (i32, i32) {
    %add3A = arith.constant 10 : i32
    %add3A_0 = arith.addi %add3A, %arg0 : i32
    %c0_i32 = arith.constant 0 : i32
    %c0_i32_1 = arith.constant 0 : i32
    return %add3A_0, %c0_i32 : i32, i32
  }
  func.func @transform_2(%arg0: i32) -> (i32, i32) {
    %add3A = arith.constant 0 : i32
    %add3A_0 = arith.addi %add3A, %arg0 : i32
    %c0_i32 = arith.constant 0 : i32
    %c0_i32_1 = arith.constant 0 : i32
    return %add3A_0, %c0_i32 : i32, i32
  }
  func.func @transform_3(%arg0: i32) -> (i32, i32) {
    %add3A = arith.constant 10 : i32
    %add3A_0 = arith.addi %add3A, %arg0 : i32
    %c0_i32 = arith.constant 0 : i32
    %c0_i32_1 = arith.constant 0 : i32
    return %add3A_0, %c0_i32 : i32, i32
  }
  func.func @transform_4(%arg0: i32) -> (i32, i32) {
    %c0_i32 = arith.constant 0 : i32
    %c0_i32_0 = arith.constant 0 : i32
    %c0_i32_1 = arith.constant 0 : i32
    return %c0_i32, %c0_i32_0 : i32, i32
  }
  func.func @transform_5(%arg0: i32) -> i32 {
    %c0_i32 = arith.constant 0 : i32
    %c0_i32_0 = arith.constant 0 : i32
    return %c0_i32 : i32
  }
  func.func @transform_6(%arg0: i32) -> (i32, i32) {
    %c0_i32 = arith.constant 0 : i32
    %c0_i32_0 = arith.constant 0 : i32
    return %arg0, %c0_i32 : i32, i32
  }
  func.func @transform_7(%arg0: i32) -> (i32, i32) {
    %c0_i32 = arith.constant 0 : i32
    %c0_i32_0 = arith.constant 0 : i32
    %c0_i32_1 = arith.constant 0 : i32
    return %c0_i32, %c0_i32_0 : i32, i32
  }
}

module attributes {stable_mosaic.version = 14 : i64} {
  func.func @_node_norm_body(%arg0: i32, %arg1: i32, %arg2: memref<1000x128xf32, #tpu.memory_space<vmem>>, %arg3: memref<8x128xf32, #tpu.memory_space<vmem>>, %arg4: memref<128xf32, #tpu.memory_space<vmem>>, %arg5: memref<128xf32, #tpu.memory_space<vmem>>, %arg6: memref<1000x128xf32, #tpu.memory_space<vmem>>) attributes {dimension_semantics = [#tpu.dimension_semantics<arbitrary>, #tpu.dimension_semantics<arbitrary>], iteration_bounds = array<i64: 2, 10>, scalar_prefetch = 0 : i64, scratch_operands = 0 : i64, tpu.core_type = #tpu.core_type<tc>, window_params = [{transform_indices = @transform_0, window_bounds = array<i64: 1000, 128>}, {transform_indices = @transform_1, window_bounds = array<i64: 8, 128>}, {transform_indices = @transform_2, window_bounds = array<i64: 128>}, {transform_indices = @transform_3, window_bounds = array<i64: 128>}, {transform_indices = @transform_4, window_bounds = array<i64: 1000, 128>}]} {
    %get3A = arith.constant 0 : index
    %get3A_0 = arith.constant 0 : index
    %get3A_1 = vector.load %arg3[%get3A, %get3A_0] : memref<8x128xf32, #tpu.memory_space<vmem>>, vector<1x128xf32>
    %mul3A = arith.constant 9.99999974E-5 : f32
    %mul3A_2 = vector.broadcast %mul3A : f32 to vector<1x128xf32>
    %mul3A_3 = arith.mulf %get3A_1, %mul3A_2 : vector<1x128xf32>
    %get3A_4 = arith.constant 1 : index
    %get3A_5 = arith.constant 0 : index
    %get3A_6 = vector.load %arg3[%get3A_4, %get3A_5] : memref<8x128xf32, #tpu.memory_space<vmem>>, vector<1x128xf32>
    %mul3A_7 = arith.constant 9.99999974E-5 : f32
    %mul3A_8 = vector.broadcast %mul3A_7 : f32 to vector<1x128xf32>
    %mul3A_9 = arith.mulf %get3A_6, %mul3A_8 : vector<1x128xf32>
    %mul3A_10 = arith.mulf %mul3A_3, %mul3A_3 : vector<1x128xf32>
    %sub3A = arith.subf %mul3A_9, %mul3A_10 : vector<1x128xf32>
    %add3A = arith.constant 9.99999974E-6 : f32
    %add3A_11 = vector.broadcast %add3A : f32 to vector<1x128xf32>
    %add3A_12 = arith.addf %sub3A, %add3A_11 : vector<1x128xf32>
    %rsqrt3A = math.rsqrt %add3A_12 : vector<1x128xf32>
    %get3A_13 = arith.constant 0 : index
    %get3A_14 = arith.constant 0 : index
    %get3A_15 = vector.load %arg2[%get3A_13, %get3A_14] : memref<1000x128xf32, #tpu.memory_space<vmem>>, vector<1000x128xf32>
    %sub3A_16 = vector.broadcast %mul3A_3 : vector<1x128xf32> to vector<1000x128xf32>
    %sub3A_17 = arith.subf %get3A_15, %sub3A_16 : vector<1000x128xf32>
    %get3A_18 = arith.constant 0 : index
    %get3A_19 = vector.load %arg4[%get3A_18] : memref<128xf32, #tpu.memory_space<vmem>>, vector<128xf32>
    %broadcast_in_dim3A = vector.shape_cast %get3A_19 : vector<128xf32> to vector<1x128xf32>
    %mul3A_20 = arith.mulf %rsqrt3A, %broadcast_in_dim3A : vector<1x128xf32>
    %mul3A_21 = vector.broadcast %mul3A_20 : vector<1x128xf32> to vector<1000x128xf32>
    %mul3A_22 = arith.mulf %sub3A_17, %mul3A_21 : vector<1000x128xf32>
    %get3A_23 = arith.constant 0 : index
    %get3A_24 = vector.load %arg5[%get3A_23] : memref<128xf32, #tpu.memory_space<vmem>>, vector<128xf32>
    %broadcast_in_dim3A_25 = vector.shape_cast %get3A_24 : vector<128xf32> to vector<1x128xf32>
    %add3A_26 = vector.broadcast %broadcast_in_dim3A_25 : vector<1x128xf32> to vector<1000x128xf32>
    %add3A_27 = arith.addf %mul3A_22, %add3A_26 : vector<1000x128xf32>
    %ge3A = arith.constant 0.000000e+00 : f32
    %ge3A_28 = vector.broadcast %ge3A : f32 to vector<1000x128xf32>
    %ge3A_29 = arith.cmpf oge, %add3A_27, %ge3A_28 : vector<1000x128xf32>
    %mul3A_30 = arith.constant 0.00999999977 : f32
    %mul3A_31 = vector.broadcast %mul3A_30 : f32 to vector<1000x128xf32>
    %mul3A_32 = arith.mulf %mul3A_31, %add3A_27 : vector<1000x128xf32>
    %select_n3A = arith.select %ge3A_29, %add3A_27, %mul3A_32 : vector<1000x128xi1>, vector<1000x128xf32>
    %swap3A = arith.constant 0 : index
    %swap3A_33 = arith.constant 0 : index
    %swap3A_34 = vector.load %arg6[%swap3A, %swap3A_33] : memref<1000x128xf32, #tpu.memory_space<vmem>>, vector<1000x128xf32>
    tpu.vector_store %arg6[%swap3A, %swap3A_33], %select_n3A {strides = array<i32>} : memref<1000x128xf32, #tpu.memory_space<vmem>>, vector<1000x128xf32>,
    return
  }
  func.func @transform_0(%arg0: i32, %arg1: i32) -> (i32, i32) {
    %c0_i32 = arith.constant 0 : i32
    return %arg1, %arg0 : i32, i32
  }
  func.func @transform_1(%arg0: i32, %arg1: i32) -> (i32, i32) {
    %c0_i32 = arith.constant 0 : i32
    %c0_i32_0 = arith.constant 0 : i32
    return %c0_i32, %arg0 : i32, i32
  }
  func.func @transform_2(%arg0: i32, %arg1: i32) -> i32 {
    %c0_i32 = arith.constant 0 : i32
    return %arg0 : i32
  }
  func.func @transform_3(%arg0: i32, %arg1: i32) -> i32 {
    %c0_i32 = arith.constant 0 : i32
    return %arg0 : i32
  }
  func.func @transform_4(%arg0: i32, %arg1: i32) -> (i32, i32) {
    %mul3A = arith.constant 10 : i32
    %mul3A_0 = arith.muli %arg0, %mul3A : i32
    %add3A = arith.addi %mul3A_0, %arg1 : i32
    %c0_i32 = arith.constant 0 : i32
    %c0_i32_1 = arith.constant 0 : i32
    return %add3A, %c0_i32 : i32, i32
  }
}

module attributes {stable_mosaic.version = 14 : i64} {
  func.func @_final_body(%arg0: i32, %arg1: memref<1000x128xf32, #tpu.memory_space<vmem>>, %arg2: memref<1000x128xf32, #tpu.memory_space<vmem>>, %arg3: memref<1000x128xf32, #tpu.memory_space<vmem>>, %arg4: memref<1000x128xf32, #tpu.memory_space<vmem>>, %arg5: memref<1000x128xf32, #tpu.memory_space<vmem>>, %arg6: memref<1000x128xf32, #tpu.memory_space<vmem>>, %arg7: memref<768x768xf32, #tpu.memory_space<vmem>>, %arg8: memref<768xf32, #tpu.memory_space<vmem>>, %arg9: memref<128x768xf32, #tpu.memory_space<vmem>>, %arg10: memref<128xf32, #tpu.memory_space<vmem>>, %arg11: memref<1000x128xf32, #tpu.memory_space<vmem>>, %arg12: memref<1000x128xf32, #tpu.memory_space<vmem>>) attributes {dimension_semantics = [#tpu.dimension_semantics<arbitrary>], iteration_bounds = array<i64: 10>, scalar_prefetch = 0 : i64, scratch_operands = 0 : i64, tpu.core_type = #tpu.core_type<tc>, window_params = [{transform_indices = @transform_0, window_bounds = array<i64: 1000, 128>}, {transform_indices = @transform_1, window_bounds = array<i64: 1000, 128>}, {transform_indices = @transform_2, window_bounds = array<i64: 1000, 128>}, {transform_indices = @transform_3, window_bounds = array<i64: 1000, 128>}, {transform_indices = @transform_4, window_bounds = array<i64: 1000, 128>}, {transform_indices = @transform_5, window_bounds = array<i64: 1000, 128>}, {pipeline_mode = #tpu.pipeline_mode<synchronous>, transform_indices = @transform_6, window_bounds = array<i64: 768, 768>}, {pipeline_mode = #tpu.pipeline_mode<synchronous>, transform_indices = @transform_7, window_bounds = array<i64: 768>}, {pipeline_mode = #tpu.pipeline_mode<synchronous>, transform_indices = @transform_8, window_bounds = array<i64: 128, 768>}, {pipeline_mode = #tpu.pipeline_mode<synchronous>, transform_indices = @transform_9, window_bounds = array<i64: 128>}, {transform_indices = @transform_10, window_bounds = array<i64: 1000, 128>}, {transform_indices = @transform_11, window_bounds = array<i64: 1000, 128>}]} {
    %get3A = arith.constant 0 : index
    %get3A_0 = arith.constant 0 : index
    %get3A_1 = vector.load %arg1[%get3A, %get3A_0] : memref<1000x128xf32, #tpu.memory_space<vmem>>, vector<1000x128xf32>
    %get3A_2 = arith.constant 0 : index
    %get3A_3 = arith.constant 0 : index
    %get3A_4 = vector.load %arg2[%get3A_2, %get3A_3] : memref<1000x128xf32, #tpu.memory_space<vmem>>, vector<1000x128xf32>
    %get3A_5 = arith.constant 0 : index
    %get3A_6 = arith.constant 0 : index
    %get3A_7 = vector.load %arg3[%get3A_5, %get3A_6] : memref<1000x128xf32, #tpu.memory_space<vmem>>, vector<1000x128xf32>
    %get3A_8 = arith.constant 0 : index
    %get3A_9 = arith.constant 0 : index
    %get3A_10 = vector.load %arg4[%get3A_8, %get3A_9] : memref<1000x128xf32, #tpu.memory_space<vmem>>, vector<1000x128xf32>
    %get3A_11 = arith.constant 0 : index
    %get3A_12 = arith.constant 0 : index
    %get3A_13 = vector.load %arg5[%get3A_11, %get3A_12] : memref<1000x128xf32, #tpu.memory_space<vmem>>, vector<1000x128xf32>
    %get3A_14 = arith.constant 0 : index
    %get3A_15 = arith.constant 0 : index
    %get3A_16 = vector.load %arg6[%get3A_14, %get3A_15] : memref<1000x128xf32, #tpu.memory_space<vmem>>, vector<1000x128xf32>
    %concatenate3A = tpu.concatenate %get3A_1, %get3A_4, %get3A_7, %get3A_10, %get3A_13, %get3A_16 in 1 : vector<1000x128xf32>, vector<1000x128xf32>, vector<1000x128xf32>, vector<1000x128xf32>, vector<1000x128xf32>, vector<1000x128xf32> -> vector<1000x768xf32>
    %get3A_17 = arith.constant 0 : index
    %get3A_18 = arith.constant 0 : index
    %get3A_19 = vector.load %arg7[%get3A_17, %get3A_18] : memref<768x768xf32, #tpu.memory_space<vmem>>, vector<768x768xf32>
    %dot_general3A = arith.constant dense<0.000000e+00> : vector<1000x768xf32>
    %dot_general3A_20 = tpu.matmul %concatenate3A, %get3A_19, %dot_general3A {dimension_numbers = #tpu.dot_dimension_numbers<[1], [1], [0], [0], [0, 0, 1, 0], [], []>, transpose_lhs_hint = false} : vector<1000x768xf32>, vector<768x768xf32>, vector<1000x768xf32> -> vector<1000x768xf32>
    %get3A_21 = arith.constant 0 : index
    %get3A_22 = vector.load %arg8[%get3A_21] : memref<768xf32, #tpu.memory_space<vmem>>, vector<768xf32>
    %broadcast_in_dim3A = vector.shape_cast %get3A_22 : vector<768xf32> to vector<1x768xf32>
    %add3A = vector.broadcast %broadcast_in_dim3A : vector<1x768xf32> to vector<1000x768xf32>
    %add3A_23 = arith.addf %dot_general3A_20, %add3A : vector<1000x768xf32>
    %ge3A = arith.constant 0.000000e+00 : f32
    %ge3A_24 = vector.broadcast %ge3A : f32 to vector<1000x768xf32>
    %ge3A_25 = arith.cmpf oge, %add3A_23, %ge3A_24 : vector<1000x768xf32>
    %mul3A = arith.constant 0.00999999977 : f32
    %mul3A_26 = vector.broadcast %mul3A : f32 to vector<1000x768xf32>
    %mul3A_27 = arith.mulf %mul3A_26, %add3A_23 : vector<1000x768xf32>
    %select_n3A = arith.select %ge3A_25, %add3A_23, %mul3A_27 : vector<1000x768xi1>, vector<1000x768xf32>
    %get3A_28 = arith.constant 0 : index
    %get3A_29 = arith.constant 0 : index
    %get3A_30 = vector.load %arg9[%get3A_28, %get3A_29] : memref<128x768xf32, #tpu.memory_space<vmem>>, vector<128x768xf32>
    %dot_general3A_31 = arith.constant dense<0.000000e+00> : vector<1000x128xf32>
    %dot_general3A_32 = tpu.matmul %select_n3A, %get3A_30, %dot_general3A_31 {dimension_numbers = #tpu.dot_dimension_numbers<[1], [1], [0], [0], [0, 0, 1, 0], [], []>, transpose_lhs_hint = false} : vector<1000x768xf32>, vector<128x768xf32>, vector<1000x128xf32> -> vector<1000x128xf32>
    %get3A_33 = arith.constant 0 : index
    %get3A_34 = vector.load %arg10[%get3A_33] : memref<128xf32, #tpu.memory_space<vmem>>, vector<128xf32>
    %broadcast_in_dim3A_35 = vector.shape_cast %get3A_34 : vector<128xf32> to vector<1x128xf32>
    %add3A_36 = vector.broadcast %broadcast_in_dim3A_35 : vector<1x128xf32> to vector<1000x128xf32>
    %add3A_37 = arith.addf %dot_general3A_32, %add3A_36 : vector<1000x128xf32>
    %swap3A = arith.constant 0 : index
    %swap3A_38 = arith.constant 0 : index
    %swap3A_39 = vector.load %arg11[%swap3A, %swap3A_38] : memref<1000x128xf32, #tpu.memory_space<vmem>>, vector<1000x128xf32>
    tpu.vector_store %arg11[%swap3A, %swap3A_38], %add3A_37 {strides = array<i32>} : memref<1000x128xf32, #tpu.memory_space<vmem>>, vector<1000x128xf32>,
    %reduce_max3A = arith.constant dense<0xFF800000> : vector<1000xf32>
    %reduce_max3A_40 = vector.multi_reduction <maximumf>, %add3A_37, %reduce_max3A [1] : vector<1000x128xf32> to vector<1000xf32>
    %broadcast_in_dim3A_41 = vector.shape_cast %reduce_max3A_40 : vector<1000xf32> to vector<1000x1xf32>
    %sub3A = vector.broadcast %broadcast_in_dim3A_41 : vector<1000x1xf32> to vector<1000x128xf32>
    %sub3A_42 = arith.subf %add3A_37, %sub3A : vector<1000x128xf32>
    %exp3A = math.exp %sub3A_42 : vector<1000x128xf32>
    %reduce_sum3A = arith.constant dense<0.000000e+00> : vector<1000xf32>
    %reduce_sum3A_43 = vector.multi_reduction <add>, %exp3A, %reduce_sum3A [1] : vector<1000x128xf32> to vector<1000xf32>
    %broadcast_in_dim3A_44 = vector.shape_cast %reduce_sum3A_43 : vector<1000xf32> to vector<1000x1xf32>
    %div3A = vector.broadcast %broadcast_in_dim3A_44 : vector<1000x1xf32> to vector<1000x128xf32>
    %div3A_45 = arith.divf %exp3A, %div3A : vector<1000x128xf32>
    %swap3A_46 = arith.constant 0 : index
    %swap3A_47 = arith.constant 0 : index
    %swap3A_48 = vector.load %arg12[%swap3A_46, %swap3A_47] : memref<1000x128xf32, #tpu.memory_space<vmem>>, vector<1000x128xf32>
    tpu.vector_store %arg12[%swap3A_46, %swap3A_47], %div3A_45 {strides = array<i32>} : memref<1000x128xf32, #tpu.memory_space<vmem>>, vector<1000x128xf32>,
    return
  }
  func.func @transform_0(%arg0: i32) -> (i32, i32) {
    %add3A = arith.constant 0 : i32
    %add3A_0 = arith.addi %add3A, %arg0 : i32
    %c0_i32 = arith.constant 0 : i32
    %c0_i32_1 = arith.constant 0 : i32
    return %add3A_0, %c0_i32 : i32, i32
  }
  func.func @transform_1(%arg0: i32) -> (i32, i32) {
    %add3A = arith.constant 10 : i32
    %add3A_0 = arith.addi %add3A, %arg0 : i32
    %c0_i32 = arith.constant 0 : i32
    %c0_i32_1 = arith.constant 0 : i32
    return %add3A_0, %c0_i32 : i32, i32
  }
  func.func @transform_2(%arg0: i32) -> (i32, i32) {
    %add3A = arith.constant 0 : i32
    %add3A_0 = arith.addi %add3A, %arg0 : i32
    %c0_i32 = arith.constant 0 : i32
    %c0_i32_1 = arith.constant 0 : i32
    return %add3A_0, %c0_i32 : i32, i32
  }
  func.func @transform_3(%arg0: i32) -> (i32, i32) {
    %add3A = arith.constant 10 : i32
    %add3A_0 = arith.addi %add3A, %arg0 : i32
    %c0_i32 = arith.constant 0 : i32
    %c0_i32_1 = arith.constant 0 : i32
    return %add3A_0, %c0_i32 : i32, i32
  }
  func.func @transform_4(%arg0: i32) -> (i32, i32) {
    %add3A = arith.constant 0 : i32
    %add3A_0 = arith.addi %add3A, %arg0 : i32
    %c0_i32 = arith.constant 0 : i32
    %c0_i32_1 = arith.constant 0 : i32
    return %add3A_0, %c0_i32 : i32, i32
  }
  func.func @transform_5(%arg0: i32) -> (i32, i32) {
    %add3A = arith.constant 10 : i32
    %add3A_0 = arith.addi %add3A, %arg0 : i32
    %c0_i32 = arith.constant 0 : i32
    %c0_i32_1 = arith.constant 0 : i32
    return %add3A_0, %c0_i32 : i32, i32
  }
  func.func @transform_6(%arg0: i32) -> (i32, i32) {
    %c0_i32 = arith.constant 0 : i32
    %c0_i32_0 = arith.constant 0 : i32
    %c0_i32_1 = arith.constant 0 : i32
    return %c0_i32, %c0_i32_0 : i32, i32
  }
  func.func @transform_7(%arg0: i32) -> i32 {
    %c0_i32 = arith.constant 0 : i32
    %c0_i32_0 = arith.constant 0 : i32
    return %c0_i32 : i32
  }
  func.func @transform_8(%arg0: i32) -> (i32, i32) {
    %c0_i32 = arith.constant 0 : i32
    %c0_i32_0 = arith.constant 0 : i32
    %c0_i32_1 = arith.constant 0 : i32
    return %c0_i32, %c0_i32_0 : i32, i32
  }
  func.func @transform_9(%arg0: i32) -> i32 {
    %c0_i32 = arith.constant 0 : i32
    %c0_i32_0 = arith.constant 0 : i32
    return %c0_i32 : i32
  }
  func.func @transform_10(%arg0: i32) -> (i32, i32) {
    %c0_i32 = arith.constant 0 : i32
    %c0_i32_0 = arith.constant 0 : i32
    return %arg0, %c0_i32 : i32, i32
  }
  func.func @transform_11(%arg0: i32) -> (i32, i32) {
    %c0_i32 = arith.constant 0 : i32
    %c0_i32_0 = arith.constant 0 : i32
    return %arg0, %c0_i32 : i32, i32
  }
}

</mosaic_0001>

<sc_bundles>
// kernel: closed_call.14.cloned.1.call-start
scs
__scs_entry_jumppad:
0x0: {  	(pc) =	sbr.rel $0x88, $3  }
0x1: {  	(tag) =	ssettag $0x0;
	lr =	simm.s32 $0x1  }
0x2: {  	[smem:$0x3F8B] =	sst lr;
	_ =	strace $0xD0000000  }
0x3: {  	_ = 	snop  }
0x4: {  	_ = 	snop  }
0x5: {  	_ = 	snop  }
0x6: {  	_ = 	snop  }
0x7: {  	_ = 	snop  }
__scs_overlays_trampoline_lowered:
0x8: {  	[smem:$0x3F9A] =	sst s0  }
0x9: {  	[smem:$0x3F9B] =	sst s1  }
0xa: {  	[smem:$0x3F9C] =	sst s2  }
0xb: {  	[smem:$0x3F9D] =	sst s3  }
0xc: {  	[smem:$0x3F9E] =	sst s4  }
0xd: {  	[smem:$0x3F9F] =	sst s5  }
0xe: {  	[smem:$0x3FA0] =	sst s6  }
0xf: {  	[smem:$0x3FA1] =	sst s7  }
0x10: {  	[smem:$0x3FA2] =	sst s8  }
0x11: {  	[smem:$0x3FA3] =	sst s9;
	s0 =	simm.s32 @!p0 $0x0  }
0x12: {  	s1 =	sld [smem:$0x3F89];
	s0 =	simm.s32 @p0 $0x1  }
0x13: {  	[smem:$0x3FA4] =	sst s0;
	s0 =	simm.s32 @!p1 $0x0  }
0x14: {  	s2 =	sld [smem:$0x3F88];
	s0 =	simm.s32 @p1 $0x1  }
0x15: {  	[smem:$0x3FA5] =	sst s0;
	s0 =	simm.s32 @!p2 $0x0  }
0x16: {  	s3 =	sld [smem:$0x3FDB];
	s0 =	simm.s32 @p2 $0x1  }
0x17: {  	s4 =	simm.s32 $0x1BF5;
	[smem:$0x3FA7] =	sst s0  }
0x18: {  	s0 =	sld [smem:$0x3F8A];
	_ =	swait.ge [sflag:s4], $0x0  }
0x19: {  	s7 =	sld [smem:$0x3F8B]  }
0x1a: {  	s8 =	sadd.s32 $0xFFFFE003, lr  }
0x1b: {  	s9 =	sadd.s32 $0xFFFFFEF7, lr;
	s5 =	simm.s32 $0xFFFFFFFF;
	p2 =	slt.u32 s8, $0xFFFFF086  }
0x1c: {  	p1 =	slt.u32 s9, $0xF7A;
	s5 =	simm.s32 @!p2 $0x0  }
0x1d: {  	s5 =	simm.s32 @p1 $0x1;
	p0 =	seq.s32 s7, s2  }
0x1e: {  	s7 =	smul.u32 @!p0 $0xF7A, s2;
	p2 =	seq.s32 @!p0 s5, $0x0  }
0x1f: {  	s9 =	smul.u32 $0xF7A, s1;
	s8 =	simm.s32 @!p0 $0x1BF5;
	p2 =	por !p2, p0  }
0x20: {  	[sflag:s8] =	ssyncset.s32 @!p0 $0xFFFFF086;
	s6 =	sadd.s32 @!p0 s3, s7;
	s7 =	simm.s32 @!p0 $0x108  }
0x21: {  	s3 =	sadd.s32 s3, s9;
	s6 =	sadd.s32 @!p0 $0x88, s6;
	s7 =	simm.s32 @p2 $0x1082  }
0x22: {  	[simem:s7], [sflag:s8] =	dma.local @!p0 [hbm:s6], $0xF7A  }
0x23: {  	s9 =	sor.u32 $0xD0000000, s2;
	s6 =	simm.s32 $0x108;
	_ =	swait.ge @!p0 [sflag:s8], $0x0  }
0x24: {  	s3 =	sadd.s32 $0x88, s3;
	s6 =	simm.s32 @!p1 $0x1082;
	[sflag:s4] =	ssyncset.s32 $0xFFFFF086  }
0x25: {  	[simem:s6], [sflag:s4] =	dma.local [hbm:s3], $0xF7A  }
0x26: {  	[smem:$0x3F8B] =	sst s1;
	(tag) =	ssettag s2;
	_ =	strace s9  }
0x27: {  	s1 =	sld [smem:$0x3F9B]  }
0x28: {  	s2 =	sld [smem:$0x3F9C]  }
0x29: {  	s4 =	sld [smem:$0x3F9E]  }
0x2a: {  	p0 =	seq.s32 s5, $0x0;
	s5 =	sld [smem:$0x3F9F]  }
0x2b: {  	s6 =	sld [smem:$0x3FA0]  }
0x2c: {  	s7 =	sld [smem:$0x3FA1]  }
0x2d: {  	s3 =	simm.s32 $0x108;
	s8 =	sld [smem:$0x3FA2]  }
0x2e: {  	s3 =	simm.s32 @!p0 $0x1082;
	s9 =	sld [smem:$0x3FA3]  }
0x2f: {  	lr =	sadd.s32 s0, s3;
	s0 =	sld [smem:$0x3F9A]  }
0x30: {  	s3 =	sld [smem:$0x3F9D]  }
0x31: {  	[smem:$0x3FA6] =	sst s10  }
0x32: {  	s10 =	sld [smem:$0x3FA4];
	_ =	sdelay $0x3  }
0x33: {  	p0 =	seq.s32 s10, $0x1;
	s10 =	sld [smem:$0x3FA6];
	_ =	sdelay $0x3  }
0x34: {  	[smem:$0x3FA6] =	sst s10  }
0x35: {  	s10 =	sld [smem:$0x3FA5];
	_ =	sdelay $0x3  }
0x36: {  	p1 =	seq.s32 s10, $0x1;
	s10 =	sld [smem:$0x3FA6];
	_ =	sdelay $0x3  }
0x37: {  	[smem:$0x3FA6] =	sst s10  }
0x38: {  	s10 =	sld [smem:$0x3FA7]  }
0x39: {  	_ = 	snop;
	(pc) =	sbr.ind lr, $3  }
0x3a: {  	_ = 	snop  }
0x3b: {  	_ = 	snop  }
0x3c: {  	p2 =	seq.s32 s10, $0x1;
	s10 =	sld [smem:$0x3FA6]  }
0x3d: {  	_ =	shalt  }
0x3e: {  	_ =	shalt  }
0x3f: {  	_ =	shalt  }
0x40: {  	_ =	shalt  }
0x41: {  	_ =	shalt  }
0x42: {  	_ =	shalt  }
0x43: {  	_ =	shalt  }
0x44: {  	_ =	shalt  }
0x45: {  	_ =	shalt  }
0x46: {  	_ =	shalt  }
0x47: {  	_ =	shalt  }
0x48: {  	_ =	shalt  }
0x49: {  	_ =	shalt  }
0x4a: {  	_ =	shalt  }
0x4b: {  	_ =	shalt  }
0x4c: {  	_ =	shalt  }
0x4d: {  	_ =	shalt  }
0x4e: {  	_ =	shalt  }
0x4f: {  	_ =	shalt  }
0x50: {  	_ =	shalt  }
0x51: {  	_ =	shalt  }
0x52: {  	_ =	shalt  }
0x53: {  	_ =	shalt  }
0x54: {  	_ =	shalt  }
0x55: {  	_ =	shalt  }
0x56: {  	_ =	shalt  }
0x57: {  	_ =	shalt  }
0x58: {  	_ =	shalt  }
0x59: {  	_ =	shalt  }
0x5a: {  	_ =	shalt  }
0x5b: {  	_ =	shalt  }
0x5c: {  	_ =	shalt  }
0x5d: {  	_ =	shalt  }
0x5e: {  	_ =	shalt  }
0x5f: {  	_ =	shalt  }
0x60: {  	_ =	shalt  }
0x61: {  	_ =	shalt  }
0x62: {  	_ =	shalt  }
0x63: {  	_ =	shalt  }
0x64: {  	_ =	shalt  }
0x65: {  	_ =	shalt  }
0x66: {  	_ =	shalt  }
0x67: {  	_ =	shalt  }
0x68: {  	_ =	shalt  }
0x69: {  	_ =	shalt  }
0x6a: {  	_ =	shalt  }
0x6b: {  	_ =	shalt  }
0x6c: {  	_ =	shalt  }
0x6d: {  	_ =	shalt  }
0x6e: {  	_ =	shalt  }
0x6f: {  	_ =	shalt  }
0x70: {  	_ =	shalt  }
0x71: {  	_ =	shalt  }
0x72: {  	_ =	shalt  }
0x73: {  	_ =	shalt  }
0x74: {  	_ =	shalt  }
0x75: {  	_ =	shalt  }
0x76: {  	_ =	shalt  }
0x77: {  	_ =	shalt  }
0x78: {  	_ =	shalt  }
0x79: {  	_ =	shalt  }
0x7a: {  	_ =	shalt  }
0x7b: {  	_ =	shalt  }
0x7c: {  	_ =	shalt  }
0x7d: {  	_ =	shalt  }
0x7e: {  	_ =	shalt  }
0x7f: {  	_ =	shalt  }
0x80: {  	_ =	shalt  }
0x81: {  	_ =	shalt  }
0x82: {  	_ =	shalt  }
0x83: {  	_ =	shalt  }
0x84: {  	_ =	shalt  }
0x85: {  	_ =	shalt  }
0x86: {  	_ =	shalt  }
0x87: {  	_ =	shalt  }
.Lfunc_end0:
.L_simem_size_0:
called_computation_lowered:
.L_overlay_start_0:
0x88: {  	s2 =	sld [smem:$0x3FD9]  }
0x89: {  	s3 =	sld [smem:$0x3FFE];
	_ =	sdelay $0x1  }
0x8a: {  	s1 =	srdreg.scid  }
0x8b: {  	s0 =	sand.u32 $0x1, s1  }
0x8c: {  	s14 =	sshll.u32 s0, $0xA;
	s2 =	sadd.s32 s3, s2  }
0x8d: {  	s2 =	sadd.s32 s2, s14  }
0x8e: {  	[smem:$0x3FB2] =	sst s2  }
0x8f: {  	_ = 	snop  }
0x90: {  	s2 =	sld [smem:$0x3FD0];
	_ =	sdelay $0x2  }
0x91: {  	s15 =	simm.s32 $0xA;
	s4 =	simm.s32 $0x10  }
0x92: {  	[smem:s4], [sflag:s15] =	dma.local [hbm:s2], $0x1  }
0x93: {  	_ =	swait.eq [sflag:s15], $0x1  }
0x94: {  	[sflag:s15] =	ssyncset.done $0x0  }
0x95: {  	s16 =	sld [smem:$0x10];
	[sflag:s15] =	ssyncadd.s32 $0xFFFFFFFF  }
0x96: {  	s17 =	sld [smem:$0x11];
	(tm) =	ssettm $0x1  }
0x97: {  	s18 =	sld [smem:$0x3FFB];
	_ =	sdelay $0x3  }
0x98: {  	_ =	strace s18  }
0x99: {  	s4 =	sld [smem:$0x3FFC];
	_ =	sdelay $0x3  }
0x9a: {  	_ =	strace s4  }
0x9b: {  	s4 =	sld [smem:$0x3FFD];
	_ =	sdelay $0x3  }
0x9c: {  	_ =	strace s4  }
0x9d: {  	_ =	strace $0x8FFFFFFF  }
0x9e: {  	s19 =	sld [smem:$0x3FDB];
	_ =	sdelay $0x1  }
0x9f: {  	s5 =	simm.s32 $_scs_section_size  }
0xa0: {  	s6 =	simm.s32 $_size__tile_overlayer_lowered;
	s7 =	simm.s32 $_tile_overlayer_lowered  }
0xa1: {  	s22 =	simm.s32 $0x1BFF;
	s21 =	sshll.u32 s7, $0x1;
	s4 =	sadd.s32 s5, s19  }
0xa2: {  	s8 =	simm.s32 $0x0;
	s20 =	sshll.u32 s6, $0x1;
	s6 =	sadd.s32 s21, s4  }
0xa3: {  	[timem:s8], [sflag:s22] =	dma.local [hbm:s6], s20  }
0xa4: {  	_ =	swait.ge [sflag:s22], s20  }
0xa5: {  	s5 =	ssub.s32 $0x0, s20;
	[sflag:s22] =	ssyncset.done $0x0  }
0xa6: {  	[sflag:s22] =	ssyncadd.s32 s5;
	_ =	sdelay $0x1  }
0xa7: {  	s23 =	simm.s32 $0x1B8B  }
0xa8: {  	_ =	swait.ge [sflag:s23], $0x1  }
0xa9: {  	[sflag:s23] =	ssyncset.done $0x0  }
0xaa: {  	s25 =	simm.s32 $0x1B8E;
	s24 =	sld [smem:$0x3FFE];
	[sflag:s23] =	ssyncadd.s32 $0xFFFFFFFF  }
0xab: {  	s26 =	simm.s32 $execute0_lowered;
	[smem:$0x3FD2] =	sst s25  }
0xac: {  	s6 =	sshll.u32 s26, $0x1;
	_ =	strace $0x80000046;
	[dreg:$0x1] =	wrdreg $0xFFFFFFFF  }
0xad: {  	s28 =	simm.s32 $_size_execute0_lowered;
	s4 =	sadd.s32 s4, s6;
	[dreg:$0x0] =	wrdreg $0x0  }
0xae: {  	s6 =	sshll.u32 s28, $0x1;
	[dreg:$0x2] =	wrdreg s4  }
0xaf: {  	[dreg:$0x3] =	wrdreg s6  }
0xb0: {  	[dreg:$0x4] =	wrdreg $0xC0  }
0xb1: {  	_ =	task [dreg:s8], $0x5FFFF  }
0xb2: {  	[dreg:$0x1] =	wrdreg $0xFFFFFFFF  }
0xb3: {  	[dreg:$0x0] =	wrdreg $0x60  }
0xb4: {  	[dreg:$0x2] =	wrdreg s24  }
0xb5: {  	[dreg:$0x3] =	wrdreg s17  }
0xb6: {  	[dreg:$0x4] =	wrdreg s16  }
0xb7: {  	[dreg:$0x5] =	wrdreg $0x156000  }
0xb8: {  	[dreg:$0x6] =	wrdreg $0x9  }
0xb9: {  	_ =	task.clear_ibuf [dreg:s8], $0x7FFFF;
	_ =	strace $0x90000046  }
0xba: {  	s29 =	simm.s32 $0x9;
	_ =	strace $0x80000048  }
0xbb: {  	_ =	swait.ge [sflag:s29], $0x1  }
0xbc: {  	[sflag:s29] =	ssyncadd.s32 $0xFFFFFFFF  }
0xbd: {  	_ =	strace $0x90000048  }
0xbe: {  	_ =	sfence  }
0xbf: {  	s30 =	sld [smem:$0x0];
	_ =	sdelay $0x2  }
0xc0: {  	s31 =	sshll.u32 s1, $0xD;
	s1 =	sshrl.u32 s1, $0x2  }
0xc1: {  	s3 =	sand.u32 $0x4000, s31;
	s1 =	sadd.s32 s1, s30  }
0xc2: {  	s0 =	sor.u32 s3, s0;
	s1 =	sshll.u32 s1, $0x11  }
0xc3: {  	s0 =	sor.u32 s1, s0  }
0xc4: {  	s0 =	sadd.s32 $0x8F2B, s0  }
0xc5: {  	[sflag:s0] =	ssyncadd.remote.s32 $0x1  }
0xc6: {  	_ =	sfence.sel $0xFFFF  }
0xc7: {  	[dreg:$0x0] =	wrdreg $0xFFFFFFFF;
	(pc) =	sbr.abs _section_cstart, $3  }
0xc8: {  	[dreg:$0x1] =	wrdreg $0xFFFFFFFF  }
0xc9: {  	_ =	task.clear_ibuf [dreg:s8], $0x2FFFF;
	_ =	strace $0x9FFFFFFF  }
0xca: {  	(tm) =	ssettm $0x7FFFFFFF  }
0xcb: {  	_ =	shalt  }
tec
execute0_lowered:
.L_overlay_start_1:
0x0: {  	(tag) =	ssettag $0x1  }
0x1: {  	s0 =	rddreg [dreg:$0x0]  }
0x2: {  	s4 =	rddreg [dreg:$0x3];
	s6 =	stileid.u32  }
0x3: {  	s10 =	simm.s32 $0x0;
	s1 =	srdreg.scid;
	s9 =	smul.u32 $0x271, s6  }
0x4: {  	[smem:$0x7FF] =	sst s10;
	s2 =	smul.u32 $0x27100, s6  }
0x5: {  	s7 =	sadd.s32 $0x8800, s0;
	s1 =	sand.u32 $0x1, s1;
	s15 =	smul.u32 $0x4E20, s6  }
0x6: {  	s11 =	sadd.s32 $0x141000, s0;
	s23 =	sadd.s32 $0x141200, s0;
	s16 =	smul.u32 $0x64, s6  }
0x7: {  	_ =	strace $0x80000047;
	s5 =	smul.u32 $0x2710, s1;
	[dreg:$0x6] =	wrdreg s11  }
0x8: {  	s8 =	sadd.s32 $0x6BF400, s0;
	s13 =	smul.u32 $0x4E200, s1;
	[dreg:$0x7] =	wrdreg s23  }
0x9: {  	s3 =	ssub.s32 $0x2, s1;
	[dreg:$0x5] =	wrdreg s9;
	s25 =	sadd.s32 s9, s5  }
0xa: {  	s2 =	sshrl.u32 s2, $0x2;
	s6 =	sadd.s32 $0x27100, s13;
	[dreg:$0x8] =	wrdreg s25  }
0xb: {  	s24 =	sshrl.u32 s3, $0x1;
	s2 =	sadd.s32 s2, s4;
	[dreg:$0xb] =	wrdreg s6  }
0xc: {  	s0 =	ssub.s32 s3, s24;
	s5 =	sadd.s32 $0x9600, s2;
	[dreg:$0x9] =	wrdreg s2  }
0xd: {  	s0 =	smax.u32 s0, $0x1;
	[dreg:$0xa] =	wrdreg s5  }
0xe: {  	s9 =	sadd.s32 $0xA00, s2;
	[dreg:$0xd] =	wrdreg s0  }
0xf: {  	s11 =	sadd.s32 $0x1400, s2;
	[dreg:$0xe] =	wrdreg s9  }
0x10: {  	s12 =	sadd.s32 $0x1E00, s2;
	[dreg:$0xf] =	wrdreg s11  }
0x11: {  	s14 =	sadd.s32 $0x2800, s2;
	[dreg:$0x10] =	wrdreg s12  }
0x12: {  	s17 =	sadd.s32 $0x3200, s2;
	[dreg:$0x11] =	wrdreg s14  }
0x13: {  	s28 =	simm.s32 $0x6B90;
	s18 =	sadd.s32 $0x3C00, s2;
	[dreg:$0x12] =	wrdreg s17  }
0x14: {  	s29 =	simm.s32 $0x1;
	s19 =	sadd.s32 $0x4600, s2;
	[dreg:$0x13] =	wrdreg s18  }
0x15: {  	s30 =	simm.s32 $0x78;
	s20 =	sadd.s32 $0x5000, s2;
	[dreg:$0x14] =	wrdreg s19  }
0x16: {  	s31 =	simm.s32 $0x50;
	s21 =	sadd.s32 $0x5A00, s2;
	[dreg:$0x15] =	wrdreg s20  }
0x17: {  	s3 =	simm.s32 $0xC8;
	s22 =	sadd.s32 $0x6400, s2;
	[dreg:$0x16] =	wrdreg s21  }
0x18: {  	s26 =	sshll.u32 s25, $0x4;
	s24 =	sadd.s32 $0x7800, s2;
	[dreg:$0x17] =	wrdreg s22  }
0x19: {  	s25 =	sadd.s32 $0x8200, s2;
	s1 =	sadd.s32 s26, s23;
	[dreg:$0x19] =	wrdreg s24  }
0x1a: {  	s23 =	sadd.s32 $0x6E00, s2;
	[dreg:$0x1a] =	wrdreg s25;
	s26 =	sadd.s32 $0x8C00, s2  }
0x1b: {  	s18 =	simm.s32 $0x3;
	s19 =	simm.s32 $0x9B90;
	s20 =	simm.s32 $0x190  }
0x1c: {  	s21 =	simm.s32 $0x2;
	s22 =	simm.s32 $0x68;
	s24 =	simm.s32 $0x390  }
0x1d: {  	s25 =	simm.s32 $0x3790;
	s0 =	simm.s32 $0x208;
	s9 =	simm.s32 $0x130  }
0x1e: {  	s14 =	simm.s32 $0x258;
	s12 =	simm.s32 $0x2D0;
	[dreg:$0x18] =	wrdreg s23  }
0x1f: {  	s2 =	simm.s32 $0x0;
	s1 =	sadd.s32 $0x2580, s1;
	[dreg:$0x1b] =	wrdreg s26  }
0x20: {  	v0 =	vimm.f32 $0.0e+00;
	s23 =	simm.s32 $0x320;
	s26 =	simm.s32 $0x60;
	[dreg:$0xc] =	wrdreg s1  }
.LBB2_1:
0x21: {  	[dreg:$0x1c] =	wrdreg s2  }
0x22: {  	s1 =	rddreg [dreg:$0x6];
	s17 =	simm.s32 $0xB990  }
0x23: {  	[tilespmem:s17], [sflag:$0x3] =	stream.linear.gather [hbm4b:s1+s10], $0x30, $0x38;
	[tilespmem:$0x1F240] =	vst v63  }
0x24: {  	_ =	swait.ge [sflag:s18], $0x30  }
0x25: {  	[sflag:s18] =	ssyncset.done $0x0  }
0x26: {  	[sflag:s18] =	ssyncadd.s32 $0xFFFFFFD0  }
0x27: {  	v1 =	vld [tilespmem:$0xB990]  }
0x28: {  	v2 =	vld [tilespmem:$0xB9A0]  }
0x29: {  	s2 =	simm.s32 $0x100;
	s1 =	simm.s32 $0x0;
	v3 =	vld [tilespmem:$0xB9B0]  }
.LBB2_2:
0x2a: {  	p0 =	sne.s32 s2, $0x2700;
	[tilespmem:s1+$0x9BC0] =	vst v0;
	s5 =	smov.u32 s2;
	s2 =	sadd.s32 $0x100, s2  }
.Ltmp0:
0x2b: {  	[tilespmem:s1+$0x9BB0] =	vst v0;
	(pc) =	sbr.rel @p0 .LBB2_2-.Ltmp0, $3  }
0x2c: {  	[tilespmem:s1+$0x9B90] =	vst v0  }
0x2d: {  	[tilespmem:s1+$0x9BA0] =	vst v0;
	_ =	sdelay $0x1  }
0x2e: {  	s1 =	sshra.s32 s5, $0x2  }
0x2f: {  	[tilespmem:s1+$0x9BC0] =	vst v0  }
0x30: {  	[tilespmem:s1+$0x9BB0] =	vst v0  }
0x31: {  	[tilespmem:s1+$0x9B90] =	vst v0  }
0x32: {  	[tilespmem:s1+$0x9BA0] =	vst v0;
	s6 =	rddreg [dreg:$0x9]  }
0x33: {  	[spmem:s6] =	stream.linear.scatter [tilespmem:s19], [sflag:$0x3], $0xA00, $0x38;
	[tilespmem:$0x1F240] =	vst v63  }
0x34: {  	_ =	swait.ge [sflag:s18], $0xA00  }
0x35: {  	[sflag:s18] =	ssyncset.done $0x0  }
0x36: {  	s10 =	rddreg [dreg:$0xe];
	[sflag:s18] =	ssyncadd.s32 $0xFFFFF600  }
0x37: {  	[spmem:s10] =	stream.linear.scatter [tilespmem:s19], [sflag:$0x3], $0xA00, $0x38;
	[tilespmem:$0x1F240] =	vst v63  }
0x38: {  	_ =	swait.ge [sflag:s18], $0xA00  }
0x39: {  	[sflag:s18] =	ssyncset.done $0x0  }
0x3a: {  	s11 =	rddreg [dreg:$0xf];
	[sflag:s18] =	ssyncadd.s32 $0xFFFFF600  }
0x3b: {  	[spmem:s11] =	stream.linear.scatter [tilespmem:s19], [sflag:$0x3], $0xA00, $0x38;
	[tilespmem:$0x1F240] =	vst v63  }
0x3c: {  	_ =	swait.ge [sflag:s18], $0xA00  }
0x3d: {  	[sflag:s18] =	ssyncset.done $0x0  }
0x3e: {  	s17 =	rddreg [dreg:$0x10];
	[sflag:s18] =	ssyncadd.s32 $0xFFFFF600  }
0x3f: {  	[spmem:s17] =	stream.linear.scatter [tilespmem:s19], [sflag:$0x3], $0xA00, $0x38;
	[tilespmem:$0x1F240] =	vst v63  }
0x40: {  	_ =	swait.ge [sflag:s18], $0xA00  }
0x41: {  	[sflag:s18] =	ssyncset.done $0x0  }
0x42: {  	s2 =	rddreg [dreg:$0x11];
	[sflag:s18] =	ssyncadd.s32 $0xFFFFF600  }
0x43: {  	[spmem:s2] =	stream.linear.scatter [tilespmem:s19], [sflag:$0x3], $0xA00, $0x38;
	[tilespmem:$0x1F240] =	vst v63  }
0x44: {  	_ =	swait.ge [sflag:s18], $0xA00  }
0x45: {  	[sflag:s18] =	ssyncset.done $0x0  }
0x46: {  	s5 =	rddreg [dreg:$0x12];
	[sflag:s18] =	ssyncadd.s32 $0xFFFFF600  }
0x47: {  	[spmem:s5] =	stream.linear.scatter [tilespmem:s19], [sflag:$0x3], $0xA00, $0x38;
	[tilespmem:$0x1F240] =	vst v63  }
0x48: {  	_ =	swait.ge [sflag:s18], $0xA00  }
0x49: {  	[sflag:s18] =	ssyncset.done $0x0  }
0x4a: {  	s6 =	rddreg [dreg:$0x13];
	[sflag:s18] =	ssyncadd.s32 $0xFFFFF600  }
0x4b: {  	[spmem:s6] =	stream.linear.scatter [tilespmem:s19], [sflag:$0x3], $0xA00, $0x38;
	[tilespmem:$0x1F240] =	vst v63  }
0x4c: {  	_ =	swait.ge [sflag:s18], $0xA00  }
0x4d: {  	[sflag:s18] =	ssyncset.done $0x0  }
0x4e: {  	s10 =	rddreg [dreg:$0x14];
	[sflag:s18] =	ssyncadd.s32 $0xFFFFF600  }
0x4f: {  	[spmem:s10] =	stream.linear.scatter [tilespmem:s19], [sflag:$0x3], $0xA00, $0x38;
	[tilespmem:$0x1F240] =	vst v63  }
0x50: {  	_ =	swait.ge [sflag:s18], $0xA00  }
0x51: {  	[sflag:s18] =	ssyncset.done $0x0  }
0x52: {  	s11 =	rddreg [dreg:$0x15];
	[sflag:s18] =	ssyncadd.s32 $0xFFFFF600  }
0x53: {  	[spmem:s11] =	stream.linear.scatter [tilespmem:s19], [sflag:$0x3], $0xA00, $0x38;
	[tilespmem:$0x1F240] =	vst v63  }
0x54: {  	_ =	swait.ge [sflag:s18], $0xA00  }
0x55: {  	[sflag:s18] =	ssyncset.done $0x0  }
0x56: {  	s17 =	rddreg [dreg:$0x16];
	[sflag:s18] =	ssyncadd.s32 $0xFFFFF600  }
0x57: {  	[spmem:s17] =	stream.linear.scatter [tilespmem:s19], [sflag:$0x3], $0xA00, $0x38;
	[tilespmem:$0x1F240] =	vst v63  }
0x58: {  	_ =	swait.ge [sflag:s18], $0xA00  }
0x59: {  	[sflag:s18] =	ssyncset.done $0x0  }
0x5a: {  	s2 =	rddreg [dreg:$0x17];
	[sflag:s18] =	ssyncadd.s32 $0xFFFFF600  }
0x5b: {  	[spmem:s2] =	stream.linear.scatter [tilespmem:s19], [sflag:$0x3], $0xA00, $0x38;
	[tilespmem:$0x1F240] =	vst v63  }
0x5c: {  	_ =	swait.ge [sflag:s18], $0xA00  }
0x5d: {  	[sflag:s18] =	ssyncset.done $0x0  }
0x5e: {  	s5 =	rddreg [dreg:$0x18];
	[sflag:s18] =	ssyncadd.s32 $0xFFFFF600  }
0x5f: {  	[spmem:s5] =	stream.linear.scatter [tilespmem:s19], [sflag:$0x3], $0xA00, $0x38;
	[tilespmem:$0x1F240] =	vst v63  }
0x60: {  	_ =	swait.ge [sflag:s18], $0xA00  }
0x61: {  	[sflag:s18] =	ssyncset.done $0x0  }
0x62: {  	s6 =	rddreg [dreg:$0x19];
	[sflag:s18] =	ssyncadd.s32 $0xFFFFF600  }
0x63: {  	[spmem:s6] =	stream.linear.scatter [tilespmem:s19], [sflag:$0x3], $0xA00, $0x38;
	[tilespmem:$0x1F240] =	vst v63  }
0x64: {  	_ =	swait.ge [sflag:s18], $0xA00  }
0x65: {  	[sflag:s18] =	ssyncset.done $0x0  }
0x66: {  	s10 =	rddreg [dreg:$0x1a];
	[sflag:s18] =	ssyncadd.s32 $0xFFFFF600  }
0x67: {  	[spmem:s10] =	stream.linear.scatter [tilespmem:s19], [sflag:$0x3], $0xA00, $0x38;
	[tilespmem:$0x1F240] =	vst v63  }
0x68: {  	_ =	swait.ge [sflag:s18], $0xA00  }
0x69: {  	[sflag:s18] =	ssyncset.done $0x0  }
0x6a: {  	s11 =	rddreg [dreg:$0x1b];
	[sflag:s18] =	ssyncadd.s32 $0xFFFFF600  }
0x6b: {  	[spmem:s11] =	stream.linear.scatter [tilespmem:s19], [sflag:$0x3], $0xA00, $0x38;
	[tilespmem:$0x1F240] =	vst v63  }
0x6c: {  	_ =	swait.ge [sflag:s18], $0xA00  }
0x6d: {  	[sflag:s18] =	ssyncset.done $0x0  }
0x6e: {  	s17 =	rddreg [dreg:$0xa];
	[sflag:s18] =	ssyncadd.s32 $0xFFFFF600  }
0x6f: {  	[spmem:s17] =	stream.linear.scatter [tilespmem:s19], [sflag:$0x3], $0x640, $0x38;
	[tilespmem:$0x1F240] =	vst v63  }
0x70: {  	_ =	swait.ge [sflag:s18], $0x640  }
0x71: {  	[sflag:s18] =	ssyncset.done $0x0  }
0x72: {  	v4 =	vadd.s32 $0x4, v2;
	v5 =	vadd.s32 $0x8, v2;
	[sflag:s18] =	ssyncadd.s32 $0xFFFFF9C0  }
0x73: {  	v6 =	vadd.s32 $0xC, v2;
	v7 =	vadd.s32 $0x10, v2;
	v8 =	vadd.s32 $0x14, v2;
	s1 =	simm.s32 $0x0;
	s5 =	simm.s32 $0x0;
	[bflag:$0x0] =	sbarrier.arrive $0xFFFF  }
.LBB2_4:
0x74: {  	s2 =	smul.u32 $0x190, s1;
	_ =	sdelay $0x1  }
0x75: {  	s2 =	sadd.s32 s15, s2  }
0x76: {  	s6 =	sadd.s32 s13, s2  }
0x77: {  	s10 =	rddreg [dreg:$0x1];
	s6 =	sshrl.u32 s6, $0x3  }
0x78: {  	s2 =	sshrl.u32 s2, $0x3;
	s6 =	sadd.s32 s10, s6;
	s10 =	rddreg [dreg:$0x2]  }
0x79: {  	[tilespmem:s5], [sflag:$0x2] =	stream.linear.gather [hbm4b:s6+s5], $0x190, $0x38;
	[tilespmem:$0x1F240] =	vst v63  }
0x7a: {  	s11 =	sshll.u32 s1, $0x1;
	s2 =	sadd.s32 s10, s2  }
0x7b: {  	[tilespmem:s20], [sflag:$0x2] =	stream.linear.gather [hbm4b:s2+s5], $0x190, $0x38;
	[tilespmem:$0x1F240] =	vst v63  }
0x7c: {  	s2 =	sadd.s32 s16, s11  }
0x7d: {  	s17 =	sshrl.u32 s2, $0x3  }
0x7e: {  	_ =	swait.ge [sflag:s21], $0x190;
	s2 =	sand.u32 $0x6, s2;
	s6 =	smul.u32 $0xC8, s17  }
0x7f: {  	[sflag:s21] =	ssyncset.done $0x0;
	s2 =	smul.u32 $0x19, s2  }
0x80: {  	[sflag:s21] =	ssyncadd.s32 $0xFFFFFE70;
	s6 =	sadd.s32 s13, s6  }
0x81: {  	_ =	swait.ge [sflag:s21], $0x190;
	s2 =	sadd.s32 s2, s6  }
0x82: {  	[sflag:s21] =	ssyncset.done $0x0;
	v9 =	vadd.s32 s2, v1  }
0x83: {  	[sflag:s21] =	ssyncadd.s32 $0xFFFFFE70;
	v10 =	vadd.s32 v2, v9  }
0x84: {  	[tilespmem:$0x320] =	vst v10;
	v10 =	vadd.s32 v4, v9  }
0x85: {  	[tilespmem:$0x330] =	vst v10;
	v10 =	vadd.s32 v5, v9  }
0x86: {  	[tilespmem:$0x340] =	vst v10;
	v10 =	vadd.s32 v6, v9  }
0x87: {  	[tilespmem:$0x350] =	vst v10;
	v10 =	vadd.s32 v7, v9  }
0x88: {  	[tilespmem:$0x360] =	vst v10;
	v10 =	vadd.s32 v8, v9  }
0x89: {  	v9 =	vadd.s32 v3, v9;
	[tilespmem:$0x370] =	vst v10  }
0x8a: {  	[tilespmem:$0x380] =	vst v9  }
0x8b: {  	[tilespmem:s24], [sflag:$0x1] =	stream.indirect.gather [hbm4b:s8+s22], $0x80, s23, s22, $0xb8;
	[tilespmem:$0x1F240] =	vst v63  }
0x8c: {  	_ = 	snop  }
0x8d: {  	[tilespmem:s25], [sflag:$0x1] =	stream.indirect.gather [hbm4b:s7+s22], $0x80, s5, s22, $0xb8;
	[tilespmem:$0x1F240] =	vst v63  }
0x8e: {  	_ = 	snop  }
0x8f: {  	[tilespmem:s28], [sflag:$0x1] =	stream.indirect.gather [hbm4b:s7+s26], $0x80, s22, s26, $0xb8;
	[tilespmem:$0x1F240] =	vst v63  }
0x90: {  	_ =	swait.ge [sflag:s29], $0x3400  }
0x91: {  	[sflag:s29] =	ssyncset.done $0x0  }
0x92: {  	[sflag:s29] =	ssyncadd.s32 $0xFFFFCC00  }
0x93: {  	_ =	swait.ge [sflag:s29], $0x3400  }
0x94: {  	[sflag:s29] =	ssyncset.done $0x0  }
0x95: {  	[sflag:s29] =	ssyncadd.s32 $0xFFFFCC00  }
0x96: {  	_ =	swait.ge [sflag:s29], $0x3000  }
0x97: {  	[sflag:s29] =	ssyncset.done $0x0  }
0x98: {  	s6 =	simm.s32 $0x0;
	[sflag:s29] =	ssyncadd.s32 $0xFFFFD000  }
0x99: {  	s10 =	simm.s32 $0x3810;
	s11 =	simm.s32 $0x200;
	v9 =	vld [tilespmem:s6+$0x390]  }
.LBB2_5:
0x9a: {  	p0 =	sne.s32 s11, $0x7600;
	v10 =	vld [tilespmem:s10+$0xFFFFFF80];
	_ =	sdelay $0x4  }
0x9b: {  	v9 =	vadd.f32 v9, v10;
	_ =	sdelay $0x1  }
0x9c: {  	v9 =	vmax.f32 v9, $0.0e+00  }
0x9d: {  	[tilespmem:s6+$0x9B90] =	vst v9;
	v9 =	vld [tilespmem:s6+$0x3A0]  }
0x9e: {  	v10 =	vld [tilespmem:s10+$0xFFFFFF90];
	_ =	sdelay $0x4  }
0x9f: {  	v9 =	vadd.f32 v9, v10;
	_ =	sdelay $0x1  }
0xa0: {  	v9 =	vmax.f32 v9, $0.0e+00  }
0xa1: {  	[tilespmem:s6+$0x9BA0] =	vst v9;
	v9 =	vld [tilespmem:s6+$0x3B0]  }
0xa2: {  	v10 =	vld [tilespmem:s10+$0xFFFFFFA0];
	_ =	sdelay $0x4  }
0xa3: {  	v9 =	vadd.f32 v9, v10;
	_ =	sdelay $0x1  }
0xa4: {  	v9 =	vmax.f32 v9, $0.0e+00  }
0xa5: {  	[tilespmem:s6+$0x9BB0] =	vst v9;
	v9 =	vld [tilespmem:s6+$0x3C0]  }
0xa6: {  	v10 =	vld [tilespmem:s10+$0xFFFFFFB0];
	_ =	sdelay $0x4  }
0xa7: {  	v9 =	vadd.f32 v9, v10;
	_ =	sdelay $0x1  }
0xa8: {  	v9 =	vmax.f32 v9, $0.0e+00  }
0xa9: {  	[tilespmem:s6+$0x9BC0] =	vst v9;
	v9 =	vld [tilespmem:s6+$0x3D0]  }
0xaa: {  	v10 =	vld [tilespmem:s10+$0x0];
	_ =	sdelay $0x4  }
0xab: {  	v9 =	vadd.f32 v9, v10;
	_ =	sdelay $0x1  }
0xac: {  	v9 =	vmax.f32 v9, $0.0e+00  }
0xad: {  	[tilespmem:s6+$0x9BD0] =	vst v9;
	v9 =	vld [tilespmem:s6+$0x3E0]  }
0xae: {  	v10 =	vld [tilespmem:s10+$0x10];
	_ =	sdelay $0x4  }
0xaf: {  	v9 =	vadd.f32 v9, v10;
	_ =	sdelay $0x1  }
0xb0: {  	v9 =	vmax.f32 v9, $0.0e+00  }
0xb1: {  	[tilespmem:s6+$0x9BE0] =	vst v9;
	v9 =	vld [tilespmem:s6+$0x3F0]  }
0xb2: {  	v10 =	vld [tilespmem:s10+$0x20];
	_ =	sdelay $0x4  }
0xb3: {  	v9 =	vadd.f32 v9, v10;
	_ =	sdelay $0x1  }
0xb4: {  	v9 =	vmax.f32 v9, $0.0e+00  }
0xb5: {  	[tilespmem:s6+$0x9BF0] =	vst v9;
	v9 =	vld [tilespmem:s6+$0x400]  }
0xb6: {  	v10 =	vld [tilespmem:s10+$0x30];
	_ =	sdelay $0x3  }
.Ltmp1:
0xb7: {  	(pc) =	sbr.rel @p0 .LBB2_5-.Ltmp1, $3  }
0xb8: {  	v9 =	vadd.f32 v9, v10;
	_ =	sdelay $0x1  }
0xb9: {  	s17 =	sshra.s32 s11, $0x2;
	v10 =	vmax.f32 v9, $0.0e+00  }
0xba: {  	s11 =	sadd.s32 $0x200, s11;
	s10 =	sadd.s32 $0x100, s10;
	v9 =	vld [tilespmem:s17+$0x390];
	[tilespmem:s6+$0x9C00] =	vst v10;
	s6 =	smov.u32 s17  }
0xbb: {  	v10 =	vld [tilespmem:s10+$0xFFFFFF80];
	_ =	sdelay $0x4  }
0xbc: {  	v9 =	vadd.f32 v9, v10;
	_ =	sdelay $0x1  }
0xbd: {  	v9 =	vmax.f32 v9, $0.0e+00  }
0xbe: {  	[tilespmem:s6+$0x9B90] =	vst v9;
	v9 =	vld [tilespmem:s6+$0x3A0]  }
0xbf: {  	v10 =	vld [tilespmem:s10+$0xFFFFFF90];
	_ =	sdelay $0x4  }
0xc0: {  	v9 =	vadd.f32 v9, v10;
	_ =	sdelay $0x1  }
0xc1: {  	v9 =	vmax.f32 v9, $0.0e+00  }
0xc2: {  	[tilespmem:s6+$0x9BA0] =	vst v9;
	v9 =	vld [tilespmem:s6+$0x3B0]  }
0xc3: {  	v10 =	vld [tilespmem:s10+$0xFFFFFFA0];
	_ =	sdelay $0x4  }
0xc4: {  	v9 =	vadd.f32 v9, v10;
	_ =	sdelay $0x1  }
0xc5: {  	v9 =	vmax.f32 v9, $0.0e+00  }
0xc6: {  	[tilespmem:s6+$0x9BB0] =	vst v9;
	v9 =	vld [tilespmem:s6+$0x3C0]  }
0xc7: {  	v10 =	vld [tilespmem:s10+$0xFFFFFFB0];
	_ =	sdelay $0x4  }
0xc8: {  	v9 =	vadd.f32 v9, v10;
	_ =	sdelay $0x1  }
0xc9: {  	v9 =	vmax.f32 v9, $0.0e+00  }
0xca: {  	[tilespmem:s6+$0x9BC0] =	vst v9;
	v9 =	vld [tilespmem:s6+$0x3D0]  }
0xcb: {  	v10 =	vld [tilespmem:s10+$0x0];
	_ =	sdelay $0x4  }
0xcc: {  	v9 =	vadd.f32 v9, v10;
	_ =	sdelay $0x1  }
0xcd: {  	v9 =	vmax.f32 v9, $0.0e+00  }
0xce: {  	[tilespmem:s6+$0x9BD0] =	vst v9;
	v9 =	vld [tilespmem:s6+$0x3E0]  }
0xcf: {  	v10 =	vld [tilespmem:s10+$0x10];
	_ =	sdelay $0x4  }
0xd0: {  	v9 =	vadd.f32 v9, v10;
	_ =	sdelay $0x1  }
0xd1: {  	v9 =	vmax.f32 v9, $0.0e+00  }
0xd2: {  	[tilespmem:s6+$0x9BE0] =	vst v9;
	v9 =	vld [tilespmem:s6+$0x3F0]  }
0xd3: {  	v10 =	vld [tilespmem:s10+$0x20];
	_ =	sdelay $0x4  }
0xd4: {  	v9 =	vadd.f32 v9, v10;
	_ =	sdelay $0x1  }
0xd5: {  	v9 =	vmax.f32 v9, $0.0e+00  }
0xd6: {  	[tilespmem:s6+$0x9BF0] =	vst v9;
	v9 =	vld [tilespmem:s6+$0x400]  }
0xd7: {  	v10 =	vld [tilespmem:s10+$0x30];
	_ =	sdelay $0x4  }
0xd8: {  	v9 =	vadd.f32 v9, v10;
	_ =	sdelay $0x1  }
0xd9: {  	v9 =	vmax.f32 v9, $0.0e+00  }
0xda: {  	[tilespmem:s6+$0x9C00] =	vst v9  }
0xdb: {  	[spmem:s4] =	stream.indirect.scatter.add.f32 [tilespmem:s19], [sflag:$0x3], $0x40, s20, s30, $0xb8;
	[tilespmem:$0x1F240] =	vst v63  }
0xdc: {  	_ =	swait.ge [sflag:s18], $0x1E00  }
0xdd: {  	[sflag:s18] =	ssyncset.done $0x0  }
0xde: {  	s6 =	simm.s32 $0x0;
	[sflag:s18] =	ssyncadd.s32 $0xFFFFE200  }
0xdf: {  	s11 =	simm.s32 $0x200;
	s10 =	simm.s32 $0x7440;
	v9 =	vld [tilespmem:s6+$0x2190]  }
.LBB2_7:
0xe0: {  	p0 =	sne.s32 s11, $0x4E00;
	v10 =	vld [tilespmem:s10+$0xFFFFFF50];
	_ =	sdelay $0x4  }
0xe1: {  	v9 =	vadd.f32 v9, v10;
	_ =	sdelay $0x1  }
0xe2: {  	v9 =	vmax.f32 v9, $0.0e+00  }
0xe3: {  	[tilespmem:s6+$0x9B90] =	vst v9;
	v9 =	vld [tilespmem:s6+$0x21A0]  }
0xe4: {  	v10 =	vld [tilespmem:s10+$0xFFFFFF60];
	_ =	sdelay $0x4  }
0xe5: {  	v9 =	vadd.f32 v9, v10;
	_ =	sdelay $0x1  }
0xe6: {  	v9 =	vmax.f32 v9, $0.0e+00  }
0xe7: {  	[tilespmem:s6+$0x9BA0] =	vst v9;
	v9 =	vld [tilespmem:s6+$0x21B0]  }
0xe8: {  	v10 =	vld [tilespmem:s10+$0xFFFFFF70];
	_ =	sdelay $0x4  }
0xe9: {  	v9 =	vadd.f32 v9, v10;
	_ =	sdelay $0x1  }
0xea: {  	v9 =	vmax.f32 v9, $0.0e+00  }
0xeb: {  	[tilespmem:s6+$0x9BB0] =	vst v9;
	v9 =	vld [tilespmem:s6+$0x21C0]  }
0xec: {  	v10 =	vld [tilespmem:s10+$0xFFFFFF80];
	_ =	sdelay $0x4  }
0xed: {  	v9 =	vadd.f32 v9, v10;
	_ =	sdelay $0x1  }
0xee: {  	v9 =	vmax.f32 v9, $0.0e+00  }
0xef: {  	[tilespmem:s6+$0x9BC0] =	vst v9;
	v9 =	vld [tilespmem:s6+$0x21D0]  }
0xf0: {  	v10 =	vld [tilespmem:s10+$0xFFFFFFD0];
	_ =	sdelay $0x4  }
0xf1: {  	v9 =	vadd.f32 v9, v10;
	_ =	sdelay $0x1  }
0xf2: {  	v9 =	vmax.f32 v9, $0.0e+00  }
0xf3: {  	[tilespmem:s6+$0x9BD0] =	vst v9;
	v9 =	vld [tilespmem:s6+$0x21E0]  }
0xf4: {  	v10 =	vld [tilespmem:s10+$0xFFFFFFE0];
	_ =	sdelay $0x4  }
0xf5: {  	v9 =	vadd.f32 v9, v10;
	_ =	sdelay $0x1  }
0xf6: {  	v9 =	vmax.f32 v9, $0.0e+00  }
0xf7: {  	[tilespmem:s6+$0x9BE0] =	vst v9;
	v9 =	vld [tilespmem:s6+$0x21F0]  }
0xf8: {  	v10 =	vld [tilespmem:s10+$0xFFFFFFF0];
	_ =	sdelay $0x4  }
0xf9: {  	v9 =	vadd.f32 v9, v10;
	_ =	sdelay $0x1  }
0xfa: {  	v9 =	vmax.f32 v9, $0.0e+00  }
0xfb: {  	[tilespmem:s6+$0x9BF0] =	vst v9;
	v9 =	vld [tilespmem:s6+$0x2200]  }
0xfc: {  	v10 =	vld [tilespmem:s10+$0x0];
	_ =	sdelay $0x3  }
.Ltmp2:
0xfd: {  	(pc) =	sbr.rel @p0 .LBB2_7-.Ltmp2, $3  }
0xfe: {  	v9 =	vadd.f32 v9, v10;
	_ =	sdelay $0x1  }
0xff: {  	s17 =	sshra.s32 s11, $0x2;
	v10 =	vmax.f32 v9, $0.0e+00  }
0x100: {  	s11 =	sadd.s32 $0x200, s11;
	s10 =	sadd.s32 $0x100, s10;
	v9 =	vld [tilespmem:s17+$0x2190];
	[tilespmem:s6+$0x9C00] =	vst v10;
	s6 =	smov.u32 s17  }
0x101: {  	v10 =	vld [tilespmem:s10+$0xFFFFFF50];
	_ =	sdelay $0x4  }
0x102: {  	v9 =	vadd.f32 v9, v10;
	_ =	sdelay $0x1  }
0x103: {  	v9 =	vmax.f32 v9, $0.0e+00  }
0x104: {  	[tilespmem:s6+$0x9B90] =	vst v9;
	v9 =	vld [tilespmem:s6+$0x21A0]  }
0x105: {  	v10 =	vld [tilespmem:s10+$0xFFFFFF60];
	_ =	sdelay $0x4  }
0x106: {  	v9 =	vadd.f32 v9, v10;
	_ =	sdelay $0x1  }
0x107: {  	v9 =	vmax.f32 v9, $0.0e+00  }
0x108: {  	[tilespmem:s6+$0x9BA0] =	vst v9;
	v9 =	vld [tilespmem:s6+$0x21B0]  }
0x109: {  	v10 =	vld [tilespmem:s10+$0xFFFFFF70];
	_ =	sdelay $0x4  }
0x10a: {  	v9 =	vadd.f32 v9, v10;
	_ =	sdelay $0x1  }
0x10b: {  	v9 =	vmax.f32 v9, $0.0e+00  }
0x10c: {  	[tilespmem:s6+$0x9BB0] =	vst v9;
	v9 =	vld [tilespmem:s6+$0x21C0]  }
0x10d: {  	v10 =	vld [tilespmem:s10+$0xFFFFFF80];
	_ =	sdelay $0x4  }
0x10e: {  	v9 =	vadd.f32 v9, v10;
	_ =	sdelay $0x1  }
0x10f: {  	v9 =	vmax.f32 v9, $0.0e+00  }
0x110: {  	[tilespmem:s6+$0x9BC0] =	vst v9;
	v9 =	vld [tilespmem:s6+$0x21D0]  }
0x111: {  	v10 =	vld [tilespmem:s10+$0xFFFFFFD0];
	_ =	sdelay $0x4  }
0x112: {  	v9 =	vadd.f32 v9, v10;
	_ =	sdelay $0x1  }
0x113: {  	v9 =	vmax.f32 v9, $0.0e+00  }
0x114: {  	[tilespmem:s6+$0x9BD0] =	vst v9;
	v9 =	vld [tilespmem:s6+$0x21E0]  }
0x115: {  	v10 =	vld [tilespmem:s10+$0xFFFFFFE0];
	_ =	sdelay $0x4  }
0x116: {  	v9 =	vadd.f32 v9, v10;
	_ =	sdelay $0x1  }
0x117: {  	v9 =	vmax.f32 v9, $0.0e+00  }
0x118: {  	[tilespmem:s6+$0x9BE0] =	vst v9;
	v9 =	vld [tilespmem:s6+$0x21F0]  }
0x119: {  	v10 =	vld [tilespmem:s10+$0xFFFFFFF0];
	_ =	sdelay $0x4  }
0x11a: {  	v9 =	vadd.f32 v9, v10;
	_ =	sdelay $0x1  }
0x11b: {  	v9 =	vmax.f32 v9, $0.0e+00  }
0x11c: {  	[tilespmem:s6+$0x9BF0] =	vst v9;
	v9 =	vld [tilespmem:s6+$0x2200]  }
0x11d: {  	v10 =	vld [tilespmem:s10+$0x0];
	_ =	sdelay $0x4  }
0x11e: {  	v9 =	vadd.f32 v9, v10;
	_ =	sdelay $0x1  }
0x11f: {  	v9 =	vmax.f32 v9, $0.0e+00  }
0x120: {  	[tilespmem:s6+$0x9C00] =	vst v9  }
0x121: {  	[spmem:s4] =	stream.indirect.scatter.add.f32 [tilespmem:s19], [sflag:$0x3], $0x40, s0, s31, $0xb8;
	[tilespmem:$0x1F240] =	vst v63  }
0x122: {  	s2 =	sadd.s32 $0x19, s2;
	_ =	swait.ge [sflag:s18], $0x1400  }
0x123: {  	v9 =	vadd.s32 s2, v1;
	[sflag:s18] =	ssyncset.done $0x0  }
0x124: {  	v10 =	vadd.s32 v2, v9;
	[sflag:s18] =	ssyncadd.s32 $0xFFFFEC00  }
0x125: {  	[tilespmem:$0x320] =	vst v10;
	v10 =	vadd.s32 v4, v9  }
0x126: {  	[tilespmem:$0x330] =	vst v10;
	v10 =	vadd.s32 v5, v9  }
0x127: {  	[tilespmem:$0x340] =	vst v10;
	v10 =	vadd.s32 v6, v9  }
0x128: {  	[tilespmem:$0x350] =	vst v10;
	v10 =	vadd.s32 v7, v9  }
0x129: {  	[tilespmem:$0x360] =	vst v10;
	v10 =	vadd.s32 v8, v9  }
0x12a: {  	v9 =	vadd.s32 v3, v9;
	[tilespmem:$0x370] =	vst v10  }
0x12b: {  	[tilespmem:$0x380] =	vst v9  }
0x12c: {  	[tilespmem:s24], [sflag:$0x1] =	stream.indirect.gather [hbm4b:s8+s22], $0x80, s23, s22, $0xb8;
	[tilespmem:$0x1F240] =	vst v63  }
0x12d: {  	_ = 	snop  }
0x12e: {  	[tilespmem:s25], [sflag:$0x1] =	stream.indirect.gather [hbm4b:s7+s22], $0x80, s3, s22, $0xb8;
	[tilespmem:$0x1F240] =	vst v63  }
0x12f: {  	_ = 	snop  }
0x130: {  	[tilespmem:s28], [sflag:$0x1] =	stream.indirect.gather [hbm4b:s7+s26], $0x80, s9, s26, $0xb8;
	[tilespmem:$0x1F240] =	vst v63  }
0x131: {  	_ =	swait.ge [sflag:s29], $0x3400  }
0x132: {  	[sflag:s29] =	ssyncset.done $0x0  }
0x133: {  	[sflag:s29] =	ssyncadd.s32 $0xFFFFCC00  }
0x134: {  	_ =	swait.ge [sflag:s29], $0x3400  }
0x135: {  	[sflag:s29] =	ssyncset.done $0x0  }
0x136: {  	[sflag:s29] =	ssyncadd.s32 $0xFFFFCC00  }
0x137: {  	_ =	swait.ge [sflag:s29], $0x3000  }
0x138: {  	[sflag:s29] =	ssyncset.done $0x0  }
0x139: {  	s2 =	simm.s32 $0x0;
	[sflag:s29] =	ssyncadd.s32 $0xFFFFD000  }
0x13a: {  	s10 =	simm.s32 $0x200;
	s6 =	simm.s32 $0x3810;
	v9 =	vld [tilespmem:s2+$0x390]  }
.LBB2_9:
0x13b: {  	p0 =	sne.s32 s10, $0x7600;
	v10 =	vld [tilespmem:s6+$0xFFFFFF80];
	_ =	sdelay $0x4  }
0x13c: {  	v9 =	vadd.f32 v9, v10;
	_ =	sdelay $0x1  }
0x13d: {  	v9 =	vmax.f32 v9, $0.0e+00  }
0x13e: {  	[tilespmem:s2+$0x9B90] =	vst v9;
	v9 =	vld [tilespmem:s2+$0x3A0]  }
0x13f: {  	v10 =	vld [tilespmem:s6+$0xFFFFFF90];
	_ =	sdelay $0x4  }
0x140: {  	v9 =	vadd.f32 v9, v10;
	_ =	sdelay $0x1  }
0x141: {  	v9 =	vmax.f32 v9, $0.0e+00  }
0x142: {  	[tilespmem:s2+$0x9BA0] =	vst v9;
	v9 =	vld [tilespmem:s2+$0x3B0]  }
0x143: {  	v10 =	vld [tilespmem:s6+$0xFFFFFFA0];
	_ =	sdelay $0x4  }
0x144: {  	v9 =	vadd.f32 v9, v10;
	_ =	sdelay $0x1  }
0x145: {  	v9 =	vmax.f32 v9, $0.0e+00  }
0x146: {  	[tilespmem:s2+$0x9BB0] =	vst v9;
	v9 =	vld [tilespmem:s2+$0x3C0]  }
0x147: {  	v10 =	vld [tilespmem:s6+$0xFFFFFFB0];
	_ =	sdelay $0x4  }
0x148: {  	v9 =	vadd.f32 v9, v10;
	_ =	sdelay $0x1  }
0x149: {  	v9 =	vmax.f32 v9, $0.0e+00  }
0x14a: {  	[tilespmem:s2+$0x9BC0] =	vst v9;
	v9 =	vld [tilespmem:s2+$0x3D0]  }
0x14b: {  	v10 =	vld [tilespmem:s6+$0x0];
	_ =	sdelay $0x4  }
0x14c: {  	v9 =	vadd.f32 v9, v10;
	_ =	sdelay $0x1  }
0x14d: {  	v9 =	vmax.f32 v9, $0.0e+00  }
0x14e: {  	[tilespmem:s2+$0x9BD0] =	vst v9;
	v9 =	vld [tilespmem:s2+$0x3E0]  }
0x14f: {  	v10 =	vld [tilespmem:s6+$0x10];
	_ =	sdelay $0x4  }
0x150: {  	v9 =	vadd.f32 v9, v10;
	_ =	sdelay $0x1  }
0x151: {  	v9 =	vmax.f32 v9, $0.0e+00  }
0x152: {  	[tilespmem:s2+$0x9BE0] =	vst v9;
	v9 =	vld [tilespmem:s2+$0x3F0]  }
0x153: {  	v10 =	vld [tilespmem:s6+$0x20];
	_ =	sdelay $0x4  }
0x154: {  	v9 =	vadd.f32 v9, v10;
	_ =	sdelay $0x1  }
0x155: {  	v9 =	vmax.f32 v9, $0.0e+00  }
0x156: {  	[tilespmem:s2+$0x9BF0] =	vst v9;
	v9 =	vld [tilespmem:s2+$0x400]  }
0x157: {  	v10 =	vld [tilespmem:s6+$0x30];
	_ =	sdelay $0x3  }
.Ltmp3:
0x158: {  	(pc) =	sbr.rel @p0 .LBB2_9-.Ltmp3, $3  }
0x159: {  	v9 =	vadd.f32 v9, v10;
	_ =	sdelay $0x1  }
0x15a: {  	s11 =	sshra.s32 s10, $0x2;
	v10 =	vmax.f32 v9, $0.0e+00  }
0x15b: {  	s10 =	sadd.s32 $0x200, s10;
	s6 =	sadd.s32 $0x100, s6;
	v9 =	vld [tilespmem:s11+$0x390];
	[tilespmem:s2+$0x9C00] =	vst v10;
	s2 =	smov.u32 s11  }
0x15c: {  	v10 =	vld [tilespmem:s6+$0xFFFFFF80];
	_ =	sdelay $0x4  }
0x15d: {  	v9 =	vadd.f32 v9, v10;
	_ =	sdelay $0x1  }
0x15e: {  	v9 =	vmax.f32 v9, $0.0e+00  }
0x15f: {  	[tilespmem:s2+$0x9B90] =	vst v9;
	v9 =	vld [tilespmem:s2+$0x3A0]  }
0x160: {  	v10 =	vld [tilespmem:s6+$0xFFFFFF90];
	_ =	sdelay $0x4  }
0x161: {  	v9 =	vadd.f32 v9, v10;
	_ =	sdelay $0x1  }
0x162: {  	v9 =	vmax.f32 v9, $0.0e+00  }
0x163: {  	[tilespmem:s2+$0x9BA0] =	vst v9;
	v9 =	vld [tilespmem:s2+$0x3B0]  }
0x164: {  	v10 =	vld [tilespmem:s6+$0xFFFFFFA0];
	_ =	sdelay $0x4  }
0x165: {  	v9 =	vadd.f32 v9, v10;
	_ =	sdelay $0x1  }
0x166: {  	v9 =	vmax.f32 v9, $0.0e+00  }
0x167: {  	[tilespmem:s2+$0x9BB0] =	vst v9;
	v9 =	vld [tilespmem:s2+$0x3C0]  }
0x168: {  	v10 =	vld [tilespmem:s6+$0xFFFFFFB0];
	_ =	sdelay $0x4  }
0x169: {  	v9 =	vadd.f32 v9, v10;
	_ =	sdelay $0x1  }
0x16a: {  	v9 =	vmax.f32 v9, $0.0e+00  }
0x16b: {  	[tilespmem:s2+$0x9BC0] =	vst v9;
	v9 =	vld [tilespmem:s2+$0x3D0]  }
0x16c: {  	v10 =	vld [tilespmem:s6+$0x0];
	_ =	sdelay $0x4  }
0x16d: {  	v9 =	vadd.f32 v9, v10;
	_ =	sdelay $0x1  }
0x16e: {  	v9 =	vmax.f32 v9, $0.0e+00  }
0x16f: {  	[tilespmem:s2+$0x9BD0] =	vst v9;
	v9 =	vld [tilespmem:s2+$0x3E0]  }
0x170: {  	v10 =	vld [tilespmem:s6+$0x10];
	_ =	sdelay $0x4  }
0x171: {  	v9 =	vadd.f32 v9, v10;
	_ =	sdelay $0x1  }
0x172: {  	v9 =	vmax.f32 v9, $0.0e+00  }
0x173: {  	[tilespmem:s2+$0x9BE0] =	vst v9;
	v9 =	vld [tilespmem:s2+$0x3F0]  }
0x174: {  	v10 =	vld [tilespmem:s6+$0x20];
	_ =	sdelay $0x4  }
0x175: {  	v9 =	vadd.f32 v9, v10;
	_ =	sdelay $0x1  }
0x176: {  	v9 =	vmax.f32 v9, $0.0e+00  }
0x177: {  	[tilespmem:s2+$0x9BF0] =	vst v9;
	v9 =	vld [tilespmem:s2+$0x400]  }
0x178: {  	v10 =	vld [tilespmem:s6+$0x30];
	_ =	sdelay $0x4  }
0x179: {  	v9 =	vadd.f32 v9, v10;
	_ =	sdelay $0x1  }
0x17a: {  	v9 =	vmax.f32 v9, $0.0e+00  }
0x17b: {  	[tilespmem:s2+$0x9C00] =	vst v9  }
0x17c: {  	[spmem:s4] =	stream.indirect.scatter.add.f32 [tilespmem:s19], [sflag:$0x3], $0x40, s14, s30, $0xb8;
	[tilespmem:$0x1F240] =	vst v63  }
0x17d: {  	_ =	swait.ge [sflag:s18], $0x1E00  }
0x17e: {  	[sflag:s18] =	ssyncset.done $0x0  }
0x17f: {  	s2 =	simm.s32 $0x0;
	[sflag:s18] =	ssyncadd.s32 $0xFFFFE200  }
0x180: {  	s10 =	simm.s32 $0x200;
	s6 =	simm.s32 $0x7440;
	v9 =	vld [tilespmem:s2+$0x2190]  }
.LBB2_11:
0x181: {  	p0 =	sne.s32 s10, $0x4E00;
	v10 =	vld [tilespmem:s6+$0xFFFFFF50];
	_ =	sdelay $0x4  }
0x182: {  	v9 =	vadd.f32 v9, v10;
	_ =	sdelay $0x1  }
0x183: {  	v9 =	vmax.f32 v9, $0.0e+00  }
0x184: {  	[tilespmem:s2+$0x9B90] =	vst v9;
	v9 =	vld [tilespmem:s2+$0x21A0]  }
0x185: {  	v10 =	vld [tilespmem:s6+$0xFFFFFF60];
	_ =	sdelay $0x4  }
0x186: {  	v9 =	vadd.f32 v9, v10;
	_ =	sdelay $0x1  }
0x187: {  	v9 =	vmax.f32 v9, $0.0e+00  }
0x188: {  	[tilespmem:s2+$0x9BA0] =	vst v9;
	v9 =	vld [tilespmem:s2+$0x21B0]  }
0x189: {  	v10 =	vld [tilespmem:s6+$0xFFFFFF70];
	_ =	sdelay $0x4  }
0x18a: {  	v9 =	vadd.f32 v9, v10;
	_ =	sdelay $0x1  }
0x18b: {  	v9 =	vmax.f32 v9, $0.0e+00  }
0x18c: {  	[tilespmem:s2+$0x9BB0] =	vst v9;
	v9 =	vld [tilespmem:s2+$0x21C0]  }
0x18d: {  	v10 =	vld [tilespmem:s6+$0xFFFFFF80];
	_ =	sdelay $0x4  }
0x18e: {  	v9 =	vadd.f32 v9, v10;
	_ =	sdelay $0x1  }
0x18f: {  	v9 =	vmax.f32 v9, $0.0e+00  }
0x190: {  	[tilespmem:s2+$0x9BC0] =	vst v9;
	v9 =	vld [tilespmem:s2+$0x21D0]  }
0x191: {  	v10 =	vld [tilespmem:s6+$0xFFFFFFD0];
	_ =	sdelay $0x4  }
0x192: {  	v9 =	vadd.f32 v9, v10;
	_ =	sdelay $0x1  }
0x193: {  	v9 =	vmax.f32 v9, $0.0e+00  }
0x194: {  	[tilespmem:s2+$0x9BD0] =	vst v9;
	v9 =	vld [tilespmem:s2+$0x21E0]  }
0x195: {  	v10 =	vld [tilespmem:s6+$0xFFFFFFE0];
	_ =	sdelay $0x4  }
0x196: {  	v9 =	vadd.f32 v9, v10;
	_ =	sdelay $0x1  }
0x197: {  	v9 =	vmax.f32 v9, $0.0e+00  }
0x198: {  	[tilespmem:s2+$0x9BE0] =	vst v9;
	v9 =	vld [tilespmem:s2+$0x21F0]  }
0x199: {  	v10 =	vld [tilespmem:s6+$0xFFFFFFF0];
	_ =	sdelay $0x4  }
0x19a: {  	v9 =	vadd.f32 v9, v10;
	_ =	sdelay $0x1  }
0x19b: {  	v9 =	vmax.f32 v9, $0.0e+00  }
0x19c: {  	[tilespmem:s2+$0x9BF0] =	vst v9;
	v9 =	vld [tilespmem:s2+$0x2200]  }
0x19d: {  	v10 =	vld [tilespmem:s6+$0x0];
	_ =	sdelay $0x3  }
.Ltmp4:
0x19e: {  	(pc) =	sbr.rel @p0 .LBB2_11-.Ltmp4, $3  }
0x19f: {  	v9 =	vadd.f32 v9, v10;
	_ =	sdelay $0x1  }
0x1a0: {  	s11 =	sshra.s32 s10, $0x2;
	v10 =	vmax.f32 v9, $0.0e+00  }
0x1a1: {  	s10 =	sadd.s32 $0x200, s10;
	s6 =	sadd.s32 $0x100, s6;
	v9 =	vld [tilespmem:s11+$0x2190];
	[tilespmem:s2+$0x9C00] =	vst v10;
	s2 =	smov.u32 s11  }
0x1a2: {  	v10 =	vld [tilespmem:s6+$0xFFFFFF50];
	_ =	sdelay $0x4  }
0x1a3: {  	v9 =	vadd.f32 v9, v10;
	_ =	sdelay $0x1  }
0x1a4: {  	v9 =	vmax.f32 v9, $0.0e+00  }
0x1a5: {  	[tilespmem:s2+$0x9B90] =	vst v9;
	v9 =	vld [tilespmem:s2+$0x21A0]  }
0x1a6: {  	v10 =	vld [tilespmem:s6+$0xFFFFFF60];
	_ =	sdelay $0x4  }
0x1a7: {  	v9 =	vadd.f32 v9, v10;
	_ =	sdelay $0x1  }
0x1a8: {  	v9 =	vmax.f32 v9, $0.0e+00  }
0x1a9: {  	[tilespmem:s2+$0x9BA0] =	vst v9;
	v9 =	vld [tilespmem:s2+$0x21B0]  }
0x1aa: {  	v10 =	vld [tilespmem:s6+$0xFFFFFF70];
	_ =	sdelay $0x4  }
0x1ab: {  	v9 =	vadd.f32 v9, v10;
	_ =	sdelay $0x1  }
0x1ac: {  	v9 =	vmax.f32 v9, $0.0e+00  }
0x1ad: {  	[tilespmem:s2+$0x9BB0] =	vst v9;
	v9 =	vld [tilespmem:s2+$0x21C0]  }
0x1ae: {  	v10 =	vld [tilespmem:s6+$0xFFFFFF80];
	_ =	sdelay $0x4  }
0x1af: {  	v9 =	vadd.f32 v9, v10;
	_ =	sdelay $0x1  }
0x1b0: {  	v9 =	vmax.f32 v9, $0.0e+00  }
0x1b1: {  	[tilespmem:s2+$0x9BC0] =	vst v9;
	v9 =	vld [tilespmem:s2+$0x21D0]  }
0x1b2: {  	v10 =	vld [tilespmem:s6+$0xFFFFFFD0];
	_ =	sdelay $0x4  }
0x1b3: {  	v9 =	vadd.f32 v9, v10;
	_ =	sdelay $0x1  }
0x1b4: {  	v9 =	vmax.f32 v9, $0.0e+00  }
0x1b5: {  	[tilespmem:s2+$0x9BD0] =	vst v9;
	v9 =	vld [tilespmem:s2+$0x21E0]  }
0x1b6: {  	v10 =	vld [tilespmem:s6+$0xFFFFFFE0];
	_ =	sdelay $0x4  }
0x1b7: {  	v9 =	vadd.f32 v9, v10;
	_ =	sdelay $0x1  }
0x1b8: {  	v9 =	vmax.f32 v9, $0.0e+00  }
0x1b9: {  	[tilespmem:s2+$0x9BE0] =	vst v9;
	v9 =	vld [tilespmem:s2+$0x21F0]  }
0x1ba: {  	v10 =	vld [tilespmem:s6+$0xFFFFFFF0];
	_ =	sdelay $0x4  }
0x1bb: {  	v9 =	vadd.f32 v9, v10;
	_ =	sdelay $0x1  }
0x1bc: {  	v9 =	vmax.f32 v9, $0.0e+00  }
0x1bd: {  	[tilespmem:s2+$0x9BF0] =	vst v9;
	v9 =	vld [tilespmem:s2+$0x2200]  }
0x1be: {  	v10 =	vld [tilespmem:s6+$0x0];
	_ =	sdelay $0x4  }
0x1bf: {  	v9 =	vadd.f32 v9, v10  }
0x1c0: {  	s1 =	sadd.s32 $0x1, s1  }
0x1c1: {  	p0 =	sne.s32 s1, $0x32;
	v9 =	vmax.f32 v9, $0.0e+00  }
.Ltmp5:
0x1c2: {  	[tilespmem:s2+$0x9C00] =	vst v9;
	(pc) =	sbr.rel @p0 .LBB2_4-.Ltmp5, $4  }
0x1c3: {  	[spmem:s4] =	stream.indirect.scatter.add.f32 [tilespmem:s19], [sflag:$0x3], $0x40, s12, s31, $0xb8;
	[tilespmem:$0x1F240] =	vst v63  }
0x1c4: {  	_ =	swait.ge [sflag:s18], $0x1400  }
0x1c5: {  	[sflag:s18] =	ssyncset.done $0x0  }
0x1c6: {  	[sflag:s18] =	ssyncadd.s32 $0xFFFFEC00  }
0x1c7: {  	[bflag:$0x0] =	sbarrier.arrive $0xFFFF  }
0x1c8: {  	s2 =	simm.s32 $0xB9C0;
	s1 =	rddreg [dreg:$0x9]  }
0x1c9: {  	[tilespmem:s2], [sflag:$0x3] =	stream.linear.gather [spmem:s1], $0x9C40, $0x38;
	[tilespmem:$0x1F240] =	vst v63  }
0x1ca: {  	_ =	swait.ge [sflag:s18], $0x9C40  }
0x1cb: {  	[sflag:s18] =	ssyncset.done $0x0  }
0x1cc: {  	[sflag:s18] =	ssyncadd.s32 $0xFFFF63C0  }
0x1cd: {  	s2 =	simm.s32 $0x100;
	s1 =	simm.s32 $0x0;
	[bflag:$0x0] =	sbarrier.arrive $0xFFFF  }
.LBB2_14:
0x1ce: {  	p0 =	sne.s32 s2, $0x2700;
	[tilespmem:s1+$0x9BC0] =	vst v0;
	s5 =	smov.u32 s2;
	s2 =	sadd.s32 $0x100, s2  }
.Ltmp6:
0x1cf: {  	[tilespmem:s1+$0x9BB0] =	vst v0;
	(pc) =	sbr.rel @p0 .LBB2_14-.Ltmp6, $3  }
0x1d0: {  	[tilespmem:s1+$0x9B90] =	vst v0  }
0x1d1: {  	[tilespmem:s1+$0x9BA0] =	vst v0;
	_ =	sdelay $0x1  }
0x1d2: {  	s1 =	sshra.s32 s5, $0x2  }
0x1d3: {  	[tilespmem:s1+$0x9BC0] =	vst v0  }
0x1d4: {  	[tilespmem:s1+$0x9BB0] =	vst v0  }
0x1d5: {  	[tilespmem:s1+$0x9B90] =	vst v0  }
0x1d6: {  	[tilespmem:s1+$0x9BA0] =	vst v0;
	s6 =	rddreg [dreg:$0x9]  }
0x1d7: {  	[spmem:s6] =	stream.linear.scatter [tilespmem:s19], [sflag:$0x3], $0xA00, $0x38;
	[tilespmem:$0x1F240] =	vst v63  }
0x1d8: {  	_ =	swait.ge [sflag:s18], $0xA00  }
0x1d9: {  	[sflag:s18] =	ssyncset.done $0x0  }
0x1da: {  	s10 =	rddreg [dreg:$0xe];
	[sflag:s18] =	ssyncadd.s32 $0xFFFFF600  }
0x1db: {  	[spmem:s10] =	stream.linear.scatter [tilespmem:s19], [sflag:$0x3], $0xA00, $0x38;
	[tilespmem:$0x1F240] =	vst v63  }
0x1dc: {  	_ =	swait.ge [sflag:s18], $0xA00  }
0x1dd: {  	[sflag:s18] =	ssyncset.done $0x0  }
0x1de: {  	s11 =	rddreg [dreg:$0xf];
	[sflag:s18] =	ssyncadd.s32 $0xFFFFF600  }
0x1df: {  	[spmem:s11] =	stream.linear.scatter [tilespmem:s19], [sflag:$0x3], $0xA00, $0x38;
	[tilespmem:$0x1F240] =	vst v63  }
0x1e0: {  	_ =	swait.ge [sflag:s18], $0xA00  }
0x1e1: {  	[sflag:s18] =	ssyncset.done $0x0  }
0x1e2: {  	s17 =	rddreg [dreg:$0x10];
	[sflag:s18] =	ssyncadd.s32 $0xFFFFF600  }
0x1e3: {  	[spmem:s17] =	stream.linear.scatter [tilespmem:s19], [sflag:$0x3], $0xA00, $0x38;
	[tilespmem:$0x1F240] =	vst v63  }
0x1e4: {  	_ =	swait.ge [sflag:s18], $0xA00  }
0x1e5: {  	[sflag:s18] =	ssyncset.done $0x0  }
0x1e6: {  	s2 =	rddreg [dreg:$0x11];
	[sflag:s18] =	ssyncadd.s32 $0xFFFFF600  }
0x1e7: {  	[spmem:s2] =	stream.linear.scatter [tilespmem:s19], [sflag:$0x3], $0xA00, $0x38;
	[tilespmem:$0x1F240] =	vst v63  }
0x1e8: {  	_ =	swait.ge [sflag:s18], $0xA00  }
0x1e9: {  	[sflag:s18] =	ssyncset.done $0x0  }
0x1ea: {  	s5 =	rddreg [dreg:$0x12];
	[sflag:s18] =	ssyncadd.s32 $0xFFFFF600  }
0x1eb: {  	[spmem:s5] =	stream.linear.scatter [tilespmem:s19], [sflag:$0x3], $0xA00, $0x38;
	[tilespmem:$0x1F240] =	vst v63  }
0x1ec: {  	_ =	swait.ge [sflag:s18], $0xA00  }
0x1ed: {  	[sflag:s18] =	ssyncset.done $0x0  }
0x1ee: {  	s6 =	rddreg [dreg:$0x13];
	[sflag:s18] =	ssyncadd.s32 $0xFFFFF600  }
0x1ef: {  	[spmem:s6] =	stream.linear.scatter [tilespmem:s19], [sflag:$0x3], $0xA00, $0x38;
	[tilespmem:$0x1F240] =	vst v63  }
0x1f0: {  	_ =	swait.ge [sflag:s18], $0xA00  }
0x1f1: {  	[sflag:s18] =	ssyncset.done $0x0  }
0x1f2: {  	s10 =	rddreg [dreg:$0x14];
	[sflag:s18] =	ssyncadd.s32 $0xFFFFF600  }
0x1f3: {  	[spmem:s10] =	stream.linear.scatter [tilespmem:s19], [sflag:$0x3], $0xA00, $0x38;
	[tilespmem:$0x1F240] =	vst v63  }
0x1f4: {  	_ =	swait.ge [sflag:s18], $0xA00  }
0x1f5: {  	[sflag:s18] =	ssyncset.done $0x0  }
0x1f6: {  	s11 =	rddreg [dreg:$0x15];
	[sflag:s18] =	ssyncadd.s32 $0xFFFFF600  }
0x1f7: {  	[spmem:s11] =	stream.linear.scatter [tilespmem:s19], [sflag:$0x3], $0xA00, $0x38;
	[tilespmem:$0x1F240] =	vst v63  }
0x1f8: {  	_ =	swait.ge [sflag:s18], $0xA00  }
0x1f9: {  	[sflag:s18] =	ssyncset.done $0x0  }
0x1fa: {  	s17 =	rddreg [dreg:$0x16];
	[sflag:s18] =	ssyncadd.s32 $0xFFFFF600  }
0x1fb: {  	[spmem:s17] =	stream.linear.scatter [tilespmem:s19], [sflag:$0x3], $0xA00, $0x38;
	[tilespmem:$0x1F240] =	vst v63  }
0x1fc: {  	_ =	swait.ge [sflag:s18], $0xA00  }
0x1fd: {  	[sflag:s18] =	ssyncset.done $0x0  }
0x1fe: {  	s2 =	rddreg [dreg:$0x17];
	[sflag:s18] =	ssyncadd.s32 $0xFFFFF600  }
0x1ff: {  	[spmem:s2] =	stream.linear.scatter [tilespmem:s19], [sflag:$0x3], $0xA00, $0x38;
	[tilespmem:$0x1F240] =	vst v63  }
0x200: {  	_ =	swait.ge [sflag:s18], $0xA00  }
0x201: {  	[sflag:s18] =	ssyncset.done $0x0  }
0x202: {  	s5 =	rddreg [dreg:$0x18];
	[sflag:s18] =	ssyncadd.s32 $0xFFFFF600  }
0x203: {  	[spmem:s5] =	stream.linear.scatter [tilespmem:s19], [sflag:$0x3], $0xA00, $0x38;
	[tilespmem:$0x1F240] =	vst v63  }
0x204: {  	_ =	swait.ge [sflag:s18], $0xA00  }
0x205: {  	[sflag:s18] =	ssyncset.done $0x0  }
0x206: {  	s6 =	rddreg [dreg:$0x19];
	[sflag:s18] =	ssyncadd.s32 $0xFFFFF600  }
0x207: {  	[spmem:s6] =	stream.linear.scatter [tilespmem:s19], [sflag:$0x3], $0xA00, $0x38;
	[tilespmem:$0x1F240] =	vst v63  }
0x208: {  	_ =	swait.ge [sflag:s18], $0xA00  }
0x209: {  	[sflag:s18] =	ssyncset.done $0x0  }
0x20a: {  	s10 =	rddreg [dreg:$0x1a];
	[sflag:s18] =	ssyncadd.s32 $0xFFFFF600  }
0x20b: {  	[spmem:s10] =	stream.linear.scatter [tilespmem:s19], [sflag:$0x3], $0xA00, $0x38;
	[tilespmem:$0x1F240] =	vst v63  }
0x20c: {  	_ =	swait.ge [sflag:s18], $0xA00  }
0x20d: {  	[sflag:s18] =	ssyncset.done $0x0  }
0x20e: {  	s11 =	rddreg [dreg:$0x1b];
	[sflag:s18] =	ssyncadd.s32 $0xFFFFF600  }
0x20f: {  	[spmem:s11] =	stream.linear.scatter [tilespmem:s19], [sflag:$0x3], $0xA00, $0x38;
	[tilespmem:$0x1F240] =	vst v63  }
0x210: {  	_ =	swait.ge [sflag:s18], $0xA00  }
0x211: {  	[sflag:s18] =	ssyncset.done $0x0  }
0x212: {  	s17 =	rddreg [dreg:$0xa];
	[sflag:s18] =	ssyncadd.s32 $0xFFFFF600  }
0x213: {  	[spmem:s17] =	stream.linear.scatter [tilespmem:s19], [sflag:$0x3], $0x640, $0x38;
	[tilespmem:$0x1F240] =	vst v63  }
0x214: {  	_ =	swait.ge [sflag:s18], $0x640  }
0x215: {  	[sflag:s18] =	ssyncset.done $0x0  }
0x216: {  	[sflag:s18] =	ssyncadd.s32 $0xFFFFF9C0  }
0x217: {  	s1 =	simm.s32 $0x0;
	s5 =	simm.s32 $0x0;
	[bflag:$0x0] =	sbarrier.arrive $0xFFFF  }
.LBB2_16:
0x218: {  	s2 =	smul.u32 $0x190, s1;
	_ =	sdelay $0x1  }
0x219: {  	s2 =	sadd.s32 s15, s2  }
0x21a: {  	s6 =	sadd.s32 s13, s2  }
0x21b: {  	s10 =	rddreg [dreg:$0x1];
	s6 =	sshrl.u32 s6, $0x3  }
0x21c: {  	s17 =	rddreg [dreg:$0x2];
	s2 =	sshrl.u32 s2, $0x3;
	s6 =	sadd.s32 s10, s6  }
0x21d: {  	[tilespmem:s5], [sflag:$0x2] =	stream.linear.gather [hbm4b:s6+s5], $0x190, $0x38;
	[tilespmem:$0x1F240] =	vst v63  }
0x21e: {  	s2 =	sadd.s32 s17, s2;
	s10 =	sshll.u32 s1, $0x1  }
0x21f: {  	[tilespmem:s20], [sflag:$0x2] =	stream.linear.gather [hbm4b:s2+s5], $0x190, $0x38;
	[tilespmem:$0x1F240] =	vst v63  }
0x220: {  	s2 =	sadd.s32 s16, s10  }
0x221: {  	s11 =	sshrl.u32 s2, $0x3  }
0x222: {  	_ =	swait.ge [sflag:s21], $0x190;
	s2 =	sand.u32 $0x6, s2;
	s6 =	smul.u32 $0xC8, s11  }
0x223: {  	[sflag:s21] =	ssyncset.done $0x0;
	s2 =	smul.u32 $0x19, s2;
	s17 =	rddreg [dreg:$0xb]  }
0x224: {  	[sflag:s21] =	ssyncadd.s32 $0xFFFFFE70;
	s6 =	sadd.s32 s6, s17  }
0x225: {  	_ =	swait.ge [sflag:s21], $0x190;
	s2 =	sadd.s32 s2, s6  }
0x226: {  	[sflag:s21] =	ssyncset.done $0x0;
	v9 =	vadd.s32 s2, v1  }
0x227: {  	[sflag:s21] =	ssyncadd.s32 $0xFFFFFE70;
	v10 =	vadd.s32 v2, v9  }
0x228: {  	[tilespmem:$0x320] =	vst v10;
	v10 =	vadd.s32 v4, v9  }
0x229: {  	[tilespmem:$0x330] =	vst v10;
	v10 =	vadd.s32 v5, v9  }
0x22a: {  	[tilespmem:$0x340] =	vst v10;
	v10 =	vadd.s32 v6, v9  }
0x22b: {  	[tilespmem:$0x350] =	vst v10;
	v10 =	vadd.s32 v7, v9  }
0x22c: {  	[tilespmem:$0x360] =	vst v10;
	v10 =	vadd.s32 v8, v9  }
0x22d: {  	v9 =	vadd.s32 v3, v9;
	[tilespmem:$0x370] =	vst v10  }
0x22e: {  	[tilespmem:$0x380] =	vst v9  }
0x22f: {  	[tilespmem:s24], [sflag:$0x1] =	stream.indirect.gather [hbm4b:s8+s22], $0x80, s23, s22, $0xb8;
	[tilespmem:$0x1F240] =	vst v63  }
0x230: {  	_ = 	snop  }
0x231: {  	[tilespmem:s25], [sflag:$0x1] =	stream.indirect.gather [hbm4b:s7+s22], $0x80, s5, s22, $0xb8;
	[tilespmem:$0x1F240] =	vst v63  }
0x232: {  	_ = 	snop  }
0x233: {  	[tilespmem:s28], [sflag:$0x1] =	stream.indirect.gather [hbm4b:s7+s26], $0x80, s22, s26, $0xb8;
	[tilespmem:$0x1F240] =	vst v63  }
0x234: {  	_ =	swait.ge [sflag:s29], $0x3400  }
0x235: {  	[sflag:s29] =	ssyncset.done $0x0  }
0x236: {  	[sflag:s29] =	ssyncadd.s32 $0xFFFFCC00  }
0x237: {  	_ =	swait.ge [sflag:s29], $0x3400  }
0x238: {  	[sflag:s29] =	ssyncset.done $0x0  }
0x239: {  	[sflag:s29] =	ssyncadd.s32 $0xFFFFCC00  }
0x23a: {  	_ =	swait.ge [sflag:s29], $0x3000  }
0x23b: {  	[sflag:s29] =	ssyncset.done $0x0  }
0x23c: {  	s6 =	simm.s32 $0x0;
	[sflag:s29] =	ssyncadd.s32 $0xFFFFD000  }
0x23d: {  	s10 =	simm.s32 $0x3850;
	s11 =	simm.s32 $0x200;
	v9 =	vld [tilespmem:s6+$0x390]  }
.LBB2_17:
0x23e: {  	p0 =	sne.s32 s11, $0x7600;
	v10 =	vld [tilespmem:s10+$0xFFFFFF80];
	_ =	sdelay $0x4  }
0x23f: {  	v9 =	vadd.f32 v9, v10;
	_ =	sdelay $0x1  }
0x240: {  	v9 =	vmax.f32 v9, $0.0e+00  }
0x241: {  	[tilespmem:s6+$0x9B90] =	vst v9;
	v9 =	vld [tilespmem:s6+$0x3A0]  }
0x242: {  	v10 =	vld [tilespmem:s10+$0xFFFFFF90];
	_ =	sdelay $0x4  }
0x243: {  	v9 =	vadd.f32 v9, v10;
	_ =	sdelay $0x1  }
0x244: {  	v9 =	vmax.f32 v9, $0.0e+00  }
0x245: {  	[tilespmem:s6+$0x9BA0] =	vst v9;
	v9 =	vld [tilespmem:s6+$0x3B0]  }
0x246: {  	v10 =	vld [tilespmem:s10+$0xFFFFFFA0];
	_ =	sdelay $0x4  }
0x247: {  	v9 =	vadd.f32 v9, v10;
	_ =	sdelay $0x1  }
0x248: {  	v9 =	vmax.f32 v9, $0.0e+00  }
0x249: {  	[tilespmem:s6+$0x9BB0] =	vst v9;
	v9 =	vld [tilespmem:s6+$0x3C0]  }
0x24a: {  	v10 =	vld [tilespmem:s10+$0xFFFFFFB0];
	_ =	sdelay $0x4  }
0x24b: {  	v9 =	vadd.f32 v9, v10;
	_ =	sdelay $0x1  }
0x24c: {  	v9 =	vmax.f32 v9, $0.0e+00  }
0x24d: {  	[tilespmem:s6+$0x9BC0] =	vst v9;
	v9 =	vld [tilespmem:s6+$0x3D0]  }
0x24e: {  	v10 =	vld [tilespmem:s10+$0x0];
	_ =	sdelay $0x4  }
0x24f: {  	v9 =	vadd.f32 v9, v10;
	_ =	sdelay $0x1  }
0x250: {  	v9 =	vmax.f32 v9, $0.0e+00  }
0x251: {  	[tilespmem:s6+$0x9BD0] =	vst v9;
	v9 =	vld [tilespmem:s6+$0x3E0]  }
0x252: {  	v10 =	vld [tilespmem:s10+$0x10];
	_ =	sdelay $0x4  }
0x253: {  	v9 =	vadd.f32 v9, v10;
	_ =	sdelay $0x1  }
0x254: {  	v9 =	vmax.f32 v9, $0.0e+00  }
0x255: {  	[tilespmem:s6+$0x9BE0] =	vst v9;
	v9 =	vld [tilespmem:s6+$0x3F0]  }
0x256: {  	v10 =	vld [tilespmem:s10+$0x20];
	_ =	sdelay $0x4  }
0x257: {  	v9 =	vadd.f32 v9, v10;
	_ =	sdelay $0x1  }
0x258: {  	v9 =	vmax.f32 v9, $0.0e+00  }
0x259: {  	[tilespmem:s6+$0x9BF0] =	vst v9;
	v9 =	vld [tilespmem:s6+$0x400]  }
0x25a: {  	v10 =	vld [tilespmem:s10+$0x30];
	_ =	sdelay $0x3  }
.Ltmp7:
0x25b: {  	(pc) =	sbr.rel @p0 .LBB2_17-.Ltmp7, $3  }
0x25c: {  	v9 =	vadd.f32 v9, v10;
	_ =	sdelay $0x1  }
0x25d: {  	s17 =	sshra.s32 s11, $0x2;
	v10 =	vmax.f32 v9, $0.0e+00  }
0x25e: {  	s11 =	sadd.s32 $0x200, s11;
	s10 =	sadd.s32 $0x100, s10;
	v9 =	vld [tilespmem:s17+$0x390];
	[tilespmem:s6+$0x9C00] =	vst v10;
	s6 =	smov.u32 s17  }
0x25f: {  	v10 =	vld [tilespmem:s10+$0xFFFFFF80];
	_ =	sdelay $0x4  }
0x260: {  	v9 =	vadd.f32 v9, v10;
	_ =	sdelay $0x1  }
0x261: {  	v9 =	vmax.f32 v9, $0.0e+00  }
0x262: {  	[tilespmem:s6+$0x9B90] =	vst v9;
	v9 =	vld [tilespmem:s6+$0x3A0]  }
0x263: {  	v10 =	vld [tilespmem:s10+$0xFFFFFF90];
	_ =	sdelay $0x4  }
0x264: {  	v9 =	vadd.f32 v9, v10;
	_ =	sdelay $0x1  }
0x265: {  	v9 =	vmax.f32 v9, $0.0e+00  }
0x266: {  	[tilespmem:s6+$0x9BA0] =	vst v9;
	v9 =	vld [tilespmem:s6+$0x3B0]  }
0x267: {  	v10 =	vld [tilespmem:s10+$0xFFFFFFA0];
	_ =	sdelay $0x4  }
0x268: {  	v9 =	vadd.f32 v9, v10;
	_ =	sdelay $0x1  }
0x269: {  	v9 =	vmax.f32 v9, $0.0e+00  }
0x26a: {  	[tilespmem:s6+$0x9BB0] =	vst v9;
	v9 =	vld [tilespmem:s6+$0x3C0]  }
0x26b: {  	v10 =	vld [tilespmem:s10+$0xFFFFFFB0];
	_ =	sdelay $0x4  }
0x26c: {  	v9 =	vadd.f32 v9, v10;
	_ =	sdelay $0x1  }
0x26d: {  	v9 =	vmax.f32 v9, $0.0e+00  }
0x26e: {  	[tilespmem:s6+$0x9BC0] =	vst v9;
	v9 =	vld [tilespmem:s6+$0x3D0]  }
0x26f: {  	v10 =	vld [tilespmem:s10+$0x0];
	_ =	sdelay $0x4  }
0x270: {  	v9 =	vadd.f32 v9, v10;
	_ =	sdelay $0x1  }
0x271: {  	v9 =	vmax.f32 v9, $0.0e+00  }
0x272: {  	[tilespmem:s6+$0x9BD0] =	vst v9;
	v9 =	vld [tilespmem:s6+$0x3E0]  }
0x273: {  	v10 =	vld [tilespmem:s10+$0x10];
	_ =	sdelay $0x4  }
0x274: {  	v9 =	vadd.f32 v9, v10;
	_ =	sdelay $0x1  }
0x275: {  	v9 =	vmax.f32 v9, $0.0e+00  }
0x276: {  	[tilespmem:s6+$0x9BE0] =	vst v9;
	v9 =	vld [tilespmem:s6+$0x3F0]  }
0x277: {  	v10 =	vld [tilespmem:s10+$0x20];
	_ =	sdelay $0x4  }
0x278: {  	v9 =	vadd.f32 v9, v10;
	_ =	sdelay $0x1  }
0x279: {  	v9 =	vmax.f32 v9, $0.0e+00  }
0x27a: {  	[tilespmem:s6+$0x9BF0] =	vst v9;
	v9 =	vld [tilespmem:s6+$0x400]  }
0x27b: {  	v10 =	vld [tilespmem:s10+$0x30];
	_ =	sdelay $0x4  }
0x27c: {  	v9 =	vadd.f32 v9, v10;
	_ =	sdelay $0x1  }
0x27d: {  	v9 =	vmax.f32 v9, $0.0e+00  }
0x27e: {  	[tilespmem:s6+$0x9C00] =	vst v9  }
0x27f: {  	[spmem:s4] =	stream.indirect.scatter.add.f32 [tilespmem:s19], [sflag:$0x3], $0x40, s20, s30, $0xb8;
	[tilespmem:$0x1F240] =	vst v63  }
0x280: {  	_ =	swait.ge [sflag:s18], $0x1E00  }
0x281: {  	[sflag:s18] =	ssyncset.done $0x0  }
0x282: {  	s6 =	simm.s32 $0x0;
	[sflag:s18] =	ssyncadd.s32 $0xFFFFE200  }
0x283: {  	s11 =	simm.s32 $0x200;
	s10 =	simm.s32 $0x7480;
	v9 =	vld [tilespmem:s6+$0x2190]  }
.LBB2_19:
0x284: {  	p0 =	sne.s32 s11, $0x4E00;
	v10 =	vld [tilespmem:s10+$0xFFFFFF50];
	_ =	sdelay $0x4  }
0x285: {  	v9 =	vadd.f32 v9, v10;
	_ =	sdelay $0x1  }
0x286: {  	v9 =	vmax.f32 v9, $0.0e+00  }
0x287: {  	[tilespmem:s6+$0x9B90] =	vst v9;
	v9 =	vld [tilespmem:s6+$0x21A0]  }
0x288: {  	v10 =	vld [tilespmem:s10+$0xFFFFFF60];
	_ =	sdelay $0x4  }
0x289: {  	v9 =	vadd.f32 v9, v10;
	_ =	sdelay $0x1  }
0x28a: {  	v9 =	vmax.f32 v9, $0.0e+00  }
0x28b: {  	[tilespmem:s6+$0x9BA0] =	vst v9;
	v9 =	vld [tilespmem:s6+$0x21B0]  }
0x28c: {  	v10 =	vld [tilespmem:s10+$0xFFFFFF70];
	_ =	sdelay $0x4  }
0x28d: {  	v9 =	vadd.f32 v9, v10;
	_ =	sdelay $0x1  }
0x28e: {  	v9 =	vmax.f32 v9, $0.0e+00  }
0x28f: {  	[tilespmem:s6+$0x9BB0] =	vst v9;
	v9 =	vld [tilespmem:s6+$0x21C0]  }
0x290: {  	v10 =	vld [tilespmem:s10+$0xFFFFFF80];
	_ =	sdelay $0x4  }
0x291: {  	v9 =	vadd.f32 v9, v10;
	_ =	sdelay $0x1  }
0x292: {  	v9 =	vmax.f32 v9, $0.0e+00  }
0x293: {  	[tilespmem:s6+$0x9BC0] =	vst v9;
	v9 =	vld [tilespmem:s6+$0x21D0]  }
0x294: {  	v10 =	vld [tilespmem:s10+$0xFFFFFFD0];
	_ =	sdelay $0x4  }
0x295: {  	v9 =	vadd.f32 v9, v10;
	_ =	sdelay $0x1  }
0x296: {  	v9 =	vmax.f32 v9, $0.0e+00  }
0x297: {  	[tilespmem:s6+$0x9BD0] =	vst v9;
	v9 =	vld [tilespmem:s6+$0x21E0]  }
0x298: {  	v10 =	vld [tilespmem:s10+$0xFFFFFFE0];
	_ =	sdelay $0x4  }
0x299: {  	v9 =	vadd.f32 v9, v10;
	_ =	sdelay $0x1  }
0x29a: {  	v9 =	vmax.f32 v9, $0.0e+00  }
0x29b: {  	[tilespmem:s6+$0x9BE0] =	vst v9;
	v9 =	vld [tilespmem:s6+$0x21F0]  }
0x29c: {  	v10 =	vld [tilespmem:s10+$0xFFFFFFF0];
	_ =	sdelay $0x4  }
0x29d: {  	v9 =	vadd.f32 v9, v10;
	_ =	sdelay $0x1  }
0x29e: {  	v9 =	vmax.f32 v9, $0.0e+00  }
0x29f: {  	[tilespmem:s6+$0x9BF0] =	vst v9;
	v9 =	vld [tilespmem:s6+$0x2200]  }
0x2a0: {  	v10 =	vld [tilespmem:s10+$0x0];
	_ =	sdelay $0x3  }
.Ltmp8:
0x2a1: {  	(pc) =	sbr.rel @p0 .LBB2_19-.Ltmp8, $3  }
0x2a2: {  	v9 =	vadd.f32 v9, v10;
	_ =	sdelay $0x1  }
0x2a3: {  	s17 =	sshra.s32 s11, $0x2;
	v10 =	vmax.f32 v9, $0.0e+00  }
0x2a4: {  	s11 =	sadd.s32 $0x200, s11;
	s10 =	sadd.s32 $0x100, s10;
	v9 =	vld [tilespmem:s17+$0x2190];
	[tilespmem:s6+$0x9C00] =	vst v10;
	s6 =	smov.u32 s17  }
0x2a5: {  	v10 =	vld [tilespmem:s10+$0xFFFFFF50];
	_ =	sdelay $0x4  }
0x2a6: {  	v9 =	vadd.f32 v9, v10;
	_ =	sdelay $0x1  }
0x2a7: {  	v9 =	vmax.f32 v9, $0.0e+00  }
0x2a8: {  	[tilespmem:s6+$0x9B90] =	vst v9;
	v9 =	vld [tilespmem:s6+$0x21A0]  }
0x2a9: {  	v10 =	vld [tilespmem:s10+$0xFFFFFF60];
	_ =	sdelay $0x4  }
0x2aa: {  	v9 =	vadd.f32 v9, v10;
	_ =	sdelay $0x1  }
0x2ab: {  	v9 =	vmax.f32 v9, $0.0e+00  }
0x2ac: {  	[tilespmem:s6+$0x9BA0] =	vst v9;
	v9 =	vld [tilespmem:s6+$0x21B0]  }
0x2ad: {  	v10 =	vld [tilespmem:s10+$0xFFFFFF70];
	_ =	sdelay $0x4  }
0x2ae: {  	v9 =	vadd.f32 v9, v10;
	_ =	sdelay $0x1  }
0x2af: {  	v9 =	vmax.f32 v9, $0.0e+00  }
0x2b0: {  	[tilespmem:s6+$0x9BB0] =	vst v9;
	v9 =	vld [tilespmem:s6+$0x21C0]  }
0x2b1: {  	v10 =	vld [tilespmem:s10+$0xFFFFFF80];
	_ =	sdelay $0x4  }
0x2b2: {  	v9 =	vadd.f32 v9, v10;
	_ =	sdelay $0x1  }
0x2b3: {  	v9 =	vmax.f32 v9, $0.0e+00  }
0x2b4: {  	[tilespmem:s6+$0x9BC0] =	vst v9;
	v9 =	vld [tilespmem:s6+$0x21D0]  }
0x2b5: {  	v10 =	vld [tilespmem:s10+$0xFFFFFFD0];
	_ =	sdelay $0x4  }
0x2b6: {  	v9 =	vadd.f32 v9, v10;
	_ =	sdelay $0x1  }
0x2b7: {  	v9 =	vmax.f32 v9, $0.0e+00  }
0x2b8: {  	[tilespmem:s6+$0x9BD0] =	vst v9;
	v9 =	vld [tilespmem:s6+$0x21E0]  }
0x2b9: {  	v10 =	vld [tilespmem:s10+$0xFFFFFFE0];
	_ =	sdelay $0x4  }
0x2ba: {  	v9 =	vadd.f32 v9, v10;
	_ =	sdelay $0x1  }
0x2bb: {  	v9 =	vmax.f32 v9, $0.0e+00  }
0x2bc: {  	[tilespmem:s6+$0x9BE0] =	vst v9;
	v9 =	vld [tilespmem:s6+$0x21F0]  }
0x2bd: {  	v10 =	vld [tilespmem:s10+$0xFFFFFFF0];
	_ =	sdelay $0x4  }
0x2be: {  	v9 =	vadd.f32 v9, v10;
	_ =	sdelay $0x1  }
0x2bf: {  	v9 =	vmax.f32 v9, $0.0e+00  }
0x2c0: {  	[tilespmem:s6+$0x9BF0] =	vst v9;
	v9 =	vld [tilespmem:s6+$0x2200]  }
0x2c1: {  	v10 =	vld [tilespmem:s10+$0x0];
	_ =	sdelay $0x4  }
0x2c2: {  	v9 =	vadd.f32 v9, v10;
	_ =	sdelay $0x1  }
0x2c3: {  	v9 =	vmax.f32 v9, $0.0e+00  }
0x2c4: {  	[tilespmem:s6+$0x9C00] =	vst v9  }
0x2c5: {  	[spmem:s4] =	stream.indirect.scatter.add.f32 [tilespmem:s19], [sflag:$0x3], $0x40, s0, s31, $0xb8;
	[tilespmem:$0x1F240] =	vst v63  }
0x2c6: {  	s2 =	sadd.s32 $0x19, s2;
	_ =	swait.ge [sflag:s18], $0x1400  }
0x2c7: {  	v9 =	vadd.s32 s2, v1;
	[sflag:s18] =	ssyncset.done $0x0  }
0x2c8: {  	v10 =	vadd.s32 v2, v9;
	[sflag:s18] =	ssyncadd.s32 $0xFFFFEC00  }
0x2c9: {  	[tilespmem:$0x320] =	vst v10;
	v10 =	vadd.s32 v4, v9  }
0x2ca: {  	[tilespmem:$0x330] =	vst v10;
	v10 =	vadd.s32 v5, v9  }
0x2cb: {  	[tilespmem:$0x340] =	vst v10;
	v10 =	vadd.s32 v6, v9  }
0x2cc: {  	[tilespmem:$0x350] =	vst v10;
	v10 =	vadd.s32 v7, v9  }
0x2cd: {  	[tilespmem:$0x360] =	vst v10;
	v10 =	vadd.s32 v8, v9  }
0x2ce: {  	v9 =	vadd.s32 v3, v9;
	[tilespmem:$0x370] =	vst v10  }
0x2cf: {  	[tilespmem:$0x380] =	vst v9  }
0x2d0: {  	[tilespmem:s24], [sflag:$0x1] =	stream.indirect.gather [hbm4b:s8+s22], $0x80, s23, s22, $0xb8;
	[tilespmem:$0x1F240] =	vst v63  }
0x2d1: {  	_ = 	snop  }
0x2d2: {  	[tilespmem:s25], [sflag:$0x1] =	stream.indirect.gather [hbm4b:s7+s22], $0x80, s3, s22, $0xb8;
	[tilespmem:$0x1F240] =	vst v63  }
0x2d3: {  	_ = 	snop  }
0x2d4: {  	[tilespmem:s28], [sflag:$0x1] =	stream.indirect.gather [hbm4b:s7+s26], $0x80, s9, s26, $0xb8;
	[tilespmem:$0x1F240] =	vst v63  }
0x2d5: {  	_ =	swait.ge [sflag:s29], $0x3400  }
0x2d6: {  	[sflag:s29] =	ssyncset.done $0x0  }
0x2d7: {  	[sflag:s29] =	ssyncadd.s32 $0xFFFFCC00  }
0x2d8: {  	_ =	swait.ge [sflag:s29], $0x3400  }
0x2d9: {  	[sflag:s29] =	ssyncset.done $0x0  }
0x2da: {  	[sflag:s29] =	ssyncadd.s32 $0xFFFFCC00  }
0x2db: {  	_ =	swait.ge [sflag:s29], $0x3000  }
0x2dc: {  	[sflag:s29] =	ssyncset.done $0x0  }
0x2dd: {  	s2 =	simm.s32 $0x0;
	[sflag:s29] =	ssyncadd.s32 $0xFFFFD000  }
0x2de: {  	s10 =	simm.s32 $0x200;
	s6 =	simm.s32 $0x3850;
	v9 =	vld [tilespmem:s2+$0x390]  }
.LBB2_21:
0x2df: {  	p0 =	sne.s32 s10, $0x7600;
	v10 =	vld [tilespmem:s6+$0xFFFFFF80];
	_ =	sdelay $0x4  }
0x2e0: {  	v9 =	vadd.f32 v9, v10;
	_ =	sdelay $0x1  }
0x2e1: {  	v9 =	vmax.f32 v9, $0.0e+00  }
0x2e2: {  	[tilespmem:s2+$0x9B90] =	vst v9;
	v9 =	vld [tilespmem:s2+$0x3A0]  }
0x2e3: {  	v10 =	vld [tilespmem:s6+$0xFFFFFF90];
	_ =	sdelay $0x4  }
0x2e4: {  	v9 =	vadd.f32 v9, v10;
	_ =	sdelay $0x1  }
0x2e5: {  	v9 =	vmax.f32 v9, $0.0e+00  }
0x2e6: {  	[tilespmem:s2+$0x9BA0] =	vst v9;
	v9 =	vld [tilespmem:s2+$0x3B0]  }
0x2e7: {  	v10 =	vld [tilespmem:s6+$0xFFFFFFA0];
	_ =	sdelay $0x4  }
0x2e8: {  	v9 =	vadd.f32 v9, v10;
	_ =	sdelay $0x1  }
0x2e9: {  	v9 =	vmax.f32 v9, $0.0e+00  }
0x2ea: {  	[tilespmem:s2+$0x9BB0] =	vst v9;
	v9 =	vld [tilespmem:s2+$0x3C0]  }
0x2eb: {  	v10 =	vld [tilespmem:s6+$0xFFFFFFB0];
	_ =	sdelay $0x4  }
0x2ec: {  	v9 =	vadd.f32 v9, v10;
	_ =	sdelay $0x1  }
0x2ed: {  	v9 =	vmax.f32 v9, $0.0e+00  }
0x2ee: {  	[tilespmem:s2+$0x9BC0] =	vst v9;
	v9 =	vld [tilespmem:s2+$0x3D0]  }
0x2ef: {  	v10 =	vld [tilespmem:s6+$0x0];
	_ =	sdelay $0x4  }
0x2f0: {  	v9 =	vadd.f32 v9, v10;
	_ =	sdelay $0x1  }
0x2f1: {  	v9 =	vmax.f32 v9, $0.0e+00  }
0x2f2: {  	[tilespmem:s2+$0x9BD0] =	vst v9;
	v9 =	vld [tilespmem:s2+$0x3E0]  }
0x2f3: {  	v10 =	vld [tilespmem:s6+$0x10];
	_ =	sdelay $0x4  }
0x2f4: {  	v9 =	vadd.f32 v9, v10;
	_ =	sdelay $0x1  }
0x2f5: {  	v9 =	vmax.f32 v9, $0.0e+00  }
0x2f6: {  	[tilespmem:s2+$0x9BE0] =	vst v9;
	v9 =	vld [tilespmem:s2+$0x3F0]  }
0x2f7: {  	v10 =	vld [tilespmem:s6+$0x20];
	_ =	sdelay $0x4  }
0x2f8: {  	v9 =	vadd.f32 v9, v10;
	_ =	sdelay $0x1  }
0x2f9: {  	v9 =	vmax.f32 v9, $0.0e+00  }
0x2fa: {  	[tilespmem:s2+$0x9BF0] =	vst v9;
	v9 =	vld [tilespmem:s2+$0x400]  }
0x2fb: {  	v10 =	vld [tilespmem:s6+$0x30];
	_ =	sdelay $0x3  }
.Ltmp9:
0x2fc: {  	(pc) =	sbr.rel @p0 .LBB2_21-.Ltmp9, $3  }
0x2fd: {  	v9 =	vadd.f32 v9, v10;
	_ =	sdelay $0x1  }
0x2fe: {  	s11 =	sshra.s32 s10, $0x2;
	v10 =	vmax.f32 v9, $0.0e+00  }
0x2ff: {  	s10 =	sadd.s32 $0x200, s10;
	s6 =	sadd.s32 $0x100, s6;
	v9 =	vld [tilespmem:s11+$0x390];
	[tilespmem:s2+$0x9C00] =	vst v10;
	s2 =	smov.u32 s11  }
0x300: {  	v10 =	vld [tilespmem:s6+$0xFFFFFF80];
	_ =	sdelay $0x4  }
0x301: {  	v9 =	vadd.f32 v9, v10;
	_ =	sdelay $0x1  }
0x302: {  	v9 =	vmax.f32 v9, $0.0e+00  }
0x303: {  	[tilespmem:s2+$0x9B90] =	vst v9;
	v9 =	vld [tilespmem:s2+$0x3A0]  }
0x304: {  	v10 =	vld [tilespmem:s6+$0xFFFFFF90];
	_ =	sdelay $0x4  }
0x305: {  	v9 =	vadd.f32 v9, v10;
	_ =	sdelay $0x1  }
0x306: {  	v9 =	vmax.f32 v9, $0.0e+00  }
0x307: {  	[tilespmem:s2+$0x9BA0] =	vst v9;
	v9 =	vld [tilespmem:s2+$0x3B0]  }
0x308: {  	v10 =	vld [tilespmem:s6+$0xFFFFFFA0];
	_ =	sdelay $0x4  }
0x309: {  	v9 =	vadd.f32 v9, v10;
	_ =	sdelay $0x1  }
0x30a: {  	v9 =	vmax.f32 v9, $0.0e+00  }
0x30b: {  	[tilespmem:s2+$0x9BB0] =	vst v9;
	v9 =	vld [tilespmem:s2+$0x3C0]  }
0x30c: {  	v10 =	vld [tilespmem:s6+$0xFFFFFFB0];
	_ =	sdelay $0x4  }
0x30d: {  	v9 =	vadd.f32 v9, v10;
	_ =	sdelay $0x1  }
0x30e: {  	v9 =	vmax.f32 v9, $0.0e+00  }
0x30f: {  	[tilespmem:s2+$0x9BC0] =	vst v9;
	v9 =	vld [tilespmem:s2+$0x3D0]  }
0x310: {  	v10 =	vld [tilespmem:s6+$0x0];
	_ =	sdelay $0x4  }
0x311: {  	v9 =	vadd.f32 v9, v10;
	_ =	sdelay $0x1  }
0x312: {  	v9 =	vmax.f32 v9, $0.0e+00  }
0x313: {  	[tilespmem:s2+$0x9BD0] =	vst v9;
	v9 =	vld [tilespmem:s2+$0x3E0]  }
0x314: {  	v10 =	vld [tilespmem:s6+$0x10];
	_ =	sdelay $0x4  }
0x315: {  	v9 =	vadd.f32 v9, v10;
	_ =	sdelay $0x1  }
0x316: {  	v9 =	vmax.f32 v9, $0.0e+00  }
0x317: {  	[tilespmem:s2+$0x9BE0] =	vst v9;
	v9 =	vld [tilespmem:s2+$0x3F0]  }
0x318: {  	v10 =	vld [tilespmem:s6+$0x20];
	_ =	sdelay $0x4  }
0x319: {  	v9 =	vadd.f32 v9, v10;
	_ =	sdelay $0x1  }
0x31a: {  	v9 =	vmax.f32 v9, $0.0e+00  }
0x31b: {  	[tilespmem:s2+$0x9BF0] =	vst v9;
	v9 =	vld [tilespmem:s2+$0x400]  }
0x31c: {  	v10 =	vld [tilespmem:s6+$0x30];
	_ =	sdelay $0x4  }
0x31d: {  	v9 =	vadd.f32 v9, v10;
	_ =	sdelay $0x1  }
0x31e: {  	v9 =	vmax.f32 v9, $0.0e+00  }
0x31f: {  	[tilespmem:s2+$0x9C00] =	vst v9  }
0x320: {  	[spmem:s4] =	stream.indirect.scatter.add.f32 [tilespmem:s19], [sflag:$0x3], $0x40, s14, s30, $0xb8;
	[tilespmem:$0x1F240] =	vst v63  }
0x321: {  	_ =	swait.ge [sflag:s18], $0x1E00  }
0x322: {  	[sflag:s18] =	ssyncset.done $0x0  }
0x323: {  	s2 =	simm.s32 $0x0;
	[sflag:s18] =	ssyncadd.s32 $0xFFFFE200  }
0x324: {  	s10 =	simm.s32 $0x200;
	s6 =	simm.s32 $0x7480;
	v9 =	vld [tilespmem:s2+$0x2190]  }
.LBB2_23:
0x325: {  	p0 =	sne.s32 s10, $0x4E00;
	v10 =	vld [tilespmem:s6+$0xFFFFFF50];
	_ =	sdelay $0x4  }
0x326: {  	v9 =	vadd.f32 v9, v10;
	_ =	sdelay $0x1  }
0x327: {  	v9 =	vmax.f32 v9, $0.0e+00  }
0x328: {  	[tilespmem:s2+$0x9B90] =	vst v9;
	v9 =	vld [tilespmem:s2+$0x21A0]  }
0x329: {  	v10 =	vld [tilespmem:s6+$0xFFFFFF60];
	_ =	sdelay $0x4  }
0x32a: {  	v9 =	vadd.f32 v9, v10;
	_ =	sdelay $0x1  }
0x32b: {  	v9 =	vmax.f32 v9, $0.0e+00  }
0x32c: {  	[tilespmem:s2+$0x9BA0] =	vst v9;
	v9 =	vld [tilespmem:s2+$0x21B0]  }
0x32d: {  	v10 =	vld [tilespmem:s6+$0xFFFFFF70];
	_ =	sdelay $0x4  }
0x32e: {  	v9 =	vadd.f32 v9, v10;
	_ =	sdelay $0x1  }
0x32f: {  	v9 =	vmax.f32 v9, $0.0e+00  }
0x330: {  	[tilespmem:s2+$0x9BB0] =	vst v9;
	v9 =	vld [tilespmem:s2+$0x21C0]  }
0x331: {  	v10 =	vld [tilespmem:s6+$0xFFFFFF80];
	_ =	sdelay $0x4  }
0x332: {  	v9 =	vadd.f32 v9, v10;
	_ =	sdelay $0x1  }
0x333: {  	v9 =	vmax.f32 v9, $0.0e+00  }
0x334: {  	[tilespmem:s2+$0x9BC0] =	vst v9;
	v9 =	vld [tilespmem:s2+$0x21D0]  }
0x335: {  	v10 =	vld [tilespmem:s6+$0xFFFFFFD0];
	_ =	sdelay $0x4  }
0x336: {  	v9 =	vadd.f32 v9, v10;
	_ =	sdelay $0x1  }
0x337: {  	v9 =	vmax.f32 v9, $0.0e+00  }
0x338: {  	[tilespmem:s2+$0x9BD0] =	vst v9;
	v9 =	vld [tilespmem:s2+$0x21E0]  }
0x339: {  	v10 =	vld [tilespmem:s6+$0xFFFFFFE0];
	_ =	sdelay $0x4  }
0x33a: {  	v9 =	vadd.f32 v9, v10;
	_ =	sdelay $0x1  }
0x33b: {  	v9 =	vmax.f32 v9, $0.0e+00  }
0x33c: {  	[tilespmem:s2+$0x9BE0] =	vst v9;
	v9 =	vld [tilespmem:s2+$0x21F0]  }
0x33d: {  	v10 =	vld [tilespmem:s6+$0xFFFFFFF0];
	_ =	sdelay $0x4  }
0x33e: {  	v9 =	vadd.f32 v9, v10;
	_ =	sdelay $0x1  }
0x33f: {  	v9 =	vmax.f32 v9, $0.0e+00  }
0x340: {  	[tilespmem:s2+$0x9BF0] =	vst v9;
	v9 =	vld [tilespmem:s2+$0x2200]  }
0x341: {  	v10 =	vld [tilespmem:s6+$0x0];
	_ =	sdelay $0x3  }
.Ltmp10:
0x342: {  	(pc) =	sbr.rel @p0 .LBB2_23-.Ltmp10, $3  }
0x343: {  	v9 =	vadd.f32 v9, v10;
	_ =	sdelay $0x1  }
0x344: {  	s11 =	sshra.s32 s10, $0x2;
	v10 =	vmax.f32 v9, $0.0e+00  }
0x345: {  	s10 =	sadd.s32 $0x200, s10;
	s6 =	sadd.s32 $0x100, s6;
	v9 =	vld [tilespmem:s11+$0x2190];
	[tilespmem:s2+$0x9C00] =	vst v10;
	s2 =	smov.u32 s11  }
0x346: {  	v10 =	vld [tilespmem:s6+$0xFFFFFF50];
	_ =	sdelay $0x4  }
0x347: {  	v9 =	vadd.f32 v9, v10;
	_ =	sdelay $0x1  }
0x348: {  	v9 =	vmax.f32 v9, $0.0e+00  }
0x349: {  	[tilespmem:s2+$0x9B90] =	vst v9;
	v9 =	vld [tilespmem:s2+$0x21A0]  }
0x34a: {  	v10 =	vld [tilespmem:s6+$0xFFFFFF60];
	_ =	sdelay $0x4  }
0x34b: {  	v9 =	vadd.f32 v9, v10;
	_ =	sdelay $0x1  }
0x34c: {  	v9 =	vmax.f32 v9, $0.0e+00  }
0x34d: {  	[tilespmem:s2+$0x9BA0] =	vst v9;
	v9 =	vld [tilespmem:s2+$0x21B0]  }
0x34e: {  	v10 =	vld [tilespmem:s6+$0xFFFFFF70];
	_ =	sdelay $0x4  }
0x34f: {  	v9 =	vadd.f32 v9, v10;
	_ =	sdelay $0x1  }
0x350: {  	v9 =	vmax.f32 v9, $0.0e+00  }
0x351: {  	[tilespmem:s2+$0x9BB0] =	vst v9;
	v9 =	vld [tilespmem:s2+$0x21C0]  }
0x352: {  	v10 =	vld [tilespmem:s6+$0xFFFFFF80];
	_ =	sdelay $0x4  }
0x353: {  	v9 =	vadd.f32 v9, v10;
	_ =	sdelay $0x1  }
0x354: {  	v9 =	vmax.f32 v9, $0.0e+00  }
0x355: {  	[tilespmem:s2+$0x9BC0] =	vst v9;
	v9 =	vld [tilespmem:s2+$0x21D0]  }
0x356: {  	v10 =	vld [tilespmem:s6+$0xFFFFFFD0];
	_ =	sdelay $0x4  }
0x357: {  	v9 =	vadd.f32 v9, v10;
	_ =	sdelay $0x1  }
0x358: {  	v9 =	vmax.f32 v9, $0.0e+00  }
0x359: {  	[tilespmem:s2+$0x9BD0] =	vst v9;
	v9 =	vld [tilespmem:s2+$0x21E0]  }
0x35a: {  	v10 =	vld [tilespmem:s6+$0xFFFFFFE0];
	_ =	sdelay $0x4  }
0x35b: {  	v9 =	vadd.f32 v9, v10;
	_ =	sdelay $0x1  }
0x35c: {  	v9 =	vmax.f32 v9, $0.0e+00  }
0x35d: {  	[tilespmem:s2+$0x9BE0] =	vst v9;
	v9 =	vld [tilespmem:s2+$0x21F0]  }
0x35e: {  	v10 =	vld [tilespmem:s6+$0xFFFFFFF0];
	_ =	sdelay $0x4  }
0x35f: {  	v9 =	vadd.f32 v9, v10;
	_ =	sdelay $0x1  }
0x360: {  	v9 =	vmax.f32 v9, $0.0e+00  }
0x361: {  	[tilespmem:s2+$0x9BF0] =	vst v9;
	v9 =	vld [tilespmem:s2+$0x2200]  }
0x362: {  	v10 =	vld [tilespmem:s6+$0x0];
	_ =	sdelay $0x4  }
0x363: {  	v9 =	vadd.f32 v9, v10  }
0x364: {  	s1 =	sadd.s32 $0x1, s1  }
0x365: {  	p0 =	sne.s32 s1, $0x32;
	v9 =	vmax.f32 v9, $0.0e+00  }
.Ltmp11:
0x366: {  	[tilespmem:s2+$0x9C00] =	vst v9;
	(pc) =	sbr.rel @p0 .LBB2_16-.Ltmp11, $4  }
0x367: {  	[spmem:s4] =	stream.indirect.scatter.add.f32 [tilespmem:s19], [sflag:$0x3], $0x40, s12, s31, $0xb8;
	[tilespmem:$0x1F240] =	vst v63  }
0x368: {  	_ =	swait.ge [sflag:s18], $0x1400  }
0x369: {  	[sflag:s18] =	ssyncset.done $0x0  }
0x36a: {  	[sflag:s18] =	ssyncadd.s32 $0xFFFFEC00  }
0x36b: {  	[bflag:$0x0] =	sbarrier.arrive $0xFFFF;
	s1 =	simm.s32 $0x0;
	s2 =	simm.s32 $0xB9F0  }
.LBB2_26:
0x36c: {  	s5 =	smul.u32 $0x28, s1  }
0x36d: {  	s6 =	rddreg [dreg:$0x5]  }
0x36e: {  	s6 =	sadd.s32 s6, s5  }
0x36f: {  	s6 =	sshll.u32 s6, $0x6  }
0x370: {  	s6 =	sand.u32 $0x3FFFFFC0, s6  }
0x371: {  	v1 =	vmov s2;
	s6 =	sadd.s32 s6, s4  }
0x372: {  	[tilespmem:s19], [sflag:$0x3] =	stream.linear.gather [spmem:s6], $0xA00, $0x38;
	[tilespmem:$0x1F240] =	vst v63  }
0x373: {  	_ =	swait.ge [sflag:s18], $0xA00  }
0x374: {  	[sflag:s18] =	ssyncset.done $0x0  }
0x375: {  	s10 =	simm.s32 $0x0;
	[sflag:s18] =	ssyncadd.s32 $0xFFFFF600  }
0x376: {  	v2 =	vld.idx.msk [tilespmem:v1+s10+$0xFFFFFFD0 ss:$0x1], $0xffff;
	_ =	sdelay $0x3  }
0x377: {  	s6 =	simm.s32 $0x3D0  }
0x378: {  	[tilespmem:s6+$0xFFFFFFC0] =	vst v2  }
0x379: {  	v2 =	vld [tilespmem:s10+$0x9B90];
	_ =	sdelay $0x4  }
0x37a: {  	[tilespmem:s6+$0x0] =	vst v2  }
0x37b: {  	v2 =	vld.idx.msk [tilespmem:v1+s10+$0xFFFFFFE0 ss:$0x1], $0xffff;
	_ =	sdelay $0x4  }
0x37c: {  	[tilespmem:s6+$0xFFFFFFD0] =	vst v2  }
0x37d: {  	v2 =	vld [tilespmem:s10+$0x9BA0];
	_ =	sdelay $0x4  }
0x37e: {  	[tilespmem:s6+$0x10] =	vst v2  }
0x37f: {  	v2 =	vld.idx.msk [tilespmem:v1+s10+$0xFFFFFFF0 ss:$0x1], $0xffff;
	_ =	sdelay $0x4  }
0x380: {  	[tilespmem:s6+$0xFFFFFFE0] =	vst v2  }
0x381: {  	v2 =	vld [tilespmem:s10+$0x9BB0];
	_ =	sdelay $0x4  }
0x382: {  	[tilespmem:s6+$0x20] =	vst v2  }
0x383: {  	v2 =	vld.idx.msk [tilespmem:v1+s10+$0x0 ss:$0x1], $0xffff;
	_ =	sdelay $0x4  }
0x384: {  	[tilespmem:s6+$0xFFFFFFF0] =	vst v2  }
0x385: {  	v2 =	vld [tilespmem:s10+$0x9BC0];
	_ =	sdelay $0x4  }
0x386: {  	s11 =	simm.s32 $0x200;
	s10 =	simm.s32 $0x40;
	[tilespmem:s6+$0x30] =	vst v2  }
.LBB2_27:
0x387: {  	p0 =	sne.s32 s11, $0x2700;
	v2 =	vld.idx.msk [tilespmem:v1+s10+$0xFFFFFFD0 ss:$0x1], $0xffff;
	_ =	sdelay $0x4  }
0x388: {  	s6 =	sadd.s32 $0x80, s6  }
0x389: {  	[tilespmem:s6+$0xFFFFFFC0] =	vst v2  }
0x38a: {  	v2 =	vld [tilespmem:s10+$0x9B90];
	_ =	sdelay $0x4  }
0x38b: {  	[tilespmem:s6+$0x0] =	vst v2  }
0x38c: {  	v2 =	vld.idx.msk [tilespmem:v1+s10+$0xFFFFFFE0 ss:$0x1], $0xffff;
	_ =	sdelay $0x5  }
0x38d: {  	[tilespmem:s6+$0xFFFFFFD0] =	vst v2  }
0x38e: {  	v2 =	vld [tilespmem:s10+$0x9BA0];
	_ =	sdelay $0x4  }
0x38f: {  	[tilespmem:s6+$0x10] =	vst v2  }
0x390: {  	v2 =	vld.idx.msk [tilespmem:v1+s10+$0xFFFFFFF0 ss:$0x1], $0xffff;
	_ =	sdelay $0x5  }
0x391: {  	[tilespmem:s6+$0xFFFFFFE0] =	vst v2  }
0x392: {  	v2 =	vld [tilespmem:s10+$0x9BB0];
	_ =	sdelay $0x4  }
0x393: {  	[tilespmem:s6+$0x20] =	vst v2  }
0x394: {  	v2 =	vld.idx.msk [tilespmem:v1+s10+$0x0 ss:$0x1], $0xffff;
	_ =	sdelay $0x5  }
0x395: {  	[tilespmem:s6+$0xFFFFFFF0] =	vst v2  }
0x396: {  	v2 =	vld [tilespmem:s10+$0x9BC0]  }
.Ltmp12:
0x397: {  	(pc) =	sbr.rel @p0 .LBB2_27-.Ltmp12, $2  }
0x398: {  	_ =	sdelay $0x2  }
0x399: {  	s10 =	sshra.s32 s11, $0x2;
	s11 =	sadd.s32 $0x100, s11;
	[tilespmem:s6+$0x30] =	vst v2  }
0x39a: {  	_ =	sdelay $0x3  }
0x39b: {  	v2 =	vld.idx.msk [tilespmem:v1+s10+$0xFFFFFFD0 ss:$0x1], $0xffff;
	_ =	sdelay $0x3  }
0x39c: {  	s6 =	sadd.s32 $0x80, s6  }
0x39d: {  	[tilespmem:s6+$0xFFFFFFC0] =	vst v2  }
0x39e: {  	v2 =	vld [tilespmem:s10+$0x9B90];
	_ =	sdelay $0x4  }
0x39f: {  	[tilespmem:s6+$0x0] =	vst v2  }
0x3a0: {  	v2 =	vld.idx.msk [tilespmem:v1+s10+$0xFFFFFFE0 ss:$0x1], $0xffff;
	_ =	sdelay $0x4  }
0x3a1: {  	[tilespmem:s6+$0xFFFFFFD0] =	vst v2  }
0x3a2: {  	v2 =	vld [tilespmem:s10+$0x9BA0];
	_ =	sdelay $0x4  }
0x3a3: {  	[tilespmem:s6+$0x10] =	vst v2  }
0x3a4: {  	v2 =	vld.idx.msk [tilespmem:v1+s10+$0xFFFFFFF0 ss:$0x1], $0xffff;
	_ =	sdelay $0x4  }
0x3a5: {  	[tilespmem:s6+$0xFFFFFFE0] =	vst v2  }
0x3a6: {  	v2 =	vld [tilespmem:s10+$0x9BB0];
	_ =	sdelay $0x4  }
0x3a7: {  	[tilespmem:s6+$0x20] =	vst v2  }
0x3a8: {  	v1 =	vld.idx.msk [tilespmem:v1+s10+$0x0 ss:$0x1], $0xffff;
	_ =	sdelay $0x4  }
0x3a9: {  	[tilespmem:s6+$0xFFFFFFF0] =	vst v1  }
0x3aa: {  	v1 =	vld [tilespmem:s10+$0x9BC0];
	_ =	sdelay $0x1  }
0x3ab: {  	s17 =	rddreg [dreg:$0x8]  }
0x3ac: {  	s1 =	sadd.s32 $0x1, s1;
	s5 =	sadd.s32 s5, s17  }
0x3ad: {  	s11 =	rddreg [dreg:$0x7];
	p0 =	sne.s32 s1, $0xF;
	s5 =	sshll.u32 s5, $0x4  }
.Ltmp13:
0x3ae: {  	s17 =	simm.s32 $0x0;
	s5 =	sadd.s32 s11, s5;
	[tilespmem:s6+$0x30] =	vst v1;
	(pc) =	sbr.rel @p0 .LBB2_26-.Ltmp13, $4  }
0x3af: {  	[hbm4b:s5+s17] =	stream.linear.scatter [tilespmem:s24], [sflag:$0x3], $0x1400, $0x38;
	[tilespmem:$0x1F240] =	vst v63  }
0x3b0: {  	_ =	swait.ge [sflag:s18], $0x1400  }
0x3b1: {  	[sflag:s18] =	ssyncset.done $0x0  }
0x3b2: {  	s2 =	sadd.s32 $0xA00, s2;
	[sflag:s18] =	ssyncadd.s32 $0xFFFFEC00  }
0x3b3: {  	s1 =	rddreg [dreg:$0xa]  }
0x3b4: {  	[tilespmem:s19], [sflag:$0x3] =	stream.linear.gather [spmem:s1], $0x640, $0x38;
	[tilespmem:$0x1F240] =	vst v63  }
0x3b5: {  	_ =	swait.ge [sflag:s18], $0x640  }
0x3b6: {  	[sflag:s18] =	ssyncset.done $0x0  }
0x3b7: {  	s2 =	simm.s32 $0x0;
	[sflag:s18] =	ssyncadd.s32 $0xFFFFF9C0  }
0x3b8: {  	v1 =	vld [tilespmem:s2+$0x14FC0];
	_ =	sdelay $0x3  }
0x3b9: {  	s1 =	simm.s32 $0x3D0  }
0x3ba: {  	[tilespmem:s1+$0xFFFFFFC0] =	vst v1  }
0x3bb: {  	v1 =	vld [tilespmem:s2+$0x9B90];
	_ =	sdelay $0x4  }
0x3bc: {  	[tilespmem:s1+$0x0] =	vst v1  }
0x3bd: {  	v1 =	vld [tilespmem:s2+$0x14FD0];
	_ =	sdelay $0x4  }
0x3be: {  	[tilespmem:s1+$0xFFFFFFD0] =	vst v1  }
0x3bf: {  	v1 =	vld [tilespmem:s2+$0x9BA0];
	_ =	sdelay $0x4  }
0x3c0: {  	[tilespmem:s1+$0x10] =	vst v1  }
0x3c1: {  	v1 =	vld [tilespmem:s2+$0x14FE0];
	_ =	sdelay $0x4  }
0x3c2: {  	[tilespmem:s1+$0xFFFFFFE0] =	vst v1  }
0x3c3: {  	v1 =	vld [tilespmem:s2+$0x9BB0];
	_ =	sdelay $0x4  }
0x3c4: {  	[tilespmem:s1+$0x20] =	vst v1  }
0x3c5: {  	v1 =	vld [tilespmem:s2+$0x14FF0];
	_ =	sdelay $0x4  }
0x3c6: {  	[tilespmem:s1+$0xFFFFFFF0] =	vst v1  }
0x3c7: {  	v1 =	vld [tilespmem:s2+$0x9BC0];
	_ =	sdelay $0x4  }
0x3c8: {  	s5 =	simm.s32 $0x200;
	s10 =	simm.s32 $0x0;
	s2 =	simm.s32 $0x40;
	[tilespmem:s1+$0x30] =	vst v1  }
.LBB2_30:
0x3c9: {  	p0 =	sne.s32 s5, $0x1800;
	v1 =	vld [tilespmem:s2+$0x14FC0];
	_ =	sdelay $0x3  }
0x3ca: {  	s1 =	sadd.s32 $0x80, s1  }
0x3cb: {  	[tilespmem:s1+$0xFFFFFFC0] =	vst v1  }
0x3cc: {  	v1 =	vld [tilespmem:s2+$0x9B90];
	_ =	sdelay $0x4  }
0x3cd: {  	[tilespmem:s1+$0x0] =	vst v1  }
0x3ce: {  	v1 =	vld [tilespmem:s2+$0x14FD0];
	_ =	sdelay $0x4  }
0x3cf: {  	[tilespmem:s1+$0xFFFFFFD0] =	vst v1  }
0x3d0: {  	v1 =	vld [tilespmem:s2+$0x9BA0];
	_ =	sdelay $0x4  }
0x3d1: {  	[tilespmem:s1+$0x10] =	vst v1  }
0x3d2: {  	v1 =	vld [tilespmem:s2+$0x14FE0];
	_ =	sdelay $0x4  }
0x3d3: {  	[tilespmem:s1+$0xFFFFFFE0] =	vst v1  }
0x3d4: {  	v1 =	vld [tilespmem:s2+$0x9BB0];
	_ =	sdelay $0x4  }
0x3d5: {  	[tilespmem:s1+$0x20] =	vst v1  }
0x3d6: {  	v1 =	vld [tilespmem:s2+$0x14FF0];
	_ =	sdelay $0x4  }
0x3d7: {  	[tilespmem:s1+$0xFFFFFFF0] =	vst v1  }
0x3d8: {  	v1 =	vld [tilespmem:s2+$0x9BC0]  }
.Ltmp14:
0x3d9: {  	(pc) =	sbr.rel @p0 .LBB2_30-.Ltmp14, $2  }
0x3da: {  	_ =	sdelay $0x2  }
0x3db: {  	s2 =	sshra.s32 s5, $0x2;
	s5 =	sadd.s32 $0x100, s5;
	[tilespmem:s1+$0x30] =	vst v1  }
0x3dc: {  	v1 =	vld [tilespmem:s2+$0x14FC0];
	_ =	sdelay $0x3  }
0x3dd: {  	s1 =	sadd.s32 $0x80, s1  }
0x3de: {  	[tilespmem:s1+$0xFFFFFFC0] =	vst v1  }
0x3df: {  	v1 =	vld [tilespmem:s2+$0x9B90];
	_ =	sdelay $0x4  }
0x3e0: {  	[tilespmem:s1+$0x0] =	vst v1  }
0x3e1: {  	v1 =	vld [tilespmem:s2+$0x14FD0];
	_ =	sdelay $0x4  }
0x3e2: {  	[tilespmem:s1+$0xFFFFFFD0] =	vst v1  }
0x3e3: {  	v1 =	vld [tilespmem:s2+$0x9BA0];
	_ =	sdelay $0x4  }
0x3e4: {  	[tilespmem:s1+$0x10] =	vst v1  }
0x3e5: {  	v1 =	vld [tilespmem:s2+$0x14FE0];
	_ =	sdelay $0x4  }
0x3e6: {  	[tilespmem:s1+$0xFFFFFFE0] =	vst v1  }
0x3e7: {  	v1 =	vld [tilespmem:s2+$0x9BB0];
	_ =	sdelay $0x4  }
0x3e8: {  	[tilespmem:s1+$0x20] =	vst v1  }
0x3e9: {  	v1 =	vld [tilespmem:s2+$0x14FF0];
	_ =	sdelay $0x4  }
0x3ea: {  	[tilespmem:s1+$0xFFFFFFF0] =	vst v1  }
0x3eb: {  	v1 =	vld [tilespmem:s2+$0x9BC0];
	_ =	sdelay $0x4  }
0x3ec: {  	s6 =	rddreg [dreg:$0xc];
	[tilespmem:s1+$0x30] =	vst v1  }
0x3ed: {  	[hbm4b:s6+s10] =	stream.linear.scatter [tilespmem:s24], [sflag:$0x3], $0xC80, $0x38;
	[tilespmem:$0x1F240] =	vst v63  }
0x3ee: {  	_ =	swait.ge [sflag:s18], $0xC80  }
0x3ef: {  	s11 =	rddreg [dreg:$0x1c]  }
0x3f0: {  	s17 =	rddreg [dreg:$0xd];
	s2 =	sadd.s32 $0x1, s11  }
0x3f1: {  	p0 =	sne.s32 s2, s17  }
.Ltmp15:
0x3f2: {  	_ = 	snop;
	(pc) =	sbr.rel @p0 .LBB2_1-.Ltmp15, $3  }
0x3f3: {  	[sflag:s18] =	ssyncset.done $0x0  }
0x3f4: {  	[sflag:s18] =	ssyncadd.s32 $0xFFFFF380  }
0x3f5: {  	[bflag:$0x0] =	sbarrier.arrive $0xFFFF;
	_ =	sdelay $0x1  }
0x3f6: {  	_ =	sfence.sel $0x180000  }
0x3f7: {  	[bflag:$0x0] =	sbarrier.arrive $0xFFFF  }
0x3f8: {  	_ =	strace $0x90000047  }
0x3f9: {  	s0 =	stileid.u32;
	[bflag:$0x2] =	sbarrier.arrive $0xFFFF  }
0x3fa: {  	p0 =	sne.s32 s0, $0x0;
	s0 =	rddreg [dreg:$0x4]  }
0x3fb: {  	s0 =	sadd.s32 @!p0 $0x100000, s0  }
0x3fc: {  	[sflag:s0] =	ssyncadd.tile.s32 @!p0 $0x1;
	_ =	shalt  }
.Lfunc_end2:
_tile_overlayer_lowered:
.L_overlay_start_2:
0x3fd: {  	(tag) =	ssettag $0x2  }
0x3fe: {  	s0 =	rddreg [dreg:$0x0];
	s2 =	stileid.u32  }
0x3ff: {  	s1 =	rddreg [dreg:$0x1];
	p0 =	sne.s32 s2, $0x0  }
0x400: {  	s3 =	rddreg [dreg:$0x2];
	[bflag:$0x3] =	sbarrier.arrive $0xFFFF;
	s2 =	simm.s32 @!p0 $0x1C03  }
0x401: {  	[timem:s3], [sflag:s2] =	dma.local @!p0 [hbm:s0], s1  }
0x402: {  	s0 =	simm.s32 @!p0 $0x3  }
0x403: {  	_ =	swait.ge @!p0 [sflag:s0], s1  }
0x404: {  	s1 =	ssub.s32 @!p0 $0x0, s1;
	[sflag:s0] =	ssyncset.done @!p0 $0x0  }
0x405: {  	[sflag:s0] =	ssyncadd.s32 @!p0 s1  }
0x406: {  	[bflag:$0x3] =	sbarrier.arrive $0xFFFF  }
0x407: {  	_ =	shalt  }

</sc_bundles>
